<compile_context>
chip_gen: v7x
topology: tpu7x:2x2x1
jax: 0.10.2.dev20260603
libtpu: 0.0.44.dev20260713+nightly
codegen_flags: <defaults>
</compile_context>

<pallas_src>
import functools
import jax
import jax.numpy as jnp
from jax import lax
from jax.experimental import pallas as pl
from jax.experimental.pallas import tpu as pltpu
from jax.experimental.pallas import tpu_sc as plsc

N_PAPER = 10000
N_LABEL = 1000
D_FEAT = 128
HIDDEN = 128
EMB = 64
E_CITES = 320000
E_IS = 10000

NC, NS = 2, 16
NW = NC * NS
OCH = 128


def _pad_rows(n):
    return (NS * 8) * (-(-(n + 1) // (NS * 8)))


def _ceil_to(x, m):
    return m * (-(-x // m))


CHUNK = 128


def _job_pad(n_edges):
    per_w = _ceil_to(-(-n_edges // NW), CHUNK)
    return per_w, per_w * NW


def _make_sc_multi(jobs, deg_mode=False):
    d = 16 if deg_mode else 128
    meta = []
    for (n_dst, n_edges) in jobs:
        per_w, _ = _job_pad(n_edges)
        meta.append((_pad_rows(n_dst), per_w))

    mesh = plsc.VectorSubcoreMesh(core_axis_name="c", subcore_axis_name="s",
                                  num_cores=NC, num_subcores=NS)
    scratch = (
        [
            pltpu.VMEM((CHUNK,), jnp.int32),
            pltpu.VMEM((CHUNK,), jnp.int32),
            pltpu.VMEM((CHUNK, d), jnp.float32),
            pltpu.VMEM((OCH, d), jnp.float32),
        ]
        + [pltpu.VMEM_SHARED((np_dst, d), jnp.float32) for np_dst, _ in meta]
    )

    nj = len(jobs)

    def body(*refs):
        if deg_mode:
            dst1d, _tok, out0 = refs[0], refs[1], refs[2]
            sc = refs[3:]
            outs = (out0,)
            tabs = (None,)
            srcs = (None,)
            dsts = (dst1d,)
        else:
            tabs = refs[0:3 * nj:3]
            srcs = refs[1:3 * nj:3]
            dsts = refs[2:3 * nj:3]
            outs = refs[3 * nj + 1:4 * nj + 1]
            sc = refs[4 * nj + 1:]
        (idx_s, idx_d, rows, obuf) = sc[0:4]
        accs = sc[4:]
        c = lax.axis_index("c")
        s = lax.axis_index("s")
        wid = c * NS + s

        zeros16 = jnp.zeros((16,), jnp.float32)

        def zrow(i, carry):
            for j in range(d // 16):
                obuf[i, pl.ds(j * 16, 16)] = zeros16
            return carry
        lax.fori_loop(0, OCH, zrow, 0)

        if deg_mode:
            ones16 = jnp.ones((16,), jnp.float32)

            def orow(i, carry):
                for j in range(d // 16):
                    rows[i, pl.ds(j * 16, 16)] = ones16
                return carry
            lax.fori_loop(0, CHUNK, orow, 0)

        for (np_dst, _), acc in zip(meta, accs):
            rows_sub = np_dst // NS
            r0 = s * rows_sub
            nfull = rows_sub // OCH
            rem = rows_sub % OCH

            def zcopy(i, carry, acc=acc, r0=r0):
                pltpu.sync_copy(obuf, acc.at[pl.ds(r0 + i * OCH, OCH)])
                return carry
            lax.fori_loop(0, nfull, zcopy, 0)
            if rem:
                pltpu.sync_copy(obuf.at[pl.ds(0, rem)],
                                acc.at[pl.ds(r0 + nfull * OCH, rem)])
        plsc.subcore_barrier()
        plsc.subcore_barrier()

        for ji in range(nj):
            np_dst, per_w = meta[ji]
            table, src3d, dst3d, acc = tabs[ji], srcs[ji], dsts[ji], accs[ji]
            nchunk = per_w // CHUNK
            base = wid * per_w

            def chunk_body(k, carry, acc=acc, table=table,
                           src3d=src3d, dst3d=dst3d):
                b = base + k * CHUNK
                pltpu.sync_copy(dst3d.at[pl.ds(b, CHUNK)], idx_d)
                if not deg_mode:
                    pltpu.sync_copy(src3d.at[pl.ds(b, CHUNK)], idx_s)
                    pltpu.sync_copy(table.at[idx_s], rows)
                pltpu.sync_copy(rows, acc.at[idx_d], add=True)
                return carry
            lax.fori_loop(0, nchunk, chunk_body, 0)

        plsc.subcore_barrier()
        plsc.subcore_barrier()

        for (np_dst, _), acc, out in zip(meta, accs, outs):
            rows_sub = np_dst // NS
            r0 = s * rows_sub
            nfull = rows_sub // OCH
            rem = rows_sub % OCH

            def ocopy(i, carry, acc=acc, out=out, r0=r0):
                pltpu.sync_copy(acc.at[pl.ds(r0 + i * OCH, OCH)], obuf)
                pltpu.sync_copy(obuf,
                                out.at[c, pl.ds(r0 + i * OCH, OCH)])
                return carry
            lax.fori_loop(0, nfull, ocopy, 0)
            if rem:
                pltpu.sync_copy(acc.at[pl.ds(r0 + nfull * OCH, rem)],
                                obuf.at[pl.ds(0, rem)])
                pltpu.sync_copy(obuf.at[pl.ds(0, rem)],
                                out.at[c, pl.ds(r0 + nfull * OCH, rem)])

    out_type = tuple(jax.ShapeDtypeStruct((NC, np_dst, d), jnp.float32)
                     for np_dst, _ in meta)
    if len(out_type) == 1:
        out_type = out_type[0]
    fn = pl.kernel(body, out_type=out_type, mesh=mesh, scratch_types=scratch)
    return fn


def _pad_edges(src, dst, n_edges, dummy_row):
    _, e_pad = _job_pad(n_edges)
    pe = e_pad - src.shape[0]
    src = jnp.concatenate([src, jnp.zeros((pe,), jnp.int32)])
    dst = jnp.concatenate([dst, jnp.full((pe,), dummy_row, jnp.int32)])
    return src, dst



_BP = 1000


def _dinv_from(degp_ref):
    deg = degp_ref[0, :, 0:1] + degp_ref[1, :, 0:1] + 1.0
    return lax.rsqrt(deg)


def _pre_paper_body(x_ref, degp_ref, wcat_ref, wg_ref, his_ref, rr_ref, hs_ref):
    x = x_ref[...]
    dinv = _dinv_from(degp_ref)
    y = jnp.dot(x, wcat_ref[...], preferred_element_type=jnp.float32)
    his_ref[...] = y[:, :HIDDEN]
    rr_ref[...] = y[:, HIDDEN:]
    hs_ref[...] = jnp.dot(x * dinv, wg_ref[...],
                          preferred_element_type=jnp.float32)


def _pre_label_body(x_ref, wcat_ref, hrev_ref, ri_ref):
    y = jnp.dot(x_ref[...], wcat_ref[...], preferred_element_type=jnp.float32)
    hrev_ref[...] = y[:, :HIDDEN]
    ri_ref[...] = y[:, HIDDEN:]


def _mid_paper_body(sc_ref, sr_ref, hs_ref, rr_ref, degp_ref, bg_ref, brr_ref,
                    zp1_ref, zp1s_ref):
    dinv = _dinv_from(degp_ref)
    gcn = dinv * (sc_ref[0] + sc_ref[1] + hs_ref[...]) + bg_ref[...]
    rev = sr_ref[0] + sr_ref[1] + brr_ref[...] + rr_ref[...]
    zp1 = jax.nn.relu(0.5 * (gcn + rev))
    zp1_ref[...] = zp1
    zp1s_ref[...] = zp1 * dinv


def _mid_label_body(sis_ref, ri_ref, bri_ref, zl1_ref):
    zl1_ref[...] = jax.nn.relu(sis_ref[0] + sis_ref[1] + bri_ref[...]
                               + ri_ref[...])


def _post_paper_body(sc_ref, sr_ref, zp1s_ref, zp1_ref, degp_ref, bg_ref,
                     brr_ref, wg2_ref, wrr2_ref, wtr2_ref, zp_ref):
    dinv = _dinv_from(degp_ref)
    a = sc_ref[0] + sc_ref[1] + zp1s_ref[...]
    gcn = dinv * jnp.dot(a, wg2_ref[...], preferred_element_type=jnp.float32) \
        + bg_ref[...]
    rev = jnp.dot(sr_ref[0] + sr_ref[1], wrr2_ref[...],
                  preferred_element_type=jnp.float32) + brr_ref[...] \
        + jnp.dot(zp1_ref[...], wtr2_ref[...],
                  preferred_element_type=jnp.float32)
    zp_ref[...] = 0.5 * (gcn + rev)


def _post_label_body(sis_ref, zl1_ref, bri_ref, wri2_ref, wti2_ref, zl_ref):
    zl_ref[...] = jnp.dot(sis_ref[0] + sis_ref[1], wri2_ref[...],
                          preferred_element_type=jnp.float32) \
        + bri_ref[...] \
        + jnp.dot(zl1_ref[...], wti2_ref[...],
                  preferred_element_type=jnp.float32)


def _row_spec(d):
    return pl.BlockSpec((_BP, d), lambda i: (i, 0))


def _part_spec(d):
    return pl.BlockSpec((NC, _BP, d), lambda i: (0, i, 0))


def _full_spec(shape):
    nz = len(shape)
    return pl.BlockSpec(shape, lambda *a: (0,) * nz)


def kernel(x_paper, x_label, edge_index_cites, is_src, is_dst, rev_src, rev_dst,
           W_gcn1, b_gcn1, Wrel_is1, brel_is1, Wroot_is1, Wrel_rev1, brel_rev1,
           Wroot_rev1, W_gcn2, b_gcn2, Wrel_is2, brel_is2, Wroot_is2,
           Wrel_rev2, brel_rev2, Wroot_rev2):
    f32 = jnp.float32
    cit_src = edge_index_cites[0]
    cit_dst = edge_index_cites[1]

    deg_fn = _make_sc_multi([(N_PAPER, E_CITES)], deg_mode=True)
    cites_fn = _make_sc_multi([(N_PAPER, E_CITES)])
    rev_fn = _make_sc_multi([(N_PAPER, E_IS)])
    is_fn = _make_sc_multi([(N_LABEL, E_IS)])

    csrc_p, cdst_p = _pad_edges(cit_src, cit_dst, E_CITES, N_PAPER)
    rsrc_p, rdst_p = _pad_edges(rev_src, rev_dst, E_IS, N_PAPER)
    isrc_p, idst_p = _pad_edges(is_src, is_dst, E_IS, N_LABEL)

    tok0 = x_paper[:8, :16]
    degp_full = deg_fn(cdst_p, tok0)
    degp = degp_full[:, :N_PAPER, :]

    def _tok(arr):
        return arr[0, :8, :16]

    wcat_p1 = jnp.concatenate([Wrel_is1, Wroot_rev1], axis=1)
    grid_p = (N_PAPER // _BP,)
    his1, rr1, hs1 = pl.pallas_call(
        _pre_paper_body,
        grid=grid_p,
        in_specs=[_row_spec(D_FEAT),
                  pl.BlockSpec((NC, _BP, 16), lambda i: (0, i, 0)),
                  _full_spec((D_FEAT, 2 * HIDDEN)),
                  _full_spec((D_FEAT, HIDDEN))],
        out_specs=[_row_spec(HIDDEN)] * 3,
        out_shape=[jax.ShapeDtypeStruct((N_PAPER, HIDDEN), f32)] * 3,
    )(x_paper, degp, wcat_p1, W_gcn1)

    wcat_l1 = jnp.concatenate([Wrel_rev1, Wroot_is1], axis=1)
    hrev1, ri1 = pl.pallas_call(
        _pre_label_body,
        in_specs=[_full_spec((N_LABEL, D_FEAT)),
                  _full_spec((D_FEAT, 2 * HIDDEN))],
        out_specs=[_full_spec((N_LABEL, HIDDEN))] * 2,
        out_shape=[jax.ShapeDtypeStruct((N_LABEL, HIDDEN), f32)] * 2,
    )(x_label, wcat_l1)

    sc1f = cites_fn(hs1, csrc_p, cdst_p, _tok(degp_full))
    sr1f = rev_fn(hrev1, rsrc_p, rdst_p, _tok(sc1f))
    sis1f = is_fn(his1, isrc_p, idst_p, _tok(sr1f))
    sc1 = sc1f[:, :N_PAPER, :]
    sr1 = sr1f[:, :N_PAPER, :]
    sis1 = sis1f[:, :N_LABEL, :]

    zp1, zp1s = pl.pallas_call(
        _mid_paper_body,
        grid=grid_p,
        in_specs=[_part_spec(HIDDEN), _part_spec(HIDDEN),
                  _row_spec(HIDDEN), _row_spec(HIDDEN),
                  pl.BlockSpec((NC, _BP, 16), lambda i: (0, i, 0)),
                  _full_spec((1, HIDDEN)), _full_spec((1, HIDDEN))],
        out_specs=[_row_spec(HIDDEN)] * 2,
        out_shape=[jax.ShapeDtypeStruct((N_PAPER, HIDDEN), f32)] * 2,
    )(sc1, sr1, hs1, rr1, degp, b_gcn1.reshape(1, -1),
      brel_rev1.reshape(1, -1))

    zl1 = pl.pallas_call(
        _mid_label_body,
        in_specs=[_full_spec((NC, N_LABEL, HIDDEN)),
                  _full_spec((N_LABEL, HIDDEN)),
                  _full_spec((1, HIDDEN))],
        out_specs=_full_spec((N_LABEL, HIDDEN)),
        out_shape=jax.ShapeDtypeStruct((N_LABEL, HIDDEN), f32),
    )(sis1, ri1, brel_is1.reshape(1, -1))

    sc2f = cites_fn(zp1s, csrc_p, cdst_p, _tok(sis1f))
    sr2f = rev_fn(zl1, rsrc_p, rdst_p, _tok(sc2f))
    sis2f = is_fn(zp1, isrc_p, idst_p, _tok(sr2f))
    sc2 = sc2f[:, :N_PAPER, :]
    sr2 = sr2f[:, :N_PAPER, :]
    sis2 = sis2f[:, :N_LABEL, :]

    zp2 = pl.pallas_call(
        _post_paper_body,
        grid=grid_p,
        in_specs=[_part_spec(HIDDEN), _part_spec(HIDDEN),
                  _row_spec(HIDDEN), _row_spec(HIDDEN),
                  pl.BlockSpec((NC, _BP, 16), lambda i: (0, i, 0)),
                  _full_spec((1, EMB)), _full_spec((1, EMB)),
                  _full_spec((HIDDEN, EMB)), _full_spec((HIDDEN, EMB)),
                  _full_spec((HIDDEN, EMB))],
        out_specs=_row_spec(EMB),
        out_shape=jax.ShapeDtypeStruct((N_PAPER, EMB), f32),
    )(sc2, sr2, zp1s, zp1, degp, b_gcn2.reshape(1, -1),
      brel_rev2.reshape(1, -1), W_gcn2, Wrel_rev2, Wroot_rev2)

    zl2 = pl.pallas_call(
        _post_label_body,
        in_specs=[_full_spec((NC, N_LABEL, HIDDEN)),
                  _full_spec((N_LABEL, HIDDEN)),
                  _full_spec((1, EMB)),
                  _full_spec((HIDDEN, EMB)), _full_spec((HIDDEN, EMB))],
        out_specs=_full_spec((N_LABEL, EMB)),
        out_shape=jax.ShapeDtypeStruct((N_LABEL, EMB), f32),
    )(sis2, zl1, brel_is2.reshape(1, -1), Wrel_is2, Wroot_is2)

    return zp2, zl2

# --- scband reference (transcript-rebuilt; emitter-appended) ---
"""Pipeline reference for scband-link-predictor-6622839570447 (READ-ONLY COPY).

The authoritative reference and input builder live on the scoring server;
editing this copy changes nothing except your own understanding.
"""

import jax, jax.numpy as jnp
import numpy as np

N_PAPER = 10000
N_LABEL = 1000
D_FEAT = 128
HIDDEN = 128
EMB = 64
E_CITES = 320000
E_IS = 10000


def _gcn_conv(x, edge_index, W, b, num_nodes):
    src = edge_index[0]
    dst = edge_index[1]
    loop = jnp.arange(num_nodes, dtype=src.dtype)
    src2 = jnp.concatenate([src, loop])
    dst2 = jnp.concatenate([dst, loop])
    deg = jnp.zeros((num_nodes,), jnp.float32).at[dst2].add(1.0)
    dinv = jnp.where(deg > 0, jax.lax.rsqrt(jnp.maximum(deg, 1e-12)), 0.0)
    norm = dinv[src2] * dinv[dst2]
    h = x @ W
    out = jnp.zeros((num_nodes, W.shape[1]), jnp.float32).at[dst2].add(h[src2] * norm[:, None])
    return out + b


def _graph_conv(x_src, x_dst, src, dst, W_rel, b_rel, W_root, num_dst):
    # PyG GraphConv: lin_rel(sum-aggregated neighbor feats) + lin_root(x_dst); lin_root has no bias
    agg = jnp.zeros((num_dst, x_src.shape[1]), jnp.float32).at[dst].add(x_src[src])
    return agg @ W_rel + b_rel + x_dst @ W_root


def _glorot(key, shape):
    lim = (6.0 / (shape[0] + shape[1])) ** 0.5
    return jax.random.uniform(key, shape, jnp.float32, -lim, lim)


def setup_inputs(seed: int = 0):
    key = jax.random.key(seed)
    ks = jax.random.split(key, 24)
    inp = {}
    inp["x_paper"] = jax.random.normal(ks[0], (N_PAPER, D_FEAT), jnp.float32)
    inp["x_label"] = jax.random.normal(ks[1], (N_LABEL, D_FEAT), jnp.float32)
    inp["edge_index_cites"] = jax.random.randint(ks[2], (2, E_CITES), 0, N_PAPER, jnp.int32)
    inp["is_src"] = jax.random.randint(ks[3], (E_IS,), 0, N_PAPER, jnp.int32)
    inp["is_dst"] = jax.random.randint(ks[4], (E_IS,), 0, N_LABEL, jnp.int32)
    inp["rev_src"] = jax.random.randint(ks[5], (E_IS,), 0, N_LABEL, jnp.int32)
    inp["rev_dst"] = jax.random.randint(ks[6], (E_IS,), 0, N_PAPER, jnp.int32)
    # layer1 params (lazy in_dim resolves to D_FEAT)
    inp["W_gcn1"] = _glorot(ks[7], (D_FEAT, HIDDEN))
    inp["b_gcn1"] = jnp.zeros((HIDDEN,), jnp.float32)
    inp["Wrel_is1"] = _glorot(ks[8], (D_FEAT, HIDDEN))
    inp["brel_is1"] = jnp.zeros((HIDDEN,), jnp.float32)
    inp["Wroot_is1"] = _glorot(ks[9], (D_FEAT, HIDDEN))
    inp["Wrel_rev1"] = _glorot(ks[10], (D_FEAT, HIDDEN))
    inp["brel_rev1"] = jnp.zeros((HIDDEN,), jnp.float32)
    inp["Wroot_rev1"] = _glorot(ks[11], (D_FEAT, HIDDEN))
    # layer2 params (two_layers=True: hidden -> emb)
    inp["W_gcn2"] = _glorot(ks[12], (HIDDEN, EMB))
    inp["b_gcn2"] = jnp.zeros((EMB,), jnp.float32)
    inp["Wrel_is2"] = _glorot(ks[13], (HIDDEN, EMB))
    inp["brel_is2"] = jnp.zeros((EMB,), jnp.float32)
    inp["Wroot_is2"] = _glorot(ks[14], (HIDDEN, EMB))
    inp["Wrel_rev2"] = _glorot(ks[15], (HIDDEN, EMB))
    inp["brel_rev2"] = jnp.zeros((EMB,), jnp.float32)
    inp["Wroot_rev2"] = _glorot(ks[16], (HIDDEN, EMB))
    return inp


def reference(x_paper, x_label, edge_index_cites, is_src, is_dst, rev_src, rev_dst,
              W_gcn1, b_gcn1, Wrel_is1, brel_is1, Wroot_is1, Wrel_rev1, brel_rev1, Wroot_rev1,
              W_gcn2, b_gcn2, Wrel_is2, brel_is2, Wroot_is2, Wrel_rev2, brel_rev2, Wroot_rev2):
    def layer(xp, xl, Wg, bg, Wri, bri, Wti, Wrr, brr, Wtr):
        p_cites = _gcn_conv(xp, edge_index_cites, Wg, bg, N_PAPER)
        p_rev = _graph_conv(xl, xp, rev_src, rev_dst, Wrr, brr, Wtr, N_PAPER)
        zl = _graph_conv(xp, xl, is_src, is_dst, Wri, bri, Wti, N_LABEL)
        zp = (p_cites + p_rev) * 0.5  # HeteroConv aggr='mean' over 2 relations into 'paper'
        return zp, zl
    zp, zl = layer(x_paper, x_label, W_gcn1, b_gcn1, Wrel_is1, brel_is1, Wroot_is1, Wrel_rev1, brel_rev1, Wroot_rev1)
    zp = jax.nn.relu(zp)
    zl = jax.nn.relu(zl)
    zp, zl = layer(zp, zl, W_gcn2, b_gcn2, Wrel_is2, brel_is2, Wroot_is2, Wrel_rev2, brel_rev2, Wroot_rev2)
    return zp, zl

if __name__ == "__main__":
    import jax
    _d = setup_inputs()
    print(jax.jit(kernel)(*tuple(_d.values())))

</pallas_src>

<mosaic_0001>
#map = affine_map<(d0, d1) -> (0)>
#map1 = affine_map<(d0, d1) -> (0, 0)>
#map2 = affine_map<(d0, d1) -> (0, 0, 0)>
module attributes {stable_mosaic.version = 14 : i64} {
  func.func @body(%arg0: i32, %arg1: i32, %arg2: memref<323584xi32, #tpu.memory_space<hbm>>, %arg3: memref<8x16xf32, #tpu.memory_space<hbm>>, %arg4: memref<2x10112x16xf32, #tpu.memory_space<hbm>>, %arg5: memref<128xi32, #tpu.memory_space<vmem>>, %arg6: memref<128xi32, #tpu.memory_space<vmem>>, %arg7: memref<128x16xf32, #tpu.memory_space<vmem>>, %arg8: memref<128x16xf32, #tpu.memory_space<vmem>>, %arg9: memref<10112x16xf32, #tpu.memory_space<vmem_shared>>) attributes {dimension_semantics = [#tpu.dimension_semantics<core_parallel>, #tpu.dimension_semantics<subcore_parallel>], iteration_bounds = array<i64: 2, 16>, scalar_prefetch = 0 : i64, scratch_operands = 5 : i64, tpu.core_type = #tpu.core_type<sc_vector_subcore>, window_params = [{transform_indices = #map}, {transform_indices = #map1}, {transform_indices = #map2}]} {
    %mul3A = arith.constant 16 : i32
    %mul3A_0 = arith.muli %arg0, %mul3A : i32
    %add3A = arith.addi %mul3A_0, %arg1 : i32
    %broadcast_in_dim3A = arith.constant 0.000000e+00 : f32
    %broadcast_in_dim3A_1 = vector.broadcast %broadcast_in_dim3A : f32 to vector<16xf32>
    %scan3A = arith.constant 0 : i32
    %scan3A_2 = arith.constant 0 : i32
    %scan3A_3 = arith.constant 128 : i32
    %scan3A_4 = arith.addi %scan3A_2, %scan3A_3 : i32
    %scan3A_5 = arith.constant 1 : i32
    scf.for %scan3A_48 = %scan3A_2 to %scan3A_4 step %scan3A_5  : i32 {
      %swap3A = arith.index_cast %scan3A_48 : i32 to index
      %swap3A_49 = arith.constant 0 : index
      %swap3A_50 = tpu.vector_load %arg8[%swap3A, %swap3A_49] {strides = array<i32>} : memref<128x16xf32, #tpu.memory_space<vmem>>, vector<1x16xf32>,
      %swap3A_51 = vector.shape_cast %swap3A_50 : vector<1x16xf32> to vector<16xf32>
      %swap3A_52 = vector.shape_cast %broadcast_in_dim3A_1 : vector<16xf32> to vector<1x16xf32>
      tpu.vector_store %arg8[%swap3A, %swap3A_49], %swap3A_52 {strides = array<i32>} : memref<128x16xf32, #tpu.memory_space<vmem>>, vector<1x16xf32>,
    }
    %scan3A_6 = arith.constant 128 : i32
    %broadcast_in_dim3A_7 = arith.constant 1.000000e+00 : f32
    %broadcast_in_dim3A_8 = vector.broadcast %broadcast_in_dim3A_7 : f32 to vector<16xf32>
    %scan3A_9 = arith.constant 0 : i32
    %scan3A_10 = arith.constant 0 : i32
    %scan3A_11 = arith.constant 128 : i32
    %scan3A_12 = arith.addi %scan3A_10, %scan3A_11 : i32
    %scan3A_13 = arith.constant 1 : i32
    scf.for %scan3A_48 = %scan3A_10 to %scan3A_12 step %scan3A_13  : i32 {
      %swap3A = arith.index_cast %scan3A_48 : i32 to index
      %swap3A_49 = arith.constant 0 : index
      %swap3A_50 = tpu.vector_load %arg7[%swap3A, %swap3A_49] {strides = array<i32>} : memref<128x16xf32, #tpu.memory_space<vmem>>, vector<1x16xf32>,
      %swap3A_51 = vector.shape_cast %swap3A_50 : vector<1x16xf32> to vector<16xf32>
      %swap3A_52 = vector.shape_cast %broadcast_in_dim3A_8 : vector<16xf32> to vector<1x16xf32>
      tpu.vector_store %arg7[%swap3A, %swap3A_49], %swap3A_52 {strides = array<i32>} : memref<128x16xf32, #tpu.memory_space<vmem>>, vector<1x16xf32>,
    }
    %scan3A_14 = arith.constant 128 : i32
    %mul3A_15 = arith.constant 632 : i32
    %mul3A_16 = arith.muli %arg1, %mul3A_15 : i32
    %scan3A_17 = arith.constant 0 : i32
    %scan3A_18 = arith.constant 0 : i32
    %scan3A_19 = arith.constant 4 : i32
    %scan3A_20 = arith.addi %scan3A_18, %scan3A_19 : i32
    %scan3A_21 = arith.constant 1 : i32
    scf.for %scan3A_48 = %scan3A_18 to %scan3A_20 step %scan3A_21  : i32 {
      %mul3A_49 = arith.constant 128 : i32
      %mul3A_50 = arith.muli %scan3A_48, %mul3A_49 : i32
      %add3A_51 = arith.addi %mul3A_16, %mul3A_50 : i32
      "tpu.region"() ({
        %run_scoped3A = tpu.sem_alloc : memref<!tpu.dma_semaphore, #tpu.memory_space<semaphore_mem>>
        %dma_start3A = arith.constant 0 : i32
        %dma_start3A_52 = tpu.memref_slice %arg9[%add3A_51, %dma_start3A] : memref<10112x16xf32, #tpu.memory_space<vmem_shared>> -> memref<128x16xf32, #tpu.memory_space<vmem_shared>>
        %dma_start3A_53 = arith.constant 0 : i32
        %dma_start3A_54 = tpu.memref_slice %arg9[%add3A_51, %dma_start3A_53] : memref<10112x16xf32, #tpu.memory_space<vmem_shared>> -> memref<128x16xf32, #tpu.memory_space<vmem_shared>>
        tpu.enqueue_dma source(%arg8 : memref<128x16xf32, #tpu.memory_space<vmem>>) target(%dma_start3A_54 : memref<128x16xf32, #tpu.memory_space<vmem_shared>>) target_semaphore(%run_scoped3A : memref<!tpu.dma_semaphore, #tpu.memory_space<semaphore_mem>>)
        %dma_wait3A = arith.constant 0 : i32
        %dma_wait3A_55 = tpu.memref_slice %arg9[%add3A_51, %dma_wait3A] : memref<10112x16xf32, #tpu.memory_space<vmem_shared>> -> memref<128x16xf32, #tpu.memory_space<vmem_shared>>
        %dma_wait3A_56 = arith.constant 0 : i32
        %dma_wait3A_57 = tpu.memref_slice %arg9[%add3A_51, %dma_wait3A_56] : memref<10112x16xf32, #tpu.memory_space<vmem_shared>> -> memref<128x16xf32, #tpu.memory_space<vmem_shared>>
        tpu.wait_dma2 semaphore(%run_scoped3A : memref<!tpu.dma_semaphore, #tpu.memory_space<semaphore_mem>>) src(%arg8 : memref<128x16xf32, #tpu.memory_space<vmem>>) dst(%dma_wait3A_57 : memref<128x16xf32, #tpu.memory_space<vmem_shared>>)
        tpu.yield
      }) : () -> ()
    }
    %scan3A_22 = arith.constant 4 : i32
    %add3A_23 = arith.constant 512 : i32
    %add3A_24 = arith.addi %mul3A_16, %add3A_23 : i32
    "tpu.region"() ({
      %run_scoped3A = tpu.sem_alloc : memref<!tpu.dma_semaphore, #tpu.memory_space<semaphore_mem>>
      %dma_start3A = arith.constant 0 : i32
      %dma_start3A_48 = arith.constant 0 : i32
      %dma_start3A_49 = tpu.memref_slice %arg8[%dma_start3A, %dma_start3A_48] : memref<128x16xf32, #tpu.memory_space<vmem>> -> memref<120x16xf32, #tpu.memory_space<vmem>>
      %dma_start3A_50 = arith.constant 0 : i32
      %dma_start3A_51 = tpu.memref_slice %arg9[%add3A_24, %dma_start3A_50] : memref<10112x16xf32, #tpu.memory_space<vmem_shared>> -> memref<120x16xf32, #tpu.memory_space<vmem_shared>>
      %dma_start3A_52 = arith.constant 0 : i32
      %dma_start3A_53 = tpu.memref_slice %arg9[%add3A_24, %dma_start3A_52] : memref<10112x16xf32, #tpu.memory_space<vmem_shared>> -> memref<120x16xf32, #tpu.memory_space<vmem_shared>>
      %dma_start3A_54 = arith.constant 0 : i32
      %dma_start3A_55 = arith.constant 0 : i32
      %dma_start3A_56 = tpu.memref_slice %arg8[%dma_start3A_54, %dma_start3A_55] : memref<128x16xf32, #tpu.memory_space<vmem>> -> memref<120x16xf32, #tpu.memory_space<vmem>>
      tpu.enqueue_dma source(%dma_start3A_56 : memref<120x16xf32, #tpu.memory_space<vmem>>) target(%dma_start3A_53 : memref<120x16xf32, #tpu.memory_space<vmem_shared>>) target_semaphore(%run_scoped3A : memref<!tpu.dma_semaphore, #tpu.memory_space<semaphore_mem>>)
      %dma_wait3A = arith.constant 0 : i32
      %dma_wait3A_57 = arith.constant 0 : i32
      %dma_wait3A_58 = tpu.memref_slice %arg8[%dma_wait3A, %dma_wait3A_57] : memref<128x16xf32, #tpu.memory_space<vmem>> -> memref<120x16xf32, #tpu.memory_space<vmem>>
      %dma_wait3A_59 = arith.constant 0 : i32
      %dma_wait3A_60 = tpu.memref_slice %arg9[%add3A_24, %dma_wait3A_59] : memref<10112x16xf32, #tpu.memory_space<vmem_shared>> -> memref<120x16xf32, #tpu.memory_space<vmem_shared>>
      %dma_wait3A_61 = arith.constant 0 : i32
      %dma_wait3A_62 = tpu.memref_slice %arg9[%add3A_24, %dma_wait3A_61] : memref<10112x16xf32, #tpu.memory_space<vmem_shared>> -> memref<120x16xf32, #tpu.memory_space<vmem_shared>>
      %dma_wait3A_63 = arith.constant 0 : i32
      %dma_wait3A_64 = arith.constant 0 : i32
      %dma_wait3A_65 = tpu.memref_slice %arg8[%dma_wait3A_63, %dma_wait3A_64] : memref<128x16xf32, #tpu.memory_space<vmem>> -> memref<120x16xf32, #tpu.memory_space<vmem>>
      tpu.wait_dma2 semaphore(%run_scoped3A : memref<!tpu.dma_semaphore, #tpu.memory_space<semaphore_mem>>) src(%dma_wait3A_65 : memref<120x16xf32, #tpu.memory_space<vmem>>) dst(%dma_wait3A_62 : memref<120x16xf32, #tpu.memory_space<vmem_shared>>)
      tpu.yield
    }) : () -> ()
    %barrier3A = arith.constant 0 : index
    tpu.barrier barrier_id(%barrier3A)
    %barrier3A_25 = arith.constant 0 : index
    tpu.barrier barrier_id(%barrier3A_25)
    %mul3A_26 = arith.constant 10112 : i32
    %mul3A_27 = arith.muli %add3A, %mul3A_26 : i32
    %scan3A_28 = arith.constant 0 : i32
    %scan3A_29 = arith.constant 0 : i32
    %scan3A_30 = arith.constant 79 : i32
    %scan3A_31 = arith.addi %scan3A_29, %scan3A_30 : i32
    %scan3A_32 = arith.constant 1 : i32
    scf.for %scan3A_48 = %scan3A_29 to %scan3A_31 step %scan3A_32  : i32 {
      %mul3A_49 = arith.constant 128 : i32
      %mul3A_50 = arith.muli %scan3A_48, %mul3A_49 : i32
      %add3A_51 = arith.addi %mul3A_27, %mul3A_50 : i32
      "tpu.region"() ({
        %run_scoped3A = tpu.sem_alloc : memref<!tpu.dma_semaphore, #tpu.memory_space<semaphore_mem>>
        %dma_start3A = tpu.memref_slice %arg2[%add3A_51] : memref<323584xi32, #tpu.memory_space<hbm>> -> memref<128xi32, #tpu.memory_space<hbm>>
        %dma_start3A_52 = tpu.memref_slice %arg2[%add3A_51] : memref<323584xi32, #tpu.memory_space<hbm>> -> memref<128xi32, #tpu.memory_space<hbm>>
        tpu.enqueue_dma source(%dma_start3A_52 : memref<128xi32, #tpu.memory_space<hbm>>) target(%arg6 : memref<128xi32, #tpu.memory_space<vmem>>) target_semaphore(%run_scoped3A : memref<!tpu.dma_semaphore, #tpu.memory_space<semaphore_mem>>)
        %dma_wait3A = tpu.memref_slice %arg2[%add3A_51] : memref<323584xi32, #tpu.memory_space<hbm>> -> memref<128xi32, #tpu.memory_space<hbm>>
        %dma_wait3A_53 = tpu.memref_slice %arg2[%add3A_51] : memref<323584xi32, #tpu.memory_space<hbm>> -> memref<128xi32, #tpu.memory_space<hbm>>
        tpu.wait_dma2 semaphore(%run_scoped3A : memref<!tpu.dma_semaphore, #tpu.memory_space<semaphore_mem>>) src(%dma_wait3A_53 : memref<128xi32, #tpu.memory_space<hbm>>) dst(%arg6 : memref<128xi32, #tpu.memory_space<vmem>>)
        tpu.yield
      }) : () -> ()
      "tpu.region"() ({
        %run_scoped3A = tpu.sem_alloc : memref<!tpu.dma_semaphore, #tpu.memory_space<semaphore_mem>>
        %dma_start3A = arith.constant 0 : i32
        %dma_start3A_52 = arith.constant 0 : i32
        %dma_start3A_53 = tpu.memref_slice %arg9[%dma_start3A, %dma_start3A_52] : memref<10112x16xf32, #tpu.memory_space<vmem_shared>> -> memref<10112x16xf32, #tpu.memory_space<vmem_shared>>
        tpu.enqueue_indirect_dma source(%arg7 : memref<128x16xf32, #tpu.memory_space<vmem>>) target(%dma_start3A_53 : memref<10112x16xf32, #tpu.memory_space<vmem_shared>>) offsets(%arg6 : memref<128xi32, #tpu.memory_space<vmem>>) semaphore(%run_scoped3A : memref<!tpu.dma_semaphore, #tpu.memory_space<semaphore_mem>>) {add = true}
        %dma_wait3A = arith.constant 0 : i32
        %dma_wait3A_54 = arith.constant 0 : i32
        %dma_wait3A_55 = tpu.memref_slice %arg9[%dma_wait3A, %dma_wait3A_54] : memref<10112x16xf32, #tpu.memory_space<vmem_shared>> -> memref<10112x16xf32, #tpu.memory_space<vmem_shared>>
        tpu.wait_indirect_dma semaphore(%run_scoped3A : memref<!tpu.dma_semaphore, #tpu.memory_space<semaphore_mem>>) src(%arg7 : memref<128x16xf32, #tpu.memory_space<vmem>>) dst(%dma_wait3A_55 : memref<10112x16xf32, #tpu.memory_space<vmem_shared>>)
        tpu.yield
      }) : () -> ()
    }
    %scan3A_33 = arith.constant 79 : i32
    %barrier3A_34 = arith.constant 0 : index
    tpu.barrier barrier_id(%barrier3A_34)
    %barrier3A_35 = arith.constant 0 : index
    tpu.barrier barrier_id(%barrier3A_35)
    %mul3A_36 = arith.constant 632 : i32
    %mul3A_37 = arith.muli %arg1, %mul3A_36 : i32
    %scan3A_38 = arith.constant 0 : i32
    %scan3A_39 = arith.constant 0 : i32
    %scan3A_40 = arith.constant 4 : i32
    %scan3A_41 = arith.addi %scan3A_39, %scan3A_40 : i32
    %scan3A_42 = arith.constant 1 : i32
    scf.for %scan3A_48 = %scan3A_39 to %scan3A_41 step %scan3A_42  : i32 {
      %mul3A_49 = arith.constant 128 : i32
      %mul3A_50 = arith.muli %scan3A_48, %mul3A_49 : i32
      %add3A_51 = arith.addi %mul3A_37, %mul3A_50 : i32
      "tpu.region"() ({
        %run_scoped3A = tpu.sem_alloc : memref<!tpu.dma_semaphore, #tpu.memory_space<semaphore_mem>>
        %dma_start3A = arith.constant 0 : i32
        %dma_start3A_55 = tpu.memref_slice %arg9[%add3A_51, %dma_start3A] : memref<10112x16xf32, #tpu.memory_space<vmem_shared>> -> memref<128x16xf32, #tpu.memory_space<vmem_shared>>
        %dma_start3A_56 = arith.constant 0 : i32
        %dma_start3A_57 = tpu.memref_slice %arg9[%add3A_51, %dma_start3A_56] : memref<10112x16xf32, #tpu.memory_space<vmem_shared>> -> memref<128x16xf32, #tpu.memory_space<vmem_shared>>
        tpu.enqueue_dma source(%dma_start3A_57 : memref<128x16xf32, #tpu.memory_space<vmem_shared>>) target(%arg8 : memref<128x16xf32, #tpu.memory_space<vmem>>) target_semaphore(%run_scoped3A : memref<!tpu.dma_semaphore, #tpu.memory_space<semaphore_mem>>)
        %dma_wait3A = arith.constant 0 : i32
        %dma_wait3A_58 = tpu.memref_slice %arg9[%add3A_51, %dma_wait3A] : memref<10112x16xf32, #tpu.memory_space<vmem_shared>> -> memref<128x16xf32, #tpu.memory_space<vmem_shared>>
        %dma_wait3A_59 = arith.constant 0 : i32
        %dma_wait3A_60 = tpu.memref_slice %arg9[%add3A_51, %dma_wait3A_59] : memref<10112x16xf32, #tpu.memory_space<vmem_shared>> -> memref<128x16xf32, #tpu.memory_space<vmem_shared>>
        tpu.wait_dma2 semaphore(%run_scoped3A : memref<!tpu.dma_semaphore, #tpu.memory_space<semaphore_mem>>) src(%dma_wait3A_60 : memref<128x16xf32, #tpu.memory_space<vmem_shared>>) dst(%arg8 : memref<128x16xf32, #tpu.memory_space<vmem>>)
        tpu.yield
      }) : () -> ()
      %mul3A_52 = arith.constant 128 : i32
      %mul3A_53 = arith.muli %scan3A_48, %mul3A_52 : i32
      %add3A_54 = arith.addi %mul3A_37, %mul3A_53 : i32
      "tpu.region"() ({
        %run_scoped3A = tpu.sem_alloc : memref<!tpu.dma_semaphore, #tpu.memory_space<semaphore_mem>>
        %dma_start3A = arith.constant 0 : i32
        %dma_start3A_55 = tpu.memref_slice %arg4[%arg0, %add3A_54, %dma_start3A] : memref<2x10112x16xf32, #tpu.memory_space<hbm>> -> memref<1x128x16xf32, #tpu.memory_space<hbm>>
        %dma_start3A_56 = tpu.memref_squeeze %dma_start3A_55 : memref<1x128x16xf32, #tpu.memory_space<hbm>> -> memref<128x16xf32, #tpu.memory_space<hbm>>
        %dma_start3A_57 = arith.constant 0 : i32
        %dma_start3A_58 = tpu.memref_slice %arg4[%arg0, %add3A_54, %dma_start3A_57] : memref<2x10112x16xf32, #tpu.memory_space<hbm>> -> memref<1x128x16xf32, #tpu.memory_space<hbm>>
        %dma_start3A_59 = tpu.memref_squeeze %dma_start3A_58 : memref<1x128x16xf32, #tpu.memory_space<hbm>> -> memref<128x16xf32, #tpu.memory_space<hbm>>
        tpu.enqueue_dma source(%arg8 : memref<128x16xf32, #tpu.memory_space<vmem>>) target(%dma_start3A_59 : memref<128x16xf32, #tpu.memory_space<hbm>>) target_semaphore(%run_scoped3A : memref<!tpu.dma_semaphore, #tpu.memory_space<semaphore_mem>>)
        %dma_wait3A = arith.constant 0 : i32
        %dma_wait3A_60 = tpu.memref_slice %arg4[%arg0, %add3A_54, %dma_wait3A] : memref<2x10112x16xf32, #tpu.memory_space<hbm>> -> memref<1x128x16xf32, #tpu.memory_space<hbm>>
        %dma_wait3A_61 = tpu.memref_squeeze %dma_wait3A_60 : memref<1x128x16xf32, #tpu.memory_space<hbm>> -> memref<128x16xf32, #tpu.memory_space<hbm>>
        %dma_wait3A_62 = arith.constant 0 : i32
        %dma_wait3A_63 = tpu.memref_slice %arg4[%arg0, %add3A_54, %dma_wait3A_62] : memref<2x10112x16xf32, #tpu.memory_space<hbm>> -> memref<1x128x16xf32, #tpu.memory_space<hbm>>
        %dma_wait3A_64 = tpu.memref_squeeze %dma_wait3A_63 : memref<1x128x16xf32, #tpu.memory_space<hbm>> -> memref<128x16xf32, #tpu.memory_space<hbm>>
        tpu.wait_dma2 semaphore(%run_scoped3A : memref<!tpu.dma_semaphore, #tpu.memory_space<semaphore_mem>>) src(%arg8 : memref<128x16xf32, #tpu.memory_space<vmem>>) dst(%dma_wait3A_64 : memref<128x16xf32, #tpu.memory_space<hbm>>)
        tpu.yield
      }) : () -> ()
    }
    %scan3A_43 = arith.constant 4 : i32
    %add3A_44 = arith.constant 512 : i32
    %add3A_45 = arith.addi %mul3A_37, %add3A_44 : i32
    "tpu.region"() ({
      %run_scoped3A = tpu.sem_alloc : memref<!tpu.dma_semaphore, #tpu.memory_space<semaphore_mem>>
      %dma_start3A = arith.constant 0 : i32
      %dma_start3A_48 = arith.constant 0 : i32
      %dma_start3A_49 = tpu.memref_slice %arg8[%dma_start3A, %dma_start3A_48] : memref<128x16xf32, #tpu.memory_space<vmem>> -> memref<120x16xf32, #tpu.memory_space<vmem>>
      %dma_start3A_50 = arith.constant 0 : i32
      %dma_start3A_51 = tpu.memref_slice %arg9[%add3A_45, %dma_start3A_50] : memref<10112x16xf32, #tpu.memory_space<vmem_shared>> -> memref<120x16xf32, #tpu.memory_space<vmem_shared>>
      %dma_start3A_52 = arith.constant 0 : i32
      %dma_start3A_53 = arith.constant 0 : i32
      %dma_start3A_54 = tpu.memref_slice %arg8[%dma_start3A_52, %dma_start3A_53] : memref<128x16xf32, #tpu.memory_space<vmem>> -> memref<120x16xf32, #tpu.memory_space<vmem>>
      %dma_start3A_55 = arith.constant 0 : i32
      %dma_start3A_56 = tpu.memref_slice %arg9[%add3A_45, %dma_start3A_55] : memref<10112x16xf32, #tpu.memory_space<vmem_shared>> -> memref<120x16xf32, #tpu.memory_space<vmem_shared>>
      tpu.enqueue_dma source(%dma_start3A_56 : memref<120x16xf32, #tpu.memory_space<vmem_shared>>) target(%dma_start3A_54 : memref<120x16xf32, #tpu.memory_space<vmem>>) target_semaphore(%run_scoped3A : memref<!tpu.dma_semaphore, #tpu.memory_space<semaphore_mem>>)
      %dma_wait3A = arith.constant 0 : i32
      %dma_wait3A_57 = arith.constant 0 : i32
      %dma_wait3A_58 = tpu.memref_slice %arg8[%dma_wait3A, %dma_wait3A_57] : memref<128x16xf32, #tpu.memory_space<vmem>> -> memref<120x16xf32, #tpu.memory_space<vmem>>
      %dma_wait3A_59 = arith.constant 0 : i32
      %dma_wait3A_60 = tpu.memref_slice %arg9[%add3A_45, %dma_wait3A_59] : memref<10112x16xf32, #tpu.memory_space<vmem_shared>> -> memref<120x16xf32, #tpu.memory_space<vmem_shared>>
      %dma_wait3A_61 = arith.constant 0 : i32
      %dma_wait3A_62 = arith.constant 0 : i32
      %dma_wait3A_63 = tpu.memref_slice %arg8[%dma_wait3A_61, %dma_wait3A_62] : memref<128x16xf32, #tpu.memory_space<vmem>> -> memref<120x16xf32, #tpu.memory_space<vmem>>
      %dma_wait3A_64 = arith.constant 0 : i32
      %dma_wait3A_65 = tpu.memref_slice %arg9[%add3A_45, %dma_wait3A_64] : memref<10112x16xf32, #tpu.memory_space<vmem_shared>> -> memref<120x16xf32, #tpu.memory_space<vmem_shared>>
      tpu.wait_dma2 semaphore(%run_scoped3A : memref<!tpu.dma_semaphore, #tpu.memory_space<semaphore_mem>>) src(%dma_wait3A_65 : memref<120x16xf32, #tpu.memory_space<vmem_shared>>) dst(%dma_wait3A_63 : memref<120x16xf32, #tpu.memory_space<vmem>>)
      tpu.yield
    }) : () -> ()
    %add3A_46 = arith.constant 512 : i32
    %add3A_47 = arith.addi %mul3A_37, %add3A_46 : i32
    "tpu.region"() ({
      %run_scoped3A = tpu.sem_alloc : memref<!tpu.dma_semaphore, #tpu.memory_space<semaphore_mem>>
      %dma_start3A = arith.constant 0 : i32
      %dma_start3A_48 = arith.constant 0 : i32
      %dma_start3A_49 = tpu.memref_slice %arg8[%dma_start3A, %dma_start3A_48] : memref<128x16xf32, #tpu.memory_space<vmem>> -> memref<120x16xf32, #tpu.memory_space<vmem>>
      %dma_start3A_50 = arith.constant 0 : i32
      %dma_start3A_51 = tpu.memref_slice %arg4[%arg0, %add3A_47, %dma_start3A_50] : memref<2x10112x16xf32, #tpu.memory_space<hbm>> -> memref<1x120x16xf32, #tpu.memory_space<hbm>>
      %dma_start3A_52 = tpu.memref_squeeze %dma_start3A_51 : memref<1x120x16xf32, #tpu.memory_space<hbm>> -> memref<120x16xf32, #tpu.memory_space<hbm>>
      %dma_start3A_53 = arith.constant 0 : i32
      %dma_start3A_54 = tpu.memref_slice %arg4[%arg0, %add3A_47, %dma_start3A_53] : memref<2x10112x16xf32, #tpu.memory_space<hbm>> -> memref<1x120x16xf32, #tpu.memory_space<hbm>>
      %dma_start3A_55 = tpu.memref_squeeze %dma_start3A_54 : memref<1x120x16xf32, #tpu.memory_space<hbm>> -> memref<120x16xf32, #tpu.memory_space<hbm>>
      %dma_start3A_56 = arith.constant 0 : i32
      %dma_start3A_57 = arith.constant 0 : i32
      %dma_start3A_58 = tpu.memref_slice %arg8[%dma_start3A_56, %dma_start3A_57] : memref<128x16xf32, #tpu.memory_space<vmem>> -> memref<120x16xf32, #tpu.memory_space<vmem>>
      tpu.enqueue_dma source(%dma_start3A_58 : memref<120x16xf32, #tpu.memory_space<vmem>>) target(%dma_start3A_55 : memref<120x16xf32, #tpu.memory_space<hbm>>) target_semaphore(%run_scoped3A : memref<!tpu.dma_semaphore, #tpu.memory_space<semaphore_mem>>)
      %dma_wait3A = arith.constant 0 : i32
      %dma_wait3A_59 = arith.constant 0 : i32
      %dma_wait3A_60 = tpu.memref_slice %arg8[%dma_wait3A, %dma_wait3A_59] : memref<128x16xf32, #tpu.memory_space<vmem>> -> memref<120x16xf32, #tpu.memory_space<vmem>>
      %dma_wait3A_61 = arith.constant 0 : i32
      %dma_wait3A_62 = tpu.memref_slice %arg4[%arg0, %add3A_47, %dma_wait3A_61] : memref<2x10112x16xf32, #tpu.memory_space<hbm>> -> memref<1x120x16xf32, #tpu.memory_space<hbm>>
      %dma_wait3A_63 = tpu.memref_squeeze %dma_wait3A_62 : memref<1x120x16xf32, #tpu.memory_space<hbm>> -> memref<120x16xf32, #tpu.memory_space<hbm>>
      %dma_wait3A_64 = arith.constant 0 : i32
      %dma_wait3A_65 = tpu.memref_slice %arg4[%arg0, %add3A_47, %dma_wait3A_64] : memref<2x10112x16xf32, #tpu.memory_space<hbm>> -> memref<1x120x16xf32, #tpu.memory_space<hbm>>
      %dma_wait3A_66 = tpu.memref_squeeze %dma_wait3A_65 : memref<1x120x16xf32, #tpu.memory_space<hbm>> -> memref<120x16xf32, #tpu.memory_space<hbm>>
      %dma_wait3A_67 = arith.constant 0 : i32
      %dma_wait3A_68 = arith.constant 0 : i32
      %dma_wait3A_69 = tpu.memref_slice %arg8[%dma_wait3A_67, %dma_wait3A_68] : memref<128x16xf32, #tpu.memory_space<vmem>> -> memref<120x16xf32, #tpu.memory_space<vmem>>
      tpu.wait_dma2 semaphore(%run_scoped3A : memref<!tpu.dma_semaphore, #tpu.memory_space<semaphore_mem>>) src(%dma_wait3A_69 : memref<120x16xf32, #tpu.memory_space<vmem>>) dst(%dma_wait3A_66 : memref<120x16xf32, #tpu.memory_space<hbm>>)
      tpu.yield
    }) : () -> ()
    return
  }
}

#map = affine_map<(d0, d1) -> (0, 0)>
#map1 = affine_map<(d0, d1) -> (0)>
#map2 = affine_map<(d0, d1) -> (0, 0, 0)>
module attributes {stable_mosaic.version = 14 : i64} {
  func.func @body(%arg0: i32, %arg1: i32, %arg2: memref<1000x128xf32, #tpu.memory_space<hbm>>, %arg3: memref<12288xi32, #tpu.memory_space<hbm>>, %arg4: memref<12288xi32, #tpu.memory_space<hbm>>, %arg5: memref<8x16xf32, #tpu.memory_space<hbm>>, %arg6: memref<2x10112x128xf32, #tpu.memory_space<hbm>>, %arg7: memref<128xi32, #tpu.memory_space<vmem>>, %arg8: memref<128xi32, #tpu.memory_space<vmem>>, %arg9: memref<128x128xf32, #tpu.memory_space<vmem>>, %arg10: memref<128x128xf32, #tpu.memory_space<vmem>>, %arg11: memref<10112x128xf32, #tpu.memory_space<vmem_shared>>) attributes {dimension_semantics = [#tpu.dimension_semantics<core_parallel>, #tpu.dimension_semantics<subcore_parallel>], iteration_bounds = array<i64: 2, 16>, scalar_prefetch = 0 : i64, scratch_operands = 5 : i64, tpu.core_type = #tpu.core_type<sc_vector_subcore>, window_params = [{transform_indices = #map}, {transform_indices = #map1}, {transform_indices = #map1}, {transform_indices = #map}, {transform_indices = #map2}]} {
    %mul3A = arith.constant 16 : i32
    %mul3A_0 = arith.muli %arg0, %mul3A : i32
    %add3A = arith.addi %mul3A_0, %arg1 : i32
    %broadcast_in_dim3A = arith.constant 0.000000e+00 : f32
    %broadcast_in_dim3A_1 = vector.broadcast %broadcast_in_dim3A : f32 to vector<16xf32>
    %scan3A = arith.constant 0 : i32
    %scan3A_2 = arith.constant 0 : i32
    %scan3A_3 = arith.constant 128 : i32
    %scan3A_4 = arith.addi %scan3A_2, %scan3A_3 : i32
    %scan3A_5 = arith.constant 1 : i32
    scf.for %scan3A_40 = %scan3A_2 to %scan3A_4 step %scan3A_5  : i32 {
      %swap3A = arith.index_cast %scan3A_40 : i32 to index
      %swap3A_41 = arith.constant 0 : index
      %swap3A_42 = tpu.vector_load %arg10[%swap3A, %swap3A_41] {strides = array<i32>} : memref<128x128xf32, #tpu.memory_space<vmem>>, vector<1x16xf32>,
      %swap3A_43 = vector.shape_cast %swap3A_42 : vector<1x16xf32> to vector<16xf32>
      %swap3A_44 = vector.shape_cast %broadcast_in_dim3A_1 : vector<16xf32> to vector<1x16xf32>
      tpu.vector_store %arg10[%swap3A, %swap3A_41], %swap3A_44 {strides = array<i32>} : memref<128x128xf32, #tpu.memory_space<vmem>>, vector<1x16xf32>,
      %swap3A_45 = arith.index_cast %scan3A_40 : i32 to index
      %swap3A_46 = arith.constant 16 : index
      %swap3A_47 = tpu.vector_load %arg10[%swap3A_45, %swap3A_46] {strides = array<i32>} : memref<128x128xf32, #tpu.memory_space<vmem>>, vector<1x16xf32>,
      %swap3A_48 = vector.shape_cast %swap3A_47 : vector<1x16xf32> to vector<16xf32>
      %swap3A_49 = vector.shape_cast %broadcast_in_dim3A_1 : vector<16xf32> to vector<1x16xf32>
      tpu.vector_store %arg10[%swap3A_45, %swap3A_46], %swap3A_49 {strides = array<i32>} : memref<128x128xf32, #tpu.memory_space<vmem>>, vector<1x16xf32>,
      %swap3A_50 = arith.index_cast %scan3A_40 : i32 to index
      %swap3A_51 = arith.constant 32 : index
      %swap3A_52 = tpu.vector_load %arg10[%swap3A_50, %swap3A_51] {strides = array<i32>} : memref<128x128xf32, #tpu.memory_space<vmem>>, vector<1x16xf32>,
      %swap3A_53 = vector.shape_cast %swap3A_52 : vector<1x16xf32> to vector<16xf32>
      %swap3A_54 = vector.shape_cast %broadcast_in_dim3A_1 : vector<16xf32> to vector<1x16xf32>
      tpu.vector_store %arg10[%swap3A_50, %swap3A_51], %swap3A_54 {strides = array<i32>} : memref<128x128xf32, #tpu.memory_space<vmem>>, vector<1x16xf32>,
      %swap3A_55 = arith.index_cast %scan3A_40 : i32 to index
      %swap3A_56 = arith.constant 48 : index
      %swap3A_57 = tpu.vector_load %arg10[%swap3A_55, %swap3A_56] {strides = array<i32>} : memref<128x128xf32, #tpu.memory_space<vmem>>, vector<1x16xf32>,
      %swap3A_58 = vector.shape_cast %swap3A_57 : vector<1x16xf32> to vector<16xf32>
      %swap3A_59 = vector.shape_cast %broadcast_in_dim3A_1 : vector<16xf32> to vector<1x16xf32>
      tpu.vector_store %arg10[%swap3A_55, %swap3A_56], %swap3A_59 {strides = array<i32>} : memref<128x128xf32, #tpu.memory_space<vmem>>, vector<1x16xf32>,
      %swap3A_60 = arith.index_cast %scan3A_40 : i32 to index
      %swap3A_61 = arith.constant 64 : index
      %swap3A_62 = tpu.vector_load %arg10[%swap3A_60, %swap3A_61] {strides = array<i32>} : memref<128x128xf32, #tpu.memory_space<vmem>>, vector<1x16xf32>,
      %swap3A_63 = vector.shape_cast %swap3A_62 : vector<1x16xf32> to vector<16xf32>
      %swap3A_64 = vector.shape_cast %broadcast_in_dim3A_1 : vector<16xf32> to vector<1x16xf32>
      tpu.vector_store %arg10[%swap3A_60, %swap3A_61], %swap3A_64 {strides = array<i32>} : memref<128x128xf32, #tpu.memory_space<vmem>>, vector<1x16xf32>,
      %swap3A_65 = arith.index_cast %scan3A_40 : i32 to index
      %swap3A_66 = arith.constant 80 : index
      %swap3A_67 = tpu.vector_load %arg10[%swap3A_65, %swap3A_66] {strides = array<i32>} : memref<128x128xf32, #tpu.memory_space<vmem>>, vector<1x16xf32>,
      %swap3A_68 = vector.shape_cast %swap3A_67 : vector<1x16xf32> to vector<16xf32>
      %swap3A_69 = vector.shape_cast %broadcast_in_dim3A_1 : vector<16xf32> to vector<1x16xf32>
      tpu.vector_store %arg10[%swap3A_65, %swap3A_66], %swap3A_69 {strides = array<i32>} : memref<128x128xf32, #tpu.memory_space<vmem>>, vector<1x16xf32>,
      %swap3A_70 = arith.index_cast %scan3A_40 : i32 to index
      %swap3A_71 = arith.constant 96 : index
      %swap3A_72 = tpu.vector_load %arg10[%swap3A_70, %swap3A_71] {strides = array<i32>} : memref<128x128xf32, #tpu.memory_space<vmem>>, vector<1x16xf32>,
      %swap3A_73 = vector.shape_cast %swap3A_72 : vector<1x16xf32> to vector<16xf32>
      %swap3A_74 = vector.shape_cast %broadcast_in_dim3A_1 : vector<16xf32> to vector<1x16xf32>
      tpu.vector_store %arg10[%swap3A_70, %swap3A_71], %swap3A_74 {strides = array<i32>} : memref<128x128xf32, #tpu.memory_space<vmem>>, vector<1x16xf32>,
      %swap3A_75 = arith.index_cast %scan3A_40 : i32 to index
      %swap3A_76 = arith.constant 112 : index
      %swap3A_77 = tpu.vector_load %arg10[%swap3A_75, %swap3A_76] {strides = array<i32>} : memref<128x128xf32, #tpu.memory_space<vmem>>, vector<1x16xf32>,
      %swap3A_78 = vector.shape_cast %swap3A_77 : vector<1x16xf32> to vector<16xf32>
      %swap3A_79 = vector.shape_cast %broadcast_in_dim3A_1 : vector<16xf32> to vector<1x16xf32>
      tpu.vector_store %arg10[%swap3A_75, %swap3A_76], %swap3A_79 {strides = array<i32>} : memref<128x128xf32, #tpu.memory_space<vmem>>, vector<1x16xf32>,
    }
    %scan3A_6 = arith.constant 128 : i32
    %mul3A_7 = arith.constant 632 : i32
    %mul3A_8 = arith.muli %arg1, %mul3A_7 : i32
    %scan3A_9 = arith.constant 0 : i32
    %scan3A_10 = arith.constant 0 : i32
    %scan3A_11 = arith.constant 4 : i32
    %scan3A_12 = arith.addi %scan3A_10, %scan3A_11 : i32
    %scan3A_13 = arith.constant 1 : i32
    scf.for %scan3A_40 = %scan3A_10 to %scan3A_12 step %scan3A_13  : i32 {
      %mul3A_41 = arith.constant 128 : i32
      %mul3A_42 = arith.muli %scan3A_40, %mul3A_41 : i32
      %add3A_43 = arith.addi %mul3A_8, %mul3A_42 : i32
      "tpu.region"() ({
        %run_scoped3A = tpu.sem_alloc : memref<!tpu.dma_semaphore, #tpu.memory_space<semaphore_mem>>
        %dma_start3A = arith.constant 0 : i32
        %dma_start3A_44 = tpu.memref_slice %arg11[%add3A_43, %dma_start3A] : memref<10112x128xf32, #tpu.memory_space<vmem_shared>> -> memref<128x128xf32, #tpu.memory_space<vmem_shared>>
        %dma_start3A_45 = arith.constant 0 : i32
        %dma_start3A_46 = tpu.memref_slice %arg11[%add3A_43, %dma_start3A_45] : memref<10112x128xf32, #tpu.memory_space<vmem_shared>> -> memref<128x128xf32, #tpu.memory_space<vmem_shared>>
        tpu.enqueue_dma source(%arg10 : memref<128x128xf32, #tpu.memory_space<vmem>>) target(%dma_start3A_46 : memref<128x128xf32, #tpu.memory_space<vmem_shared>>) target_semaphore(%run_scoped3A : memref<!tpu.dma_semaphore, #tpu.memory_space<semaphore_mem>>)
        %dma_wait3A = arith.constant 0 : i32
        %dma_wait3A_47 = tpu.memref_slice %arg11[%add3A_43, %dma_wait3A] : memref<10112x128xf32, #tpu.memory_space<vmem_shared>> -> memref<128x128xf32, #tpu.memory_space<vmem_shared>>
        %dma_wait3A_48 = arith.constant 0 : i32
        %dma_wait3A_49 = tpu.memref_slice %arg11[%add3A_43, %dma_wait3A_48] : memref<10112x128xf32, #tpu.memory_space<vmem_shared>> -> memref<128x128xf32, #tpu.memory_space<vmem_shared>>
        tpu.wait_dma2 semaphore(%run_scoped3A : memref<!tpu.dma_semaphore, #tpu.memory_space<semaphore_mem>>) src(%arg10 : memref<128x128xf32, #tpu.memory_space<vmem>>) dst(%dma_wait3A_49 : memref<128x128xf32, #tpu.memory_space<vmem_shared>>)
        tpu.yield
      }) : () -> ()
    }
    %scan3A_14 = arith.constant 4 : i32
    %add3A_15 = arith.constant 512 : i32
    %add3A_16 = arith.addi %mul3A_8, %add3A_15 : i32
    "tpu.region"() ({
      %run_scoped3A = tpu.sem_alloc : memref<!tpu.dma_semaphore, #tpu.memory_space<semaphore_mem>>
      %dma_start3A = arith.constant 0 : i32
      %dma_start3A_40 = arith.constant 0 : i32
      %dma_start3A_41 = tpu.memref_slice %arg10[%dma_start3A, %dma_start3A_40] : memref<128x128xf32, #tpu.memory_space<vmem>> -> memref<120x128xf32, #tpu.memory_space<vmem>>
      %dma_start3A_42 = arith.constant 0 : i32
      %dma_start3A_43 = tpu.memref_slice %arg11[%add3A_16, %dma_start3A_42] : memref<10112x128xf32, #tpu.memory_space<vmem_shared>> -> memref<120x128xf32, #tpu.memory_space<vmem_shared>>
      %dma_start3A_44 = arith.constant 0 : i32
      %dma_start3A_45 = tpu.memref_slice %arg11[%add3A_16, %dma_start3A_44] : memref<10112x128xf32, #tpu.memory_space<vmem_shared>> -> memref<120x128xf32, #tpu.memory_space<vmem_shared>>
      %dma_start3A_46 = arith.constant 0 : i32
      %dma_start3A_47 = arith.constant 0 : i32
      %dma_start3A_48 = tpu.memref_slice %arg10[%dma_start3A_46, %dma_start3A_47] : memref<128x128xf32, #tpu.memory_space<vmem>> -> memref<120x128xf32, #tpu.memory_space<vmem>>
      tpu.enqueue_dma source(%dma_start3A_48 : memref<120x128xf32, #tpu.memory_space<vmem>>) target(%dma_start3A_45 : memref<120x128xf32, #tpu.memory_space<vmem_shared>>) target_semaphore(%run_scoped3A : memref<!tpu.dma_semaphore, #tpu.memory_space<semaphore_mem>>)
      %dma_wait3A = arith.constant 0 : i32
      %dma_wait3A_49 = arith.constant 0 : i32
      %dma_wait3A_50 = tpu.memref_slice %arg10[%dma_wait3A, %dma_wait3A_49] : memref<128x128xf32, #tpu.memory_space<vmem>> -> memref<120x128xf32, #tpu.memory_space<vmem>>
      %dma_wait3A_51 = arith.constant 0 : i32
      %dma_wait3A_52 = tpu.memref_slice %arg11[%add3A_16, %dma_wait3A_51] : memref<10112x128xf32, #tpu.memory_space<vmem_shared>> -> memref<120x128xf32, #tpu.memory_space<vmem_shared>>
      %dma_wait3A_53 = arith.constant 0 : i32
      %dma_wait3A_54 = tpu.memref_slice %arg11[%add3A_16, %dma_wait3A_53] : memref<10112x128xf32, #tpu.memory_space<vmem_shared>> -> memref<120x128xf32, #tpu.memory_space<vmem_shared>>
      %dma_wait3A_55 = arith.constant 0 : i32
      %dma_wait3A_56 = arith.constant 0 : i32
      %dma_wait3A_57 = tpu.memref_slice %arg10[%dma_wait3A_55, %dma_wait3A_56] : memref<128x128xf32, #tpu.memory_space<vmem>> -> memref<120x128xf32, #tpu.memory_space<vmem>>
      tpu.wait_dma2 semaphore(%run_scoped3A : memref<!tpu.dma_semaphore, #tpu.memory_space<semaphore_mem>>) src(%dma_wait3A_57 : memref<120x128xf32, #tpu.memory_space<vmem>>) dst(%dma_wait3A_54 : memref<120x128xf32, #tpu.memory_space<vmem_shared>>)
      tpu.yield
    }) : () -> ()
    %barrier3A = arith.constant 0 : index
    tpu.barrier barrier_id(%barrier3A)
    %barrier3A_17 = arith.constant 0 : index
    tpu.barrier barrier_id(%barrier3A_17)
    %mul3A_18 = arith.constant 384 : i32
    %mul3A_19 = arith.muli %add3A, %mul3A_18 : i32
    %scan3A_20 = arith.constant 0 : i32
    %scan3A_21 = arith.constant 0 : i32
    %scan3A_22 = arith.constant 3 : i32
    %scan3A_23 = arith.addi %scan3A_21, %scan3A_22 : i32
    %scan3A_24 = arith.constant 1 : i32
    scf.for %scan3A_40 = %scan3A_21 to %scan3A_23 step %scan3A_24  : i32 {
      %mul3A_41 = arith.constant 128 : i32
      %mul3A_42 = arith.muli %scan3A_40, %mul3A_41 : i32
      %add3A_43 = arith.addi %mul3A_19, %mul3A_42 : i32
      "tpu.region"() ({
        %run_scoped3A = tpu.sem_alloc : memref<!tpu.dma_semaphore, #tpu.memory_space<semaphore_mem>>
        %dma_start3A = tpu.memref_slice %arg4[%add3A_43] : memref<12288xi32, #tpu.memory_space<hbm>> -> memref<128xi32, #tpu.memory_space<hbm>>
        %dma_start3A_44 = tpu.memref_slice %arg4[%add3A_43] : memref<12288xi32, #tpu.memory_space<hbm>> -> memref<128xi32, #tpu.memory_space<hbm>>
        tpu.enqueue_dma source(%dma_start3A_44 : memref<128xi32, #tpu.memory_space<hbm>>) target(%arg8 : memref<128xi32, #tpu.memory_space<vmem>>) target_semaphore(%run_scoped3A : memref<!tpu.dma_semaphore, #tpu.memory_space<semaphore_mem>>)
        %dma_wait3A = tpu.memref_slice %arg4[%add3A_43] : memref<12288xi32, #tpu.memory_space<hbm>> -> memref<128xi32, #tpu.memory_space<hbm>>
        %dma_wait3A_45 = tpu.memref_slice %arg4[%add3A_43] : memref<12288xi32, #tpu.memory_space<hbm>> -> memref<128xi32, #tpu.memory_space<hbm>>
        tpu.wait_dma2 semaphore(%run_scoped3A : memref<!tpu.dma_semaphore, #tpu.memory_space<semaphore_mem>>) src(%dma_wait3A_45 : memref<128xi32, #tpu.memory_space<hbm>>) dst(%arg8 : memref<128xi32, #tpu.memory_space<vmem>>)
        tpu.yield
      }) : () -> ()
      "tpu.region"() ({
        %run_scoped3A = tpu.sem_alloc : memref<!tpu.dma_semaphore, #tpu.memory_space<semaphore_mem>>
        %dma_start3A = tpu.memref_slice %arg3[%add3A_43] : memref<12288xi32, #tpu.memory_space<hbm>> -> memref<128xi32, #tpu.memory_space<hbm>>
        %dma_start3A_44 = tpu.memref_slice %arg3[%add3A_43] : memref<12288xi32, #tpu.memory_space<hbm>> -> memref<128xi32, #tpu.memory_space<hbm>>
        tpu.enqueue_dma source(%dma_start3A_44 : memref<128xi32, #tpu.memory_space<hbm>>) target(%arg7 : memref<128xi32, #tpu.memory_space<vmem>>) target_semaphore(%run_scoped3A : memref<!tpu.dma_semaphore, #tpu.memory_space<semaphore_mem>>)
        %dma_wait3A = tpu.memref_slice %arg3[%add3A_43] : memref<12288xi32, #tpu.memory_space<hbm>> -> memref<128xi32, #tpu.memory_space<hbm>>
        %dma_wait3A_45 = tpu.memref_slice %arg3[%add3A_43] : memref<12288xi32, #tpu.memory_space<hbm>> -> memref<128xi32, #tpu.memory_space<hbm>>
        tpu.wait_dma2 semaphore(%run_scoped3A : memref<!tpu.dma_semaphore, #tpu.memory_space<semaphore_mem>>) src(%dma_wait3A_45 : memref<128xi32, #tpu.memory_space<hbm>>) dst(%arg7 : memref<128xi32, #tpu.memory_space<vmem>>)
        tpu.yield
      }) : () -> ()
      "tpu.region"() ({
        %run_scoped3A = tpu.sem_alloc : memref<!tpu.dma_semaphore, #tpu.memory_space<semaphore_mem>>
        %dma_start3A = arith.constant 0 : i32
        %dma_start3A_44 = arith.constant 0 : i32
        %dma_start3A_45 = tpu.memref_slice %arg2[%dma_start3A, %dma_start3A_44] : memref<1000x128xf32, #tpu.memory_space<hbm>> -> memref<1000x128xf32, #tpu.memory_space<hbm>>
        tpu.enqueue_indirect_dma source(%dma_start3A_45 : memref<1000x128xf32, #tpu.memory_space<hbm>>) target(%arg9 : memref<128x128xf32, #tpu.memory_space<vmem>>) offsets(%arg7 : memref<128xi32, #tpu.memory_space<vmem>>) semaphore(%run_scoped3A : memref<!tpu.dma_semaphore, #tpu.memory_space<semaphore_mem>>)
        %dma_wait3A = arith.constant 0 : i32
        %dma_wait3A_46 = arith.constant 0 : i32
        %dma_wait3A_47 = tpu.memref_slice %arg2[%dma_wait3A, %dma_wait3A_46] : memref<1000x128xf32, #tpu.memory_space<hbm>> -> memref<1000x128xf32, #tpu.memory_space<hbm>>
        tpu.wait_indirect_dma semaphore(%run_scoped3A : memref<!tpu.dma_semaphore, #tpu.memory_space<semaphore_mem>>) src(%dma_wait3A_47 : memref<1000x128xf32, #tpu.memory_space<hbm>>) dst(%arg9 : memref<128x128xf32, #tpu.memory_space<vmem>>)
        tpu.yield
      }) : () -> ()
      "tpu.region"() ({
        %run_scoped3A = tpu.sem_alloc : memref<!tpu.dma_semaphore, #tpu.memory_space<semaphore_mem>>
        %dma_start3A = arith.constant 0 : i32
        %dma_start3A_44 = arith.constant 0 : i32
        %dma_start3A_45 = tpu.memref_slice %arg11[%dma_start3A, %dma_start3A_44] : memref<10112x128xf32, #tpu.memory_space<vmem_shared>> -> memref<10112x128xf32, #tpu.memory_space<vmem_shared>>
        tpu.enqueue_indirect_dma source(%arg9 : memref<128x128xf32, #tpu.memory_space<vmem>>) target(%dma_start3A_45 : memref<10112x128xf32, #tpu.memory_space<vmem_shared>>) offsets(%arg8 : memref<128xi32, #tpu.memory_space<vmem>>) semaphore(%run_scoped3A : memref<!tpu.dma_semaphore, #tpu.memory_space<semaphore_mem>>) {add = true}
        %dma_wait3A = arith.constant 0 : i32
        %dma_wait3A_46 = arith.constant 0 : i32
        %dma_wait3A_47 = tpu.memref_slice %arg11[%dma_wait3A, %dma_wait3A_46] : memref<10112x128xf32, #tpu.memory_space<vmem_shared>> -> memref<10112x128xf32, #tpu.memory_space<vmem_shared>>
        tpu.wait_indirect_dma semaphore(%run_scoped3A : memref<!tpu.dma_semaphore, #tpu.memory_space<semaphore_mem>>) src(%arg9 : memref<128x128xf32, #tpu.memory_space<vmem>>) dst(%dma_wait3A_47 : memref<10112x128xf32, #tpu.memory_space<vmem_shared>>)
        tpu.yield
      }) : () -> ()
    }
    %scan3A_25 = arith.constant 3 : i32
    %barrier3A_26 = arith.constant 0 : index
    tpu.barrier barrier_id(%barrier3A_26)
    %barrier3A_27 = arith.constant 0 : index
    tpu.barrier barrier_id(%barrier3A_27)
    %mul3A_28 = arith.constant 632 : i32
    %mul3A_29 = arith.muli %arg1, %mul3A_28 : i32
    %scan3A_30 = arith.constant 0 : i32
    %scan3A_31 = arith.constant 0 : i32
    %scan3A_32 = arith.constant 4 : i32
    %scan3A_33 = arith.addi %scan3A_31, %scan3A_32 : i32
    %scan3A_34 = arith.constant 1 : i32
    scf.for %scan3A_40 = %scan3A_31 to %scan3A_33 step %scan3A_34  : i32 {
      %mul3A_41 = arith.constant 128 : i32
      %mul3A_42 = arith.muli %scan3A_40, %mul3A_41 : i32
      %add3A_43 = arith.addi %mul3A_29, %mul3A_42 : i32
      "tpu.region"() ({
        %run_scoped3A = tpu.sem_alloc : memref<!tpu.dma_semaphore, #tpu.memory_space<semaphore_mem>>
        %dma_start3A = arith.constant 0 : i32
        %dma_start3A_47 = tpu.memref_slice %arg11[%add3A_43, %dma_start3A] : memref<10112x128xf32, #tpu.memory_space<vmem_shared>> -> memref<128x128xf32, #tpu.memory_space<vmem_shared>>
        %dma_start3A_48 = arith.constant 0 : i32
        %dma_start3A_49 = tpu.memref_slice %arg11[%add3A_43, %dma_start3A_48] : memref<10112x128xf32, #tpu.memory_space<vmem_shared>> -> memref<128x128xf32, #tpu.memory_space<vmem_shared>>
        tpu.enqueue_dma source(%dma_start3A_49 : memref<128x128xf32, #tpu.memory_space<vmem_shared>>) target(%arg10 : memref<128x128xf32, #tpu.memory_space<vmem>>) target_semaphore(%run_scoped3A : memref<!tpu.dma_semaphore, #tpu.memory_space<semaphore_mem>>)
        %dma_wait3A = arith.constant 0 : i32
        %dma_wait3A_50 = tpu.memref_slice %arg11[%add3A_43, %dma_wait3A] : memref<10112x128xf32, #tpu.memory_space<vmem_shared>> -> memref<128x128xf32, #tpu.memory_space<vmem_shared>>
        %dma_wait3A_51 = arith.constant 0 : i32
        %dma_wait3A_52 = tpu.memref_slice %arg11[%add3A_43, %dma_wait3A_51] : memref<10112x128xf32, #tpu.memory_space<vmem_shared>> -> memref<128x128xf32, #tpu.memory_space<vmem_shared>>
        tpu.wait_dma2 semaphore(%run_scoped3A : memref<!tpu.dma_semaphore, #tpu.memory_space<semaphore_mem>>) src(%dma_wait3A_52 : memref<128x128xf32, #tpu.memory_space<vmem_shared>>) dst(%arg10 : memref<128x128xf32, #tpu.memory_space<vmem>>)
        tpu.yield
      }) : () -> ()
      %mul3A_44 = arith.constant 128 : i32
      %mul3A_45 = arith.muli %scan3A_40, %mul3A_44 : i32
      %add3A_46 = arith.addi %mul3A_29, %mul3A_45 : i32
      "tpu.region"() ({
        %run_scoped3A = tpu.sem_alloc : memref<!tpu.dma_semaphore, #tpu.memory_space<semaphore_mem>>
        %dma_start3A = arith.constant 0 : i32
        %dma_start3A_47 = tpu.memref_slice %arg6[%arg0, %add3A_46, %dma_start3A] : memref<2x10112x128xf32, #tpu.memory_space<hbm>> -> memref<1x128x128xf32, #tpu.memory_space<hbm>>
        %dma_start3A_48 = tpu.memref_squeeze %dma_start3A_47 : memref<1x128x128xf32, #tpu.memory_space<hbm>> -> memref<128x128xf32, #tpu.memory_space<hbm>>
        %dma_start3A_49 = arith.constant 0 : i32
        %dma_start3A_50 = tpu.memref_slice %arg6[%arg0, %add3A_46, %dma_start3A_49] : memref<2x10112x128xf32, #tpu.memory_space<hbm>> -> memref<1x128x128xf32, #tpu.memory_space<hbm>>
        %dma_start3A_51 = tpu.memref_squeeze %dma_start3A_50 : memref<1x128x128xf32, #tpu.memory_space<hbm>> -> memref<128x128xf32, #tpu.memory_space<hbm>>
        tpu.enqueue_dma source(%arg10 : memref<128x128xf32, #tpu.memory_space<vmem>>) target(%dma_start3A_51 : memref<128x128xf32, #tpu.memory_space<hbm>>) target_semaphore(%run_scoped3A : memref<!tpu.dma_semaphore, #tpu.memory_space<semaphore_mem>>)
        %dma_wait3A = arith.constant 0 : i32
        %dma_wait3A_52 = tpu.memref_slice %arg6[%arg0, %add3A_46, %dma_wait3A] : memref<2x10112x128xf32, #tpu.memory_space<hbm>> -> memref<1x128x128xf32, #tpu.memory_space<hbm>>
        %dma_wait3A_53 = tpu.memref_squeeze %dma_wait3A_52 : memref<1x128x128xf32, #tpu.memory_space<hbm>> -> memref<128x128xf32, #tpu.memory_space<hbm>>
        %dma_wait3A_54 = arith.constant 0 : i32
        %dma_wait3A_55 = tpu.memref_slice %arg6[%arg0, %add3A_46, %dma_wait3A_54] : memref<2x10112x128xf32, #tpu.memory_space<hbm>> -> memref<1x128x128xf32, #tpu.memory_space<hbm>>
        %dma_wait3A_56 = tpu.memref_squeeze %dma_wait3A_55 : memref<1x128x128xf32, #tpu.memory_space<hbm>> -> memref<128x128xf32, #tpu.memory_space<hbm>>
        tpu.wait_dma2 semaphore(%run_scoped3A : memref<!tpu.dma_semaphore, #tpu.memory_space<semaphore_mem>>) src(%arg10 : memref<128x128xf32, #tpu.memory_space<vmem>>) dst(%dma_wait3A_56 : memref<128x128xf32, #tpu.memory_space<hbm>>)
        tpu.yield
      }) : () -> ()
    }
    %scan3A_35 = arith.constant 4 : i32
    %add3A_36 = arith.constant 512 : i32
    %add3A_37 = arith.addi %mul3A_29, %add3A_36 : i32
    "tpu.region"() ({
      %run_scoped3A = tpu.sem_alloc : memref<!tpu.dma_semaphore, #tpu.memory_space<semaphore_mem>>
      %dma_start3A = arith.constant 0 : i32
      %dma_start3A_40 = arith.constant 0 : i32
      %dma_start3A_41 = tpu.memref_slice %arg10[%dma_start3A, %dma_start3A_40] : memref<128x128xf32, #tpu.memory_space<vmem>> -> memref<120x128xf32, #tpu.memory_space<vmem>>
      %dma_start3A_42 = arith.constant 0 : i32
      %dma_start3A_43 = tpu.memref_slice %arg11[%add3A_37, %dma_start3A_42] : memref<10112x128xf32, #tpu.memory_space<vmem_shared>> -> memref<120x128xf32, #tpu.memory_space<vmem_shared>>
      %dma_start3A_44 = arith.constant 0 : i32
      %dma_start3A_45 = arith.constant 0 : i32
      %dma_start3A_46 = tpu.memref_slice %arg10[%dma_start3A_44, %dma_start3A_45] : memref<128x128xf32, #tpu.memory_space<vmem>> -> memref<120x128xf32, #tpu.memory_space<vmem>>
      %dma_start3A_47 = arith.constant 0 : i32
      %dma_start3A_48 = tpu.memref_slice %arg11[%add3A_37, %dma_start3A_47] : memref<10112x128xf32, #tpu.memory_space<vmem_shared>> -> memref<120x128xf32, #tpu.memory_space<vmem_shared>>
      tpu.enqueue_dma source(%dma_start3A_48 : memref<120x128xf32, #tpu.memory_space<vmem_shared>>) target(%dma_start3A_46 : memref<120x128xf32, #tpu.memory_space<vmem>>) target_semaphore(%run_scoped3A : memref<!tpu.dma_semaphore, #tpu.memory_space<semaphore_mem>>)
      %dma_wait3A = arith.constant 0 : i32
      %dma_wait3A_49 = arith.constant 0 : i32
      %dma_wait3A_50 = tpu.memref_slice %arg10[%dma_wait3A, %dma_wait3A_49] : memref<128x128xf32, #tpu.memory_space<vmem>> -> memref<120x128xf32, #tpu.memory_space<vmem>>
      %dma_wait3A_51 = arith.constant 0 : i32
      %dma_wait3A_52 = tpu.memref_slice %arg11[%add3A_37, %dma_wait3A_51] : memref<10112x128xf32, #tpu.memory_space<vmem_shared>> -> memref<120x128xf32, #tpu.memory_space<vmem_shared>>
      %dma_wait3A_53 = arith.constant 0 : i32
      %dma_wait3A_54 = arith.constant 0 : i32
      %dma_wait3A_55 = tpu.memref_slice %arg10[%dma_wait3A_53, %dma_wait3A_54] : memref<128x128xf32, #tpu.memory_space<vmem>> -> memref<120x128xf32, #tpu.memory_space<vmem>>
      %dma_wait3A_56 = arith.constant 0 : i32
      %dma_wait3A_57 = tpu.memref_slice %arg11[%add3A_37, %dma_wait3A_56] : memref<10112x128xf32, #tpu.memory_space<vmem_shared>> -> memref<120x128xf32, #tpu.memory_space<vmem_shared>>
      tpu.wait_dma2 semaphore(%run_scoped3A : memref<!tpu.dma_semaphore, #tpu.memory_space<semaphore_mem>>) src(%dma_wait3A_57 : memref<120x128xf32, #tpu.memory_space<vmem_shared>>) dst(%dma_wait3A_55 : memref<120x128xf32, #tpu.memory_space<vmem>>)
      tpu.yield
    }) : () -> ()
    %add3A_38 = arith.constant 512 : i32
    %add3A_39 = arith.addi %mul3A_29, %add3A_38 : i32
    "tpu.region"() ({
      %run_scoped3A = tpu.sem_alloc : memref<!tpu.dma_semaphore, #tpu.memory_space<semaphore_mem>>
      %dma_start3A = arith.constant 0 : i32
      %dma_start3A_40 = arith.constant 0 : i32
      %dma_start3A_41 = tpu.memref_slice %arg10[%dma_start3A, %dma_start3A_40] : memref<128x128xf32, #tpu.memory_space<vmem>> -> memref<120x128xf32, #tpu.memory_space<vmem>>
      %dma_start3A_42 = arith.constant 0 : i32
      %dma_start3A_43 = tpu.memref_slice %arg6[%arg0, %add3A_39, %dma_start3A_42] : memref<2x10112x128xf32, #tpu.memory_space<hbm>> -> memref<1x120x128xf32, #tpu.memory_space<hbm>>
      %dma_start3A_44 = tpu.memref_squeeze %dma_start3A_43 : memref<1x120x128xf32, #tpu.memory_space<hbm>> -> memref<120x128xf32, #tpu.memory_space<hbm>>
      %dma_start3A_45 = arith.constant 0 : i32
      %dma_start3A_46 = tpu.memref_slice %arg6[%arg0, %add3A_39, %dma_start3A_45] : memref<2x10112x128xf32, #tpu.memory_space<hbm>> -> memref<1x120x128xf32, #tpu.memory_space<hbm>>
      %dma_start3A_47 = tpu.memref_squeeze %dma_start3A_46 : memref<1x120x128xf32, #tpu.memory_space<hbm>> -> memref<120x128xf32, #tpu.memory_space<hbm>>
      %dma_start3A_48 = arith.constant 0 : i32
      %dma_start3A_49 = arith.constant 0 : i32
      %dma_start3A_50 = tpu.memref_slice %arg10[%dma_start3A_48, %dma_start3A_49] : memref<128x128xf32, #tpu.memory_space<vmem>> -> memref<120x128xf32, #tpu.memory_space<vmem>>
      tpu.enqueue_dma source(%dma_start3A_50 : memref<120x128xf32, #tpu.memory_space<vmem>>) target(%dma_start3A_47 : memref<120x128xf32, #tpu.memory_space<hbm>>) target_semaphore(%run_scoped3A : memref<!tpu.dma_semaphore, #tpu.memory_space<semaphore_mem>>)
      %dma_wait3A = arith.constant 0 : i32
      %dma_wait3A_51 = arith.constant 0 : i32
      %dma_wait3A_52 = tpu.memref_slice %arg10[%dma_wait3A, %dma_wait3A_51] : memref<128x128xf32, #tpu.memory_space<vmem>> -> memref<120x128xf32, #tpu.memory_space<vmem>>
      %dma_wait3A_53 = arith.constant 0 : i32
      %dma_wait3A_54 = tpu.memref_slice %arg6[%arg0, %add3A_39, %dma_wait3A_53] : memref<2x10112x128xf32, #tpu.memory_space<hbm>> -> memref<1x120x128xf32, #tpu.memory_space<hbm>>
      %dma_wait3A_55 = tpu.memref_squeeze %dma_wait3A_54 : memref<1x120x128xf32, #tpu.memory_space<hbm>> -> memref<120x128xf32, #tpu.memory_space<hbm>>
      %dma_wait3A_56 = arith.constant 0 : i32
      %dma_wait3A_57 = tpu.memref_slice %arg6[%arg0, %add3A_39, %dma_wait3A_56] : memref<2x10112x128xf32, #tpu.memory_space<hbm>> -> memref<1x120x128xf32, #tpu.memory_space<hbm>>
      %dma_wait3A_58 = tpu.memref_squeeze %dma_wait3A_57 : memref<1x120x128xf32, #tpu.memory_space<hbm>> -> memref<120x128xf32, #tpu.memory_space<hbm>>
      %dma_wait3A_59 = arith.constant 0 : i32
      %dma_wait3A_60 = arith.constant 0 : i32
      %dma_wait3A_61 = tpu.memref_slice %arg10[%dma_wait3A_59, %dma_wait3A_60] : memref<128x128xf32, #tpu.memory_space<vmem>> -> memref<120x128xf32, #tpu.memory_space<vmem>>
      tpu.wait_dma2 semaphore(%run_scoped3A : memref<!tpu.dma_semaphore, #tpu.memory_space<semaphore_mem>>) src(%dma_wait3A_61 : memref<120x128xf32, #tpu.memory_space<vmem>>) dst(%dma_wait3A_58 : memref<120x128xf32, #tpu.memory_space<hbm>>)
      tpu.yield
    }) : () -> ()
    return
  }
}

#map = affine_map<(d0, d1) -> (0, 0)>
#map1 = affine_map<(d0, d1) -> (0)>
#map2 = affine_map<(d0, d1) -> (0, 0, 0)>
module attributes {stable_mosaic.version = 14 : i64} {
  func.func @body(%arg0: i32, %arg1: i32, %arg2: memref<10000x128xf32, #tpu.memory_space<hbm>>, %arg3: memref<323584xi32, #tpu.memory_space<hbm>>, %arg4: memref<323584xi32, #tpu.memory_space<hbm>>, %arg5: memref<8x16xf32, #tpu.memory_space<hbm>>, %arg6: memref<2x10112x128xf32, #tpu.memory_space<hbm>>, %arg7: memref<128xi32, #tpu.memory_space<vmem>>, %arg8: memref<128xi32, #tpu.memory_space<vmem>>, %arg9: memref<128x128xf32, #tpu.memory_space<vmem>>, %arg10: memref<128x128xf32, #tpu.memory_space<vmem>>, %arg11: memref<10112x128xf32, #tpu.memory_space<vmem_shared>>) attributes {dimension_semantics = [#tpu.dimension_semantics<core_parallel>, #tpu.dimension_semantics<subcore_parallel>], iteration_bounds = array<i64: 2, 16>, scalar_prefetch = 0 : i64, scratch_operands = 5 : i64, tpu.core_type = #tpu.core_type<sc_vector_subcore>, window_params = [{transform_indices = #map}, {transform_indices = #map1}, {transform_indices = #map1}, {transform_indices = #map}, {transform_indices = #map2}]} {
    %mul3A = arith.constant 16 : i32
    %mul3A_0 = arith.muli %arg0, %mul3A : i32
    %add3A = arith.addi %mul3A_0, %arg1 : i32
    %broadcast_in_dim3A = arith.constant 0.000000e+00 : f32
    %broadcast_in_dim3A_1 = vector.broadcast %broadcast_in_dim3A : f32 to vector<16xf32>
    %scan3A = arith.constant 0 : i32
    %scan3A_2 = arith.constant 0 : i32
    %scan3A_3 = arith.constant 128 : i32
    %scan3A_4 = arith.addi %scan3A_2, %scan3A_3 : i32
    %scan3A_5 = arith.constant 1 : i32
    scf.for %scan3A_40 = %scan3A_2 to %scan3A_4 step %scan3A_5  : i32 {
      %swap3A = arith.index_cast %scan3A_40 : i32 to index
      %swap3A_41 = arith.constant 0 : index
      %swap3A_42 = tpu.vector_load %arg10[%swap3A, %swap3A_41] {strides = array<i32>} : memref<128x128xf32, #tpu.memory_space<vmem>>, vector<1x16xf32>,
      %swap3A_43 = vector.shape_cast %swap3A_42 : vector<1x16xf32> to vector<16xf32>
      %swap3A_44 = vector.shape_cast %broadcast_in_dim3A_1 : vector<16xf32> to vector<1x16xf32>
      tpu.vector_store %arg10[%swap3A, %swap3A_41], %swap3A_44 {strides = array<i32>} : memref<128x128xf32, #tpu.memory_space<vmem>>, vector<1x16xf32>,
      %swap3A_45 = arith.index_cast %scan3A_40 : i32 to index
      %swap3A_46 = arith.constant 16 : index
      %swap3A_47 = tpu.vector_load %arg10[%swap3A_45, %swap3A_46] {strides = array<i32>} : memref<128x128xf32, #tpu.memory_space<vmem>>, vector<1x16xf32>,
      %swap3A_48 = vector.shape_cast %swap3A_47 : vector<1x16xf32> to vector<16xf32>
      %swap3A_49 = vector.shape_cast %broadcast_in_dim3A_1 : vector<16xf32> to vector<1x16xf32>
      tpu.vector_store %arg10[%swap3A_45, %swap3A_46], %swap3A_49 {strides = array<i32>} : memref<128x128xf32, #tpu.memory_space<vmem>>, vector<1x16xf32>,
      %swap3A_50 = arith.index_cast %scan3A_40 : i32 to index
      %swap3A_51 = arith.constant 32 : index
      %swap3A_52 = tpu.vector_load %arg10[%swap3A_50, %swap3A_51] {strides = array<i32>} : memref<128x128xf32, #tpu.memory_space<vmem>>, vector<1x16xf32>,
      %swap3A_53 = vector.shape_cast %swap3A_52 : vector<1x16xf32> to vector<16xf32>
      %swap3A_54 = vector.shape_cast %broadcast_in_dim3A_1 : vector<16xf32> to vector<1x16xf32>
      tpu.vector_store %arg10[%swap3A_50, %swap3A_51], %swap3A_54 {strides = array<i32>} : memref<128x128xf32, #tpu.memory_space<vmem>>, vector<1x16xf32>,
      %swap3A_55 = arith.index_cast %scan3A_40 : i32 to index
      %swap3A_56 = arith.constant 48 : index
      %swap3A_57 = tpu.vector_load %arg10[%swap3A_55, %swap3A_56] {strides = array<i32>} : memref<128x128xf32, #tpu.memory_space<vmem>>, vector<1x16xf32>,
      %swap3A_58 = vector.shape_cast %swap3A_57 : vector<1x16xf32> to vector<16xf32>
      %swap3A_59 = vector.shape_cast %broadcast_in_dim3A_1 : vector<16xf32> to vector<1x16xf32>
      tpu.vector_store %arg10[%swap3A_55, %swap3A_56], %swap3A_59 {strides = array<i32>} : memref<128x128xf32, #tpu.memory_space<vmem>>, vector<1x16xf32>,
      %swap3A_60 = arith.index_cast %scan3A_40 : i32 to index
      %swap3A_61 = arith.constant 64 : index
      %swap3A_62 = tpu.vector_load %arg10[%swap3A_60, %swap3A_61] {strides = array<i32>} : memref<128x128xf32, #tpu.memory_space<vmem>>, vector<1x16xf32>,
      %swap3A_63 = vector.shape_cast %swap3A_62 : vector<1x16xf32> to vector<16xf32>
      %swap3A_64 = vector.shape_cast %broadcast_in_dim3A_1 : vector<16xf32> to vector<1x16xf32>
      tpu.vector_store %arg10[%swap3A_60, %swap3A_61], %swap3A_64 {strides = array<i32>} : memref<128x128xf32, #tpu.memory_space<vmem>>, vector<1x16xf32>,
      %swap3A_65 = arith.index_cast %scan3A_40 : i32 to index
      %swap3A_66 = arith.constant 80 : index
      %swap3A_67 = tpu.vector_load %arg10[%swap3A_65, %swap3A_66] {strides = array<i32>} : memref<128x128xf32, #tpu.memory_space<vmem>>, vector<1x16xf32>,
      %swap3A_68 = vector.shape_cast %swap3A_67 : vector<1x16xf32> to vector<16xf32>
      %swap3A_69 = vector.shape_cast %broadcast_in_dim3A_1 : vector<16xf32> to vector<1x16xf32>
      tpu.vector_store %arg10[%swap3A_65, %swap3A_66], %swap3A_69 {strides = array<i32>} : memref<128x128xf32, #tpu.memory_space<vmem>>, vector<1x16xf32>,
      %swap3A_70 = arith.index_cast %scan3A_40 : i32 to index
      %swap3A_71 = arith.constant 96 : index
      %swap3A_72 = tpu.vector_load %arg10[%swap3A_70, %swap3A_71] {strides = array<i32>} : memref<128x128xf32, #tpu.memory_space<vmem>>, vector<1x16xf32>,
      %swap3A_73 = vector.shape_cast %swap3A_72 : vector<1x16xf32> to vector<16xf32>
      %swap3A_74 = vector.shape_cast %broadcast_in_dim3A_1 : vector<16xf32> to vector<1x16xf32>
      tpu.vector_store %arg10[%swap3A_70, %swap3A_71], %swap3A_74 {strides = array<i32>} : memref<128x128xf32, #tpu.memory_space<vmem>>, vector<1x16xf32>,
      %swap3A_75 = arith.index_cast %scan3A_40 : i32 to index
      %swap3A_76 = arith.constant 112 : index
      %swap3A_77 = tpu.vector_load %arg10[%swap3A_75, %swap3A_76] {strides = array<i32>} : memref<128x128xf32, #tpu.memory_space<vmem>>, vector<1x16xf32>,
      %swap3A_78 = vector.shape_cast %swap3A_77 : vector<1x16xf32> to vector<16xf32>
      %swap3A_79 = vector.shape_cast %broadcast_in_dim3A_1 : vector<16xf32> to vector<1x16xf32>
      tpu.vector_store %arg10[%swap3A_75, %swap3A_76], %swap3A_79 {strides = array<i32>} : memref<128x128xf32, #tpu.memory_space<vmem>>, vector<1x16xf32>,
    }
    %scan3A_6 = arith.constant 128 : i32
    %mul3A_7 = arith.constant 632 : i32
    %mul3A_8 = arith.muli %arg1, %mul3A_7 : i32
    %scan3A_9 = arith.constant 0 : i32
    %scan3A_10 = arith.constant 0 : i32
    %scan3A_11 = arith.constant 4 : i32
    %scan3A_12 = arith.addi %scan3A_10, %scan3A_11 : i32
    %scan3A_13 = arith.constant 1 : i32
    scf.for %scan3A_40 = %scan3A_10 to %scan3A_12 step %scan3A_13  : i32 {
      %mul3A_41 = arith.constant 128 : i32
      %mul3A_42 = arith.muli %scan3A_40, %mul3A_41 : i32
      %add3A_43 = arith.addi %mul3A_8, %mul3A_42 : i32
      "tpu.region"() ({
        %run_scoped3A = tpu.sem_alloc : memref<!tpu.dma_semaphore, #tpu.memory_space<semaphore_mem>>
        %dma_start3A = arith.constant 0 : i32
        %dma_start3A_44 = tpu.memref_slice %arg11[%add3A_43, %dma_start3A] : memref<10112x128xf32, #tpu.memory_space<vmem_shared>> -> memref<128x128xf32, #tpu.memory_space<vmem_shared>>
        %dma_start3A_45 = arith.constant 0 : i32
        %dma_start3A_46 = tpu.memref_slice %arg11[%add3A_43, %dma_start3A_45] : memref<10112x128xf32, #tpu.memory_space<vmem_shared>> -> memref<128x128xf32, #tpu.memory_space<vmem_shared>>
        tpu.enqueue_dma source(%arg10 : memref<128x128xf32, #tpu.memory_space<vmem>>) target(%dma_start3A_46 : memref<128x128xf32, #tpu.memory_space<vmem_shared>>) target_semaphore(%run_scoped3A : memref<!tpu.dma_semaphore, #tpu.memory_space<semaphore_mem>>)
        %dma_wait3A = arith.constant 0 : i32
        %dma_wait3A_47 = tpu.memref_slice %arg11[%add3A_43, %dma_wait3A] : memref<10112x128xf32, #tpu.memory_space<vmem_shared>> -> memref<128x128xf32, #tpu.memory_space<vmem_shared>>
        %dma_wait3A_48 = arith.constant 0 : i32
        %dma_wait3A_49 = tpu.memref_slice %arg11[%add3A_43, %dma_wait3A_48] : memref<10112x128xf32, #tpu.memory_space<vmem_shared>> -> memref<128x128xf32, #tpu.memory_space<vmem_shared>>
        tpu.wait_dma2 semaphore(%run_scoped3A : memref<!tpu.dma_semaphore, #tpu.memory_space<semaphore_mem>>) src(%arg10 : memref<128x128xf32, #tpu.memory_space<vmem>>) dst(%dma_wait3A_49 : memref<128x128xf32, #tpu.memory_space<vmem_shared>>)
        tpu.yield
      }) : () -> ()
    }
    %scan3A_14 = arith.constant 4 : i32
    %add3A_15 = arith.constant 512 : i32
    %add3A_16 = arith.addi %mul3A_8, %add3A_15 : i32
    "tpu.region"() ({
      %run_scoped3A = tpu.sem_alloc : memref<!tpu.dma_semaphore, #tpu.memory_space<semaphore_mem>>
      %dma_start3A = arith.constant 0 : i32
      %dma_start3A_40 = arith.constant 0 : i32
      %dma_start3A_41 = tpu.memref_slice %arg10[%dma_start3A, %dma_start3A_40] : memref<128x128xf32, #tpu.memory_space<vmem>> -> memref<120x128xf32, #tpu.memory_space<vmem>>
      %dma_start3A_42 = arith.constant 0 : i32
      %dma_start3A_43 = tpu.memref_slice %arg11[%add3A_16, %dma_start3A_42] : memref<10112x128xf32, #tpu.memory_space<vmem_shared>> -> memref<120x128xf32, #tpu.memory_space<vmem_shared>>
      %dma_start3A_44 = arith.constant 0 : i32
      %dma_start3A_45 = tpu.memref_slice %arg11[%add3A_16, %dma_start3A_44] : memref<10112x128xf32, #tpu.memory_space<vmem_shared>> -> memref<120x128xf32, #tpu.memory_space<vmem_shared>>
      %dma_start3A_46 = arith.constant 0 : i32
      %dma_start3A_47 = arith.constant 0 : i32
      %dma_start3A_48 = tpu.memref_slice %arg10[%dma_start3A_46, %dma_start3A_47] : memref<128x128xf32, #tpu.memory_space<vmem>> -> memref<120x128xf32, #tpu.memory_space<vmem>>
      tpu.enqueue_dma source(%dma_start3A_48 : memref<120x128xf32, #tpu.memory_space<vmem>>) target(%dma_start3A_45 : memref<120x128xf32, #tpu.memory_space<vmem_shared>>) target_semaphore(%run_scoped3A : memref<!tpu.dma_semaphore, #tpu.memory_space<semaphore_mem>>)
      %dma_wait3A = arith.constant 0 : i32
      %dma_wait3A_49 = arith.constant 0 : i32
      %dma_wait3A_50 = tpu.memref_slice %arg10[%dma_wait3A, %dma_wait3A_49] : memref<128x128xf32, #tpu.memory_space<vmem>> -> memref<120x128xf32, #tpu.memory_space<vmem>>
      %dma_wait3A_51 = arith.constant 0 : i32
      %dma_wait3A_52 = tpu.memref_slice %arg11[%add3A_16, %dma_wait3A_51] : memref<10112x128xf32, #tpu.memory_space<vmem_shared>> -> memref<120x128xf32, #tpu.memory_space<vmem_shared>>
      %dma_wait3A_53 = arith.constant 0 : i32
      %dma_wait3A_54 = tpu.memref_slice %arg11[%add3A_16, %dma_wait3A_53] : memref<10112x128xf32, #tpu.memory_space<vmem_shared>> -> memref<120x128xf32, #tpu.memory_space<vmem_shared>>
      %dma_wait3A_55 = arith.constant 0 : i32
      %dma_wait3A_56 = arith.constant 0 : i32
      %dma_wait3A_57 = tpu.memref_slice %arg10[%dma_wait3A_55, %dma_wait3A_56] : memref<128x128xf32, #tpu.memory_space<vmem>> -> memref<120x128xf32, #tpu.memory_space<vmem>>
      tpu.wait_dma2 semaphore(%run_scoped3A : memref<!tpu.dma_semaphore, #tpu.memory_space<semaphore_mem>>) src(%dma_wait3A_57 : memref<120x128xf32, #tpu.memory_space<vmem>>) dst(%dma_wait3A_54 : memref<120x128xf32, #tpu.memory_space<vmem_shared>>)
      tpu.yield
    }) : () -> ()
    %barrier3A = arith.constant 0 : index
    tpu.barrier barrier_id(%barrier3A)
    %barrier3A_17 = arith.constant 0 : index
    tpu.barrier barrier_id(%barrier3A_17)
    %mul3A_18 = arith.constant 10112 : i32
    %mul3A_19 = arith.muli %add3A, %mul3A_18 : i32
    %scan3A_20 = arith.constant 0 : i32
    %scan3A_21 = arith.constant 0 : i32
    %scan3A_22 = arith.constant 79 : i32
    %scan3A_23 = arith.addi %scan3A_21, %scan3A_22 : i32
    %scan3A_24 = arith.constant 1 : i32
    scf.for %scan3A_40 = %scan3A_21 to %scan3A_23 step %scan3A_24  : i32 {
      %mul3A_41 = arith.constant 128 : i32
      %mul3A_42 = arith.muli %scan3A_40, %mul3A_41 : i32
      %add3A_43 = arith.addi %mul3A_19, %mul3A_42 : i32
      "tpu.region"() ({
        %run_scoped3A = tpu.sem_alloc : memref<!tpu.dma_semaphore, #tpu.memory_space<semaphore_mem>>
        %dma_start3A = tpu.memref_slice %arg4[%add3A_43] : memref<323584xi32, #tpu.memory_space<hbm>> -> memref<128xi32, #tpu.memory_space<hbm>>
        %dma_start3A_44 = tpu.memref_slice %arg4[%add3A_43] : memref<323584xi32, #tpu.memory_space<hbm>> -> memref<128xi32, #tpu.memory_space<hbm>>
        tpu.enqueue_dma source(%dma_start3A_44 : memref<128xi32, #tpu.memory_space<hbm>>) target(%arg8 : memref<128xi32, #tpu.memory_space<vmem>>) target_semaphore(%run_scoped3A : memref<!tpu.dma_semaphore, #tpu.memory_space<semaphore_mem>>)
        %dma_wait3A = tpu.memref_slice %arg4[%add3A_43] : memref<323584xi32, #tpu.memory_space<hbm>> -> memref<128xi32, #tpu.memory_space<hbm>>
        %dma_wait3A_45 = tpu.memref_slice %arg4[%add3A_43] : memref<323584xi32, #tpu.memory_space<hbm>> -> memref<128xi32, #tpu.memory_space<hbm>>
        tpu.wait_dma2 semaphore(%run_scoped3A : memref<!tpu.dma_semaphore, #tpu.memory_space<semaphore_mem>>) src(%dma_wait3A_45 : memref<128xi32, #tpu.memory_space<hbm>>) dst(%arg8 : memref<128xi32, #tpu.memory_space<vmem>>)
        tpu.yield
      }) : () -> ()
      "tpu.region"() ({
        %run_scoped3A = tpu.sem_alloc : memref<!tpu.dma_semaphore, #tpu.memory_space<semaphore_mem>>
        %dma_start3A = tpu.memref_slice %arg3[%add3A_43] : memref<323584xi32, #tpu.memory_space<hbm>> -> memref<128xi32, #tpu.memory_space<hbm>>
        %dma_start3A_44 = tpu.memref_slice %arg3[%add3A_43] : memref<323584xi32, #tpu.memory_space<hbm>> -> memref<128xi32, #tpu.memory_space<hbm>>
        tpu.enqueue_dma source(%dma_start3A_44 : memref<128xi32, #tpu.memory_space<hbm>>) target(%arg7 : memref<128xi32, #tpu.memory_space<vmem>>) target_semaphore(%run_scoped3A : memref<!tpu.dma_semaphore, #tpu.memory_space<semaphore_mem>>)
        %dma_wait3A = tpu.memref_slice %arg3[%add3A_43] : memref<323584xi32, #tpu.memory_space<hbm>> -> memref<128xi32, #tpu.memory_space<hbm>>
        %dma_wait3A_45 = tpu.memref_slice %arg3[%add3A_43] : memref<323584xi32, #tpu.memory_space<hbm>> -> memref<128xi32, #tpu.memory_space<hbm>>
        tpu.wait_dma2 semaphore(%run_scoped3A : memref<!tpu.dma_semaphore, #tpu.memory_space<semaphore_mem>>) src(%dma_wait3A_45 : memref<128xi32, #tpu.memory_space<hbm>>) dst(%arg7 : memref<128xi32, #tpu.memory_space<vmem>>)
        tpu.yield
      }) : () -> ()
      "tpu.region"() ({
        %run_scoped3A = tpu.sem_alloc : memref<!tpu.dma_semaphore, #tpu.memory_space<semaphore_mem>>
        %dma_start3A = arith.constant 0 : i32
        %dma_start3A_44 = arith.constant 0 : i32
        %dma_start3A_45 = tpu.memref_slice %arg2[%dma_start3A, %dma_start3A_44] : memref<10000x128xf32, #tpu.memory_space<hbm>> -> memref<10000x128xf32, #tpu.memory_space<hbm>>
        tpu.enqueue_indirect_dma source(%dma_start3A_45 : memref<10000x128xf32, #tpu.memory_space<hbm>>) target(%arg9 : memref<128x128xf32, #tpu.memory_space<vmem>>) offsets(%arg7 : memref<128xi32, #tpu.memory_space<vmem>>) semaphore(%run_scoped3A : memref<!tpu.dma_semaphore, #tpu.memory_space<semaphore_mem>>)
        %dma_wait3A = arith.constant 0 : i32
        %dma_wait3A_46 = arith.constant 0 : i32
        %dma_wait3A_47 = tpu.memref_slice %arg2[%dma_wait3A, %dma_wait3A_46] : memref<10000x128xf32, #tpu.memory_space<hbm>> -> memref<10000x128xf32, #tpu.memory_space<hbm>>
        tpu.wait_indirect_dma semaphore(%run_scoped3A : memref<!tpu.dma_semaphore, #tpu.memory_space<semaphore_mem>>) src(%dma_wait3A_47 : memref<10000x128xf32, #tpu.memory_space<hbm>>) dst(%arg9 : memref<128x128xf32, #tpu.memory_space<vmem>>)
        tpu.yield
      }) : () -> ()
      "tpu.region"() ({
        %run_scoped3A = tpu.sem_alloc : memref<!tpu.dma_semaphore, #tpu.memory_space<semaphore_mem>>
        %dma_start3A = arith.constant 0 : i32
        %dma_start3A_44 = arith.constant 0 : i32
        %dma_start3A_45 = tpu.memref_slice %arg11[%dma_start3A, %dma_start3A_44] : memref<10112x128xf32, #tpu.memory_space<vmem_shared>> -> memref<10112x128xf32, #tpu.memory_space<vmem_shared>>
        tpu.enqueue_indirect_dma source(%arg9 : memref<128x128xf32, #tpu.memory_space<vmem>>) target(%dma_start3A_45 : memref<10112x128xf32, #tpu.memory_space<vmem_shared>>) offsets(%arg8 : memref<128xi32, #tpu.memory_space<vmem>>) semaphore(%run_scoped3A : memref<!tpu.dma_semaphore, #tpu.memory_space<semaphore_mem>>) {add = true}
        %dma_wait3A = arith.constant 0 : i32
        %dma_wait3A_46 = arith.constant 0 : i32
        %dma_wait3A_47 = tpu.memref_slice %arg11[%dma_wait3A, %dma_wait3A_46] : memref<10112x128xf32, #tpu.memory_space<vmem_shared>> -> memref<10112x128xf32, #tpu.memory_space<vmem_shared>>
        tpu.wait_indirect_dma semaphore(%run_scoped3A : memref<!tpu.dma_semaphore, #tpu.memory_space<semaphore_mem>>) src(%arg9 : memref<128x128xf32, #tpu.memory_space<vmem>>) dst(%dma_wait3A_47 : memref<10112x128xf32, #tpu.memory_space<vmem_shared>>)
        tpu.yield
      }) : () -> ()
    }
    %scan3A_25 = arith.constant 79 : i32
    %barrier3A_26 = arith.constant 0 : index
    tpu.barrier barrier_id(%barrier3A_26)
    %barrier3A_27 = arith.constant 0 : index
    tpu.barrier barrier_id(%barrier3A_27)
    %mul3A_28 = arith.constant 632 : i32
    %mul3A_29 = arith.muli %arg1, %mul3A_28 : i32
    %scan3A_30 = arith.constant 0 : i32
    %scan3A_31 = arith.constant 0 : i32
    %scan3A_32 = arith.constant 4 : i32
    %scan3A_33 = arith.addi %scan3A_31, %scan3A_32 : i32
    %scan3A_34 = arith.constant 1 : i32
    scf.for %scan3A_40 = %scan3A_31 to %scan3A_33 step %scan3A_34  : i32 {
      %mul3A_41 = arith.constant 128 : i32
      %mul3A_42 = arith.muli %scan3A_40, %mul3A_41 : i32
      %add3A_43 = arith.addi %mul3A_29, %mul3A_42 : i32
      "tpu.region"() ({
        %run_scoped3A = tpu.sem_alloc : memref<!tpu.dma_semaphore, #tpu.memory_space<semaphore_mem>>
        %dma_start3A = arith.constant 0 : i32
        %dma_start3A_47 = tpu.memref_slice %arg11[%add3A_43, %dma_start3A] : memref<10112x128xf32, #tpu.memory_space<vmem_shared>> -> memref<128x128xf32, #tpu.memory_space<vmem_shared>>
        %dma_start3A_48 = arith.constant 0 : i32
        %dma_start3A_49 = tpu.memref_slice %arg11[%add3A_43, %dma_start3A_48] : memref<10112x128xf32, #tpu.memory_space<vmem_shared>> -> memref<128x128xf32, #tpu.memory_space<vmem_shared>>
        tpu.enqueue_dma source(%dma_start3A_49 : memref<128x128xf32, #tpu.memory_space<vmem_shared>>) target(%arg10 : memref<128x128xf32, #tpu.memory_space<vmem>>) target_semaphore(%run_scoped3A : memref<!tpu.dma_semaphore, #tpu.memory_space<semaphore_mem>>)
        %dma_wait3A = arith.constant 0 : i32
        %dma_wait3A_50 = tpu.memref_slice %arg11[%add3A_43, %dma_wait3A] : memref<10112x128xf32, #tpu.memory_space<vmem_shared>> -> memref<128x128xf32, #tpu.memory_space<vmem_shared>>
        %dma_wait3A_51 = arith.constant 0 : i32
        %dma_wait3A_52 = tpu.memref_slice %arg11[%add3A_43, %dma_wait3A_51] : memref<10112x128xf32, #tpu.memory_space<vmem_shared>> -> memref<128x128xf32, #tpu.memory_space<vmem_shared>>
        tpu.wait_dma2 semaphore(%run_scoped3A : memref<!tpu.dma_semaphore, #tpu.memory_space<semaphore_mem>>) src(%dma_wait3A_52 : memref<128x128xf32, #tpu.memory_space<vmem_shared>>) dst(%arg10 : memref<128x128xf32, #tpu.memory_space<vmem>>)
        tpu.yield
      }) : () -> ()
      %mul3A_44 = arith.constant 128 : i32
      %mul3A_45 = arith.muli %scan3A_40, %mul3A_44 : i32
      %add3A_46 = arith.addi %mul3A_29, %mul3A_45 : i32
      "tpu.region"() ({
        %run_scoped3A = tpu.sem_alloc : memref<!tpu.dma_semaphore, #tpu.memory_space<semaphore_mem>>
        %dma_start3A = arith.constant 0 : i32
        %dma_start3A_47 = tpu.memref_slice %arg6[%arg0, %add3A_46, %dma_start3A] : memref<2x10112x128xf32, #tpu.memory_space<hbm>> -> memref<1x128x128xf32, #tpu.memory_space<hbm>>
        %dma_start3A_48 = tpu.memref_squeeze %dma_start3A_47 : memref<1x128x128xf32, #tpu.memory_space<hbm>> -> memref<128x128xf32, #tpu.memory_space<hbm>>
        %dma_start3A_49 = arith.constant 0 : i32
        %dma_start3A_50 = tpu.memref_slice %arg6[%arg0, %add3A_46, %dma_start3A_49] : memref<2x10112x128xf32, #tpu.memory_space<hbm>> -> memref<1x128x128xf32, #tpu.memory_space<hbm>>
        %dma_start3A_51 = tpu.memref_squeeze %dma_start3A_50 : memref<1x128x128xf32, #tpu.memory_space<hbm>> -> memref<128x128xf32, #tpu.memory_space<hbm>>
        tpu.enqueue_dma source(%arg10 : memref<128x128xf32, #tpu.memory_space<vmem>>) target(%dma_start3A_51 : memref<128x128xf32, #tpu.memory_space<hbm>>) target_semaphore(%run_scoped3A : memref<!tpu.dma_semaphore, #tpu.memory_space<semaphore_mem>>)
        %dma_wait3A = arith.constant 0 : i32
        %dma_wait3A_52 = tpu.memref_slice %arg6[%arg0, %add3A_46, %dma_wait3A] : memref<2x10112x128xf32, #tpu.memory_space<hbm>> -> memref<1x128x128xf32, #tpu.memory_space<hbm>>
        %dma_wait3A_53 = tpu.memref_squeeze %dma_wait3A_52 : memref<1x128x128xf32, #tpu.memory_space<hbm>> -> memref<128x128xf32, #tpu.memory_space<hbm>>
        %dma_wait3A_54 = arith.constant 0 : i32
        %dma_wait3A_55 = tpu.memref_slice %arg6[%arg0, %add3A_46, %dma_wait3A_54] : memref<2x10112x128xf32, #tpu.memory_space<hbm>> -> memref<1x128x128xf32, #tpu.memory_space<hbm>>
        %dma_wait3A_56 = tpu.memref_squeeze %dma_wait3A_55 : memref<1x128x128xf32, #tpu.memory_space<hbm>> -> memref<128x128xf32, #tpu.memory_space<hbm>>
        tpu.wait_dma2 semaphore(%run_scoped3A : memref<!tpu.dma_semaphore, #tpu.memory_space<semaphore_mem>>) src(%arg10 : memref<128x128xf32, #tpu.memory_space<vmem>>) dst(%dma_wait3A_56 : memref<128x128xf32, #tpu.memory_space<hbm>>)
        tpu.yield
      }) : () -> ()
    }
    %scan3A_35 = arith.constant 4 : i32
    %add3A_36 = arith.constant 512 : i32
    %add3A_37 = arith.addi %mul3A_29, %add3A_36 : i32
    "tpu.region"() ({
      %run_scoped3A = tpu.sem_alloc : memref<!tpu.dma_semaphore, #tpu.memory_space<semaphore_mem>>
      %dma_start3A = arith.constant 0 : i32
      %dma_start3A_40 = arith.constant 0 : i32
      %dma_start3A_41 = tpu.memref_slice %arg10[%dma_start3A, %dma_start3A_40] : memref<128x128xf32, #tpu.memory_space<vmem>> -> memref<120x128xf32, #tpu.memory_space<vmem>>
      %dma_start3A_42 = arith.constant 0 : i32
      %dma_start3A_43 = tpu.memref_slice %arg11[%add3A_37, %dma_start3A_42] : memref<10112x128xf32, #tpu.memory_space<vmem_shared>> -> memref<120x128xf32, #tpu.memory_space<vmem_shared>>
      %dma_start3A_44 = arith.constant 0 : i32
      %dma_start3A_45 = arith.constant 0 : i32
      %dma_start3A_46 = tpu.memref_slice %arg10[%dma_start3A_44, %dma_start3A_45] : memref<128x128xf32, #tpu.memory_space<vmem>> -> memref<120x128xf32, #tpu.memory_space<vmem>>
      %dma_start3A_47 = arith.constant 0 : i32
      %dma_start3A_48 = tpu.memref_slice %arg11[%add3A_37, %dma_start3A_47] : memref<10112x128xf32, #tpu.memory_space<vmem_shared>> -> memref<120x128xf32, #tpu.memory_space<vmem_shared>>
      tpu.enqueue_dma source(%dma_start3A_48 : memref<120x128xf32, #tpu.memory_space<vmem_shared>>) target(%dma_start3A_46 : memref<120x128xf32, #tpu.memory_space<vmem>>) target_semaphore(%run_scoped3A : memref<!tpu.dma_semaphore, #tpu.memory_space<semaphore_mem>>)
      %dma_wait3A = arith.constant 0 : i32
      %dma_wait3A_49 = arith.constant 0 : i32
      %dma_wait3A_50 = tpu.memref_slice %arg10[%dma_wait3A, %dma_wait3A_49] : memref<128x128xf32, #tpu.memory_space<vmem>> -> memref<120x128xf32, #tpu.memory_space<vmem>>
      %dma_wait3A_51 = arith.constant 0 : i32
      %dma_wait3A_52 = tpu.memref_slice %arg11[%add3A_37, %dma_wait3A_51] : memref<10112x128xf32, #tpu.memory_space<vmem_shared>> -> memref<120x128xf32, #tpu.memory_space<vmem_shared>>
      %dma_wait3A_53 = arith.constant 0 : i32
      %dma_wait3A_54 = arith.constant 0 : i32
      %dma_wait3A_55 = tpu.memref_slice %arg10[%dma_wait3A_53, %dma_wait3A_54] : memref<128x128xf32, #tpu.memory_space<vmem>> -> memref<120x128xf32, #tpu.memory_space<vmem>>
      %dma_wait3A_56 = arith.constant 0 : i32
      %dma_wait3A_57 = tpu.memref_slice %arg11[%add3A_37, %dma_wait3A_56] : memref<10112x128xf32, #tpu.memory_space<vmem_shared>> -> memref<120x128xf32, #tpu.memory_space<vmem_shared>>
      tpu.wait_dma2 semaphore(%run_scoped3A : memref<!tpu.dma_semaphore, #tpu.memory_space<semaphore_mem>>) src(%dma_wait3A_57 : memref<120x128xf32, #tpu.memory_space<vmem_shared>>) dst(%dma_wait3A_55 : memref<120x128xf32, #tpu.memory_space<vmem>>)
      tpu.yield
    }) : () -> ()
    %add3A_38 = arith.constant 512 : i32
    %add3A_39 = arith.addi %mul3A_29, %add3A_38 : i32
    "tpu.region"() ({
      %run_scoped3A = tpu.sem_alloc : memref<!tpu.dma_semaphore, #tpu.memory_space<semaphore_mem>>
      %dma_start3A = arith.constant 0 : i32
      %dma_start3A_40 = arith.constant 0 : i32
      %dma_start3A_41 = tpu.memref_slice %arg10[%dma_start3A, %dma_start3A_40] : memref<128x128xf32, #tpu.memory_space<vmem>> -> memref<120x128xf32, #tpu.memory_space<vmem>>
      %dma_start3A_42 = arith.constant 0 : i32
      %dma_start3A_43 = tpu.memref_slice %arg6[%arg0, %add3A_39, %dma_start3A_42] : memref<2x10112x128xf32, #tpu.memory_space<hbm>> -> memref<1x120x128xf32, #tpu.memory_space<hbm>>
      %dma_start3A_44 = tpu.memref_squeeze %dma_start3A_43 : memref<1x120x128xf32, #tpu.memory_space<hbm>> -> memref<120x128xf32, #tpu.memory_space<hbm>>
      %dma_start3A_45 = arith.constant 0 : i32
      %dma_start3A_46 = tpu.memref_slice %arg6[%arg0, %add3A_39, %dma_start3A_45] : memref<2x10112x128xf32, #tpu.memory_space<hbm>> -> memref<1x120x128xf32, #tpu.memory_space<hbm>>
      %dma_start3A_47 = tpu.memref_squeeze %dma_start3A_46 : memref<1x120x128xf32, #tpu.memory_space<hbm>> -> memref<120x128xf32, #tpu.memory_space<hbm>>
      %dma_start3A_48 = arith.constant 0 : i32
      %dma_start3A_49 = arith.constant 0 : i32
      %dma_start3A_50 = tpu.memref_slice %arg10[%dma_start3A_48, %dma_start3A_49] : memref<128x128xf32, #tpu.memory_space<vmem>> -> memref<120x128xf32, #tpu.memory_space<vmem>>
      tpu.enqueue_dma source(%dma_start3A_50 : memref<120x128xf32, #tpu.memory_space<vmem>>) target(%dma_start3A_47 : memref<120x128xf32, #tpu.memory_space<hbm>>) target_semaphore(%run_scoped3A : memref<!tpu.dma_semaphore, #tpu.memory_space<semaphore_mem>>)
      %dma_wait3A = arith.constant 0 : i32
      %dma_wait3A_51 = arith.constant 0 : i32
      %dma_wait3A_52 = tpu.memref_slice %arg10[%dma_wait3A, %dma_wait3A_51] : memref<128x128xf32, #tpu.memory_space<vmem>> -> memref<120x128xf32, #tpu.memory_space<vmem>>
      %dma_wait3A_53 = arith.constant 0 : i32
      %dma_wait3A_54 = tpu.memref_slice %arg6[%arg0, %add3A_39, %dma_wait3A_53] : memref<2x10112x128xf32, #tpu.memory_space<hbm>> -> memref<1x120x128xf32, #tpu.memory_space<hbm>>
      %dma_wait3A_55 = tpu.memref_squeeze %dma_wait3A_54 : memref<1x120x128xf32, #tpu.memory_space<hbm>> -> memref<120x128xf32, #tpu.memory_space<hbm>>
      %dma_wait3A_56 = arith.constant 0 : i32
      %dma_wait3A_57 = tpu.memref_slice %arg6[%arg0, %add3A_39, %dma_wait3A_56] : memref<2x10112x128xf32, #tpu.memory_space<hbm>> -> memref<1x120x128xf32, #tpu.memory_space<hbm>>
      %dma_wait3A_58 = tpu.memref_squeeze %dma_wait3A_57 : memref<1x120x128xf32, #tpu.memory_space<hbm>> -> memref<120x128xf32, #tpu.memory_space<hbm>>
      %dma_wait3A_59 = arith.constant 0 : i32
      %dma_wait3A_60 = arith.constant 0 : i32
      %dma_wait3A_61 = tpu.memref_slice %arg10[%dma_wait3A_59, %dma_wait3A_60] : memref<128x128xf32, #tpu.memory_space<vmem>> -> memref<120x128xf32, #tpu.memory_space<vmem>>
      tpu.wait_dma2 semaphore(%run_scoped3A : memref<!tpu.dma_semaphore, #tpu.memory_space<semaphore_mem>>) src(%dma_wait3A_61 : memref<120x128xf32, #tpu.memory_space<vmem>>) dst(%dma_wait3A_58 : memref<120x128xf32, #tpu.memory_space<hbm>>)
      tpu.yield
    }) : () -> ()
    return
  }
}

#map = affine_map<(d0, d1) -> (0, 0)>
#map1 = affine_map<(d0, d1) -> (0)>
#map2 = affine_map<(d0, d1) -> (0, 0, 0)>
module attributes {stable_mosaic.version = 14 : i64} {
  func.func @body(%arg0: i32, %arg1: i32, %arg2: memref<10000x128xf32, #tpu.memory_space<hbm>>, %arg3: memref<12288xi32, #tpu.memory_space<hbm>>, %arg4: memref<12288xi32, #tpu.memory_space<hbm>>, %arg5: memref<8x16xf32, #tpu.memory_space<hbm>>, %arg6: memref<2x1024x128xf32, #tpu.memory_space<hbm>>, %arg7: memref<128xi32, #tpu.memory_space<vmem>>, %arg8: memref<128xi32, #tpu.memory_space<vmem>>, %arg9: memref<128x128xf32, #tpu.memory_space<vmem>>, %arg10: memref<128x128xf32, #tpu.memory_space<vmem>>, %arg11: memref<1024x128xf32, #tpu.memory_space<vmem_shared>>) attributes {dimension_semantics = [#tpu.dimension_semantics<core_parallel>, #tpu.dimension_semantics<subcore_parallel>], iteration_bounds = array<i64: 2, 16>, scalar_prefetch = 0 : i64, scratch_operands = 5 : i64, tpu.core_type = #tpu.core_type<sc_vector_subcore>, window_params = [{transform_indices = #map}, {transform_indices = #map1}, {transform_indices = #map1}, {transform_indices = #map}, {transform_indices = #map2}]} {
    %mul3A = arith.constant 16 : i32
    %mul3A_0 = arith.muli %arg0, %mul3A : i32
    %add3A = arith.addi %mul3A_0, %arg1 : i32
    %broadcast_in_dim3A = arith.constant 0.000000e+00 : f32
    %broadcast_in_dim3A_1 = vector.broadcast %broadcast_in_dim3A : f32 to vector<16xf32>
    %scan3A = arith.constant 0 : i32
    %scan3A_2 = arith.constant 0 : i32
    %scan3A_3 = arith.constant 128 : i32
    %scan3A_4 = arith.addi %scan3A_2, %scan3A_3 : i32
    %scan3A_5 = arith.constant 1 : i32
    scf.for %scan3A_38 = %scan3A_2 to %scan3A_4 step %scan3A_5  : i32 {
      %swap3A = arith.index_cast %scan3A_38 : i32 to index
      %swap3A_39 = arith.constant 0 : index
      %swap3A_40 = tpu.vector_load %arg10[%swap3A, %swap3A_39] {strides = array<i32>} : memref<128x128xf32, #tpu.memory_space<vmem>>, vector<1x16xf32>,
      %swap3A_41 = vector.shape_cast %swap3A_40 : vector<1x16xf32> to vector<16xf32>
      %swap3A_42 = vector.shape_cast %broadcast_in_dim3A_1 : vector<16xf32> to vector<1x16xf32>
      tpu.vector_store %arg10[%swap3A, %swap3A_39], %swap3A_42 {strides = array<i32>} : memref<128x128xf32, #tpu.memory_space<vmem>>, vector<1x16xf32>,
      %swap3A_43 = arith.index_cast %scan3A_38 : i32 to index
      %swap3A_44 = arith.constant 16 : index
      %swap3A_45 = tpu.vector_load %arg10[%swap3A_43, %swap3A_44] {strides = array<i32>} : memref<128x128xf32, #tpu.memory_space<vmem>>, vector<1x16xf32>,
      %swap3A_46 = vector.shape_cast %swap3A_45 : vector<1x16xf32> to vector<16xf32>
      %swap3A_47 = vector.shape_cast %broadcast_in_dim3A_1 : vector<16xf32> to vector<1x16xf32>
      tpu.vector_store %arg10[%swap3A_43, %swap3A_44], %swap3A_47 {strides = array<i32>} : memref<128x128xf32, #tpu.memory_space<vmem>>, vector<1x16xf32>,
      %swap3A_48 = arith.index_cast %scan3A_38 : i32 to index
      %swap3A_49 = arith.constant 32 : index
      %swap3A_50 = tpu.vector_load %arg10[%swap3A_48, %swap3A_49] {strides = array<i32>} : memref<128x128xf32, #tpu.memory_space<vmem>>, vector<1x16xf32>,
      %swap3A_51 = vector.shape_cast %swap3A_50 : vector<1x16xf32> to vector<16xf32>
      %swap3A_52 = vector.shape_cast %broadcast_in_dim3A_1 : vector<16xf32> to vector<1x16xf32>
      tpu.vector_store %arg10[%swap3A_48, %swap3A_49], %swap3A_52 {strides = array<i32>} : memref<128x128xf32, #tpu.memory_space<vmem>>, vector<1x16xf32>,
      %swap3A_53 = arith.index_cast %scan3A_38 : i32 to index
      %swap3A_54 = arith.constant 48 : index
      %swap3A_55 = tpu.vector_load %arg10[%swap3A_53, %swap3A_54] {strides = array<i32>} : memref<128x128xf32, #tpu.memory_space<vmem>>, vector<1x16xf32>,
      %swap3A_56 = vector.shape_cast %swap3A_55 : vector<1x16xf32> to vector<16xf32>
      %swap3A_57 = vector.shape_cast %broadcast_in_dim3A_1 : vector<16xf32> to vector<1x16xf32>
      tpu.vector_store %arg10[%swap3A_53, %swap3A_54], %swap3A_57 {strides = array<i32>} : memref<128x128xf32, #tpu.memory_space<vmem>>, vector<1x16xf32>,
      %swap3A_58 = arith.index_cast %scan3A_38 : i32 to index
      %swap3A_59 = arith.constant 64 : index
      %swap3A_60 = tpu.vector_load %arg10[%swap3A_58, %swap3A_59] {strides = array<i32>} : memref<128x128xf32, #tpu.memory_space<vmem>>, vector<1x16xf32>,
      %swap3A_61 = vector.shape_cast %swap3A_60 : vector<1x16xf32> to vector<16xf32>
      %swap3A_62 = vector.shape_cast %broadcast_in_dim3A_1 : vector<16xf32> to vector<1x16xf32>
      tpu.vector_store %arg10[%swap3A_58, %swap3A_59], %swap3A_62 {strides = array<i32>} : memref<128x128xf32, #tpu.memory_space<vmem>>, vector<1x16xf32>,
      %swap3A_63 = arith.index_cast %scan3A_38 : i32 to index
      %swap3A_64 = arith.constant 80 : index
      %swap3A_65 = tpu.vector_load %arg10[%swap3A_63, %swap3A_64] {strides = array<i32>} : memref<128x128xf32, #tpu.memory_space<vmem>>, vector<1x16xf32>,
      %swap3A_66 = vector.shape_cast %swap3A_65 : vector<1x16xf32> to vector<16xf32>
      %swap3A_67 = vector.shape_cast %broadcast_in_dim3A_1 : vector<16xf32> to vector<1x16xf32>
      tpu.vector_store %arg10[%swap3A_63, %swap3A_64], %swap3A_67 {strides = array<i32>} : memref<128x128xf32, #tpu.memory_space<vmem>>, vector<1x16xf32>,
      %swap3A_68 = arith.index_cast %scan3A_38 : i32 to index
      %swap3A_69 = arith.constant 96 : index
      %swap3A_70 = tpu.vector_load %arg10[%swap3A_68, %swap3A_69] {strides = array<i32>} : memref<128x128xf32, #tpu.memory_space<vmem>>, vector<1x16xf32>,
      %swap3A_71 = vector.shape_cast %swap3A_70 : vector<1x16xf32> to vector<16xf32>
      %swap3A_72 = vector.shape_cast %broadcast_in_dim3A_1 : vector<16xf32> to vector<1x16xf32>
      tpu.vector_store %arg10[%swap3A_68, %swap3A_69], %swap3A_72 {strides = array<i32>} : memref<128x128xf32, #tpu.memory_space<vmem>>, vector<1x16xf32>,
      %swap3A_73 = arith.index_cast %scan3A_38 : i32 to index
      %swap3A_74 = arith.constant 112 : index
      %swap3A_75 = tpu.vector_load %arg10[%swap3A_73, %swap3A_74] {strides = array<i32>} : memref<128x128xf32, #tpu.memory_space<vmem>>, vector<1x16xf32>,
      %swap3A_76 = vector.shape_cast %swap3A_75 : vector<1x16xf32> to vector<16xf32>
      %swap3A_77 = vector.shape_cast %broadcast_in_dim3A_1 : vector<16xf32> to vector<1x16xf32>
      tpu.vector_store %arg10[%swap3A_73, %swap3A_74], %swap3A_77 {strides = array<i32>} : memref<128x128xf32, #tpu.memory_space<vmem>>, vector<1x16xf32>,
    }
    %scan3A_6 = arith.constant 128 : i32
    %mul3A_7 = arith.constant 64 : i32
    %mul3A_8 = arith.muli %arg1, %mul3A_7 : i32
    %scan3A_9 = arith.constant 0 : i32
    %scan3A_10 = arith.constant 0 : i32
    %scan3A_11 = arith.constant 0 : i32
    %scan3A_12 = arith.addi %scan3A_10, %scan3A_11 : i32
    %scan3A_13 = arith.constant 0 : i32
    %add3A_14 = arith.constant 0 : i32
    %add3A_15 = arith.addi %mul3A_8, %add3A_14 : i32
    "tpu.region"() ({
      %run_scoped3A = tpu.sem_alloc : memref<!tpu.dma_semaphore, #tpu.memory_space<semaphore_mem>>
      %dma_start3A = arith.constant 0 : i32
      %dma_start3A_38 = arith.constant 0 : i32
      %dma_start3A_39 = tpu.memref_slice %arg10[%dma_start3A, %dma_start3A_38] : memref<128x128xf32, #tpu.memory_space<vmem>> -> memref<64x128xf32, #tpu.memory_space<vmem>>
      %dma_start3A_40 = arith.constant 0 : i32
      %dma_start3A_41 = tpu.memref_slice %arg11[%add3A_15, %dma_start3A_40] : memref<1024x128xf32, #tpu.memory_space<vmem_shared>> -> memref<64x128xf32, #tpu.memory_space<vmem_shared>>
      %dma_start3A_42 = arith.constant 0 : i32
      %dma_start3A_43 = tpu.memref_slice %arg11[%add3A_15, %dma_start3A_42] : memref<1024x128xf32, #tpu.memory_space<vmem_shared>> -> memref<64x128xf32, #tpu.memory_space<vmem_shared>>
      %dma_start3A_44 = arith.constant 0 : i32
      %dma_start3A_45 = arith.constant 0 : i32
      %dma_start3A_46 = tpu.memref_slice %arg10[%dma_start3A_44, %dma_start3A_45] : memref<128x128xf32, #tpu.memory_space<vmem>> -> memref<64x128xf32, #tpu.memory_space<vmem>>
      tpu.enqueue_dma source(%dma_start3A_46 : memref<64x128xf32, #tpu.memory_space<vmem>>) target(%dma_start3A_43 : memref<64x128xf32, #tpu.memory_space<vmem_shared>>) target_semaphore(%run_scoped3A : memref<!tpu.dma_semaphore, #tpu.memory_space<semaphore_mem>>)
      %dma_wait3A = arith.constant 0 : i32
      %dma_wait3A_47 = arith.constant 0 : i32
      %dma_wait3A_48 = tpu.memref_slice %arg10[%dma_wait3A, %dma_wait3A_47] : memref<128x128xf32, #tpu.memory_space<vmem>> -> memref<64x128xf32, #tpu.memory_space<vmem>>
      %dma_wait3A_49 = arith.constant 0 : i32
      %dma_wait3A_50 = tpu.memref_slice %arg11[%add3A_15, %dma_wait3A_49] : memref<1024x128xf32, #tpu.memory_space<vmem_shared>> -> memref<64x128xf32, #tpu.memory_space<vmem_shared>>
      %dma_wait3A_51 = arith.constant 0 : i32
      %dma_wait3A_52 = tpu.memref_slice %arg11[%add3A_15, %dma_wait3A_51] : memref<1024x128xf32, #tpu.memory_space<vmem_shared>> -> memref<64x128xf32, #tpu.memory_space<vmem_shared>>
      %dma_wait3A_53 = arith.constant 0 : i32
      %dma_wait3A_54 = arith.constant 0 : i32
      %dma_wait3A_55 = tpu.memref_slice %arg10[%dma_wait3A_53, %dma_wait3A_54] : memref<128x128xf32, #tpu.memory_space<vmem>> -> memref<64x128xf32, #tpu.memory_space<vmem>>
      tpu.wait_dma2 semaphore(%run_scoped3A : memref<!tpu.dma_semaphore, #tpu.memory_space<semaphore_mem>>) src(%dma_wait3A_55 : memref<64x128xf32, #tpu.memory_space<vmem>>) dst(%dma_wait3A_52 : memref<64x128xf32, #tpu.memory_space<vmem_shared>>)
      tpu.yield
    }) : () -> ()
    %barrier3A = arith.constant 0 : index
    tpu.barrier barrier_id(%barrier3A)
    %barrier3A_16 = arith.constant 0 : index
    tpu.barrier barrier_id(%barrier3A_16)
    %mul3A_17 = arith.constant 384 : i32
    %mul3A_18 = arith.muli %add3A, %mul3A_17 : i32
    %scan3A_19 = arith.constant 0 : i32
    %scan3A_20 = arith.constant 0 : i32
    %scan3A_21 = arith.constant 3 : i32
    %scan3A_22 = arith.addi %scan3A_20, %scan3A_21 : i32
    %scan3A_23 = arith.constant 1 : i32
    scf.for %scan3A_38 = %scan3A_20 to %scan3A_22 step %scan3A_23  : i32 {
      %mul3A_39 = arith.constant 128 : i32
      %mul3A_40 = arith.muli %scan3A_38, %mul3A_39 : i32
      %add3A_41 = arith.addi %mul3A_18, %mul3A_40 : i32
      "tpu.region"() ({
        %run_scoped3A = tpu.sem_alloc : memref<!tpu.dma_semaphore, #tpu.memory_space<semaphore_mem>>
        %dma_start3A = tpu.memref_slice %arg4[%add3A_41] : memref<12288xi32, #tpu.memory_space<hbm>> -> memref<128xi32, #tpu.memory_space<hbm>>
        %dma_start3A_42 = tpu.memref_slice %arg4[%add3A_41] : memref<12288xi32, #tpu.memory_space<hbm>> -> memref<128xi32, #tpu.memory_space<hbm>>
        tpu.enqueue_dma source(%dma_start3A_42 : memref<128xi32, #tpu.memory_space<hbm>>) target(%arg8 : memref<128xi32, #tpu.memory_space<vmem>>) target_semaphore(%run_scoped3A : memref<!tpu.dma_semaphore, #tpu.memory_space<semaphore_mem>>)
        %dma_wait3A = tpu.memref_slice %arg4[%add3A_41] : memref<12288xi32, #tpu.memory_space<hbm>> -> memref<128xi32, #tpu.memory_space<hbm>>
        %dma_wait3A_43 = tpu.memref_slice %arg4[%add3A_41] : memref<12288xi32, #tpu.memory_space<hbm>> -> memref<128xi32, #tpu.memory_space<hbm>>
        tpu.wait_dma2 semaphore(%run_scoped3A : memref<!tpu.dma_semaphore, #tpu.memory_space<semaphore_mem>>) src(%dma_wait3A_43 : memref<128xi32, #tpu.memory_space<hbm>>) dst(%arg8 : memref<128xi32, #tpu.memory_space<vmem>>)
        tpu.yield
      }) : () -> ()
      "tpu.region"() ({
        %run_scoped3A = tpu.sem_alloc : memref<!tpu.dma_semaphore, #tpu.memory_space<semaphore_mem>>
        %dma_start3A = tpu.memref_slice %arg3[%add3A_41] : memref<12288xi32, #tpu.memory_space<hbm>> -> memref<128xi32, #tpu.memory_space<hbm>>
        %dma_start3A_42 = tpu.memref_slice %arg3[%add3A_41] : memref<12288xi32, #tpu.memory_space<hbm>> -> memref<128xi32, #tpu.memory_space<hbm>>
        tpu.enqueue_dma source(%dma_start3A_42 : memref<128xi32, #tpu.memory_space<hbm>>) target(%arg7 : memref<128xi32, #tpu.memory_space<vmem>>) target_semaphore(%run_scoped3A : memref<!tpu.dma_semaphore, #tpu.memory_space<semaphore_mem>>)
        %dma_wait3A = tpu.memref_slice %arg3[%add3A_41] : memref<12288xi32, #tpu.memory_space<hbm>> -> memref<128xi32, #tpu.memory_space<hbm>>
        %dma_wait3A_43 = tpu.memref_slice %arg3[%add3A_41] : memref<12288xi32, #tpu.memory_space<hbm>> -> memref<128xi32, #tpu.memory_space<hbm>>
        tpu.wait_dma2 semaphore(%run_scoped3A : memref<!tpu.dma_semaphore, #tpu.memory_space<semaphore_mem>>) src(%dma_wait3A_43 : memref<128xi32, #tpu.memory_space<hbm>>) dst(%arg7 : memref<128xi32, #tpu.memory_space<vmem>>)
        tpu.yield
      }) : () -> ()
      "tpu.region"() ({
        %run_scoped3A = tpu.sem_alloc : memref<!tpu.dma_semaphore, #tpu.memory_space<semaphore_mem>>
        %dma_start3A = arith.constant 0 : i32
        %dma_start3A_42 = arith.constant 0 : i32
        %dma_start3A_43 = tpu.memref_slice %arg2[%dma_start3A, %dma_start3A_42] : memref<10000x128xf32, #tpu.memory_space<hbm>> -> memref<10000x128xf32, #tpu.memory_space<hbm>>
        tpu.enqueue_indirect_dma source(%dma_start3A_43 : memref<10000x128xf32, #tpu.memory_space<hbm>>) target(%arg9 : memref<128x128xf32, #tpu.memory_space<vmem>>) offsets(%arg7 : memref<128xi32, #tpu.memory_space<vmem>>) semaphore(%run_scoped3A : memref<!tpu.dma_semaphore, #tpu.memory_space<semaphore_mem>>)
        %dma_wait3A = arith.constant 0 : i32
        %dma_wait3A_44 = arith.constant 0 : i32
        %dma_wait3A_45 = tpu.memref_slice %arg2[%dma_wait3A, %dma_wait3A_44] : memref<10000x128xf32, #tpu.memory_space<hbm>> -> memref<10000x128xf32, #tpu.memory_space<hbm>>
        tpu.wait_indirect_dma semaphore(%run_scoped3A : memref<!tpu.dma_semaphore, #tpu.memory_space<semaphore_mem>>) src(%dma_wait3A_45 : memref<10000x128xf32, #tpu.memory_space<hbm>>) dst(%arg9 : memref<128x128xf32, #tpu.memory_space<vmem>>)
        tpu.yield
      }) : () -> ()
      "tpu.region"() ({
        %run_scoped3A = tpu.sem_alloc : memref<!tpu.dma_semaphore, #tpu.memory_space<semaphore_mem>>
        %dma_start3A = arith.constant 0 : i32
        %dma_start3A_42 = arith.constant 0 : i32
        %dma_start3A_43 = tpu.memref_slice %arg11[%dma_start3A, %dma_start3A_42] : memref<1024x128xf32, #tpu.memory_space<vmem_shared>> -> memref<1024x128xf32, #tpu.memory_space<vmem_shared>>
        tpu.enqueue_indirect_dma source(%arg9 : memref<128x128xf32, #tpu.memory_space<vmem>>) target(%dma_start3A_43 : memref<1024x128xf32, #tpu.memory_space<vmem_shared>>) offsets(%arg8 : memref<128xi32, #tpu.memory_space<vmem>>) semaphore(%run_scoped3A : memref<!tpu.dma_semaphore, #tpu.memory_space<semaphore_mem>>) {add = true}
        %dma_wait3A = arith.constant 0 : i32
        %dma_wait3A_44 = arith.constant 0 : i32
        %dma_wait3A_45 = tpu.memref_slice %arg11[%dma_wait3A, %dma_wait3A_44] : memref<1024x128xf32, #tpu.memory_space<vmem_shared>> -> memref<1024x128xf32, #tpu.memory_space<vmem_shared>>
        tpu.wait_indirect_dma semaphore(%run_scoped3A : memref<!tpu.dma_semaphore, #tpu.memory_space<semaphore_mem>>) src(%arg9 : memref<128x128xf32, #tpu.memory_space<vmem>>) dst(%dma_wait3A_45 : memref<1024x128xf32, #tpu.memory_space<vmem_shared>>)
        tpu.yield
      }) : () -> ()
    }
    %scan3A_24 = arith.constant 3 : i32
    %barrier3A_25 = arith.constant 0 : index
    tpu.barrier barrier_id(%barrier3A_25)
    %barrier3A_26 = arith.constant 0 : index
    tpu.barrier barrier_id(%barrier3A_26)
    %mul3A_27 = arith.constant 64 : i32
    %mul3A_28 = arith.muli %arg1, %mul3A_27 : i32
    %scan3A_29 = arith.constant 0 : i32
    %scan3A_30 = arith.constant 0 : i32
    %scan3A_31 = arith.constant 0 : i32
    %scan3A_32 = arith.addi %scan3A_30, %scan3A_31 : i32
    %scan3A_33 = arith.constant 0 : i32
    %add3A_34 = arith.constant 0 : i32
    %add3A_35 = arith.addi %mul3A_28, %add3A_34 : i32
    "tpu.region"() ({
      %run_scoped3A = tpu.sem_alloc : memref<!tpu.dma_semaphore, #tpu.memory_space<semaphore_mem>>
      %dma_start3A = arith.constant 0 : i32
      %dma_start3A_38 = arith.constant 0 : i32
      %dma_start3A_39 = tpu.memref_slice %arg10[%dma_start3A, %dma_start3A_38] : memref<128x128xf32, #tpu.memory_space<vmem>> -> memref<64x128xf32, #tpu.memory_space<vmem>>
      %dma_start3A_40 = arith.constant 0 : i32
      %dma_start3A_41 = tpu.memref_slice %arg11[%add3A_35, %dma_start3A_40] : memref<1024x128xf32, #tpu.memory_space<vmem_shared>> -> memref<64x128xf32, #tpu.memory_space<vmem_shared>>
      %dma_start3A_42 = arith.constant 0 : i32
      %dma_start3A_43 = arith.constant 0 : i32
      %dma_start3A_44 = tpu.memref_slice %arg10[%dma_start3A_42, %dma_start3A_43] : memref<128x128xf32, #tpu.memory_space<vmem>> -> memref<64x128xf32, #tpu.memory_space<vmem>>
      %dma_start3A_45 = arith.constant 0 : i32
      %dma_start3A_46 = tpu.memref_slice %arg11[%add3A_35, %dma_start3A_45] : memref<1024x128xf32, #tpu.memory_space<vmem_shared>> -> memref<64x128xf32, #tpu.memory_space<vmem_shared>>
      tpu.enqueue_dma source(%dma_start3A_46 : memref<64x128xf32, #tpu.memory_space<vmem_shared>>) target(%dma_start3A_44 : memref<64x128xf32, #tpu.memory_space<vmem>>) target_semaphore(%run_scoped3A : memref<!tpu.dma_semaphore, #tpu.memory_space<semaphore_mem>>)
      %dma_wait3A = arith.constant 0 : i32
      %dma_wait3A_47 = arith.constant 0 : i32
      %dma_wait3A_48 = tpu.memref_slice %arg10[%dma_wait3A, %dma_wait3A_47] : memref<128x128xf32, #tpu.memory_space<vmem>> -> memref<64x128xf32, #tpu.memory_space<vmem>>
      %dma_wait3A_49 = arith.constant 0 : i32
      %dma_wait3A_50 = tpu.memref_slice %arg11[%add3A_35, %dma_wait3A_49] : memref<1024x128xf32, #tpu.memory_space<vmem_shared>> -> memref<64x128xf32, #tpu.memory_space<vmem_shared>>
      %dma_wait3A_51 = arith.constant 0 : i32
      %dma_wait3A_52 = arith.constant 0 : i32
      %dma_wait3A_53 = tpu.memref_slice %arg10[%dma_wait3A_51, %dma_wait3A_52] : memref<128x128xf32, #tpu.memory_space<vmem>> -> memref<64x128xf32, #tpu.memory_space<vmem>>
      %dma_wait3A_54 = arith.constant 0 : i32
      %dma_wait3A_55 = tpu.memref_slice %arg11[%add3A_35, %dma_wait3A_54] : memref<1024x128xf32, #tpu.memory_space<vmem_shared>> -> memref<64x128xf32, #tpu.memory_space<vmem_shared>>
      tpu.wait_dma2 semaphore(%run_scoped3A : memref<!tpu.dma_semaphore, #tpu.memory_space<semaphore_mem>>) src(%dma_wait3A_55 : memref<64x128xf32, #tpu.memory_space<vmem_shared>>) dst(%dma_wait3A_53 : memref<64x128xf32, #tpu.memory_space<vmem>>)
      tpu.yield
    }) : () -> ()
    %add3A_36 = arith.constant 0 : i32
    %add3A_37 = arith.addi %mul3A_28, %add3A_36 : i32
    "tpu.region"() ({
      %run_scoped3A = tpu.sem_alloc : memref<!tpu.dma_semaphore, #tpu.memory_space<semaphore_mem>>
      %dma_start3A = arith.constant 0 : i32
      %dma_start3A_38 = arith.constant 0 : i32
      %dma_start3A_39 = tpu.memref_slice %arg10[%dma_start3A, %dma_start3A_38] : memref<128x128xf32, #tpu.memory_space<vmem>> -> memref<64x128xf32, #tpu.memory_space<vmem>>
      %dma_start3A_40 = arith.constant 0 : i32
      %dma_start3A_41 = tpu.memref_slice %arg6[%arg0, %add3A_37, %dma_start3A_40] : memref<2x1024x128xf32, #tpu.memory_space<hbm>> -> memref<1x64x128xf32, #tpu.memory_space<hbm>>
      %dma_start3A_42 = tpu.memref_squeeze %dma_start3A_41 : memref<1x64x128xf32, #tpu.memory_space<hbm>> -> memref<64x128xf32, #tpu.memory_space<hbm>>
      %dma_start3A_43 = arith.constant 0 : i32
      %dma_start3A_44 = tpu.memref_slice %arg6[%arg0, %add3A_37, %dma_start3A_43] : memref<2x1024x128xf32, #tpu.memory_space<hbm>> -> memref<1x64x128xf32, #tpu.memory_space<hbm>>
      %dma_start3A_45 = tpu.memref_squeeze %dma_start3A_44 : memref<1x64x128xf32, #tpu.memory_space<hbm>> -> memref<64x128xf32, #tpu.memory_space<hbm>>
      %dma_start3A_46 = arith.constant 0 : i32
      %dma_start3A_47 = arith.constant 0 : i32
      %dma_start3A_48 = tpu.memref_slice %arg10[%dma_start3A_46, %dma_start3A_47] : memref<128x128xf32, #tpu.memory_space<vmem>> -> memref<64x128xf32, #tpu.memory_space<vmem>>
      tpu.enqueue_dma source(%dma_start3A_48 : memref<64x128xf32, #tpu.memory_space<vmem>>) target(%dma_start3A_45 : memref<64x128xf32, #tpu.memory_space<hbm>>) target_semaphore(%run_scoped3A : memref<!tpu.dma_semaphore, #tpu.memory_space<semaphore_mem>>)
      %dma_wait3A = arith.constant 0 : i32
      %dma_wait3A_49 = arith.constant 0 : i32
      %dma_wait3A_50 = tpu.memref_slice %arg10[%dma_wait3A, %dma_wait3A_49] : memref<128x128xf32, #tpu.memory_space<vmem>> -> memref<64x128xf32, #tpu.memory_space<vmem>>
      %dma_wait3A_51 = arith.constant 0 : i32
      %dma_wait3A_52 = tpu.memref_slice %arg6[%arg0, %add3A_37, %dma_wait3A_51] : memref<2x1024x128xf32, #tpu.memory_space<hbm>> -> memref<1x64x128xf32, #tpu.memory_space<hbm>>
      %dma_wait3A_53 = tpu.memref_squeeze %dma_wait3A_52 : memref<1x64x128xf32, #tpu.memory_space<hbm>> -> memref<64x128xf32, #tpu.memory_space<hbm>>
      %dma_wait3A_54 = arith.constant 0 : i32
      %dma_wait3A_55 = tpu.memref_slice %arg6[%arg0, %add3A_37, %dma_wait3A_54] : memref<2x1024x128xf32, #tpu.memory_space<hbm>> -> memref<1x64x128xf32, #tpu.memory_space<hbm>>
      %dma_wait3A_56 = tpu.memref_squeeze %dma_wait3A_55 : memref<1x64x128xf32, #tpu.memory_space<hbm>> -> memref<64x128xf32, #tpu.memory_space<hbm>>
      %dma_wait3A_57 = arith.constant 0 : i32
      %dma_wait3A_58 = arith.constant 0 : i32
      %dma_wait3A_59 = tpu.memref_slice %arg10[%dma_wait3A_57, %dma_wait3A_58] : memref<128x128xf32, #tpu.memory_space<vmem>> -> memref<64x128xf32, #tpu.memory_space<vmem>>
      tpu.wait_dma2 semaphore(%run_scoped3A : memref<!tpu.dma_semaphore, #tpu.memory_space<semaphore_mem>>) src(%dma_wait3A_59 : memref<64x128xf32, #tpu.memory_space<vmem>>) dst(%dma_wait3A_56 : memref<64x128xf32, #tpu.memory_space<hbm>>)
      tpu.yield
    }) : () -> ()
    return
  }
}

#map = affine_map<(d0, d1) -> (0, 0)>
#map1 = affine_map<(d0, d1) -> (0)>
#map2 = affine_map<(d0, d1) -> (0, 0, 0)>
module attributes {stable_mosaic.version = 14 : i64} {
  func.func @body(%arg0: i32, %arg1: i32, %arg2: memref<10000x128xf32, #tpu.memory_space<hbm>>, %arg3: memref<323584xi32, #tpu.memory_space<hbm>>, %arg4: memref<323584xi32, #tpu.memory_space<hbm>>, %arg5: memref<8x16xf32, #tpu.memory_space<hbm>>, %arg6: memref<2x10112x128xf32, #tpu.memory_space<hbm>>, %arg7: memref<128xi32, #tpu.memory_space<vmem>>, %arg8: memref<128xi32, #tpu.memory_space<vmem>>, %arg9: memref<128x128xf32, #tpu.memory_space<vmem>>, %arg10: memref<128x128xf32, #tpu.memory_space<vmem>>, %arg11: memref<10112x128xf32, #tpu.memory_space<vmem_shared>>) attributes {dimension_semantics = [#tpu.dimension_semantics<core_parallel>, #tpu.dimension_semantics<subcore_parallel>], iteration_bounds = array<i64: 2, 16>, scalar_prefetch = 0 : i64, scratch_operands = 5 : i64, tpu.core_type = #tpu.core_type<sc_vector_subcore>, window_params = [{transform_indices = #map}, {transform_indices = #map1}, {transform_indices = #map1}, {transform_indices = #map}, {transform_indices = #map2}]} {
    %mul3A = arith.constant 16 : i32
    %mul3A_0 = arith.muli %arg0, %mul3A : i32
    %add3A = arith.addi %mul3A_0, %arg1 : i32
    %broadcast_in_dim3A = arith.constant 0.000000e+00 : f32
    %broadcast_in_dim3A_1 = vector.broadcast %broadcast_in_dim3A : f32 to vector<16xf32>
    %scan3A = arith.constant 0 : i32
    %scan3A_2 = arith.constant 0 : i32
    %scan3A_3 = arith.constant 128 : i32
    %scan3A_4 = arith.addi %scan3A_2, %scan3A_3 : i32
    %scan3A_5 = arith.constant 1 : i32
    scf.for %scan3A_40 = %scan3A_2 to %scan3A_4 step %scan3A_5  : i32 {
      %swap3A = arith.index_cast %scan3A_40 : i32 to index
      %swap3A_41 = arith.constant 0 : index
      %swap3A_42 = tpu.vector_load %arg10[%swap3A, %swap3A_41] {strides = array<i32>} : memref<128x128xf32, #tpu.memory_space<vmem>>, vector<1x16xf32>,
      %swap3A_43 = vector.shape_cast %swap3A_42 : vector<1x16xf32> to vector<16xf32>
      %swap3A_44 = vector.shape_cast %broadcast_in_dim3A_1 : vector<16xf32> to vector<1x16xf32>
      tpu.vector_store %arg10[%swap3A, %swap3A_41], %swap3A_44 {strides = array<i32>} : memref<128x128xf32, #tpu.memory_space<vmem>>, vector<1x16xf32>,
      %swap3A_45 = arith.index_cast %scan3A_40 : i32 to index
      %swap3A_46 = arith.constant 16 : index
      %swap3A_47 = tpu.vector_load %arg10[%swap3A_45, %swap3A_46] {strides = array<i32>} : memref<128x128xf32, #tpu.memory_space<vmem>>, vector<1x16xf32>,
      %swap3A_48 = vector.shape_cast %swap3A_47 : vector<1x16xf32> to vector<16xf32>
      %swap3A_49 = vector.shape_cast %broadcast_in_dim3A_1 : vector<16xf32> to vector<1x16xf32>
      tpu.vector_store %arg10[%swap3A_45, %swap3A_46], %swap3A_49 {strides = array<i32>} : memref<128x128xf32, #tpu.memory_space<vmem>>, vector<1x16xf32>,
      %swap3A_50 = arith.index_cast %scan3A_40 : i32 to index
      %swap3A_51 = arith.constant 32 : index
      %swap3A_52 = tpu.vector_load %arg10[%swap3A_50, %swap3A_51] {strides = array<i32>} : memref<128x128xf32, #tpu.memory_space<vmem>>, vector<1x16xf32>,
      %swap3A_53 = vector.shape_cast %swap3A_52 : vector<1x16xf32> to vector<16xf32>
      %swap3A_54 = vector.shape_cast %broadcast_in_dim3A_1 : vector<16xf32> to vector<1x16xf32>
      tpu.vector_store %arg10[%swap3A_50, %swap3A_51], %swap3A_54 {strides = array<i32>} : memref<128x128xf32, #tpu.memory_space<vmem>>, vector<1x16xf32>,
      %swap3A_55 = arith.index_cast %scan3A_40 : i32 to index
      %swap3A_56 = arith.constant 48 : index
      %swap3A_57 = tpu.vector_load %arg10[%swap3A_55, %swap3A_56] {strides = array<i32>} : memref<128x128xf32, #tpu.memory_space<vmem>>, vector<1x16xf32>,
      %swap3A_58 = vector.shape_cast %swap3A_57 : vector<1x16xf32> to vector<16xf32>
      %swap3A_59 = vector.shape_cast %broadcast_in_dim3A_1 : vector<16xf32> to vector<1x16xf32>
      tpu.vector_store %arg10[%swap3A_55, %swap3A_56], %swap3A_59 {strides = array<i32>} : memref<128x128xf32, #tpu.memory_space<vmem>>, vector<1x16xf32>,
      %swap3A_60 = arith.index_cast %scan3A_40 : i32 to index
      %swap3A_61 = arith.constant 64 : index
      %swap3A_62 = tpu.vector_load %arg10[%swap3A_60, %swap3A_61] {strides = array<i32>} : memref<128x128xf32, #tpu.memory_space<vmem>>, vector<1x16xf32>,
      %swap3A_63 = vector.shape_cast %swap3A_62 : vector<1x16xf32> to vector<16xf32>
      %swap3A_64 = vector.shape_cast %broadcast_in_dim3A_1 : vector<16xf32> to vector<1x16xf32>
      tpu.vector_store %arg10[%swap3A_60, %swap3A_61], %swap3A_64 {strides = array<i32>} : memref<128x128xf32, #tpu.memory_space<vmem>>, vector<1x16xf32>,
      %swap3A_65 = arith.index_cast %scan3A_40 : i32 to index
      %swap3A_66 = arith.constant 80 : index
      %swap3A_67 = tpu.vector_load %arg10[%swap3A_65, %swap3A_66] {strides = array<i32>} : memref<128x128xf32, #tpu.memory_space<vmem>>, vector<1x16xf32>,
      %swap3A_68 = vector.shape_cast %swap3A_67 : vector<1x16xf32> to vector<16xf32>
      %swap3A_69 = vector.shape_cast %broadcast_in_dim3A_1 : vector<16xf32> to vector<1x16xf32>
      tpu.vector_store %arg10[%swap3A_65, %swap3A_66], %swap3A_69 {strides = array<i32>} : memref<128x128xf32, #tpu.memory_space<vmem>>, vector<1x16xf32>,
      %swap3A_70 = arith.index_cast %scan3A_40 : i32 to index
      %swap3A_71 = arith.constant 96 : index
      %swap3A_72 = tpu.vector_load %arg10[%swap3A_70, %swap3A_71] {strides = array<i32>} : memref<128x128xf32, #tpu.memory_space<vmem>>, vector<1x16xf32>,
      %swap3A_73 = vector.shape_cast %swap3A_72 : vector<1x16xf32> to vector<16xf32>
      %swap3A_74 = vector.shape_cast %broadcast_in_dim3A_1 : vector<16xf32> to vector<1x16xf32>
      tpu.vector_store %arg10[%swap3A_70, %swap3A_71], %swap3A_74 {strides = array<i32>} : memref<128x128xf32, #tpu.memory_space<vmem>>, vector<1x16xf32>,
      %swap3A_75 = arith.index_cast %scan3A_40 : i32 to index
      %swap3A_76 = arith.constant 112 : index
      %swap3A_77 = tpu.vector_load %arg10[%swap3A_75, %swap3A_76] {strides = array<i32>} : memref<128x128xf32, #tpu.memory_space<vmem>>, vector<1x16xf32>,
      %swap3A_78 = vector.shape_cast %swap3A_77 : vector<1x16xf32> to vector<16xf32>
      %swap3A_79 = vector.shape_cast %broadcast_in_dim3A_1 : vector<16xf32> to vector<1x16xf32>
      tpu.vector_store %arg10[%swap3A_75, %swap3A_76], %swap3A_79 {strides = array<i32>} : memref<128x128xf32, #tpu.memory_space<vmem>>, vector<1x16xf32>,
    }
    %scan3A_6 = arith.constant 128 : i32
    %mul3A_7 = arith.constant 632 : i32
    %mul3A_8 = arith.muli %arg1, %mul3A_7 : i32
    %scan3A_9 = arith.constant 0 : i32
    %scan3A_10 = arith.constant 0 : i32
    %scan3A_11 = arith.constant 4 : i32
    %scan3A_12 = arith.addi %scan3A_10, %scan3A_11 : i32
    %scan3A_13 = arith.constant 1 : i32
    scf.for %scan3A_40 = %scan3A_10 to %scan3A_12 step %scan3A_13  : i32 {
      %mul3A_41 = arith.constant 128 : i32
      %mul3A_42 = arith.muli %scan3A_40, %mul3A_41 : i32
      %add3A_43 = arith.addi %mul3A_8, %mul3A_42 : i32
      "tpu.region"() ({
        %run_scoped3A = tpu.sem_alloc : memref<!tpu.dma_semaphore, #tpu.memory_space<semaphore_mem>>
        %dma_start3A = arith.constant 0 : i32
        %dma_start3A_44 = tpu.memref_slice %arg11[%add3A_43, %dma_start3A] : memref<10112x128xf32, #tpu.memory_space<vmem_shared>> -> memref<128x128xf32, #tpu.memory_space<vmem_shared>>
        %dma_start3A_45 = arith.constant 0 : i32
        %dma_start3A_46 = tpu.memref_slice %arg11[%add3A_43, %dma_start3A_45] : memref<10112x128xf32, #tpu.memory_space<vmem_shared>> -> memref<128x128xf32, #tpu.memory_space<vmem_shared>>
        tpu.enqueue_dma source(%arg10 : memref<128x128xf32, #tpu.memory_space<vmem>>) target(%dma_start3A_46 : memref<128x128xf32, #tpu.memory_space<vmem_shared>>) target_semaphore(%run_scoped3A : memref<!tpu.dma_semaphore, #tpu.memory_space<semaphore_mem>>)
        %dma_wait3A = arith.constant 0 : i32
        %dma_wait3A_47 = tpu.memref_slice %arg11[%add3A_43, %dma_wait3A] : memref<10112x128xf32, #tpu.memory_space<vmem_shared>> -> memref<128x128xf32, #tpu.memory_space<vmem_shared>>
        %dma_wait3A_48 = arith.constant 0 : i32
        %dma_wait3A_49 = tpu.memref_slice %arg11[%add3A_43, %dma_wait3A_48] : memref<10112x128xf32, #tpu.memory_space<vmem_shared>> -> memref<128x128xf32, #tpu.memory_space<vmem_shared>>
        tpu.wait_dma2 semaphore(%run_scoped3A : memref<!tpu.dma_semaphore, #tpu.memory_space<semaphore_mem>>) src(%arg10 : memref<128x128xf32, #tpu.memory_space<vmem>>) dst(%dma_wait3A_49 : memref<128x128xf32, #tpu.memory_space<vmem_shared>>)
        tpu.yield
      }) : () -> ()
    }
    %scan3A_14 = arith.constant 4 : i32
    %add3A_15 = arith.constant 512 : i32
    %add3A_16 = arith.addi %mul3A_8, %add3A_15 : i32
    "tpu.region"() ({
      %run_scoped3A = tpu.sem_alloc : memref<!tpu.dma_semaphore, #tpu.memory_space<semaphore_mem>>
      %dma_start3A = arith.constant 0 : i32
      %dma_start3A_40 = arith.constant 0 : i32
      %dma_start3A_41 = tpu.memref_slice %arg10[%dma_start3A, %dma_start3A_40] : memref<128x128xf32, #tpu.memory_space<vmem>> -> memref<120x128xf32, #tpu.memory_space<vmem>>
      %dma_start3A_42 = arith.constant 0 : i32
      %dma_start3A_43 = tpu.memref_slice %arg11[%add3A_16, %dma_start3A_42] : memref<10112x128xf32, #tpu.memory_space<vmem_shared>> -> memref<120x128xf32, #tpu.memory_space<vmem_shared>>
      %dma_start3A_44 = arith.constant 0 : i32
      %dma_start3A_45 = tpu.memref_slice %arg11[%add3A_16, %dma_start3A_44] : memref<10112x128xf32, #tpu.memory_space<vmem_shared>> -> memref<120x128xf32, #tpu.memory_space<vmem_shared>>
      %dma_start3A_46 = arith.constant 0 : i32
      %dma_start3A_47 = arith.constant 0 : i32
      %dma_start3A_48 = tpu.memref_slice %arg10[%dma_start3A_46, %dma_start3A_47] : memref<128x128xf32, #tpu.memory_space<vmem>> -> memref<120x128xf32, #tpu.memory_space<vmem>>
      tpu.enqueue_dma source(%dma_start3A_48 : memref<120x128xf32, #tpu.memory_space<vmem>>) target(%dma_start3A_45 : memref<120x128xf32, #tpu.memory_space<vmem_shared>>) target_semaphore(%run_scoped3A : memref<!tpu.dma_semaphore, #tpu.memory_space<semaphore_mem>>)
      %dma_wait3A = arith.constant 0 : i32
      %dma_wait3A_49 = arith.constant 0 : i32
      %dma_wait3A_50 = tpu.memref_slice %arg10[%dma_wait3A, %dma_wait3A_49] : memref<128x128xf32, #tpu.memory_space<vmem>> -> memref<120x128xf32, #tpu.memory_space<vmem>>
      %dma_wait3A_51 = arith.constant 0 : i32
      %dma_wait3A_52 = tpu.memref_slice %arg11[%add3A_16, %dma_wait3A_51] : memref<10112x128xf32, #tpu.memory_space<vmem_shared>> -> memref<120x128xf32, #tpu.memory_space<vmem_shared>>
      %dma_wait3A_53 = arith.constant 0 : i32
      %dma_wait3A_54 = tpu.memref_slice %arg11[%add3A_16, %dma_wait3A_53] : memref<10112x128xf32, #tpu.memory_space<vmem_shared>> -> memref<120x128xf32, #tpu.memory_space<vmem_shared>>
      %dma_wait3A_55 = arith.constant 0 : i32
      %dma_wait3A_56 = arith.constant 0 : i32
      %dma_wait3A_57 = tpu.memref_slice %arg10[%dma_wait3A_55, %dma_wait3A_56] : memref<128x128xf32, #tpu.memory_space<vmem>> -> memref<120x128xf32, #tpu.memory_space<vmem>>
      tpu.wait_dma2 semaphore(%run_scoped3A : memref<!tpu.dma_semaphore, #tpu.memory_space<semaphore_mem>>) src(%dma_wait3A_57 : memref<120x128xf32, #tpu.memory_space<vmem>>) dst(%dma_wait3A_54 : memref<120x128xf32, #tpu.memory_space<vmem_shared>>)
      tpu.yield
    }) : () -> ()
    %barrier3A = arith.constant 0 : index
    tpu.barrier barrier_id(%barrier3A)
    %barrier3A_17 = arith.constant 0 : index
    tpu.barrier barrier_id(%barrier3A_17)
    %mul3A_18 = arith.constant 10112 : i32
    %mul3A_19 = arith.muli %add3A, %mul3A_18 : i32
    %scan3A_20 = arith.constant 0 : i32
    %scan3A_21 = arith.constant 0 : i32
    %scan3A_22 = arith.constant 79 : i32
    %scan3A_23 = arith.addi %scan3A_21, %scan3A_22 : i32
    %scan3A_24 = arith.constant 1 : i32
    scf.for %scan3A_40 = %scan3A_21 to %scan3A_23 step %scan3A_24  : i32 {
      %mul3A_41 = arith.constant 128 : i32
      %mul3A_42 = arith.muli %scan3A_40, %mul3A_41 : i32
      %add3A_43 = arith.addi %mul3A_19, %mul3A_42 : i32
      "tpu.region"() ({
        %run_scoped3A = tpu.sem_alloc : memref<!tpu.dma_semaphore, #tpu.memory_space<semaphore_mem>>
        %dma_start3A = tpu.memref_slice %arg4[%add3A_43] : memref<323584xi32, #tpu.memory_space<hbm>> -> memref<128xi32, #tpu.memory_space<hbm>>
        %dma_start3A_44 = tpu.memref_slice %arg4[%add3A_43] : memref<323584xi32, #tpu.memory_space<hbm>> -> memref<128xi32, #tpu.memory_space<hbm>>
        tpu.enqueue_dma source(%dma_start3A_44 : memref<128xi32, #tpu.memory_space<hbm>>) target(%arg8 : memref<128xi32, #tpu.memory_space<vmem>>) target_semaphore(%run_scoped3A : memref<!tpu.dma_semaphore, #tpu.memory_space<semaphore_mem>>)
        %dma_wait3A = tpu.memref_slice %arg4[%add3A_43] : memref<323584xi32, #tpu.memory_space<hbm>> -> memref<128xi32, #tpu.memory_space<hbm>>
        %dma_wait3A_45 = tpu.memref_slice %arg4[%add3A_43] : memref<323584xi32, #tpu.memory_space<hbm>> -> memref<128xi32, #tpu.memory_space<hbm>>
        tpu.wait_dma2 semaphore(%run_scoped3A : memref<!tpu.dma_semaphore, #tpu.memory_space<semaphore_mem>>) src(%dma_wait3A_45 : memref<128xi32, #tpu.memory_space<hbm>>) dst(%arg8 : memref<128xi32, #tpu.memory_space<vmem>>)
        tpu.yield
      }) : () -> ()
      "tpu.region"() ({
        %run_scoped3A = tpu.sem_alloc : memref<!tpu.dma_semaphore, #tpu.memory_space<semaphore_mem>>
        %dma_start3A = tpu.memref_slice %arg3[%add3A_43] : memref<323584xi32, #tpu.memory_space<hbm>> -> memref<128xi32, #tpu.memory_space<hbm>>
        %dma_start3A_44 = tpu.memref_slice %arg3[%add3A_43] : memref<323584xi32, #tpu.memory_space<hbm>> -> memref<128xi32, #tpu.memory_space<hbm>>
        tpu.enqueue_dma source(%dma_start3A_44 : memref<128xi32, #tpu.memory_space<hbm>>) target(%arg7 : memref<128xi32, #tpu.memory_space<vmem>>) target_semaphore(%run_scoped3A : memref<!tpu.dma_semaphore, #tpu.memory_space<semaphore_mem>>)
        %dma_wait3A = tpu.memref_slice %arg3[%add3A_43] : memref<323584xi32, #tpu.memory_space<hbm>> -> memref<128xi32, #tpu.memory_space<hbm>>
        %dma_wait3A_45 = tpu.memref_slice %arg3[%add3A_43] : memref<323584xi32, #tpu.memory_space<hbm>> -> memref<128xi32, #tpu.memory_space<hbm>>
        tpu.wait_dma2 semaphore(%run_scoped3A : memref<!tpu.dma_semaphore, #tpu.memory_space<semaphore_mem>>) src(%dma_wait3A_45 : memref<128xi32, #tpu.memory_space<hbm>>) dst(%arg7 : memref<128xi32, #tpu.memory_space<vmem>>)
        tpu.yield
      }) : () -> ()
      "tpu.region"() ({
        %run_scoped3A = tpu.sem_alloc : memref<!tpu.dma_semaphore, #tpu.memory_space<semaphore_mem>>
        %dma_start3A = arith.constant 0 : i32
        %dma_start3A_44 = arith.constant 0 : i32
        %dma_start3A_45 = tpu.memref_slice %arg2[%dma_start3A, %dma_start3A_44] : memref<10000x128xf32, #tpu.memory_space<hbm>> -> memref<10000x128xf32, #tpu.memory_space<hbm>>
        tpu.enqueue_indirect_dma source(%dma_start3A_45 : memref<10000x128xf32, #tpu.memory_space<hbm>>) target(%arg9 : memref<128x128xf32, #tpu.memory_space<vmem>>) offsets(%arg7 : memref<128xi32, #tpu.memory_space<vmem>>) semaphore(%run_scoped3A : memref<!tpu.dma_semaphore, #tpu.memory_space<semaphore_mem>>)
        %dma_wait3A = arith.constant 0 : i32
        %dma_wait3A_46 = arith.constant 0 : i32
        %dma_wait3A_47 = tpu.memref_slice %arg2[%dma_wait3A, %dma_wait3A_46] : memref<10000x128xf32, #tpu.memory_space<hbm>> -> memref<10000x128xf32, #tpu.memory_space<hbm>>
        tpu.wait_indirect_dma semaphore(%run_scoped3A : memref<!tpu.dma_semaphore, #tpu.memory_space<semaphore_mem>>) src(%dma_wait3A_47 : memref<10000x128xf32, #tpu.memory_space<hbm>>) dst(%arg9 : memref<128x128xf32, #tpu.memory_space<vmem>>)
        tpu.yield
      }) : () -> ()
      "tpu.region"() ({
        %run_scoped3A = tpu.sem_alloc : memref<!tpu.dma_semaphore, #tpu.memory_space<semaphore_mem>>
        %dma_start3A = arith.constant 0 : i32
        %dma_start3A_44 = arith.constant 0 : i32
        %dma_start3A_45 = tpu.memref_slice %arg11[%dma_start3A, %dma_start3A_44] : memref<10112x128xf32, #tpu.memory_space<vmem_shared>> -> memref<10112x128xf32, #tpu.memory_space<vmem_shared>>
        tpu.enqueue_indirect_dma source(%arg9 : memref<128x128xf32, #tpu.memory_space<vmem>>) target(%dma_start3A_45 : memref<10112x128xf32, #tpu.memory_space<vmem_shared>>) offsets(%arg8 : memref<128xi32, #tpu.memory_space<vmem>>) semaphore(%run_scoped3A : memref<!tpu.dma_semaphore, #tpu.memory_space<semaphore_mem>>) {add = true}
        %dma_wait3A = arith.constant 0 : i32
        %dma_wait3A_46 = arith.constant 0 : i32
        %dma_wait3A_47 = tpu.memref_slice %arg11[%dma_wait3A, %dma_wait3A_46] : memref<10112x128xf32, #tpu.memory_space<vmem_shared>> -> memref<10112x128xf32, #tpu.memory_space<vmem_shared>>
        tpu.wait_indirect_dma semaphore(%run_scoped3A : memref<!tpu.dma_semaphore, #tpu.memory_space<semaphore_mem>>) src(%arg9 : memref<128x128xf32, #tpu.memory_space<vmem>>) dst(%dma_wait3A_47 : memref<10112x128xf32, #tpu.memory_space<vmem_shared>>)
        tpu.yield
      }) : () -> ()
    }
    %scan3A_25 = arith.constant 79 : i32
    %barrier3A_26 = arith.constant 0 : index
    tpu.barrier barrier_id(%barrier3A_26)
    %barrier3A_27 = arith.constant 0 : index
    tpu.barrier barrier_id(%barrier3A_27)
    %mul3A_28 = arith.constant 632 : i32
    %mul3A_29 = arith.muli %arg1, %mul3A_28 : i32
    %scan3A_30 = arith.constant 0 : i32
    %scan3A_31 = arith.constant 0 : i32
    %scan3A_32 = arith.constant 4 : i32
    %scan3A_33 = arith.addi %scan3A_31, %scan3A_32 : i32
    %scan3A_34 = arith.constant 1 : i32
    scf.for %scan3A_40 = %scan3A_31 to %scan3A_33 step %scan3A_34  : i32 {
      %mul3A_41 = arith.constant 128 : i32
      %mul3A_42 = arith.muli %scan3A_40, %mul3A_41 : i32
      %add3A_43 = arith.addi %mul3A_29, %mul3A_42 : i32
      "tpu.region"() ({
        %run_scoped3A = tpu.sem_alloc : memref<!tpu.dma_semaphore, #tpu.memory_space<semaphore_mem>>
        %dma_start3A = arith.constant 0 : i32
        %dma_start3A_47 = tpu.memref_slice %arg11[%add3A_43, %dma_start3A] : memref<10112x128xf32, #tpu.memory_space<vmem_shared>> -> memref<128x128xf32, #tpu.memory_space<vmem_shared>>
        %dma_start3A_48 = arith.constant 0 : i32
        %dma_start3A_49 = tpu.memref_slice %arg11[%add3A_43, %dma_start3A_48] : memref<10112x128xf32, #tpu.memory_space<vmem_shared>> -> memref<128x128xf32, #tpu.memory_space<vmem_shared>>
        tpu.enqueue_dma source(%dma_start3A_49 : memref<128x128xf32, #tpu.memory_space<vmem_shared>>) target(%arg10 : memref<128x128xf32, #tpu.memory_space<vmem>>) target_semaphore(%run_scoped3A : memref<!tpu.dma_semaphore, #tpu.memory_space<semaphore_mem>>)
        %dma_wait3A = arith.constant 0 : i32
        %dma_wait3A_50 = tpu.memref_slice %arg11[%add3A_43, %dma_wait3A] : memref<10112x128xf32, #tpu.memory_space<vmem_shared>> -> memref<128x128xf32, #tpu.memory_space<vmem_shared>>
        %dma_wait3A_51 = arith.constant 0 : i32
        %dma_wait3A_52 = tpu.memref_slice %arg11[%add3A_43, %dma_wait3A_51] : memref<10112x128xf32, #tpu.memory_space<vmem_shared>> -> memref<128x128xf32, #tpu.memory_space<vmem_shared>>
        tpu.wait_dma2 semaphore(%run_scoped3A : memref<!tpu.dma_semaphore, #tpu.memory_space<semaphore_mem>>) src(%dma_wait3A_52 : memref<128x128xf32, #tpu.memory_space<vmem_shared>>) dst(%arg10 : memref<128x128xf32, #tpu.memory_space<vmem>>)
        tpu.yield
      }) : () -> ()
      %mul3A_44 = arith.constant 128 : i32
      %mul3A_45 = arith.muli %scan3A_40, %mul3A_44 : i32
      %add3A_46 = arith.addi %mul3A_29, %mul3A_45 : i32
      "tpu.region"() ({
        %run_scoped3A = tpu.sem_alloc : memref<!tpu.dma_semaphore, #tpu.memory_space<semaphore_mem>>
        %dma_start3A = arith.constant 0 : i32
        %dma_start3A_47 = tpu.memref_slice %arg6[%arg0, %add3A_46, %dma_start3A] : memref<2x10112x128xf32, #tpu.memory_space<hbm>> -> memref<1x128x128xf32, #tpu.memory_space<hbm>>
        %dma_start3A_48 = tpu.memref_squeeze %dma_start3A_47 : memref<1x128x128xf32, #tpu.memory_space<hbm>> -> memref<128x128xf32, #tpu.memory_space<hbm>>
        %dma_start3A_49 = arith.constant 0 : i32
        %dma_start3A_50 = tpu.memref_slice %arg6[%arg0, %add3A_46, %dma_start3A_49] : memref<2x10112x128xf32, #tpu.memory_space<hbm>> -> memref<1x128x128xf32, #tpu.memory_space<hbm>>
        %dma_start3A_51 = tpu.memref_squeeze %dma_start3A_50 : memref<1x128x128xf32, #tpu.memory_space<hbm>> -> memref<128x128xf32, #tpu.memory_space<hbm>>
        tpu.enqueue_dma source(%arg10 : memref<128x128xf32, #tpu.memory_space<vmem>>) target(%dma_start3A_51 : memref<128x128xf32, #tpu.memory_space<hbm>>) target_semaphore(%run_scoped3A : memref<!tpu.dma_semaphore, #tpu.memory_space<semaphore_mem>>)
        %dma_wait3A = arith.constant 0 : i32
        %dma_wait3A_52 = tpu.memref_slice %arg6[%arg0, %add3A_46, %dma_wait3A] : memref<2x10112x128xf32, #tpu.memory_space<hbm>> -> memref<1x128x128xf32, #tpu.memory_space<hbm>>
        %dma_wait3A_53 = tpu.memref_squeeze %dma_wait3A_52 : memref<1x128x128xf32, #tpu.memory_space<hbm>> -> memref<128x128xf32, #tpu.memory_space<hbm>>
        %dma_wait3A_54 = arith.constant 0 : i32
        %dma_wait3A_55 = tpu.memref_slice %arg6[%arg0, %add3A_46, %dma_wait3A_54] : memref<2x10112x128xf32, #tpu.memory_space<hbm>> -> memref<1x128x128xf32, #tpu.memory_space<hbm>>
        %dma_wait3A_56 = tpu.memref_squeeze %dma_wait3A_55 : memref<1x128x128xf32, #tpu.memory_space<hbm>> -> memref<128x128xf32, #tpu.memory_space<hbm>>
        tpu.wait_dma2 semaphore(%run_scoped3A : memref<!tpu.dma_semaphore, #tpu.memory_space<semaphore_mem>>) src(%arg10 : memref<128x128xf32, #tpu.memory_space<vmem>>) dst(%dma_wait3A_56 : memref<128x128xf32, #tpu.memory_space<hbm>>)
        tpu.yield
      }) : () -> ()
    }
    %scan3A_35 = arith.constant 4 : i32
    %add3A_36 = arith.constant 512 : i32
    %add3A_37 = arith.addi %mul3A_29, %add3A_36 : i32
    "tpu.region"() ({
      %run_scoped3A = tpu.sem_alloc : memref<!tpu.dma_semaphore, #tpu.memory_space<semaphore_mem>>
      %dma_start3A = arith.constant 0 : i32
      %dma_start3A_40 = arith.constant 0 : i32
      %dma_start3A_41 = tpu.memref_slice %arg10[%dma_start3A, %dma_start3A_40] : memref<128x128xf32, #tpu.memory_space<vmem>> -> memref<120x128xf32, #tpu.memory_space<vmem>>
      %dma_start3A_42 = arith.constant 0 : i32
      %dma_start3A_43 = tpu.memref_slice %arg11[%add3A_37, %dma_start3A_42] : memref<10112x128xf32, #tpu.memory_space<vmem_shared>> -> memref<120x128xf32, #tpu.memory_space<vmem_shared>>
      %dma_start3A_44 = arith.constant 0 : i32
      %dma_start3A_45 = arith.constant 0 : i32
      %dma_start3A_46 = tpu.memref_slice %arg10[%dma_start3A_44, %dma_start3A_45] : memref<128x128xf32, #tpu.memory_space<vmem>> -> memref<120x128xf32, #tpu.memory_space<vmem>>
      %dma_start3A_47 = arith.constant 0 : i32
      %dma_start3A_48 = tpu.memref_slice %arg11[%add3A_37, %dma_start3A_47] : memref<10112x128xf32, #tpu.memory_space<vmem_shared>> -> memref<120x128xf32, #tpu.memory_space<vmem_shared>>
      tpu.enqueue_dma source(%dma_start3A_48 : memref<120x128xf32, #tpu.memory_space<vmem_shared>>) target(%dma_start3A_46 : memref<120x128xf32, #tpu.memory_space<vmem>>) target_semaphore(%run_scoped3A : memref<!tpu.dma_semaphore, #tpu.memory_space<semaphore_mem>>)
      %dma_wait3A = arith.constant 0 : i32
      %dma_wait3A_49 = arith.constant 0 : i32
      %dma_wait3A_50 = tpu.memref_slice %arg10[%dma_wait3A, %dma_wait3A_49] : memref<128x128xf32, #tpu.memory_space<vmem>> -> memref<120x128xf32, #tpu.memory_space<vmem>>
      %dma_wait3A_51 = arith.constant 0 : i32
      %dma_wait3A_52 = tpu.memref_slice %arg11[%add3A_37, %dma_wait3A_51] : memref<10112x128xf32, #tpu.memory_space<vmem_shared>> -> memref<120x128xf32, #tpu.memory_space<vmem_shared>>
      %dma_wait3A_53 = arith.constant 0 : i32
      %dma_wait3A_54 = arith.constant 0 : i32
      %dma_wait3A_55 = tpu.memref_slice %arg10[%dma_wait3A_53, %dma_wait3A_54] : memref<128x128xf32, #tpu.memory_space<vmem>> -> memref<120x128xf32, #tpu.memory_space<vmem>>
      %dma_wait3A_56 = arith.constant 0 : i32
      %dma_wait3A_57 = tpu.memref_slice %arg11[%add3A_37, %dma_wait3A_56] : memref<10112x128xf32, #tpu.memory_space<vmem_shared>> -> memref<120x128xf32, #tpu.memory_space<vmem_shared>>
      tpu.wait_dma2 semaphore(%run_scoped3A : memref<!tpu.dma_semaphore, #tpu.memory_space<semaphore_mem>>) src(%dma_wait3A_57 : memref<120x128xf32, #tpu.memory_space<vmem_shared>>) dst(%dma_wait3A_55 : memref<120x128xf32, #tpu.memory_space<vmem>>)
      tpu.yield
    }) : () -> ()
    %add3A_38 = arith.constant 512 : i32
    %add3A_39 = arith.addi %mul3A_29, %add3A_38 : i32
    "tpu.region"() ({
      %run_scoped3A = tpu.sem_alloc : memref<!tpu.dma_semaphore, #tpu.memory_space<semaphore_mem>>
      %dma_start3A = arith.constant 0 : i32
      %dma_start3A_40 = arith.constant 0 : i32
      %dma_start3A_41 = tpu.memref_slice %arg10[%dma_start3A, %dma_start3A_40] : memref<128x128xf32, #tpu.memory_space<vmem>> -> memref<120x128xf32, #tpu.memory_space<vmem>>
      %dma_start3A_42 = arith.constant 0 : i32
      %dma_start3A_43 = tpu.memref_slice %arg6[%arg0, %add3A_39, %dma_start3A_42] : memref<2x10112x128xf32, #tpu.memory_space<hbm>> -> memref<1x120x128xf32, #tpu.memory_space<hbm>>
      %dma_start3A_44 = tpu.memref_squeeze %dma_start3A_43 : memref<1x120x128xf32, #tpu.memory_space<hbm>> -> memref<120x128xf32, #tpu.memory_space<hbm>>
      %dma_start3A_45 = arith.constant 0 : i32
      %dma_start3A_46 = tpu.memref_slice %arg6[%arg0, %add3A_39, %dma_start3A_45] : memref<2x10112x128xf32, #tpu.memory_space<hbm>> -> memref<1x120x128xf32, #tpu.memory_space<hbm>>
      %dma_start3A_47 = tpu.memref_squeeze %dma_start3A_46 : memref<1x120x128xf32, #tpu.memory_space<hbm>> -> memref<120x128xf32, #tpu.memory_space<hbm>>
      %dma_start3A_48 = arith.constant 0 : i32
      %dma_start3A_49 = arith.constant 0 : i32
      %dma_start3A_50 = tpu.memref_slice %arg10[%dma_start3A_48, %dma_start3A_49] : memref<128x128xf32, #tpu.memory_space<vmem>> -> memref<120x128xf32, #tpu.memory_space<vmem>>
      tpu.enqueue_dma source(%dma_start3A_50 : memref<120x128xf32, #tpu.memory_space<vmem>>) target(%dma_start3A_47 : memref<120x128xf32, #tpu.memory_space<hbm>>) target_semaphore(%run_scoped3A : memref<!tpu.dma_semaphore, #tpu.memory_space<semaphore_mem>>)
      %dma_wait3A = arith.constant 0 : i32
      %dma_wait3A_51 = arith.constant 0 : i32
      %dma_wait3A_52 = tpu.memref_slice %arg10[%dma_wait3A, %dma_wait3A_51] : memref<128x128xf32, #tpu.memory_space<vmem>> -> memref<120x128xf32, #tpu.memory_space<vmem>>
      %dma_wait3A_53 = arith.constant 0 : i32
      %dma_wait3A_54 = tpu.memref_slice %arg6[%arg0, %add3A_39, %dma_wait3A_53] : memref<2x10112x128xf32, #tpu.memory_space<hbm>> -> memref<1x120x128xf32, #tpu.memory_space<hbm>>
      %dma_wait3A_55 = tpu.memref_squeeze %dma_wait3A_54 : memref<1x120x128xf32, #tpu.memory_space<hbm>> -> memref<120x128xf32, #tpu.memory_space<hbm>>
      %dma_wait3A_56 = arith.constant 0 : i32
      %dma_wait3A_57 = tpu.memref_slice %arg6[%arg0, %add3A_39, %dma_wait3A_56] : memref<2x10112x128xf32, #tpu.memory_space<hbm>> -> memref<1x120x128xf32, #tpu.memory_space<hbm>>
      %dma_wait3A_58 = tpu.memref_squeeze %dma_wait3A_57 : memref<1x120x128xf32, #tpu.memory_space<hbm>> -> memref<120x128xf32, #tpu.memory_space<hbm>>
      %dma_wait3A_59 = arith.constant 0 : i32
      %dma_wait3A_60 = arith.constant 0 : i32
      %dma_wait3A_61 = tpu.memref_slice %arg10[%dma_wait3A_59, %dma_wait3A_60] : memref<128x128xf32, #tpu.memory_space<vmem>> -> memref<120x128xf32, #tpu.memory_space<vmem>>
      tpu.wait_dma2 semaphore(%run_scoped3A : memref<!tpu.dma_semaphore, #tpu.memory_space<semaphore_mem>>) src(%dma_wait3A_61 : memref<120x128xf32, #tpu.memory_space<vmem>>) dst(%dma_wait3A_58 : memref<120x128xf32, #tpu.memory_space<hbm>>)
      tpu.yield
    }) : () -> ()
    return
  }
}

#map = affine_map<(d0, d1) -> (0, 0)>
#map1 = affine_map<(d0, d1) -> (0)>
#map2 = affine_map<(d0, d1) -> (0, 0, 0)>
module attributes {stable_mosaic.version = 14 : i64} {
  func.func @body(%arg0: i32, %arg1: i32, %arg2: memref<1000x128xf32, #tpu.memory_space<hbm>>, %arg3: memref<12288xi32, #tpu.memory_space<hbm>>, %arg4: memref<12288xi32, #tpu.memory_space<hbm>>, %arg5: memref<8x16xf32, #tpu.memory_space<hbm>>, %arg6: memref<2x10112x128xf32, #tpu.memory_space<hbm>>, %arg7: memref<128xi32, #tpu.memory_space<vmem>>, %arg8: memref<128xi32, #tpu.memory_space<vmem>>, %arg9: memref<128x128xf32, #tpu.memory_space<vmem>>, %arg10: memref<128x128xf32, #tpu.memory_space<vmem>>, %arg11: memref<10112x128xf32, #tpu.memory_space<vmem_shared>>) attributes {dimension_semantics = [#tpu.dimension_semantics<core_parallel>, #tpu.dimension_semantics<subcore_parallel>], iteration_bounds = array<i64: 2, 16>, scalar_prefetch = 0 : i64, scratch_operands = 5 : i64, tpu.core_type = #tpu.core_type<sc_vector_subcore>, window_params = [{transform_indices = #map}, {transform_indices = #map1}, {transform_indices = #map1}, {transform_indices = #map}, {transform_indices = #map2}]} {
    %mul3A = arith.constant 16 : i32
    %mul3A_0 = arith.muli %arg0, %mul3A : i32
    %add3A = arith.addi %mul3A_0, %arg1 : i32
    %broadcast_in_dim3A = arith.constant 0.000000e+00 : f32
    %broadcast_in_dim3A_1 = vector.broadcast %broadcast_in_dim3A : f32 to vector<16xf32>
    %scan3A = arith.constant 0 : i32
    %scan3A_2 = arith.constant 0 : i32
    %scan3A_3 = arith.constant 128 : i32
    %scan3A_4 = arith.addi %scan3A_2, %scan3A_3 : i32
    %scan3A_5 = arith.constant 1 : i32
    scf.for %scan3A_40 = %scan3A_2 to %scan3A_4 step %scan3A_5  : i32 {
      %swap3A = arith.index_cast %scan3A_40 : i32 to index
      %swap3A_41 = arith.constant 0 : index
      %swap3A_42 = tpu.vector_load %arg10[%swap3A, %swap3A_41] {strides = array<i32>} : memref<128x128xf32, #tpu.memory_space<vmem>>, vector<1x16xf32>,
      %swap3A_43 = vector.shape_cast %swap3A_42 : vector<1x16xf32> to vector<16xf32>
      %swap3A_44 = vector.shape_cast %broadcast_in_dim3A_1 : vector<16xf32> to vector<1x16xf32>
      tpu.vector_store %arg10[%swap3A, %swap3A_41], %swap3A_44 {strides = array<i32>} : memref<128x128xf32, #tpu.memory_space<vmem>>, vector<1x16xf32>,
      %swap3A_45 = arith.index_cast %scan3A_40 : i32 to index
      %swap3A_46 = arith.constant 16 : index
      %swap3A_47 = tpu.vector_load %arg10[%swap3A_45, %swap3A_46] {strides = array<i32>} : memref<128x128xf32, #tpu.memory_space<vmem>>, vector<1x16xf32>,
      %swap3A_48 = vector.shape_cast %swap3A_47 : vector<1x16xf32> to vector<16xf32>
      %swap3A_49 = vector.shape_cast %broadcast_in_dim3A_1 : vector<16xf32> to vector<1x16xf32>
      tpu.vector_store %arg10[%swap3A_45, %swap3A_46], %swap3A_49 {strides = array<i32>} : memref<128x128xf32, #tpu.memory_space<vmem>>, vector<1x16xf32>,
      %swap3A_50 = arith.index_cast %scan3A_40 : i32 to index
      %swap3A_51 = arith.constant 32 : index
      %swap3A_52 = tpu.vector_load %arg10[%swap3A_50, %swap3A_51] {strides = array<i32>} : memref<128x128xf32, #tpu.memory_space<vmem>>, vector<1x16xf32>,
      %swap3A_53 = vector.shape_cast %swap3A_52 : vector<1x16xf32> to vector<16xf32>
      %swap3A_54 = vector.shape_cast %broadcast_in_dim3A_1 : vector<16xf32> to vector<1x16xf32>
      tpu.vector_store %arg10[%swap3A_50, %swap3A_51], %swap3A_54 {strides = array<i32>} : memref<128x128xf32, #tpu.memory_space<vmem>>, vector<1x16xf32>,
      %swap3A_55 = arith.index_cast %scan3A_40 : i32 to index
      %swap3A_56 = arith.constant 48 : index
      %swap3A_57 = tpu.vector_load %arg10[%swap3A_55, %swap3A_56] {strides = array<i32>} : memref<128x128xf32, #tpu.memory_space<vmem>>, vector<1x16xf32>,
      %swap3A_58 = vector.shape_cast %swap3A_57 : vector<1x16xf32> to vector<16xf32>
      %swap3A_59 = vector.shape_cast %broadcast_in_dim3A_1 : vector<16xf32> to vector<1x16xf32>
      tpu.vector_store %arg10[%swap3A_55, %swap3A_56], %swap3A_59 {strides = array<i32>} : memref<128x128xf32, #tpu.memory_space<vmem>>, vector<1x16xf32>,
      %swap3A_60 = arith.index_cast %scan3A_40 : i32 to index
      %swap3A_61 = arith.constant 64 : index
      %swap3A_62 = tpu.vector_load %arg10[%swap3A_60, %swap3A_61] {strides = array<i32>} : memref<128x128xf32, #tpu.memory_space<vmem>>, vector<1x16xf32>,
      %swap3A_63 = vector.shape_cast %swap3A_62 : vector<1x16xf32> to vector<16xf32>
      %swap3A_64 = vector.shape_cast %broadcast_in_dim3A_1 : vector<16xf32> to vector<1x16xf32>
      tpu.vector_store %arg10[%swap3A_60, %swap3A_61], %swap3A_64 {strides = array<i32>} : memref<128x128xf32, #tpu.memory_space<vmem>>, vector<1x16xf32>,
      %swap3A_65 = arith.index_cast %scan3A_40 : i32 to index
      %swap3A_66 = arith.constant 80 : index
      %swap3A_67 = tpu.vector_load %arg10[%swap3A_65, %swap3A_66] {strides = array<i32>} : memref<128x128xf32, #tpu.memory_space<vmem>>, vector<1x16xf32>,
      %swap3A_68 = vector.shape_cast %swap3A_67 : vector<1x16xf32> to vector<16xf32>
      %swap3A_69 = vector.shape_cast %broadcast_in_dim3A_1 : vector<16xf32> to vector<1x16xf32>
      tpu.vector_store %arg10[%swap3A_65, %swap3A_66], %swap3A_69 {strides = array<i32>} : memref<128x128xf32, #tpu.memory_space<vmem>>, vector<1x16xf32>,
      %swap3A_70 = arith.index_cast %scan3A_40 : i32 to index
      %swap3A_71 = arith.constant 96 : index
      %swap3A_72 = tpu.vector_load %arg10[%swap3A_70, %swap3A_71] {strides = array<i32>} : memref<128x128xf32, #tpu.memory_space<vmem>>, vector<1x16xf32>,
      %swap3A_73 = vector.shape_cast %swap3A_72 : vector<1x16xf32> to vector<16xf32>
      %swap3A_74 = vector.shape_cast %broadcast_in_dim3A_1 : vector<16xf32> to vector<1x16xf32>
      tpu.vector_store %arg10[%swap3A_70, %swap3A_71], %swap3A_74 {strides = array<i32>} : memref<128x128xf32, #tpu.memory_space<vmem>>, vector<1x16xf32>,
      %swap3A_75 = arith.index_cast %scan3A_40 : i32 to index
      %swap3A_76 = arith.constant 112 : index
      %swap3A_77 = tpu.vector_load %arg10[%swap3A_75, %swap3A_76] {strides = array<i32>} : memref<128x128xf32, #tpu.memory_space<vmem>>, vector<1x16xf32>,
      %swap3A_78 = vector.shape_cast %swap3A_77 : vector<1x16xf32> to vector<16xf32>
      %swap3A_79 = vector.shape_cast %broadcast_in_dim3A_1 : vector<16xf32> to vector<1x16xf32>
      tpu.vector_store %arg10[%swap3A_75, %swap3A_76], %swap3A_79 {strides = array<i32>} : memref<128x128xf32, #tpu.memory_space<vmem>>, vector<1x16xf32>,
    }
    %scan3A_6 = arith.constant 128 : i32
    %mul3A_7 = arith.constant 632 : i32
    %mul3A_8 = arith.muli %arg1, %mul3A_7 : i32
    %scan3A_9 = arith.constant 0 : i32
    %scan3A_10 = arith.constant 0 : i32
    %scan3A_11 = arith.constant 4 : i32
    %scan3A_12 = arith.addi %scan3A_10, %scan3A_11 : i32
    %scan3A_13 = arith.constant 1 : i32
    scf.for %scan3A_40 = %scan3A_10 to %scan3A_12 step %scan3A_13  : i32 {
      %mul3A_41 = arith.constant 128 : i32
      %mul3A_42 = arith.muli %scan3A_40, %mul3A_41 : i32
      %add3A_43 = arith.addi %mul3A_8, %mul3A_42 : i32
      "tpu.region"() ({
        %run_scoped3A = tpu.sem_alloc : memref<!tpu.dma_semaphore, #tpu.memory_space<semaphore_mem>>
        %dma_start3A = arith.constant 0 : i32
        %dma_start3A_44 = tpu.memref_slice %arg11[%add3A_43, %dma_start3A] : memref<10112x128xf32, #tpu.memory_space<vmem_shared>> -> memref<128x128xf32, #tpu.memory_space<vmem_shared>>
        %dma_start3A_45 = arith.constant 0 : i32
        %dma_start3A_46 = tpu.memref_slice %arg11[%add3A_43, %dma_start3A_45] : memref<10112x128xf32, #tpu.memory_space<vmem_shared>> -> memref<128x128xf32, #tpu.memory_space<vmem_shared>>
        tpu.enqueue_dma source(%arg10 : memref<128x128xf32, #tpu.memory_space<vmem>>) target(%dma_start3A_46 : memref<128x128xf32, #tpu.memory_space<vmem_shared>>) target_semaphore(%run_scoped3A : memref<!tpu.dma_semaphore, #tpu.memory_space<semaphore_mem>>)
        %dma_wait3A = arith.constant 0 : i32
        %dma_wait3A_47 = tpu.memref_slice %arg11[%add3A_43, %dma_wait3A] : memref<10112x128xf32, #tpu.memory_space<vmem_shared>> -> memref<128x128xf32, #tpu.memory_space<vmem_shared>>
        %dma_wait3A_48 = arith.constant 0 : i32
        %dma_wait3A_49 = tpu.memref_slice %arg11[%add3A_43, %dma_wait3A_48] : memref<10112x128xf32, #tpu.memory_space<vmem_shared>> -> memref<128x128xf32, #tpu.memory_space<vmem_shared>>
        tpu.wait_dma2 semaphore(%run_scoped3A : memref<!tpu.dma_semaphore, #tpu.memory_space<semaphore_mem>>) src(%arg10 : memref<128x128xf32, #tpu.memory_space<vmem>>) dst(%dma_wait3A_49 : memref<128x128xf32, #tpu.memory_space<vmem_shared>>)
        tpu.yield
      }) : () -> ()
    }
    %scan3A_14 = arith.constant 4 : i32
    %add3A_15 = arith.constant 512 : i32
    %add3A_16 = arith.addi %mul3A_8, %add3A_15 : i32
    "tpu.region"() ({
      %run_scoped3A = tpu.sem_alloc : memref<!tpu.dma_semaphore, #tpu.memory_space<semaphore_mem>>
      %dma_start3A = arith.constant 0 : i32
      %dma_start3A_40 = arith.constant 0 : i32
      %dma_start3A_41 = tpu.memref_slice %arg10[%dma_start3A, %dma_start3A_40] : memref<128x128xf32, #tpu.memory_space<vmem>> -> memref<120x128xf32, #tpu.memory_space<vmem>>
      %dma_start3A_42 = arith.constant 0 : i32
      %dma_start3A_43 = tpu.memref_slice %arg11[%add3A_16, %dma_start3A_42] : memref<10112x128xf32, #tpu.memory_space<vmem_shared>> -> memref<120x128xf32, #tpu.memory_space<vmem_shared>>
      %dma_start3A_44 = arith.constant 0 : i32
      %dma_start3A_45 = tpu.memref_slice %arg11[%add3A_16, %dma_start3A_44] : memref<10112x128xf32, #tpu.memory_space<vmem_shared>> -> memref<120x128xf32, #tpu.memory_space<vmem_shared>>
      %dma_start3A_46 = arith.constant 0 : i32
      %dma_start3A_47 = arith.constant 0 : i32
      %dma_start3A_48 = tpu.memref_slice %arg10[%dma_start3A_46, %dma_start3A_47] : memref<128x128xf32, #tpu.memory_space<vmem>> -> memref<120x128xf32, #tpu.memory_space<vmem>>
      tpu.enqueue_dma source(%dma_start3A_48 : memref<120x128xf32, #tpu.memory_space<vmem>>) target(%dma_start3A_45 : memref<120x128xf32, #tpu.memory_space<vmem_shared>>) target_semaphore(%run_scoped3A : memref<!tpu.dma_semaphore, #tpu.memory_space<semaphore_mem>>)
      %dma_wait3A = arith.constant 0 : i32
      %dma_wait3A_49 = arith.constant 0 : i32
      %dma_wait3A_50 = tpu.memref_slice %arg10[%dma_wait3A, %dma_wait3A_49] : memref<128x128xf32, #tpu.memory_space<vmem>> -> memref<120x128xf32, #tpu.memory_space<vmem>>
      %dma_wait3A_51 = arith.constant 0 : i32
      %dma_wait3A_52 = tpu.memref_slice %arg11[%add3A_16, %dma_wait3A_51] : memref<10112x128xf32, #tpu.memory_space<vmem_shared>> -> memref<120x128xf32, #tpu.memory_space<vmem_shared>>
      %dma_wait3A_53 = arith.constant 0 : i32
      %dma_wait3A_54 = tpu.memref_slice %arg11[%add3A_16, %dma_wait3A_53] : memref<10112x128xf32, #tpu.memory_space<vmem_shared>> -> memref<120x128xf32, #tpu.memory_space<vmem_shared>>
      %dma_wait3A_55 = arith.constant 0 : i32
      %dma_wait3A_56 = arith.constant 0 : i32
      %dma_wait3A_57 = tpu.memref_slice %arg10[%dma_wait3A_55, %dma_wait3A_56] : memref<128x128xf32, #tpu.memory_space<vmem>> -> memref<120x128xf32, #tpu.memory_space<vmem>>
      tpu.wait_dma2 semaphore(%run_scoped3A : memref<!tpu.dma_semaphore, #tpu.memory_space<semaphore_mem>>) src(%dma_wait3A_57 : memref<120x128xf32, #tpu.memory_space<vmem>>) dst(%dma_wait3A_54 : memref<120x128xf32, #tpu.memory_space<vmem_shared>>)
      tpu.yield
    }) : () -> ()
    %barrier3A = arith.constant 0 : index
    tpu.barrier barrier_id(%barrier3A)
    %barrier3A_17 = arith.constant 0 : index
    tpu.barrier barrier_id(%barrier3A_17)
    %mul3A_18 = arith.constant 384 : i32
    %mul3A_19 = arith.muli %add3A, %mul3A_18 : i32
    %scan3A_20 = arith.constant 0 : i32
    %scan3A_21 = arith.constant 0 : i32
    %scan3A_22 = arith.constant 3 : i32
    %scan3A_23 = arith.addi %scan3A_21, %scan3A_22 : i32
    %scan3A_24 = arith.constant 1 : i32
    scf.for %scan3A_40 = %scan3A_21 to %scan3A_23 step %scan3A_24  : i32 {
      %mul3A_41 = arith.constant 128 : i32
      %mul3A_42 = arith.muli %scan3A_40, %mul3A_41 : i32
      %add3A_43 = arith.addi %mul3A_19, %mul3A_42 : i32
      "tpu.region"() ({
        %run_scoped3A = tpu.sem_alloc : memref<!tpu.dma_semaphore, #tpu.memory_space<semaphore_mem>>
        %dma_start3A = tpu.memref_slice %arg4[%add3A_43] : memref<12288xi32, #tpu.memory_space<hbm>> -> memref<128xi32, #tpu.memory_space<hbm>>
        %dma_start3A_44 = tpu.memref_slice %arg4[%add3A_43] : memref<12288xi32, #tpu.memory_space<hbm>> -> memref<128xi32, #tpu.memory_space<hbm>>
        tpu.enqueue_dma source(%dma_start3A_44 : memref<128xi32, #tpu.memory_space<hbm>>) target(%arg8 : memref<128xi32, #tpu.memory_space<vmem>>) target_semaphore(%run_scoped3A : memref<!tpu.dma_semaphore, #tpu.memory_space<semaphore_mem>>)
        %dma_wait3A = tpu.memref_slice %arg4[%add3A_43] : memref<12288xi32, #tpu.memory_space<hbm>> -> memref<128xi32, #tpu.memory_space<hbm>>
        %dma_wait3A_45 = tpu.memref_slice %arg4[%add3A_43] : memref<12288xi32, #tpu.memory_space<hbm>> -> memref<128xi32, #tpu.memory_space<hbm>>
        tpu.wait_dma2 semaphore(%run_scoped3A : memref<!tpu.dma_semaphore, #tpu.memory_space<semaphore_mem>>) src(%dma_wait3A_45 : memref<128xi32, #tpu.memory_space<hbm>>) dst(%arg8 : memref<128xi32, #tpu.memory_space<vmem>>)
        tpu.yield
      }) : () -> ()
      "tpu.region"() ({
        %run_scoped3A = tpu.sem_alloc : memref<!tpu.dma_semaphore, #tpu.memory_space<semaphore_mem>>
        %dma_start3A = tpu.memref_slice %arg3[%add3A_43] : memref<12288xi32, #tpu.memory_space<hbm>> -> memref<128xi32, #tpu.memory_space<hbm>>
        %dma_start3A_44 = tpu.memref_slice %arg3[%add3A_43] : memref<12288xi32, #tpu.memory_space<hbm>> -> memref<128xi32, #tpu.memory_space<hbm>>
        tpu.enqueue_dma source(%dma_start3A_44 : memref<128xi32, #tpu.memory_space<hbm>>) target(%arg7 : memref<128xi32, #tpu.memory_space<vmem>>) target_semaphore(%run_scoped3A : memref<!tpu.dma_semaphore, #tpu.memory_space<semaphore_mem>>)
        %dma_wait3A = tpu.memref_slice %arg3[%add3A_43] : memref<12288xi32, #tpu.memory_space<hbm>> -> memref<128xi32, #tpu.memory_space<hbm>>
        %dma_wait3A_45 = tpu.memref_slice %arg3[%add3A_43] : memref<12288xi32, #tpu.memory_space<hbm>> -> memref<128xi32, #tpu.memory_space<hbm>>
        tpu.wait_dma2 semaphore(%run_scoped3A : memref<!tpu.dma_semaphore, #tpu.memory_space<semaphore_mem>>) src(%dma_wait3A_45 : memref<128xi32, #tpu.memory_space<hbm>>) dst(%arg7 : memref<128xi32, #tpu.memory_space<vmem>>)
        tpu.yield
      }) : () -> ()
      "tpu.region"() ({
        %run_scoped3A = tpu.sem_alloc : memref<!tpu.dma_semaphore, #tpu.memory_space<semaphore_mem>>
        %dma_start3A = arith.constant 0 : i32
        %dma_start3A_44 = arith.constant 0 : i32
        %dma_start3A_45 = tpu.memref_slice %arg2[%dma_start3A, %dma_start3A_44] : memref<1000x128xf32, #tpu.memory_space<hbm>> -> memref<1000x128xf32, #tpu.memory_space<hbm>>
        tpu.enqueue_indirect_dma source(%dma_start3A_45 : memref<1000x128xf32, #tpu.memory_space<hbm>>) target(%arg9 : memref<128x128xf32, #tpu.memory_space<vmem>>) offsets(%arg7 : memref<128xi32, #tpu.memory_space<vmem>>) semaphore(%run_scoped3A : memref<!tpu.dma_semaphore, #tpu.memory_space<semaphore_mem>>)
        %dma_wait3A = arith.constant 0 : i32
        %dma_wait3A_46 = arith.constant 0 : i32
        %dma_wait3A_47 = tpu.memref_slice %arg2[%dma_wait3A, %dma_wait3A_46] : memref<1000x128xf32, #tpu.memory_space<hbm>> -> memref<1000x128xf32, #tpu.memory_space<hbm>>
        tpu.wait_indirect_dma semaphore(%run_scoped3A : memref<!tpu.dma_semaphore, #tpu.memory_space<semaphore_mem>>) src(%dma_wait3A_47 : memref<1000x128xf32, #tpu.memory_space<hbm>>) dst(%arg9 : memref<128x128xf32, #tpu.memory_space<vmem>>)
        tpu.yield
      }) : () -> ()
      "tpu.region"() ({
        %run_scoped3A = tpu.sem_alloc : memref<!tpu.dma_semaphore, #tpu.memory_space<semaphore_mem>>
        %dma_start3A = arith.constant 0 : i32
        %dma_start3A_44 = arith.constant 0 : i32
        %dma_start3A_45 = tpu.memref_slice %arg11[%dma_start3A, %dma_start3A_44] : memref<10112x128xf32, #tpu.memory_space<vmem_shared>> -> memref<10112x128xf32, #tpu.memory_space<vmem_shared>>
        tpu.enqueue_indirect_dma source(%arg9 : memref<128x128xf32, #tpu.memory_space<vmem>>) target(%dma_start3A_45 : memref<10112x128xf32, #tpu.memory_space<vmem_shared>>) offsets(%arg8 : memref<128xi32, #tpu.memory_space<vmem>>) semaphore(%run_scoped3A : memref<!tpu.dma_semaphore, #tpu.memory_space<semaphore_mem>>) {add = true}
        %dma_wait3A = arith.constant 0 : i32
        %dma_wait3A_46 = arith.constant 0 : i32
        %dma_wait3A_47 = tpu.memref_slice %arg11[%dma_wait3A, %dma_wait3A_46] : memref<10112x128xf32, #tpu.memory_space<vmem_shared>> -> memref<10112x128xf32, #tpu.memory_space<vmem_shared>>
        tpu.wait_indirect_dma semaphore(%run_scoped3A : memref<!tpu.dma_semaphore, #tpu.memory_space<semaphore_mem>>) src(%arg9 : memref<128x128xf32, #tpu.memory_space<vmem>>) dst(%dma_wait3A_47 : memref<10112x128xf32, #tpu.memory_space<vmem_shared>>)
        tpu.yield
      }) : () -> ()
    }
    %scan3A_25 = arith.constant 3 : i32
    %barrier3A_26 = arith.constant 0 : index
    tpu.barrier barrier_id(%barrier3A_26)
    %barrier3A_27 = arith.constant 0 : index
    tpu.barrier barrier_id(%barrier3A_27)
    %mul3A_28 = arith.constant 632 : i32
    %mul3A_29 = arith.muli %arg1, %mul3A_28 : i32
    %scan3A_30 = arith.constant 0 : i32
    %scan3A_31 = arith.constant 0 : i32
    %scan3A_32 = arith.constant 4 : i32
    %scan3A_33 = arith.addi %scan3A_31, %scan3A_32 : i32
    %scan3A_34 = arith.constant 1 : i32
    scf.for %scan3A_40 = %scan3A_31 to %scan3A_33 step %scan3A_34  : i32 {
      %mul3A_41 = arith.constant 128 : i32
      %mul3A_42 = arith.muli %scan3A_40, %mul3A_41 : i32
      %add3A_43 = arith.addi %mul3A_29, %mul3A_42 : i32
      "tpu.region"() ({
        %run_scoped3A = tpu.sem_alloc : memref<!tpu.dma_semaphore, #tpu.memory_space<semaphore_mem>>
        %dma_start3A = arith.constant 0 : i32
        %dma_start3A_47 = tpu.memref_slice %arg11[%add3A_43, %dma_start3A] : memref<10112x128xf32, #tpu.memory_space<vmem_shared>> -> memref<128x128xf32, #tpu.memory_space<vmem_shared>>
        %dma_start3A_48 = arith.constant 0 : i32
        %dma_start3A_49 = tpu.memref_slice %arg11[%add3A_43, %dma_start3A_48] : memref<10112x128xf32, #tpu.memory_space<vmem_shared>> -> memref<128x128xf32, #tpu.memory_space<vmem_shared>>
        tpu.enqueue_dma source(%dma_start3A_49 : memref<128x128xf32, #tpu.memory_space<vmem_shared>>) target(%arg10 : memref<128x128xf32, #tpu.memory_space<vmem>>) target_semaphore(%run_scoped3A : memref<!tpu.dma_semaphore, #tpu.memory_space<semaphore_mem>>)
        %dma_wait3A = arith.constant 0 : i32
        %dma_wait3A_50 = tpu.memref_slice %arg11[%add3A_43, %dma_wait3A] : memref<10112x128xf32, #tpu.memory_space<vmem_shared>> -> memref<128x128xf32, #tpu.memory_space<vmem_shared>>
        %dma_wait3A_51 = arith.constant 0 : i32
        %dma_wait3A_52 = tpu.memref_slice %arg11[%add3A_43, %dma_wait3A_51] : memref<10112x128xf32, #tpu.memory_space<vmem_shared>> -> memref<128x128xf32, #tpu.memory_space<vmem_shared>>
        tpu.wait_dma2 semaphore(%run_scoped3A : memref<!tpu.dma_semaphore, #tpu.memory_space<semaphore_mem>>) src(%dma_wait3A_52 : memref<128x128xf32, #tpu.memory_space<vmem_shared>>) dst(%arg10 : memref<128x128xf32, #tpu.memory_space<vmem>>)
        tpu.yield
      }) : () -> ()
      %mul3A_44 = arith.constant 128 : i32
      %mul3A_45 = arith.muli %scan3A_40, %mul3A_44 : i32
      %add3A_46 = arith.addi %mul3A_29, %mul3A_45 : i32
      "tpu.region"() ({
        %run_scoped3A = tpu.sem_alloc : memref<!tpu.dma_semaphore, #tpu.memory_space<semaphore_mem>>
        %dma_start3A = arith.constant 0 : i32
        %dma_start3A_47 = tpu.memref_slice %arg6[%arg0, %add3A_46, %dma_start3A] : memref<2x10112x128xf32, #tpu.memory_space<hbm>> -> memref<1x128x128xf32, #tpu.memory_space<hbm>>
        %dma_start3A_48 = tpu.memref_squeeze %dma_start3A_47 : memref<1x128x128xf32, #tpu.memory_space<hbm>> -> memref<128x128xf32, #tpu.memory_space<hbm>>
        %dma_start3A_49 = arith.constant 0 : i32
        %dma_start3A_50 = tpu.memref_slice %arg6[%arg0, %add3A_46, %dma_start3A_49] : memref<2x10112x128xf32, #tpu.memory_space<hbm>> -> memref<1x128x128xf32, #tpu.memory_space<hbm>>
        %dma_start3A_51 = tpu.memref_squeeze %dma_start3A_50 : memref<1x128x128xf32, #tpu.memory_space<hbm>> -> memref<128x128xf32, #tpu.memory_space<hbm>>
        tpu.enqueue_dma source(%arg10 : memref<128x128xf32, #tpu.memory_space<vmem>>) target(%dma_start3A_51 : memref<128x128xf32, #tpu.memory_space<hbm>>) target_semaphore(%run_scoped3A : memref<!tpu.dma_semaphore, #tpu.memory_space<semaphore_mem>>)
        %dma_wait3A = arith.constant 0 : i32
        %dma_wait3A_52 = tpu.memref_slice %arg6[%arg0, %add3A_46, %dma_wait3A] : memref<2x10112x128xf32, #tpu.memory_space<hbm>> -> memref<1x128x128xf32, #tpu.memory_space<hbm>>
        %dma_wait3A_53 = tpu.memref_squeeze %dma_wait3A_52 : memref<1x128x128xf32, #tpu.memory_space<hbm>> -> memref<128x128xf32, #tpu.memory_space<hbm>>
        %dma_wait3A_54 = arith.constant 0 : i32
        %dma_wait3A_55 = tpu.memref_slice %arg6[%arg0, %add3A_46, %dma_wait3A_54] : memref<2x10112x128xf32, #tpu.memory_space<hbm>> -> memref<1x128x128xf32, #tpu.memory_space<hbm>>
        %dma_wait3A_56 = tpu.memref_squeeze %dma_wait3A_55 : memref<1x128x128xf32, #tpu.memory_space<hbm>> -> memref<128x128xf32, #tpu.memory_space<hbm>>
        tpu.wait_dma2 semaphore(%run_scoped3A : memref<!tpu.dma_semaphore, #tpu.memory_space<semaphore_mem>>) src(%arg10 : memref<128x128xf32, #tpu.memory_space<vmem>>) dst(%dma_wait3A_56 : memref<128x128xf32, #tpu.memory_space<hbm>>)
        tpu.yield
      }) : () -> ()
    }
    %scan3A_35 = arith.constant 4 : i32
    %add3A_36 = arith.constant 512 : i32
    %add3A_37 = arith.addi %mul3A_29, %add3A_36 : i32
    "tpu.region"() ({
      %run_scoped3A = tpu.sem_alloc : memref<!tpu.dma_semaphore, #tpu.memory_space<semaphore_mem>>
      %dma_start3A = arith.constant 0 : i32
      %dma_start3A_40 = arith.constant 0 : i32
      %dma_start3A_41 = tpu.memref_slice %arg10[%dma_start3A, %dma_start3A_40] : memref<128x128xf32, #tpu.memory_space<vmem>> -> memref<120x128xf32, #tpu.memory_space<vmem>>
      %dma_start3A_42 = arith.constant 0 : i32
      %dma_start3A_43 = tpu.memref_slice %arg11[%add3A_37, %dma_start3A_42] : memref<10112x128xf32, #tpu.memory_space<vmem_shared>> -> memref<120x128xf32, #tpu.memory_space<vmem_shared>>
      %dma_start3A_44 = arith.constant 0 : i32
      %dma_start3A_45 = arith.constant 0 : i32
      %dma_start3A_46 = tpu.memref_slice %arg10[%dma_start3A_44, %dma_start3A_45] : memref<128x128xf32, #tpu.memory_space<vmem>> -> memref<120x128xf32, #tpu.memory_space<vmem>>
      %dma_start3A_47 = arith.constant 0 : i32
      %dma_start3A_48 = tpu.memref_slice %arg11[%add3A_37, %dma_start3A_47] : memref<10112x128xf32, #tpu.memory_space<vmem_shared>> -> memref<120x128xf32, #tpu.memory_space<vmem_shared>>
      tpu.enqueue_dma source(%dma_start3A_48 : memref<120x128xf32, #tpu.memory_space<vmem_shared>>) target(%dma_start3A_46 : memref<120x128xf32, #tpu.memory_space<vmem>>) target_semaphore(%run_scoped3A : memref<!tpu.dma_semaphore, #tpu.memory_space<semaphore_mem>>)
      %dma_wait3A = arith.constant 0 : i32
      %dma_wait3A_49 = arith.constant 0 : i32
      %dma_wait3A_50 = tpu.memref_slice %arg10[%dma_wait3A, %dma_wait3A_49] : memref<128x128xf32, #tpu.memory_space<vmem>> -> memref<120x128xf32, #tpu.memory_space<vmem>>
      %dma_wait3A_51 = arith.constant 0 : i32
      %dma_wait3A_52 = tpu.memref_slice %arg11[%add3A_37, %dma_wait3A_51] : memref<10112x128xf32, #tpu.memory_space<vmem_shared>> -> memref<120x128xf32, #tpu.memory_space<vmem_shared>>
      %dma_wait3A_53 = arith.constant 0 : i32
      %dma_wait3A_54 = arith.constant 0 : i32
      %dma_wait3A_55 = tpu.memref_slice %arg10[%dma_wait3A_53, %dma_wait3A_54] : memref<128x128xf32, #tpu.memory_space<vmem>> -> memref<120x128xf32, #tpu.memory_space<vmem>>
      %dma_wait3A_56 = arith.constant 0 : i32
      %dma_wait3A_57 = tpu.memref_slice %arg11[%add3A_37, %dma_wait3A_56] : memref<10112x128xf32, #tpu.memory_space<vmem_shared>> -> memref<120x128xf32, #tpu.memory_space<vmem_shared>>
      tpu.wait_dma2 semaphore(%run_scoped3A : memref<!tpu.dma_semaphore, #tpu.memory_space<semaphore_mem>>) src(%dma_wait3A_57 : memref<120x128xf32, #tpu.memory_space<vmem_shared>>) dst(%dma_wait3A_55 : memref<120x128xf32, #tpu.memory_space<vmem>>)
      tpu.yield
    }) : () -> ()
    %add3A_38 = arith.constant 512 : i32
    %add3A_39 = arith.addi %mul3A_29, %add3A_38 : i32
    "tpu.region"() ({
      %run_scoped3A = tpu.sem_alloc : memref<!tpu.dma_semaphore, #tpu.memory_space<semaphore_mem>>
      %dma_start3A = arith.constant 0 : i32
      %dma_start3A_40 = arith.constant 0 : i32
      %dma_start3A_41 = tpu.memref_slice %arg10[%dma_start3A, %dma_start3A_40] : memref<128x128xf32, #tpu.memory_space<vmem>> -> memref<120x128xf32, #tpu.memory_space<vmem>>
      %dma_start3A_42 = arith.constant 0 : i32
      %dma_start3A_43 = tpu.memref_slice %arg6[%arg0, %add3A_39, %dma_start3A_42] : memref<2x10112x128xf32, #tpu.memory_space<hbm>> -> memref<1x120x128xf32, #tpu.memory_space<hbm>>
      %dma_start3A_44 = tpu.memref_squeeze %dma_start3A_43 : memref<1x120x128xf32, #tpu.memory_space<hbm>> -> memref<120x128xf32, #tpu.memory_space<hbm>>
      %dma_start3A_45 = arith.constant 0 : i32
      %dma_start3A_46 = tpu.memref_slice %arg6[%arg0, %add3A_39, %dma_start3A_45] : memref<2x10112x128xf32, #tpu.memory_space<hbm>> -> memref<1x120x128xf32, #tpu.memory_space<hbm>>
      %dma_start3A_47 = tpu.memref_squeeze %dma_start3A_46 : memref<1x120x128xf32, #tpu.memory_space<hbm>> -> memref<120x128xf32, #tpu.memory_space<hbm>>
      %dma_start3A_48 = arith.constant 0 : i32
      %dma_start3A_49 = arith.constant 0 : i32
      %dma_start3A_50 = tpu.memref_slice %arg10[%dma_start3A_48, %dma_start3A_49] : memref<128x128xf32, #tpu.memory_space<vmem>> -> memref<120x128xf32, #tpu.memory_space<vmem>>
      tpu.enqueue_dma source(%dma_start3A_50 : memref<120x128xf32, #tpu.memory_space<vmem>>) target(%dma_start3A_47 : memref<120x128xf32, #tpu.memory_space<hbm>>) target_semaphore(%run_scoped3A : memref<!tpu.dma_semaphore, #tpu.memory_space<semaphore_mem>>)
      %dma_wait3A = arith.constant 0 : i32
      %dma_wait3A_51 = arith.constant 0 : i32
      %dma_wait3A_52 = tpu.memref_slice %arg10[%dma_wait3A, %dma_wait3A_51] : memref<128x128xf32, #tpu.memory_space<vmem>> -> memref<120x128xf32, #tpu.memory_space<vmem>>
      %dma_wait3A_53 = arith.constant 0 : i32
      %dma_wait3A_54 = tpu.memref_slice %arg6[%arg0, %add3A_39, %dma_wait3A_53] : memref<2x10112x128xf32, #tpu.memory_space<hbm>> -> memref<1x120x128xf32, #tpu.memory_space<hbm>>
      %dma_wait3A_55 = tpu.memref_squeeze %dma_wait3A_54 : memref<1x120x128xf32, #tpu.memory_space<hbm>> -> memref<120x128xf32, #tpu.memory_space<hbm>>
      %dma_wait3A_56 = arith.constant 0 : i32
      %dma_wait3A_57 = tpu.memref_slice %arg6[%arg0, %add3A_39, %dma_wait3A_56] : memref<2x10112x128xf32, #tpu.memory_space<hbm>> -> memref<1x120x128xf32, #tpu.memory_space<hbm>>
      %dma_wait3A_58 = tpu.memref_squeeze %dma_wait3A_57 : memref<1x120x128xf32, #tpu.memory_space<hbm>> -> memref<120x128xf32, #tpu.memory_space<hbm>>
      %dma_wait3A_59 = arith.constant 0 : i32
      %dma_wait3A_60 = arith.constant 0 : i32
      %dma_wait3A_61 = tpu.memref_slice %arg10[%dma_wait3A_59, %dma_wait3A_60] : memref<128x128xf32, #tpu.memory_space<vmem>> -> memref<120x128xf32, #tpu.memory_space<vmem>>
      tpu.wait_dma2 semaphore(%run_scoped3A : memref<!tpu.dma_semaphore, #tpu.memory_space<semaphore_mem>>) src(%dma_wait3A_61 : memref<120x128xf32, #tpu.memory_space<vmem>>) dst(%dma_wait3A_58 : memref<120x128xf32, #tpu.memory_space<hbm>>)
      tpu.yield
    }) : () -> ()
    return
  }
}

#map = affine_map<(d0, d1) -> (0, 0)>
#map1 = affine_map<(d0, d1) -> (0)>
#map2 = affine_map<(d0, d1) -> (0, 0, 0)>
module attributes {stable_mosaic.version = 14 : i64} {
  func.func @body(%arg0: i32, %arg1: i32, %arg2: memref<10000x128xf32, #tpu.memory_space<hbm>>, %arg3: memref<12288xi32, #tpu.memory_space<hbm>>, %arg4: memref<12288xi32, #tpu.memory_space<hbm>>, %arg5: memref<8x16xf32, #tpu.memory_space<hbm>>, %arg6: memref<2x1024x128xf32, #tpu.memory_space<hbm>>, %arg7: memref<128xi32, #tpu.memory_space<vmem>>, %arg8: memref<128xi32, #tpu.memory_space<vmem>>, %arg9: memref<128x128xf32, #tpu.memory_space<vmem>>, %arg10: memref<128x128xf32, #tpu.memory_space<vmem>>, %arg11: memref<1024x128xf32, #tpu.memory_space<vmem_shared>>) attributes {dimension_semantics = [#tpu.dimension_semantics<core_parallel>, #tpu.dimension_semantics<subcore_parallel>], iteration_bounds = array<i64: 2, 16>, scalar_prefetch = 0 : i64, scratch_operands = 5 : i64, tpu.core_type = #tpu.core_type<sc_vector_subcore>, window_params = [{transform_indices = #map}, {transform_indices = #map1}, {transform_indices = #map1}, {transform_indices = #map}, {transform_indices = #map2}]} {
    %mul3A = arith.constant 16 : i32
    %mul3A_0 = arith.muli %arg0, %mul3A : i32
    %add3A = arith.addi %mul3A_0, %arg1 : i32
    %broadcast_in_dim3A = arith.constant 0.000000e+00 : f32
    %broadcast_in_dim3A_1 = vector.broadcast %broadcast_in_dim3A : f32 to vector<16xf32>
    %scan3A = arith.constant 0 : i32
    %scan3A_2 = arith.constant 0 : i32
    %scan3A_3 = arith.constant 128 : i32
    %scan3A_4 = arith.addi %scan3A_2, %scan3A_3 : i32
    %scan3A_5 = arith.constant 1 : i32
    scf.for %scan3A_38 = %scan3A_2 to %scan3A_4 step %scan3A_5  : i32 {
      %swap3A = arith.index_cast %scan3A_38 : i32 to index
      %swap3A_39 = arith.constant 0 : index
      %swap3A_40 = tpu.vector_load %arg10[%swap3A, %swap3A_39] {strides = array<i32>} : memref<128x128xf32, #tpu.memory_space<vmem>>, vector<1x16xf32>,
      %swap3A_41 = vector.shape_cast %swap3A_40 : vector<1x16xf32> to vector<16xf32>
      %swap3A_42 = vector.shape_cast %broadcast_in_dim3A_1 : vector<16xf32> to vector<1x16xf32>
      tpu.vector_store %arg10[%swap3A, %swap3A_39], %swap3A_42 {strides = array<i32>} : memref<128x128xf32, #tpu.memory_space<vmem>>, vector<1x16xf32>,
      %swap3A_43 = arith.index_cast %scan3A_38 : i32 to index
      %swap3A_44 = arith.constant 16 : index
      %swap3A_45 = tpu.vector_load %arg10[%swap3A_43, %swap3A_44] {strides = array<i32>} : memref<128x128xf32, #tpu.memory_space<vmem>>, vector<1x16xf32>,
      %swap3A_46 = vector.shape_cast %swap3A_45 : vector<1x16xf32> to vector<16xf32>
      %swap3A_47 = vector.shape_cast %broadcast_in_dim3A_1 : vector<16xf32> to vector<1x16xf32>
      tpu.vector_store %arg10[%swap3A_43, %swap3A_44], %swap3A_47 {strides = array<i32>} : memref<128x128xf32, #tpu.memory_space<vmem>>, vector<1x16xf32>,
      %swap3A_48 = arith.index_cast %scan3A_38 : i32 to index
      %swap3A_49 = arith.constant 32 : index
      %swap3A_50 = tpu.vector_load %arg10[%swap3A_48, %swap3A_49] {strides = array<i32>} : memref<128x128xf32, #tpu.memory_space<vmem>>, vector<1x16xf32>,
      %swap3A_51 = vector.shape_cast %swap3A_50 : vector<1x16xf32> to vector<16xf32>
      %swap3A_52 = vector.shape_cast %broadcast_in_dim3A_1 : vector<16xf32> to vector<1x16xf32>
      tpu.vector_store %arg10[%swap3A_48, %swap3A_49], %swap3A_52 {strides = array<i32>} : memref<128x128xf32, #tpu.memory_space<vmem>>, vector<1x16xf32>,
      %swap3A_53 = arith.index_cast %scan3A_38 : i32 to index
      %swap3A_54 = arith.constant 48 : index
      %swap3A_55 = tpu.vector_load %arg10[%swap3A_53, %swap3A_54] {strides = array<i32>} : memref<128x128xf32, #tpu.memory_space<vmem>>, vector<1x16xf32>,
      %swap3A_56 = vector.shape_cast %swap3A_55 : vector<1x16xf32> to vector<16xf32>
      %swap3A_57 = vector.shape_cast %broadcast_in_dim3A_1 : vector<16xf32> to vector<1x16xf32>
      tpu.vector_store %arg10[%swap3A_53, %swap3A_54], %swap3A_57 {strides = array<i32>} : memref<128x128xf32, #tpu.memory_space<vmem>>, vector<1x16xf32>,
      %swap3A_58 = arith.index_cast %scan3A_38 : i32 to index
      %swap3A_59 = arith.constant 64 : index
      %swap3A_60 = tpu.vector_load %arg10[%swap3A_58, %swap3A_59] {strides = array<i32>} : memref<128x128xf32, #tpu.memory_space<vmem>>, vector<1x16xf32>,
      %swap3A_61 = vector.shape_cast %swap3A_60 : vector<1x16xf32> to vector<16xf32>
      %swap3A_62 = vector.shape_cast %broadcast_in_dim3A_1 : vector<16xf32> to vector<1x16xf32>
      tpu.vector_store %arg10[%swap3A_58, %swap3A_59], %swap3A_62 {strides = array<i32>} : memref<128x128xf32, #tpu.memory_space<vmem>>, vector<1x16xf32>,
      %swap3A_63 = arith.index_cast %scan3A_38 : i32 to index
      %swap3A_64 = arith.constant 80 : index
      %swap3A_65 = tpu.vector_load %arg10[%swap3A_63, %swap3A_64] {strides = array<i32>} : memref<128x128xf32, #tpu.memory_space<vmem>>, vector<1x16xf32>,
      %swap3A_66 = vector.shape_cast %swap3A_65 : vector<1x16xf32> to vector<16xf32>
      %swap3A_67 = vector.shape_cast %broadcast_in_dim3A_1 : vector<16xf32> to vector<1x16xf32>
      tpu.vector_store %arg10[%swap3A_63, %swap3A_64], %swap3A_67 {strides = array<i32>} : memref<128x128xf32, #tpu.memory_space<vmem>>, vector<1x16xf32>,
      %swap3A_68 = arith.index_cast %scan3A_38 : i32 to index
      %swap3A_69 = arith.constant 96 : index
      %swap3A_70 = tpu.vector_load %arg10[%swap3A_68, %swap3A_69] {strides = array<i32>} : memref<128x128xf32, #tpu.memory_space<vmem>>, vector<1x16xf32>,
      %swap3A_71 = vector.shape_cast %swap3A_70 : vector<1x16xf32> to vector<16xf32>
      %swap3A_72 = vector.shape_cast %broadcast_in_dim3A_1 : vector<16xf32> to vector<1x16xf32>
      tpu.vector_store %arg10[%swap3A_68, %swap3A_69], %swap3A_72 {strides = array<i32>} : memref<128x128xf32, #tpu.memory_space<vmem>>, vector<1x16xf32>,
      %swap3A_73 = arith.index_cast %scan3A_38 : i32 to index
      %swap3A_74 = arith.constant 112 : index
      %swap3A_75 = tpu.vector_load %arg10[%swap3A_73, %swap3A_74] {strides = array<i32>} : memref<128x128xf32, #tpu.memory_space<vmem>>, vector<1x16xf32>,
      %swap3A_76 = vector.shape_cast %swap3A_75 : vector<1x16xf32> to vector<16xf32>
      %swap3A_77 = vector.shape_cast %broadcast_in_dim3A_1 : vector<16xf32> to vector<1x16xf32>
      tpu.vector_store %arg10[%swap3A_73, %swap3A_74], %swap3A_77 {strides = array<i32>} : memref<128x128xf32, #tpu.memory_space<vmem>>, vector<1x16xf32>,
    }
    %scan3A_6 = arith.constant 128 : i32
    %mul3A_7 = arith.constant 64 : i32
    %mul3A_8 = arith.muli %arg1, %mul3A_7 : i32
    %scan3A_9 = arith.constant 0 : i32
    %scan3A_10 = arith.constant 0 : i32
    %scan3A_11 = arith.constant 0 : i32
    %scan3A_12 = arith.addi %scan3A_10, %scan3A_11 : i32
    %scan3A_13 = arith.constant 0 : i32
    %add3A_14 = arith.constant 0 : i32
    %add3A_15 = arith.addi %mul3A_8, %add3A_14 : i32
    "tpu.region"() ({
      %run_scoped3A = tpu.sem_alloc : memref<!tpu.dma_semaphore, #tpu.memory_space<semaphore_mem>>
      %dma_start3A = arith.constant 0 : i32
      %dma_start3A_38 = arith.constant 0 : i32
      %dma_start3A_39 = tpu.memref_slice %arg10[%dma_start3A, %dma_start3A_38] : memref<128x128xf32, #tpu.memory_space<vmem>> -> memref<64x128xf32, #tpu.memory_space<vmem>>
      %dma_start3A_40 = arith.constant 0 : i32
      %dma_start3A_41 = tpu.memref_slice %arg11[%add3A_15, %dma_start3A_40] : memref<1024x128xf32, #tpu.memory_space<vmem_shared>> -> memref<64x128xf32, #tpu.memory_space<vmem_shared>>
      %dma_start3A_42 = arith.constant 0 : i32
      %dma_start3A_43 = tpu.memref_slice %arg11[%add3A_15, %dma_start3A_42] : memref<1024x128xf32, #tpu.memory_space<vmem_shared>> -> memref<64x128xf32, #tpu.memory_space<vmem_shared>>
      %dma_start3A_44 = arith.constant 0 : i32
      %dma_start3A_45 = arith.constant 0 : i32
      %dma_start3A_46 = tpu.memref_slice %arg10[%dma_start3A_44, %dma_start3A_45] : memref<128x128xf32, #tpu.memory_space<vmem>> -> memref<64x128xf32, #tpu.memory_space<vmem>>
      tpu.enqueue_dma source(%dma_start3A_46 : memref<64x128xf32, #tpu.memory_space<vmem>>) target(%dma_start3A_43 : memref<64x128xf32, #tpu.memory_space<vmem_shared>>) target_semaphore(%run_scoped3A : memref<!tpu.dma_semaphore, #tpu.memory_space<semaphore_mem>>)
      %dma_wait3A = arith.constant 0 : i32
      %dma_wait3A_47 = arith.constant 0 : i32
      %dma_wait3A_48 = tpu.memref_slice %arg10[%dma_wait3A, %dma_wait3A_47] : memref<128x128xf32, #tpu.memory_space<vmem>> -> memref<64x128xf32, #tpu.memory_space<vmem>>
      %dma_wait3A_49 = arith.constant 0 : i32
      %dma_wait3A_50 = tpu.memref_slice %arg11[%add3A_15, %dma_wait3A_49] : memref<1024x128xf32, #tpu.memory_space<vmem_shared>> -> memref<64x128xf32, #tpu.memory_space<vmem_shared>>
      %dma_wait3A_51 = arith.constant 0 : i32
      %dma_wait3A_52 = tpu.memref_slice %arg11[%add3A_15, %dma_wait3A_51] : memref<1024x128xf32, #tpu.memory_space<vmem_shared>> -> memref<64x128xf32, #tpu.memory_space<vmem_shared>>
      %dma_wait3A_53 = arith.constant 0 : i32
      %dma_wait3A_54 = arith.constant 0 : i32
      %dma_wait3A_55 = tpu.memref_slice %arg10[%dma_wait3A_53, %dma_wait3A_54] : memref<128x128xf32, #tpu.memory_space<vmem>> -> memref<64x128xf32, #tpu.memory_space<vmem>>
      tpu.wait_dma2 semaphore(%run_scoped3A : memref<!tpu.dma_semaphore, #tpu.memory_space<semaphore_mem>>) src(%dma_wait3A_55 : memref<64x128xf32, #tpu.memory_space<vmem>>) dst(%dma_wait3A_52 : memref<64x128xf32, #tpu.memory_space<vmem_shared>>)
      tpu.yield
    }) : () -> ()
    %barrier3A = arith.constant 0 : index
    tpu.barrier barrier_id(%barrier3A)
    %barrier3A_16 = arith.constant 0 : index
    tpu.barrier barrier_id(%barrier3A_16)
    %mul3A_17 = arith.constant 384 : i32
    %mul3A_18 = arith.muli %add3A, %mul3A_17 : i32
    %scan3A_19 = arith.constant 0 : i32
    %scan3A_20 = arith.constant 0 : i32
    %scan3A_21 = arith.constant 3 : i32
    %scan3A_22 = arith.addi %scan3A_20, %scan3A_21 : i32
    %scan3A_23 = arith.constant 1 : i32
    scf.for %scan3A_38 = %scan3A_20 to %scan3A_22 step %scan3A_23  : i32 {
      %mul3A_39 = arith.constant 128 : i32
      %mul3A_40 = arith.muli %scan3A_38, %mul3A_39 : i32
      %add3A_41 = arith.addi %mul3A_18, %mul3A_40 : i32
      "tpu.region"() ({
        %run_scoped3A = tpu.sem_alloc : memref<!tpu.dma_semaphore, #tpu.memory_space<semaphore_mem>>
        %dma_start3A = tpu.memref_slice %arg4[%add3A_41] : memref<12288xi32, #tpu.memory_space<hbm>> -> memref<128xi32, #tpu.memory_space<hbm>>
        %dma_start3A_42 = tpu.memref_slice %arg4[%add3A_41] : memref<12288xi32, #tpu.memory_space<hbm>> -> memref<128xi32, #tpu.memory_space<hbm>>
        tpu.enqueue_dma source(%dma_start3A_42 : memref<128xi32, #tpu.memory_space<hbm>>) target(%arg8 : memref<128xi32, #tpu.memory_space<vmem>>) target_semaphore(%run_scoped3A : memref<!tpu.dma_semaphore, #tpu.memory_space<semaphore_mem>>)
        %dma_wait3A = tpu.memref_slice %arg4[%add3A_41] : memref<12288xi32, #tpu.memory_space<hbm>> -> memref<128xi32, #tpu.memory_space<hbm>>
        %dma_wait3A_43 = tpu.memref_slice %arg4[%add3A_41] : memref<12288xi32, #tpu.memory_space<hbm>> -> memref<128xi32, #tpu.memory_space<hbm>>
        tpu.wait_dma2 semaphore(%run_scoped3A : memref<!tpu.dma_semaphore, #tpu.memory_space<semaphore_mem>>) src(%dma_wait3A_43 : memref<128xi32, #tpu.memory_space<hbm>>) dst(%arg8 : memref<128xi32, #tpu.memory_space<vmem>>)
        tpu.yield
      }) : () -> ()
      "tpu.region"() ({
        %run_scoped3A = tpu.sem_alloc : memref<!tpu.dma_semaphore, #tpu.memory_space<semaphore_mem>>
        %dma_start3A = tpu.memref_slice %arg3[%add3A_41] : memref<12288xi32, #tpu.memory_space<hbm>> -> memref<128xi32, #tpu.memory_space<hbm>>
        %dma_start3A_42 = tpu.memref_slice %arg3[%add3A_41] : memref<12288xi32, #tpu.memory_space<hbm>> -> memref<128xi32, #tpu.memory_space<hbm>>
        tpu.enqueue_dma source(%dma_start3A_42 : memref<128xi32, #tpu.memory_space<hbm>>) target(%arg7 : memref<128xi32, #tpu.memory_space<vmem>>) target_semaphore(%run_scoped3A : memref<!tpu.dma_semaphore, #tpu.memory_space<semaphore_mem>>)
        %dma_wait3A = tpu.memref_slice %arg3[%add3A_41] : memref<12288xi32, #tpu.memory_space<hbm>> -> memref<128xi32, #tpu.memory_space<hbm>>
        %dma_wait3A_43 = tpu.memref_slice %arg3[%add3A_41] : memref<12288xi32, #tpu.memory_space<hbm>> -> memref<128xi32, #tpu.memory_space<hbm>>
        tpu.wait_dma2 semaphore(%run_scoped3A : memref<!tpu.dma_semaphore, #tpu.memory_space<semaphore_mem>>) src(%dma_wait3A_43 : memref<128xi32, #tpu.memory_space<hbm>>) dst(%arg7 : memref<128xi32, #tpu.memory_space<vmem>>)
        tpu.yield
      }) : () -> ()
      "tpu.region"() ({
        %run_scoped3A = tpu.sem_alloc : memref<!tpu.dma_semaphore, #tpu.memory_space<semaphore_mem>>
        %dma_start3A = arith.constant 0 : i32
        %dma_start3A_42 = arith.constant 0 : i32
        %dma_start3A_43 = tpu.memref_slice %arg2[%dma_start3A, %dma_start3A_42] : memref<10000x128xf32, #tpu.memory_space<hbm>> -> memref<10000x128xf32, #tpu.memory_space<hbm>>
        tpu.enqueue_indirect_dma source(%dma_start3A_43 : memref<10000x128xf32, #tpu.memory_space<hbm>>) target(%arg9 : memref<128x128xf32, #tpu.memory_space<vmem>>) offsets(%arg7 : memref<128xi32, #tpu.memory_space<vmem>>) semaphore(%run_scoped3A : memref<!tpu.dma_semaphore, #tpu.memory_space<semaphore_mem>>)
        %dma_wait3A = arith.constant 0 : i32
        %dma_wait3A_44 = arith.constant 0 : i32
        %dma_wait3A_45 = tpu.memref_slice %arg2[%dma_wait3A, %dma_wait3A_44] : memref<10000x128xf32, #tpu.memory_space<hbm>> -> memref<10000x128xf32, #tpu.memory_space<hbm>>
        tpu.wait_indirect_dma semaphore(%run_scoped3A : memref<!tpu.dma_semaphore, #tpu.memory_space<semaphore_mem>>) src(%dma_wait3A_45 : memref<10000x128xf32, #tpu.memory_space<hbm>>) dst(%arg9 : memref<128x128xf32, #tpu.memory_space<vmem>>)
        tpu.yield
      }) : () -> ()
      "tpu.region"() ({
        %run_scoped3A = tpu.sem_alloc : memref<!tpu.dma_semaphore, #tpu.memory_space<semaphore_mem>>
        %dma_start3A = arith.constant 0 : i32
        %dma_start3A_42 = arith.constant 0 : i32
        %dma_start3A_43 = tpu.memref_slice %arg11[%dma_start3A, %dma_start3A_42] : memref<1024x128xf32, #tpu.memory_space<vmem_shared>> -> memref<1024x128xf32, #tpu.memory_space<vmem_shared>>
        tpu.enqueue_indirect_dma source(%arg9 : memref<128x128xf32, #tpu.memory_space<vmem>>) target(%dma_start3A_43 : memref<1024x128xf32, #tpu.memory_space<vmem_shared>>) offsets(%arg8 : memref<128xi32, #tpu.memory_space<vmem>>) semaphore(%run_scoped3A : memref<!tpu.dma_semaphore, #tpu.memory_space<semaphore_mem>>) {add = true}
        %dma_wait3A = arith.constant 0 : i32
        %dma_wait3A_44 = arith.constant 0 : i32
        %dma_wait3A_45 = tpu.memref_slice %arg11[%dma_wait3A, %dma_wait3A_44] : memref<1024x128xf32, #tpu.memory_space<vmem_shared>> -> memref<1024x128xf32, #tpu.memory_space<vmem_shared>>
        tpu.wait_indirect_dma semaphore(%run_scoped3A : memref<!tpu.dma_semaphore, #tpu.memory_space<semaphore_mem>>) src(%arg9 : memref<128x128xf32, #tpu.memory_space<vmem>>) dst(%dma_wait3A_45 : memref<1024x128xf32, #tpu.memory_space<vmem_shared>>)
        tpu.yield
      }) : () -> ()
    }
    %scan3A_24 = arith.constant 3 : i32
    %barrier3A_25 = arith.constant 0 : index
    tpu.barrier barrier_id(%barrier3A_25)
    %barrier3A_26 = arith.constant 0 : index
    tpu.barrier barrier_id(%barrier3A_26)
    %mul3A_27 = arith.constant 64 : i32
    %mul3A_28 = arith.muli %arg1, %mul3A_27 : i32
    %scan3A_29 = arith.constant 0 : i32
    %scan3A_30 = arith.constant 0 : i32
    %scan3A_31 = arith.constant 0 : i32
    %scan3A_32 = arith.addi %scan3A_30, %scan3A_31 : i32
    %scan3A_33 = arith.constant 0 : i32
    %add3A_34 = arith.constant 0 : i32
    %add3A_35 = arith.addi %mul3A_28, %add3A_34 : i32
    "tpu.region"() ({
      %run_scoped3A = tpu.sem_alloc : memref<!tpu.dma_semaphore, #tpu.memory_space<semaphore_mem>>
      %dma_start3A = arith.constant 0 : i32
      %dma_start3A_38 = arith.constant 0 : i32
      %dma_start3A_39 = tpu.memref_slice %arg10[%dma_start3A, %dma_start3A_38] : memref<128x128xf32, #tpu.memory_space<vmem>> -> memref<64x128xf32, #tpu.memory_space<vmem>>
      %dma_start3A_40 = arith.constant 0 : i32
      %dma_start3A_41 = tpu.memref_slice %arg11[%add3A_35, %dma_start3A_40] : memref<1024x128xf32, #tpu.memory_space<vmem_shared>> -> memref<64x128xf32, #tpu.memory_space<vmem_shared>>
      %dma_start3A_42 = arith.constant 0 : i32
      %dma_start3A_43 = arith.constant 0 : i32
      %dma_start3A_44 = tpu.memref_slice %arg10[%dma_start3A_42, %dma_start3A_43] : memref<128x128xf32, #tpu.memory_space<vmem>> -> memref<64x128xf32, #tpu.memory_space<vmem>>
      %dma_start3A_45 = arith.constant 0 : i32
      %dma_start3A_46 = tpu.memref_slice %arg11[%add3A_35, %dma_start3A_45] : memref<1024x128xf32, #tpu.memory_space<vmem_shared>> -> memref<64x128xf32, #tpu.memory_space<vmem_shared>>
      tpu.enqueue_dma source(%dma_start3A_46 : memref<64x128xf32, #tpu.memory_space<vmem_shared>>) target(%dma_start3A_44 : memref<64x128xf32, #tpu.memory_space<vmem>>) target_semaphore(%run_scoped3A : memref<!tpu.dma_semaphore, #tpu.memory_space<semaphore_mem>>)
      %dma_wait3A = arith.constant 0 : i32
      %dma_wait3A_47 = arith.constant 0 : i32
      %dma_wait3A_48 = tpu.memref_slice %arg10[%dma_wait3A, %dma_wait3A_47] : memref<128x128xf32, #tpu.memory_space<vmem>> -> memref<64x128xf32, #tpu.memory_space<vmem>>
      %dma_wait3A_49 = arith.constant 0 : i32
      %dma_wait3A_50 = tpu.memref_slice %arg11[%add3A_35, %dma_wait3A_49] : memref<1024x128xf32, #tpu.memory_space<vmem_shared>> -> memref<64x128xf32, #tpu.memory_space<vmem_shared>>
      %dma_wait3A_51 = arith.constant 0 : i32
      %dma_wait3A_52 = arith.constant 0 : i32
      %dma_wait3A_53 = tpu.memref_slice %arg10[%dma_wait3A_51, %dma_wait3A_52] : memref<128x128xf32, #tpu.memory_space<vmem>> -> memref<64x128xf32, #tpu.memory_space<vmem>>
      %dma_wait3A_54 = arith.constant 0 : i32
      %dma_wait3A_55 = tpu.memref_slice %arg11[%add3A_35, %dma_wait3A_54] : memref<1024x128xf32, #tpu.memory_space<vmem_shared>> -> memref<64x128xf32, #tpu.memory_space<vmem_shared>>
      tpu.wait_dma2 semaphore(%run_scoped3A : memref<!tpu.dma_semaphore, #tpu.memory_space<semaphore_mem>>) src(%dma_wait3A_55 : memref<64x128xf32, #tpu.memory_space<vmem_shared>>) dst(%dma_wait3A_53 : memref<64x128xf32, #tpu.memory_space<vmem>>)
      tpu.yield
    }) : () -> ()
    %add3A_36 = arith.constant 0 : i32
    %add3A_37 = arith.addi %mul3A_28, %add3A_36 : i32
    "tpu.region"() ({
      %run_scoped3A = tpu.sem_alloc : memref<!tpu.dma_semaphore, #tpu.memory_space<semaphore_mem>>
      %dma_start3A = arith.constant 0 : i32
      %dma_start3A_38 = arith.constant 0 : i32
      %dma_start3A_39 = tpu.memref_slice %arg10[%dma_start3A, %dma_start3A_38] : memref<128x128xf32, #tpu.memory_space<vmem>> -> memref<64x128xf32, #tpu.memory_space<vmem>>
      %dma_start3A_40 = arith.constant 0 : i32
      %dma_start3A_41 = tpu.memref_slice %arg6[%arg0, %add3A_37, %dma_start3A_40] : memref<2x1024x128xf32, #tpu.memory_space<hbm>> -> memref<1x64x128xf32, #tpu.memory_space<hbm>>
      %dma_start3A_42 = tpu.memref_squeeze %dma_start3A_41 : memref<1x64x128xf32, #tpu.memory_space<hbm>> -> memref<64x128xf32, #tpu.memory_space<hbm>>
      %dma_start3A_43 = arith.constant 0 : i32
      %dma_start3A_44 = tpu.memref_slice %arg6[%arg0, %add3A_37, %dma_start3A_43] : memref<2x1024x128xf32, #tpu.memory_space<hbm>> -> memref<1x64x128xf32, #tpu.memory_space<hbm>>
      %dma_start3A_45 = tpu.memref_squeeze %dma_start3A_44 : memref<1x64x128xf32, #tpu.memory_space<hbm>> -> memref<64x128xf32, #tpu.memory_space<hbm>>
      %dma_start3A_46 = arith.constant 0 : i32
      %dma_start3A_47 = arith.constant 0 : i32
      %dma_start3A_48 = tpu.memref_slice %arg10[%dma_start3A_46, %dma_start3A_47] : memref<128x128xf32, #tpu.memory_space<vmem>> -> memref<64x128xf32, #tpu.memory_space<vmem>>
      tpu.enqueue_dma source(%dma_start3A_48 : memref<64x128xf32, #tpu.memory_space<vmem>>) target(%dma_start3A_45 : memref<64x128xf32, #tpu.memory_space<hbm>>) target_semaphore(%run_scoped3A : memref<!tpu.dma_semaphore, #tpu.memory_space<semaphore_mem>>)
      %dma_wait3A = arith.constant 0 : i32
      %dma_wait3A_49 = arith.constant 0 : i32
      %dma_wait3A_50 = tpu.memref_slice %arg10[%dma_wait3A, %dma_wait3A_49] : memref<128x128xf32, #tpu.memory_space<vmem>> -> memref<64x128xf32, #tpu.memory_space<vmem>>
      %dma_wait3A_51 = arith.constant 0 : i32
      %dma_wait3A_52 = tpu.memref_slice %arg6[%arg0, %add3A_37, %dma_wait3A_51] : memref<2x1024x128xf32, #tpu.memory_space<hbm>> -> memref<1x64x128xf32, #tpu.memory_space<hbm>>
      %dma_wait3A_53 = tpu.memref_squeeze %dma_wait3A_52 : memref<1x64x128xf32, #tpu.memory_space<hbm>> -> memref<64x128xf32, #tpu.memory_space<hbm>>
      %dma_wait3A_54 = arith.constant 0 : i32
      %dma_wait3A_55 = tpu.memref_slice %arg6[%arg0, %add3A_37, %dma_wait3A_54] : memref<2x1024x128xf32, #tpu.memory_space<hbm>> -> memref<1x64x128xf32, #tpu.memory_space<hbm>>
      %dma_wait3A_56 = tpu.memref_squeeze %dma_wait3A_55 : memref<1x64x128xf32, #tpu.memory_space<hbm>> -> memref<64x128xf32, #tpu.memory_space<hbm>>
      %dma_wait3A_57 = arith.constant 0 : i32
      %dma_wait3A_58 = arith.constant 0 : i32
      %dma_wait3A_59 = tpu.memref_slice %arg10[%dma_wait3A_57, %dma_wait3A_58] : memref<128x128xf32, #tpu.memory_space<vmem>> -> memref<64x128xf32, #tpu.memory_space<vmem>>
      tpu.wait_dma2 semaphore(%run_scoped3A : memref<!tpu.dma_semaphore, #tpu.memory_space<semaphore_mem>>) src(%dma_wait3A_59 : memref<64x128xf32, #tpu.memory_space<vmem>>) dst(%dma_wait3A_56 : memref<64x128xf32, #tpu.memory_space<hbm>>)
      tpu.yield
    }) : () -> ()
    return
  }
}

module attributes {stable_mosaic.version = 14 : i64} {
  func.func @_pre_paper_body(%arg0: i32, %arg1: memref<1000x128xf32, #tpu.memory_space<vmem>>, %arg2: memref<2x1000x16xf32, #tpu.memory_space<vmem>>, %arg3: memref<128x256xf32, #tpu.memory_space<vmem>>, %arg4: memref<128x128xf32, #tpu.memory_space<vmem>>, %arg5: memref<1000x128xf32, #tpu.memory_space<vmem>>, %arg6: memref<1000x128xf32, #tpu.memory_space<vmem>>, %arg7: memref<1000x128xf32, #tpu.memory_space<vmem>>) attributes {dimension_semantics = [#tpu.dimension_semantics<arbitrary>], iteration_bounds = array<i64: 10>, scalar_prefetch = 0 : i64, scratch_operands = 0 : i64, tpu.core_type = #tpu.core_type<tc>, window_params = [{transform_indices = @transform_0, window_bounds = array<i64: 1000, 128>}, {transform_indices = @transform_1, window_bounds = array<i64: 2, 1000, 16>}, {pipeline_mode = #tpu.pipeline_mode<synchronous>, transform_indices = @transform_2, window_bounds = array<i64: 128, 256>}, {pipeline_mode = #tpu.pipeline_mode<synchronous>, transform_indices = @transform_3, window_bounds = array<i64: 128, 128>}, {transform_indices = @transform_4, window_bounds = array<i64: 1000, 128>}, {transform_indices = @transform_5, window_bounds = array<i64: 1000, 128>}, {transform_indices = @transform_6, window_bounds = array<i64: 1000, 128>}]} {
    %get3A = arith.constant 0 : index
    %get3A_0 = arith.constant 0 : index
    %get3A_1 = vector.load %arg1[%get3A, %get3A_0] : memref<1000x128xf32, #tpu.memory_space<vmem>>, vector<1000x128xf32>
    %get3A_2 = arith.constant 0 : index
    %get3A_3 = arith.constant 0 : index
    %get3A_4 = arith.constant 0 : index
    %get3A_5 = vector.load %arg2[%get3A_2, %get3A_3, %get3A_4] : memref<2x1000x16xf32, #tpu.memory_space<vmem>>, vector<1x1000x1xf32>
    %get3A_6 = vector.shape_cast %get3A_5 : vector<1x1000x1xf32> to vector<1000x1xf32>
    %get3A_7 = arith.constant 1 : index
    %get3A_8 = arith.constant 0 : index
    %get3A_9 = arith.constant 0 : index
    %get3A_10 = vector.load %arg2[%get3A_7, %get3A_8, %get3A_9] : memref<2x1000x16xf32, #tpu.memory_space<vmem>>, vector<1x1000x1xf32>
    %get3A_11 = vector.shape_cast %get3A_10 : vector<1x1000x1xf32> to vector<1000x1xf32>
    %add3A = arith.addf %get3A_6, %get3A_11 : vector<1000x1xf32>
    %add3A_12 = arith.constant 1.000000e+00 : f32
    %add3A_13 = vector.broadcast %add3A_12 : f32 to vector<1000x1xf32>
    %add3A_14 = arith.addf %add3A, %add3A_13 : vector<1000x1xf32>
    %rsqrt3A = math.rsqrt %add3A_14 : vector<1000x1xf32>
    %get3A_15 = arith.constant 0 : index
    %get3A_16 = arith.constant 0 : index
    %get3A_17 = vector.load %arg3[%get3A_15, %get3A_16] : memref<128x256xf32, #tpu.memory_space<vmem>>, vector<128x256xf32>
    %dot_general3A = arith.constant dense<0.000000e+00> : vector<1000x256xf32>
    %dot_general3A_18 = tpu.matmul %get3A_1, %get3A_17, %dot_general3A {dimension_numbers = #tpu.dot_dimension_numbers<[1], [0], [0], [1], [0, 0, 1, 1], [], []>, transpose_lhs_hint = false} : vector<1000x128xf32>, vector<128x256xf32>, vector<1000x256xf32> -> vector<1000x256xf32>
    %slice3A = vector.extract_strided_slice %dot_general3A_18 {offsets = [0, 0], sizes = [1000, 128], strides = [1, 1]} : vector<1000x256xf32> to vector<1000x128xf32>
    %swap3A = arith.constant 0 : index
    %swap3A_19 = arith.constant 0 : index
    %swap3A_20 = vector.load %arg5[%swap3A, %swap3A_19] : memref<1000x128xf32, #tpu.memory_space<vmem>>, vector<1000x128xf32>
    tpu.vector_store %arg5[%swap3A, %swap3A_19], %slice3A {strides = array<i32>} : memref<1000x128xf32, #tpu.memory_space<vmem>>, vector<1000x128xf32>,
    %slice3A_21 = vector.extract_strided_slice %dot_general3A_18 {offsets = [0, 128], sizes = [1000, 128], strides = [1, 1]} : vector<1000x256xf32> to vector<1000x128xf32>
    %swap3A_22 = arith.constant 0 : index
    %swap3A_23 = arith.constant 0 : index
    %swap3A_24 = vector.load %arg6[%swap3A_22, %swap3A_23] : memref<1000x128xf32, #tpu.memory_space<vmem>>, vector<1000x128xf32>
    tpu.vector_store %arg6[%swap3A_22, %swap3A_23], %slice3A_21 {strides = array<i32>} : memref<1000x128xf32, #tpu.memory_space<vmem>>, vector<1000x128xf32>,
    %mul3A = vector.broadcast %rsqrt3A : vector<1000x1xf32> to vector<1000x128xf32>
    %mul3A_25 = arith.mulf %get3A_1, %mul3A : vector<1000x128xf32>
    %get3A_26 = arith.constant 0 : index
    %get3A_27 = arith.constant 0 : index
    %get3A_28 = vector.load %arg4[%get3A_26, %get3A_27] : memref<128x128xf32, #tpu.memory_space<vmem>>, vector<128x128xf32>
    %dot_general3A_29 = arith.constant dense<0.000000e+00> : vector<1000x128xf32>
    %dot_general3A_30 = tpu.matmul %mul3A_25, %get3A_28, %dot_general3A_29 {dimension_numbers = #tpu.dot_dimension_numbers<[1], [0], [0], [1], [0, 0, 1, 1], [], []>, transpose_lhs_hint = false} : vector<1000x128xf32>, vector<128x128xf32>, vector<1000x128xf32> -> vector<1000x128xf32>
    %swap3A_31 = arith.constant 0 : index
    %swap3A_32 = arith.constant 0 : index
    %swap3A_33 = vector.load %arg7[%swap3A_31, %swap3A_32] : memref<1000x128xf32, #tpu.memory_space<vmem>>, vector<1000x128xf32>
    tpu.vector_store %arg7[%swap3A_31, %swap3A_32], %dot_general3A_30 {strides = array<i32>} : memref<1000x128xf32, #tpu.memory_space<vmem>>, vector<1000x128xf32>,
    return
  }
  func.func @transform_0(%arg0: i32) -> (i32, i32) {
    %c0_i32 = arith.constant 0 : i32
    %c0_i32_0 = arith.constant 0 : i32
    return %arg0, %c0_i32 : i32, i32
  }
  func.func @transform_1(%arg0: i32) -> (i32, i32, i32) {
    %c0_i32 = arith.constant 0 : i32
    %c0_i32_0 = arith.constant 0 : i32
    %c0_i32_1 = arith.constant 0 : i32
    return %c0_i32, %arg0, %c0_i32_0 : i32, i32, i32
  }
  func.func @transform_2(%arg0: i32) -> (i32, i32) {
    %c0_i32 = arith.constant 0 : i32
    %c0_i32_0 = arith.constant 0 : i32
    %c0_i32_1 = arith.constant 0 : i32
    return %c0_i32, %c0_i32_0 : i32, i32
  }
  func.func @transform_3(%arg0: i32) -> (i32, i32) {
    %c0_i32 = arith.constant 0 : i32
    %c0_i32_0 = arith.constant 0 : i32
    %c0_i32_1 = arith.constant 0 : i32
    return %c0_i32, %c0_i32_0 : i32, i32
  }
  func.func @transform_4(%arg0: i32) -> (i32, i32) {
    %c0_i32 = arith.constant 0 : i32
    %c0_i32_0 = arith.constant 0 : i32
    return %arg0, %c0_i32 : i32, i32
  }
  func.func @transform_5(%arg0: i32) -> (i32, i32) {
    %c0_i32 = arith.constant 0 : i32
    %c0_i32_0 = arith.constant 0 : i32
    return %arg0, %c0_i32 : i32, i32
  }
  func.func @transform_6(%arg0: i32) -> (i32, i32) {
    %c0_i32 = arith.constant 0 : i32
    %c0_i32_0 = arith.constant 0 : i32
    return %arg0, %c0_i32 : i32, i32
  }
}

module attributes {stable_mosaic.version = 14 : i64} {
  func.func @_pre_label_body(%arg0: memref<1000x128xf32, #tpu.memory_space<vmem>>, %arg1: memref<128x256xf32, #tpu.memory_space<vmem>>, %arg2: memref<1000x128xf32, #tpu.memory_space<vmem>>, %arg3: memref<1000x128xf32, #tpu.memory_space<vmem>>) attributes {dimension_semantics = [], scalar_prefetch = 0 : i64, scratch_operands = 0 : i64, tpu.core_type = #tpu.core_type<tc>} {
    %get3A = arith.constant 0 : index
    %get3A_0 = arith.constant 0 : index
    %get3A_1 = vector.load %arg0[%get3A, %get3A_0] : memref<1000x128xf32, #tpu.memory_space<vmem>>, vector<1000x128xf32>
    %get3A_2 = arith.constant 0 : index
    %get3A_3 = arith.constant 0 : index
    %get3A_4 = vector.load %arg1[%get3A_2, %get3A_3] : memref<128x256xf32, #tpu.memory_space<vmem>>, vector<128x256xf32>
    %dot_general3A = arith.constant dense<0.000000e+00> : vector<1000x256xf32>
    %dot_general3A_5 = tpu.matmul %get3A_1, %get3A_4, %dot_general3A {dimension_numbers = #tpu.dot_dimension_numbers<[1], [0], [0], [1], [0, 0, 1, 1], [], []>, transpose_lhs_hint = false} : vector<1000x128xf32>, vector<128x256xf32>, vector<1000x256xf32> -> vector<1000x256xf32>
    %slice3A = vector.extract_strided_slice %dot_general3A_5 {offsets = [0, 0], sizes = [1000, 128], strides = [1, 1]} : vector<1000x256xf32> to vector<1000x128xf32>
    %swap3A = arith.constant 0 : index
    %swap3A_6 = arith.constant 0 : index
    %swap3A_7 = vector.load %arg2[%swap3A, %swap3A_6] : memref<1000x128xf32, #tpu.memory_space<vmem>>, vector<1000x128xf32>
    tpu.vector_store %arg2[%swap3A, %swap3A_6], %slice3A {strides = array<i32>} : memref<1000x128xf32, #tpu.memory_space<vmem>>, vector<1000x128xf32>,
    %slice3A_8 = vector.extract_strided_slice %dot_general3A_5 {offsets = [0, 128], sizes = [1000, 128], strides = [1, 1]} : vector<1000x256xf32> to vector<1000x128xf32>
    %swap3A_9 = arith.constant 0 : index
    %swap3A_10 = arith.constant 0 : index
    %swap3A_11 = vector.load %arg3[%swap3A_9, %swap3A_10] : memref<1000x128xf32, #tpu.memory_space<vmem>>, vector<1000x128xf32>
    tpu.vector_store %arg3[%swap3A_9, %swap3A_10], %slice3A_8 {strides = array<i32>} : memref<1000x128xf32, #tpu.memory_space<vmem>>, vector<1000x128xf32>,
    return
  }
}

module attributes {stable_mosaic.version = 14 : i64} {
  func.func @_mid_paper_body(%arg0: i32, %arg1: memref<2x1000x128xf32, #tpu.memory_space<vmem>>, %arg2: memref<2x1000x128xf32, #tpu.memory_space<vmem>>, %arg3: memref<1000x128xf32, #tpu.memory_space<vmem>>, %arg4: memref<1000x128xf32, #tpu.memory_space<vmem>>, %arg5: memref<2x1000x16xf32, #tpu.memory_space<vmem>>, %arg6: memref<1x128xf32, #tpu.memory_space<vmem>>, %arg7: memref<1x128xf32, #tpu.memory_space<vmem>>, %arg8: memref<1000x128xf32, #tpu.memory_space<vmem>>, %arg9: memref<1000x128xf32, #tpu.memory_space<vmem>>) attributes {dimension_semantics = [#tpu.dimension_semantics<arbitrary>], iteration_bounds = array<i64: 10>, scalar_prefetch = 0 : i64, scratch_operands = 0 : i64, tpu.core_type = #tpu.core_type<tc>, window_params = [{transform_indices = @transform_0, window_bounds = array<i64: 2, 1000, 128>}, {transform_indices = @transform_1, window_bounds = array<i64: 2, 1000, 128>}, {transform_indices = @transform_2, window_bounds = array<i64: 1000, 128>}, {transform_indices = @transform_3, window_bounds = array<i64: 1000, 128>}, {transform_indices = @transform_4, window_bounds = array<i64: 2, 1000, 16>}, {pipeline_mode = #tpu.pipeline_mode<synchronous>, transform_indices = @transform_5, window_bounds = array<i64: 1, 128>}, {pipeline_mode = #tpu.pipeline_mode<synchronous>, transform_indices = @transform_6, window_bounds = array<i64: 1, 128>}, {transform_indices = @transform_7, window_bounds = array<i64: 1000, 128>}, {transform_indices = @transform_8, window_bounds = array<i64: 1000, 128>}]} {
    %get3A = arith.constant 0 : index
    %get3A_0 = arith.constant 0 : index
    %get3A_1 = arith.constant 0 : index
    %get3A_2 = vector.load %arg5[%get3A, %get3A_0, %get3A_1] : memref<2x1000x16xf32, #tpu.memory_space<vmem>>, vector<1x1000x1xf32>
    %get3A_3 = vector.shape_cast %get3A_2 : vector<1x1000x1xf32> to vector<1000x1xf32>
    %get3A_4 = arith.constant 1 : index
    %get3A_5 = arith.constant 0 : index
    %get3A_6 = arith.constant 0 : index
    %get3A_7 = vector.load %arg5[%get3A_4, %get3A_5, %get3A_6] : memref<2x1000x16xf32, #tpu.memory_space<vmem>>, vector<1x1000x1xf32>
    %get3A_8 = vector.shape_cast %get3A_7 : vector<1x1000x1xf32> to vector<1000x1xf32>
    %add3A = arith.addf %get3A_3, %get3A_8 : vector<1000x1xf32>
    %add3A_9 = arith.constant 1.000000e+00 : f32
    %add3A_10 = vector.broadcast %add3A_9 : f32 to vector<1000x1xf32>
    %add3A_11 = arith.addf %add3A, %add3A_10 : vector<1000x1xf32>
    %rsqrt3A = math.rsqrt %add3A_11 : vector<1000x1xf32>
    %get3A_12 = arith.constant 0 : index
    %get3A_13 = arith.constant 0 : index
    %get3A_14 = arith.constant 0 : index
    %get3A_15 = vector.load %arg1[%get3A_12, %get3A_13, %get3A_14] : memref<2x1000x128xf32, #tpu.memory_space<vmem>>, vector<1x1000x128xf32>
    %get3A_16 = vector.shape_cast %get3A_15 : vector<1x1000x128xf32> to vector<1000x128xf32>
    %get3A_17 = arith.constant 1 : index
    %get3A_18 = arith.constant 0 : index
    %get3A_19 = arith.constant 0 : index
    %get3A_20 = vector.load %arg1[%get3A_17, %get3A_18, %get3A_19] : memref<2x1000x128xf32, #tpu.memory_space<vmem>>, vector<1x1000x128xf32>
    %get3A_21 = vector.shape_cast %get3A_20 : vector<1x1000x128xf32> to vector<1000x128xf32>
    %add3A_22 = arith.addf %get3A_16, %get3A_21 : vector<1000x128xf32>
    %get3A_23 = arith.constant 0 : index
    %get3A_24 = arith.constant 0 : index
    %get3A_25 = vector.load %arg3[%get3A_23, %get3A_24] : memref<1000x128xf32, #tpu.memory_space<vmem>>, vector<1000x128xf32>
    %add3A_26 = arith.addf %add3A_22, %get3A_25 : vector<1000x128xf32>
    %mul3A = vector.broadcast %rsqrt3A : vector<1000x1xf32> to vector<1000x128xf32>
    %mul3A_27 = arith.mulf %mul3A, %add3A_26 : vector<1000x128xf32>
    %get3A_28 = arith.constant 0 : index
    %get3A_29 = arith.constant 0 : index
    %get3A_30 = vector.load %arg6[%get3A_28, %get3A_29] : memref<1x128xf32, #tpu.memory_space<vmem>>, vector<1x128xf32>
    %add3A_31 = vector.broadcast %get3A_30 : vector<1x128xf32> to vector<1000x128xf32>
    %add3A_32 = arith.addf %mul3A_27, %add3A_31 : vector<1000x128xf32>
    %get3A_33 = arith.constant 0 : index
    %get3A_34 = arith.constant 0 : index
    %get3A_35 = arith.constant 0 : index
    %get3A_36 = vector.load %arg2[%get3A_33, %get3A_34, %get3A_35] : memref<2x1000x128xf32, #tpu.memory_space<vmem>>, vector<1x1000x128xf32>
    %get3A_37 = vector.shape_cast %get3A_36 : vector<1x1000x128xf32> to vector<1000x128xf32>
    %get3A_38 = arith.constant 1 : index
    %get3A_39 = arith.constant 0 : index
    %get3A_40 = arith.constant 0 : index
    %get3A_41 = vector.load %arg2[%get3A_38, %get3A_39, %get3A_40] : memref<2x1000x128xf32, #tpu.memory_space<vmem>>, vector<1x1000x128xf32>
    %get3A_42 = vector.shape_cast %get3A_41 : vector<1x1000x128xf32> to vector<1000x128xf32>
    %add3A_43 = arith.addf %get3A_37, %get3A_42 : vector<1000x128xf32>
    %get3A_44 = arith.constant 0 : index
    %get3A_45 = arith.constant 0 : index
    %get3A_46 = vector.load %arg7[%get3A_44, %get3A_45] : memref<1x128xf32, #tpu.memory_space<vmem>>, vector<1x128xf32>
    %add3A_47 = vector.broadcast %get3A_46 : vector<1x128xf32> to vector<1000x128xf32>
    %add3A_48 = arith.addf %add3A_43, %add3A_47 : vector<1000x128xf32>
    %get3A_49 = arith.constant 0 : index
    %get3A_50 = arith.constant 0 : index
    %get3A_51 = vector.load %arg4[%get3A_49, %get3A_50] : memref<1000x128xf32, #tpu.memory_space<vmem>>, vector<1000x128xf32>
    %add3A_52 = arith.addf %add3A_48, %get3A_51 : vector<1000x128xf32>
    %add3A_53 = arith.addf %add3A_32, %add3A_52 : vector<1000x128xf32>
    %mul3A_54 = arith.constant 5.000000e-01 : f32
    %mul3A_55 = vector.broadcast %mul3A_54 : f32 to vector<1000x128xf32>
    %mul3A_56 = arith.mulf %mul3A_55, %add3A_53 : vector<1000x128xf32>
    %max3A = arith.constant 0.000000e+00 : f32
    %max3A_57 = vector.broadcast %max3A : f32 to vector<1000x128xf32>
    %max3A_58 = arith.maximumf %mul3A_56, %max3A_57 : vector<1000x128xf32>
    %swap3A = arith.constant 0 : index
    %swap3A_59 = arith.constant 0 : index
    %swap3A_60 = vector.load %arg8[%swap3A, %swap3A_59] : memref<1000x128xf32, #tpu.memory_space<vmem>>, vector<1000x128xf32>
    tpu.vector_store %arg8[%swap3A, %swap3A_59], %max3A_58 {strides = array<i32>} : memref<1000x128xf32, #tpu.memory_space<vmem>>, vector<1000x128xf32>,
    %mul3A_61 = vector.broadcast %rsqrt3A : vector<1000x1xf32> to vector<1000x128xf32>
    %mul3A_62 = arith.mulf %max3A_58, %mul3A_61 : vector<1000x128xf32>
    %swap3A_63 = arith.constant 0 : index
    %swap3A_64 = arith.constant 0 : index
    %swap3A_65 = vector.load %arg9[%swap3A_63, %swap3A_64] : memref<1000x128xf32, #tpu.memory_space<vmem>>, vector<1000x128xf32>
    tpu.vector_store %arg9[%swap3A_63, %swap3A_64], %mul3A_62 {strides = array<i32>} : memref<1000x128xf32, #tpu.memory_space<vmem>>, vector<1000x128xf32>,
    return
  }
  func.func @transform_0(%arg0: i32) -> (i32, i32, i32) {
    %c0_i32 = arith.constant 0 : i32
    %c0_i32_0 = arith.constant 0 : i32
    %c0_i32_1 = arith.constant 0 : i32
    return %c0_i32, %arg0, %c0_i32_0 : i32, i32, i32
  }
  func.func @transform_1(%arg0: i32) -> (i32, i32, i32) {
    %c0_i32 = arith.constant 0 : i32
    %c0_i32_0 = arith.constant 0 : i32
    %c0_i32_1 = arith.constant 0 : i32
    return %c0_i32, %arg0, %c0_i32_0 : i32, i32, i32
  }
  func.func @transform_2(%arg0: i32) -> (i32, i32) {
    %c0_i32 = arith.constant 0 : i32
    %c0_i32_0 = arith.constant 0 : i32
    return %arg0, %c0_i32 : i32, i32
  }
  func.func @transform_3(%arg0: i32) -> (i32, i32) {
    %c0_i32 = arith.constant 0 : i32
    %c0_i32_0 = arith.constant 0 : i32
    return %arg0, %c0_i32 : i32, i32
  }
  func.func @transform_4(%arg0: i32) -> (i32, i32, i32) {
    %c0_i32 = arith.constant 0 : i32
    %c0_i32_0 = arith.constant 0 : i32
    %c0_i32_1 = arith.constant 0 : i32
    return %c0_i32, %arg0, %c0_i32_0 : i32, i32, i32
  }
  func.func @transform_5(%arg0: i32) -> (i32, i32) {
    %c0_i32 = arith.constant 0 : i32
    %c0_i32_0 = arith.constant 0 : i32
    %c0_i32_1 = arith.constant 0 : i32
    return %c0_i32, %c0_i32_0 : i32, i32
  }
  func.func @transform_6(%arg0: i32) -> (i32, i32) {
    %c0_i32 = arith.constant 0 : i32
    %c0_i32_0 = arith.constant 0 : i32
    %c0_i32_1 = arith.constant 0 : i32
    return %c0_i32, %c0_i32_0 : i32, i32
  }
  func.func @transform_7(%arg0: i32) -> (i32, i32) {
    %c0_i32 = arith.constant 0 : i32
    %c0_i32_0 = arith.constant 0 : i32
    return %arg0, %c0_i32 : i32, i32
  }
  func.func @transform_8(%arg0: i32) -> (i32, i32) {
    %c0_i32 = arith.constant 0 : i32
    %c0_i32_0 = arith.constant 0 : i32
    return %arg0, %c0_i32 : i32, i32
  }
}

module attributes {stable_mosaic.version = 14 : i64} {
  func.func @_mid_label_body(%arg0: memref<2x1000x128xf32, #tpu.memory_space<vmem>>, %arg1: memref<1000x128xf32, #tpu.memory_space<vmem>>, %arg2: memref<1x128xf32, #tpu.memory_space<vmem>>, %arg3: memref<1000x128xf32, #tpu.memory_space<vmem>>) attributes {dimension_semantics = [], scalar_prefetch = 0 : i64, scratch_operands = 0 : i64, tpu.core_type = #tpu.core_type<tc>} {
    %get3A = arith.constant 0 : index
    %get3A_0 = arith.constant 0 : index
    %get3A_1 = arith.constant 0 : index
    %get3A_2 = vector.load %arg0[%get3A, %get3A_0, %get3A_1] : memref<2x1000x128xf32, #tpu.memory_space<vmem>>, vector<1x1000x128xf32>
    %get3A_3 = vector.shape_cast %get3A_2 : vector<1x1000x128xf32> to vector<1000x128xf32>
    %get3A_4 = arith.constant 1 : index
    %get3A_5 = arith.constant 0 : index
    %get3A_6 = arith.constant 0 : index
    %get3A_7 = vector.load %arg0[%get3A_4, %get3A_5, %get3A_6] : memref<2x1000x128xf32, #tpu.memory_space<vmem>>, vector<1x1000x128xf32>
    %get3A_8 = vector.shape_cast %get3A_7 : vector<1x1000x128xf32> to vector<1000x128xf32>
    %add3A = arith.addf %get3A_3, %get3A_8 : vector<1000x128xf32>
    %get3A_9 = arith.constant 0 : index
    %get3A_10 = arith.constant 0 : index
    %get3A_11 = vector.load %arg2[%get3A_9, %get3A_10] : memref<1x128xf32, #tpu.memory_space<vmem>>, vector<1x128xf32>
    %add3A_12 = vector.broadcast %get3A_11 : vector<1x128xf32> to vector<1000x128xf32>
    %add3A_13 = arith.addf %add3A, %add3A_12 : vector<1000x128xf32>
    %get3A_14 = arith.constant 0 : index
    %get3A_15 = arith.constant 0 : index
    %get3A_16 = vector.load %arg1[%get3A_14, %get3A_15] : memref<1000x128xf32, #tpu.memory_space<vmem>>, vector<1000x128xf32>
    %add3A_17 = arith.addf %add3A_13, %get3A_16 : vector<1000x128xf32>
    %max3A = arith.constant 0.000000e+00 : f32
    %max3A_18 = vector.broadcast %max3A : f32 to vector<1000x128xf32>
    %max3A_19 = arith.maximumf %add3A_17, %max3A_18 : vector<1000x128xf32>
    %swap3A = arith.constant 0 : index
    %swap3A_20 = arith.constant 0 : index
    %swap3A_21 = vector.load %arg3[%swap3A, %swap3A_20] : memref<1000x128xf32, #tpu.memory_space<vmem>>, vector<1000x128xf32>
    tpu.vector_store %arg3[%swap3A, %swap3A_20], %max3A_19 {strides = array<i32>} : memref<1000x128xf32, #tpu.memory_space<vmem>>, vector<1000x128xf32>,
    return
  }
}

module attributes {stable_mosaic.version = 14 : i64} {
  func.func @_post_paper_body(%arg0: i32, %arg1: memref<2x1000x128xf32, #tpu.memory_space<vmem>>, %arg2: memref<2x1000x128xf32, #tpu.memory_space<vmem>>, %arg3: memref<1000x128xf32, #tpu.memory_space<vmem>>, %arg4: memref<1000x128xf32, #tpu.memory_space<vmem>>, %arg5: memref<2x1000x16xf32, #tpu.memory_space<vmem>>, %arg6: memref<1x64xf32, #tpu.memory_space<vmem>>, %arg7: memref<1x64xf32, #tpu.memory_space<vmem>>, %arg8: memref<128x64xf32, #tpu.memory_space<vmem>>, %arg9: memref<128x64xf32, #tpu.memory_space<vmem>>, %arg10: memref<128x64xf32, #tpu.memory_space<vmem>>, %arg11: memref<1000x64xf32, #tpu.memory_space<vmem>>) attributes {dimension_semantics = [#tpu.dimension_semantics<arbitrary>], iteration_bounds = array<i64: 10>, scalar_prefetch = 0 : i64, scratch_operands = 0 : i64, tpu.core_type = #tpu.core_type<tc>, window_params = [{transform_indices = @transform_0, window_bounds = array<i64: 2, 1000, 128>}, {transform_indices = @transform_1, window_bounds = array<i64: 2, 1000, 128>}, {transform_indices = @transform_2, window_bounds = array<i64: 1000, 128>}, {transform_indices = @transform_3, window_bounds = array<i64: 1000, 128>}, {transform_indices = @transform_4, window_bounds = array<i64: 2, 1000, 16>}, {pipeline_mode = #tpu.pipeline_mode<synchronous>, transform_indices = @transform_5, window_bounds = array<i64: 1, 64>}, {pipeline_mode = #tpu.pipeline_mode<synchronous>, transform_indices = @transform_6, window_bounds = array<i64: 1, 64>}, {pipeline_mode = #tpu.pipeline_mode<synchronous>, transform_indices = @transform_7, window_bounds = array<i64: 128, 64>}, {pipeline_mode = #tpu.pipeline_mode<synchronous>, transform_indices = @transform_8, window_bounds = array<i64: 128, 64>}, {pipeline_mode = #tpu.pipeline_mode<synchronous>, transform_indices = @transform_9, window_bounds = array<i64: 128, 64>}, {transform_indices = @transform_10, window_bounds = array<i64: 1000, 64>}]} {
    %get3A = arith.constant 0 : index
    %get3A_0 = arith.constant 0 : index
    %get3A_1 = arith.constant 0 : index
    %get3A_2 = vector.load %arg5[%get3A, %get3A_0, %get3A_1] : memref<2x1000x16xf32, #tpu.memory_space<vmem>>, vector<1x1000x1xf32>
    %get3A_3 = vector.shape_cast %get3A_2 : vector<1x1000x1xf32> to vector<1000x1xf32>
    %get3A_4 = arith.constant 1 : index
    %get3A_5 = arith.constant 0 : index
    %get3A_6 = arith.constant 0 : index
    %get3A_7 = vector.load %arg5[%get3A_4, %get3A_5, %get3A_6] : memref<2x1000x16xf32, #tpu.memory_space<vmem>>, vector<1x1000x1xf32>
    %get3A_8 = vector.shape_cast %get3A_7 : vector<1x1000x1xf32> to vector<1000x1xf32>
    %add3A = arith.addf %get3A_3, %get3A_8 : vector<1000x1xf32>
    %add3A_9 = arith.constant 1.000000e+00 : f32
    %add3A_10 = vector.broadcast %add3A_9 : f32 to vector<1000x1xf32>
    %add3A_11 = arith.addf %add3A, %add3A_10 : vector<1000x1xf32>
    %rsqrt3A = math.rsqrt %add3A_11 : vector<1000x1xf32>
    %get3A_12 = arith.constant 0 : index
    %get3A_13 = arith.constant 0 : index
    %get3A_14 = arith.constant 0 : index
    %get3A_15 = vector.load %arg1[%get3A_12, %get3A_13, %get3A_14] : memref<2x1000x128xf32, #tpu.memory_space<vmem>>, vector<1x1000x128xf32>
    %get3A_16 = vector.shape_cast %get3A_15 : vector<1x1000x128xf32> to vector<1000x128xf32>
    %get3A_17 = arith.constant 1 : index
    %get3A_18 = arith.constant 0 : index
    %get3A_19 = arith.constant 0 : index
    %get3A_20 = vector.load %arg1[%get3A_17, %get3A_18, %get3A_19] : memref<2x1000x128xf32, #tpu.memory_space<vmem>>, vector<1x1000x128xf32>
    %get3A_21 = vector.shape_cast %get3A_20 : vector<1x1000x128xf32> to vector<1000x128xf32>
    %add3A_22 = arith.addf %get3A_16, %get3A_21 : vector<1000x128xf32>
    %get3A_23 = arith.constant 0 : index
    %get3A_24 = arith.constant 0 : index
    %get3A_25 = vector.load %arg3[%get3A_23, %get3A_24] : memref<1000x128xf32, #tpu.memory_space<vmem>>, vector<1000x128xf32>
    %add3A_26 = arith.addf %add3A_22, %get3A_25 : vector<1000x128xf32>
    %get3A_27 = arith.constant 0 : index
    %get3A_28 = arith.constant 0 : index
    %get3A_29 = vector.load %arg8[%get3A_27, %get3A_28] : memref<128x64xf32, #tpu.memory_space<vmem>>, vector<128x64xf32>
    %dot_general3A = arith.constant dense<0.000000e+00> : vector<1000x64xf32>
    %dot_general3A_30 = tpu.matmul %add3A_26, %get3A_29, %dot_general3A {dimension_numbers = #tpu.dot_dimension_numbers<[1], [0], [0], [1], [0, 0, 1, 1], [], []>, transpose_lhs_hint = false} : vector<1000x128xf32>, vector<128x64xf32>, vector<1000x64xf32> -> vector<1000x64xf32>
    %mul3A = vector.broadcast %rsqrt3A : vector<1000x1xf32> to vector<1000x64xf32>
    %mul3A_31 = arith.mulf %mul3A, %dot_general3A_30 : vector<1000x64xf32>
    %get3A_32 = arith.constant 0 : index
    %get3A_33 = arith.constant 0 : index
    %get3A_34 = vector.load %arg6[%get3A_32, %get3A_33] : memref<1x64xf32, #tpu.memory_space<vmem>>, vector<1x64xf32>
    %add3A_35 = vector.broadcast %get3A_34 : vector<1x64xf32> to vector<1000x64xf32>
    %add3A_36 = arith.addf %mul3A_31, %add3A_35 : vector<1000x64xf32>
    %get3A_37 = arith.constant 0 : index
    %get3A_38 = arith.constant 0 : index
    %get3A_39 = arith.constant 0 : index
    %get3A_40 = vector.load %arg2[%get3A_37, %get3A_38, %get3A_39] : memref<2x1000x128xf32, #tpu.memory_space<vmem>>, vector<1x1000x128xf32>
    %get3A_41 = vector.shape_cast %get3A_40 : vector<1x1000x128xf32> to vector<1000x128xf32>
    %get3A_42 = arith.constant 1 : index
    %get3A_43 = arith.constant 0 : index
    %get3A_44 = arith.constant 0 : index
    %get3A_45 = vector.load %arg2[%get3A_42, %get3A_43, %get3A_44] : memref<2x1000x128xf32, #tpu.memory_space<vmem>>, vector<1x1000x128xf32>
    %get3A_46 = vector.shape_cast %get3A_45 : vector<1x1000x128xf32> to vector<1000x128xf32>
    %add3A_47 = arith.addf %get3A_41, %get3A_46 : vector<1000x128xf32>
    %get3A_48 = arith.constant 0 : index
    %get3A_49 = arith.constant 0 : index
    %get3A_50 = vector.load %arg9[%get3A_48, %get3A_49] : memref<128x64xf32, #tpu.memory_space<vmem>>, vector<128x64xf32>
    %dot_general3A_51 = arith.constant dense<0.000000e+00> : vector<1000x64xf32>
    %dot_general3A_52 = tpu.matmul %add3A_47, %get3A_50, %dot_general3A_51 {dimension_numbers = #tpu.dot_dimension_numbers<[1], [0], [0], [1], [0, 0, 1, 1], [], []>, transpose_lhs_hint = false} : vector<1000x128xf32>, vector<128x64xf32>, vector<1000x64xf32> -> vector<1000x64xf32>
    %get3A_53 = arith.constant 0 : index
    %get3A_54 = arith.constant 0 : index
    %get3A_55 = vector.load %arg7[%get3A_53, %get3A_54] : memref<1x64xf32, #tpu.memory_space<vmem>>, vector<1x64xf32>
    %add3A_56 = vector.broadcast %get3A_55 : vector<1x64xf32> to vector<1000x64xf32>
    %add3A_57 = arith.addf %dot_general3A_52, %add3A_56 : vector<1000x64xf32>
    %get3A_58 = arith.constant 0 : index
    %get3A_59 = arith.constant 0 : index
    %get3A_60 = vector.load %arg4[%get3A_58, %get3A_59] : memref<1000x128xf32, #tpu.memory_space<vmem>>, vector<1000x128xf32>
    %get3A_61 = arith.constant 0 : index
    %get3A_62 = arith.constant 0 : index
    %get3A_63 = vector.load %arg10[%get3A_61, %get3A_62] : memref<128x64xf32, #tpu.memory_space<vmem>>, vector<128x64xf32>
    %dot_general3A_64 = arith.constant dense<0.000000e+00> : vector<1000x64xf32>
    %dot_general3A_65 = tpu.matmul %get3A_60, %get3A_63, %dot_general3A_64 {dimension_numbers = #tpu.dot_dimension_numbers<[1], [0], [0], [1], [0, 0, 1, 1], [], []>, transpose_lhs_hint = false} : vector<1000x128xf32>, vector<128x64xf32>, vector<1000x64xf32> -> vector<1000x64xf32>
    %add3A_66 = arith.addf %add3A_57, %dot_general3A_65 : vector<1000x64xf32>
    %add3A_67 = arith.addf %add3A_36, %add3A_66 : vector<1000x64xf32>
    %mul3A_68 = arith.constant 5.000000e-01 : f32
    %mul3A_69 = vector.broadcast %mul3A_68 : f32 to vector<1000x64xf32>
    %mul3A_70 = arith.mulf %mul3A_69, %add3A_67 : vector<1000x64xf32>
    %swap3A = arith.constant 0 : index
    %swap3A_71 = arith.constant 0 : index
    %swap3A_72 = vector.load %arg11[%swap3A, %swap3A_71] : memref<1000x64xf32, #tpu.memory_space<vmem>>, vector<1000x64xf32>
    tpu.vector_store %arg11[%swap3A, %swap3A_71], %mul3A_70 {strides = array<i32>} : memref<1000x64xf32, #tpu.memory_space<vmem>>, vector<1000x64xf32>,
    return
  }
  func.func @transform_0(%arg0: i32) -> (i32, i32, i32) {
    %c0_i32 = arith.constant 0 : i32
    %c0_i32_0 = arith.constant 0 : i32
    %c0_i32_1 = arith.constant 0 : i32
    return %c0_i32, %arg0, %c0_i32_0 : i32, i32, i32
  }
  func.func @transform_1(%arg0: i32) -> (i32, i32, i32) {
    %c0_i32 = arith.constant 0 : i32
    %c0_i32_0 = arith.constant 0 : i32
    %c0_i32_1 = arith.constant 0 : i32
    return %c0_i32, %arg0, %c0_i32_0 : i32, i32, i32
  }
  func.func @transform_2(%arg0: i32) -> (i32, i32) {
    %c0_i32 = arith.constant 0 : i32
    %c0_i32_0 = arith.constant 0 : i32
    return %arg0, %c0_i32 : i32, i32
  }
  func.func @transform_3(%arg0: i32) -> (i32, i32) {
    %c0_i32 = arith.constant 0 : i32
    %c0_i32_0 = arith.constant 0 : i32
    return %arg0, %c0_i32 : i32, i32
  }
  func.func @transform_4(%arg0: i32) -> (i32, i32, i32) {
    %c0_i32 = arith.constant 0 : i32
    %c0_i32_0 = arith.constant 0 : i32
    %c0_i32_1 = arith.constant 0 : i32
    return %c0_i32, %arg0, %c0_i32_0 : i32, i32, i32
  }
  func.func @transform_5(%arg0: i32) -> (i32, i32) {
    %c0_i32 = arith.constant 0 : i32
    %c0_i32_0 = arith.constant 0 : i32
    %c0_i32_1 = arith.constant 0 : i32
    return %c0_i32, %c0_i32_0 : i32, i32
  }
  func.func @transform_6(%arg0: i32) -> (i32, i32) {
    %c0_i32 = arith.constant 0 : i32
    %c0_i32_0 = arith.constant 0 : i32
    %c0_i32_1 = arith.constant 0 : i32
    return %c0_i32, %c0_i32_0 : i32, i32
  }
  func.func @transform_7(%arg0: i32) -> (i32, i32) {
    %c0_i32 = arith.constant 0 : i32
    %c0_i32_0 = arith.constant 0 : i32
    %c0_i32_1 = arith.constant 0 : i32
    return %c0_i32, %c0_i32_0 : i32, i32
  }
  func.func @transform_8(%arg0: i32) -> (i32, i32) {
    %c0_i32 = arith.constant 0 : i32
    %c0_i32_0 = arith.constant 0 : i32
    %c0_i32_1 = arith.constant 0 : i32
    return %c0_i32, %c0_i32_0 : i32, i32
  }
  func.func @transform_9(%arg0: i32) -> (i32, i32) {
    %c0_i32 = arith.constant 0 : i32
    %c0_i32_0 = arith.constant 0 : i32
    %c0_i32_1 = arith.constant 0 : i32
    return %c0_i32, %c0_i32_0 : i32, i32
  }
  func.func @transform_10(%arg0: i32) -> (i32, i32) {
    %c0_i32 = arith.constant 0 : i32
    %c0_i32_0 = arith.constant 0 : i32
    return %arg0, %c0_i32 : i32, i32
  }
}

module attributes {stable_mosaic.version = 14 : i64} {
  func.func @_post_label_body(%arg0: memref<2x1000x128xf32, #tpu.memory_space<vmem>>, %arg1: memref<1000x128xf32, #tpu.memory_space<vmem>>, %arg2: memref<1x64xf32, #tpu.memory_space<vmem>>, %arg3: memref<128x64xf32, #tpu.memory_space<vmem>>, %arg4: memref<128x64xf32, #tpu.memory_space<vmem>>, %arg5: memref<1000x64xf32, #tpu.memory_space<vmem>>) attributes {dimension_semantics = [], scalar_prefetch = 0 : i64, scratch_operands = 0 : i64, tpu.core_type = #tpu.core_type<tc>} {
    %get3A = arith.constant 0 : index
    %get3A_0 = arith.constant 0 : index
    %get3A_1 = arith.constant 0 : index
    %get3A_2 = vector.load %arg0[%get3A, %get3A_0, %get3A_1] : memref<2x1000x128xf32, #tpu.memory_space<vmem>>, vector<1x1000x128xf32>
    %get3A_3 = vector.shape_cast %get3A_2 : vector<1x1000x128xf32> to vector<1000x128xf32>
    %get3A_4 = arith.constant 1 : index
    %get3A_5 = arith.constant 0 : index
    %get3A_6 = arith.constant 0 : index
    %get3A_7 = vector.load %arg0[%get3A_4, %get3A_5, %get3A_6] : memref<2x1000x128xf32, #tpu.memory_space<vmem>>, vector<1x1000x128xf32>
    %get3A_8 = vector.shape_cast %get3A_7 : vector<1x1000x128xf32> to vector<1000x128xf32>
    %add3A = arith.addf %get3A_3, %get3A_8 : vector<1000x128xf32>
    %get3A_9 = arith.constant 0 : index
    %get3A_10 = arith.constant 0 : index
    %get3A_11 = vector.load %arg3[%get3A_9, %get3A_10] : memref<128x64xf32, #tpu.memory_space<vmem>>, vector<128x64xf32>
    %dot_general3A = arith.constant dense<0.000000e+00> : vector<1000x64xf32>
    %dot_general3A_12 = tpu.matmul %add3A, %get3A_11, %dot_general3A {dimension_numbers = #tpu.dot_dimension_numbers<[1], [0], [0], [1], [0, 0, 1, 1], [], []>, transpose_lhs_hint = false} : vector<1000x128xf32>, vector<128x64xf32>, vector<1000x64xf32> -> vector<1000x64xf32>
    %get3A_13 = arith.constant 0 : index
    %get3A_14 = arith.constant 0 : index
    %get3A_15 = vector.load %arg2[%get3A_13, %get3A_14] : memref<1x64xf32, #tpu.memory_space<vmem>>, vector<1x64xf32>
    %add3A_16 = vector.broadcast %get3A_15 : vector<1x64xf32> to vector<1000x64xf32>
    %add3A_17 = arith.addf %dot_general3A_12, %add3A_16 : vector<1000x64xf32>
    %get3A_18 = arith.constant 0 : index
    %get3A_19 = arith.constant 0 : index
    %get3A_20 = vector.load %arg1[%get3A_18, %get3A_19] : memref<1000x128xf32, #tpu.memory_space<vmem>>, vector<1000x128xf32>
    %get3A_21 = arith.constant 0 : index
    %get3A_22 = arith.constant 0 : index
    %get3A_23 = vector.load %arg4[%get3A_21, %get3A_22] : memref<128x64xf32, #tpu.memory_space<vmem>>, vector<128x64xf32>
    %dot_general3A_24 = arith.constant dense<0.000000e+00> : vector<1000x64xf32>
    %dot_general3A_25 = tpu.matmul %get3A_20, %get3A_23, %dot_general3A_24 {dimension_numbers = #tpu.dot_dimension_numbers<[1], [0], [0], [1], [0, 0, 1, 1], [], []>, transpose_lhs_hint = false} : vector<1000x128xf32>, vector<128x64xf32>, vector<1000x64xf32> -> vector<1000x64xf32>
    %add3A_26 = arith.addf %add3A_17, %dot_general3A_25 : vector<1000x64xf32>
    %swap3A = arith.constant 0 : index
    %swap3A_27 = arith.constant 0 : index
    %swap3A_28 = vector.load %arg5[%swap3A, %swap3A_27] : memref<1000x64xf32, #tpu.memory_space<vmem>>, vector<1000x64xf32>
    tpu.vector_store %arg5[%swap3A, %swap3A_27], %add3A_26 {strides = array<i32>} : memref<1000x64xf32, #tpu.memory_space<vmem>>, vector<1000x64xf32>,
    return
  }
}

</mosaic_0001>

<sc_bundles>
// kernel: kernel.15.cloned.1.call-start
scs
__scs_entry_jumppad:
0x0: {  	(pc) =	sbr.rel $0x88, $3  }
0x1: {  	(tag) =	ssettag $0x0;
	lr =	simm.s32 $0x1  }
0x2: {  	[smem:$0x3F8A] =	sst lr;
	_ =	strace $0xD0000000  }
0x3: {  	_ = 	snop  }
0x4: {  	_ = 	snop  }
0x5: {  	_ = 	snop  }
0x6: {  	_ = 	snop  }
0x7: {  	_ = 	snop  }
__scs_overlays_trampoline_lowered:
0x8: {  	[smem:$0x3F99] =	sst s0  }
0x9: {  	[smem:$0x3F9A] =	sst s1  }
0xa: {  	[smem:$0x3F9B] =	sst s2  }
0xb: {  	[smem:$0x3F9C] =	sst s3  }
0xc: {  	[smem:$0x3F9D] =	sst s4  }
0xd: {  	[smem:$0x3F9E] =	sst s5  }
0xe: {  	[smem:$0x3F9F] =	sst s6  }
0xf: {  	[smem:$0x3FA0] =	sst s7  }
0x10: {  	[smem:$0x3FA1] =	sst s8  }
0x11: {  	[smem:$0x3FA2] =	sst s9;
	s0 =	simm.s32 @!p0 $0x0  }
0x12: {  	s1 =	sld [smem:$0x3F88];
	s0 =	simm.s32 @p0 $0x1  }
0x13: {  	[smem:$0x3FA3] =	sst s0;
	s0 =	simm.s32 @!p1 $0x0  }
0x14: {  	s2 =	sld [smem:$0x3F87];
	s0 =	simm.s32 @p1 $0x1  }
0x15: {  	[smem:$0x3FA4] =	sst s0;
	s0 =	simm.s32 @!p2 $0x0  }
0x16: {  	s3 =	sld [smem:$0x3FDB];
	s0 =	simm.s32 @p2 $0x1  }
0x17: {  	s4 =	simm.s32 $0x1BF5;
	[smem:$0x3FA6] =	sst s0  }
0x18: {  	s0 =	sld [smem:$0x3F89];
	_ =	swait.ge [sflag:s4], $0x0  }
0x19: {  	s7 =	sld [smem:$0x3F8A]  }
0x1a: {  	s8 =	sadd.s32 $0xFFFFE003, lr  }
0x1b: {  	s9 =	sadd.s32 $0xFFFFFEF7, lr;
	s5 =	simm.s32 $0xFFFFFFFF;
	p2 =	slt.u32 s8, $0xFFFFF086  }
0x1c: {  	p1 =	slt.u32 s9, $0xF7A;
	s5 =	simm.s32 @!p2 $0x0  }
0x1d: {  	s5 =	simm.s32 @p1 $0x1;
	p0 =	seq.s32 s7, s2  }
0x1e: {  	s7 =	smul.u32 @!p0 $0xF7A, s2;
	p2 =	seq.s32 @!p0 s5, $0x0  }
0x1f: {  	s9 =	smul.u32 $0xF7A, s1;
	s8 =	simm.s32 @!p0 $0x1BF5;
	p2 =	por !p2, p0  }
0x20: {  	[sflag:s8] =	ssyncset.s32 @!p0 $0xFFFFF086;
	s6 =	sadd.s32 @!p0 s3, s7;
	s7 =	simm.s32 @!p0 $0x108  }
0x21: {  	s3 =	sadd.s32 s3, s9;
	s6 =	sadd.s32 @!p0 $0x88, s6;
	s7 =	simm.s32 @p2 $0x1082  }
0x22: {  	[simem:s7], [sflag:s8] =	dma.local @!p0 [hbm:s6], $0xF7A  }
0x23: {  	s9 =	sor.u32 $0xD0000000, s2;
	s6 =	simm.s32 $0x108;
	_ =	swait.ge @!p0 [sflag:s8], $0x0  }
0x24: {  	s3 =	sadd.s32 $0x88, s3;
	s6 =	simm.s32 @!p1 $0x1082;
	[sflag:s4] =	ssyncset.s32 $0xFFFFF086  }
0x25: {  	[simem:s6], [sflag:s4] =	dma.local [hbm:s3], $0xF7A  }
0x26: {  	[smem:$0x3F8A] =	sst s1;
	(tag) =	ssettag s2;
	_ =	strace s9  }
0x27: {  	s1 =	sld [smem:$0x3F9A]  }
0x28: {  	s2 =	sld [smem:$0x3F9B]  }
0x29: {  	s4 =	sld [smem:$0x3F9D]  }
0x2a: {  	p0 =	seq.s32 s5, $0x0;
	s5 =	sld [smem:$0x3F9E]  }
0x2b: {  	s6 =	sld [smem:$0x3F9F]  }
0x2c: {  	s7 =	sld [smem:$0x3FA0]  }
0x2d: {  	s3 =	simm.s32 $0x108;
	s8 =	sld [smem:$0x3FA1]  }
0x2e: {  	s3 =	simm.s32 @!p0 $0x1082;
	s9 =	sld [smem:$0x3FA2]  }
0x2f: {  	lr =	sadd.s32 s0, s3;
	s0 =	sld [smem:$0x3F99]  }
0x30: {  	s3 =	sld [smem:$0x3F9C]  }
0x31: {  	[smem:$0x3FA5] =	sst s10  }
0x32: {  	s10 =	sld [smem:$0x3FA3];
	_ =	sdelay $0x3  }
0x33: {  	p0 =	seq.s32 s10, $0x1;
	s10 =	sld [smem:$0x3FA5];
	_ =	sdelay $0x3  }
0x34: {  	[smem:$0x3FA5] =	sst s10  }
0x35: {  	s10 =	sld [smem:$0x3FA4];
	_ =	sdelay $0x3  }
0x36: {  	p1 =	seq.s32 s10, $0x1;
	s10 =	sld [smem:$0x3FA5];
	_ =	sdelay $0x3  }
0x37: {  	[smem:$0x3FA5] =	sst s10  }
0x38: {  	s10 =	sld [smem:$0x3FA6]  }
0x39: {  	_ = 	snop;
	(pc) =	sbr.ind lr, $3  }
0x3a: {  	_ = 	snop  }
0x3b: {  	_ = 	snop  }
0x3c: {  	p2 =	seq.s32 s10, $0x1;
	s10 =	sld [smem:$0x3FA5]  }
0x3d: {  	_ =	shalt  }
0x3e: {  	_ =	shalt  }
0x3f: {  	_ =	shalt  }
0x40: {  	_ =	shalt  }
0x41: {  	_ =	shalt  }
0x42: {  	_ =	shalt  }
0x43: {  	_ =	shalt  }
0x44: {  	_ =	shalt  }
0x45: {  	_ =	shalt  }
0x46: {  	_ =	shalt  }
0x47: {  	_ =	shalt  }
0x48: {  	_ =	shalt  }
0x49: {  	_ =	shalt  }
0x4a: {  	_ =	shalt  }
0x4b: {  	_ =	shalt  }
0x4c: {  	_ =	shalt  }
0x4d: {  	_ =	shalt  }
0x4e: {  	_ =	shalt  }
0x4f: {  	_ =	shalt  }
0x50: {  	_ =	shalt  }
0x51: {  	_ =	shalt  }
0x52: {  	_ =	shalt  }
0x53: {  	_ =	shalt  }
0x54: {  	_ =	shalt  }
0x55: {  	_ =	shalt  }
0x56: {  	_ =	shalt  }
0x57: {  	_ =	shalt  }
0x58: {  	_ =	shalt  }
0x59: {  	_ =	shalt  }
0x5a: {  	_ =	shalt  }
0x5b: {  	_ =	shalt  }
0x5c: {  	_ =	shalt  }
0x5d: {  	_ =	shalt  }
0x5e: {  	_ =	shalt  }
0x5f: {  	_ =	shalt  }
0x60: {  	_ =	shalt  }
0x61: {  	_ =	shalt  }
0x62: {  	_ =	shalt  }
0x63: {  	_ =	shalt  }
0x64: {  	_ =	shalt  }
0x65: {  	_ =	shalt  }
0x66: {  	_ =	shalt  }
0x67: {  	_ =	shalt  }
0x68: {  	_ =	shalt  }
0x69: {  	_ =	shalt  }
0x6a: {  	_ =	shalt  }
0x6b: {  	_ =	shalt  }
0x6c: {  	_ =	shalt  }
0x6d: {  	_ =	shalt  }
0x6e: {  	_ =	shalt  }
0x6f: {  	_ =	shalt  }
0x70: {  	_ =	shalt  }
0x71: {  	_ =	shalt  }
0x72: {  	_ =	shalt  }
0x73: {  	_ =	shalt  }
0x74: {  	_ =	shalt  }
0x75: {  	_ =	shalt  }
0x76: {  	_ =	shalt  }
0x77: {  	_ =	shalt  }
0x78: {  	_ =	shalt  }
0x79: {  	_ =	shalt  }
0x7a: {  	_ =	shalt  }
0x7b: {  	_ =	shalt  }
0x7c: {  	_ =	shalt  }
0x7d: {  	_ =	shalt  }
0x7e: {  	_ =	shalt  }
0x7f: {  	_ =	shalt  }
0x80: {  	_ =	shalt  }
0x81: {  	_ =	shalt  }
0x82: {  	_ =	shalt  }
0x83: {  	_ =	shalt  }
0x84: {  	_ =	shalt  }
0x85: {  	_ =	shalt  }
0x86: {  	_ =	shalt  }
0x87: {  	_ =	shalt  }
.Lfunc_end0:
.L_simem_size_0:
called_computation_lowered:
.L_overlay_start_0:
0x88: {  	s2 =	sld [smem:$0x3FD9]  }
0x89: {  	s3 =	sld [smem:$0x3FFE];
	_ =	sdelay $0x1  }
0x8a: {  	s1 =	srdreg.scid  }
0x8b: {  	s0 =	sand.u32 $0x1, s1  }
0x8c: {  	s14 =	sshll.u32 s0, $0xA;
	s2 =	sadd.s32 s3, s2  }
0x8d: {  	s2 =	sadd.s32 s2, s14  }
0x8e: {  	[smem:$0x3FB1] =	sst s2  }
0x8f: {  	_ = 	snop  }
0x90: {  	s2 =	sld [smem:$0x3FD0];
	_ =	sdelay $0x2  }
0x91: {  	s15 =	simm.s32 $0xA;
	s4 =	simm.s32 $0x10  }
0x92: {  	[smem:s4], [sflag:s15] =	dma.local [hbm:s2], $0x1  }
0x93: {  	_ =	swait.eq [sflag:s15], $0x1  }
0x94: {  	[sflag:s15] =	ssyncset.done $0x0  }
0x95: {  	[sflag:s15] =	ssyncadd.s32 $0xFFFFFFFF  }
0x96: {  	s16 =	sld [smem:$0x10];
	(tm) =	ssettm $0x1  }
0x97: {  	s17 =	sld [smem:$0x3FFB];
	_ =	sdelay $0x3  }
0x98: {  	_ =	strace s17  }
0x99: {  	s3 =	sld [smem:$0x3FFC];
	_ =	sdelay $0x3  }
0x9a: {  	_ =	strace s3  }
0x9b: {  	s3 =	sld [smem:$0x3FFD];
	_ =	sdelay $0x3  }
0x9c: {  	_ =	strace s3  }
0x9d: {  	_ =	strace $0x8FFFFFFF  }
0x9e: {  	s18 =	sld [smem:$0x3FDB];
	_ =	sdelay $0x1  }
0x9f: {  	s19 =	simm.s32 $_scs_section_size  }
0xa0: {  	s5 =	simm.s32 $_size__tile_overlayer_lowered;
	s6 =	simm.s32 $_tile_overlayer_lowered  }
0xa1: {  	s22 =	simm.s32 $0x1BFF;
	s21 =	sshll.u32 s6, $0x1;
	s3 =	sadd.s32 s19, s18  }
0xa2: {  	s7 =	simm.s32 $0x0;
	s20 =	sshll.u32 s5, $0x1;
	s5 =	sadd.s32 s21, s3  }
0xa3: {  	[timem:s7], [sflag:s22] =	dma.local [hbm:s5], s20  }
0xa4: {  	_ =	swait.ge [sflag:s22], s20  }
0xa5: {  	s4 =	ssub.s32 $0x0, s20;
	[sflag:s22] =	ssyncset.done $0x0  }
0xa6: {  	[sflag:s22] =	ssyncadd.s32 s4;
	_ =	sdelay $0x1  }
0xa7: {  	s23 =	simm.s32 $0x1B8B  }
0xa8: {  	_ =	swait.ge [sflag:s23], $0x1  }
0xa9: {  	[sflag:s23] =	ssyncset.done $0x0  }
0xaa: {  	s25 =	simm.s32 $0x1B8E;
	s24 =	sld [smem:$0x3FFE];
	[sflag:s23] =	ssyncadd.s32 $0xFFFFFFFF  }
0xab: {  	s26 =	simm.s32 $execute0_lowered;
	[smem:$0x3FD2] =	sst s25  }
0xac: {  	s5 =	sshll.u32 s26, $0x1;
	_ =	strace $0x80000046;
	[dreg:$0x1] =	wrdreg $0xFFFFFFFF  }
0xad: {  	s28 =	simm.s32 $_size_execute0_lowered;
	s3 =	sadd.s32 s3, s5;
	[dreg:$0x0] =	wrdreg $0x0  }
0xae: {  	s5 =	sshll.u32 s28, $0x1;
	[dreg:$0x2] =	wrdreg s3  }
0xaf: {  	[dreg:$0x3] =	wrdreg s5  }
0xb0: {  	[dreg:$0x4] =	wrdreg $0xC0  }
0xb1: {  	_ =	task [dreg:s7], $0x5FFFF  }
0xb2: {  	[dreg:$0x1] =	wrdreg $0xFFFFFFFF  }
0xb3: {  	[dreg:$0x0] =	wrdreg $0x60  }
0xb4: {  	[dreg:$0x2] =	wrdreg s16  }
0xb5: {  	[dreg:$0x3] =	wrdreg s24  }
0xb6: {  	[dreg:$0x4] =	wrdreg $0x80800  }
0xb7: {  	[dreg:$0x5] =	wrdreg $0x9  }
0xb8: {  	_ =	task.clear_ibuf [dreg:s7], $0x6FFFF;
	_ =	strace $0x90000046  }
0xb9: {  	s29 =	simm.s32 $0x9;
	_ =	strace $0x80000048  }
0xba: {  	_ =	swait.ge [sflag:s29], $0x1  }
0xbb: {  	[sflag:s29] =	ssyncadd.s32 $0xFFFFFFFF  }
0xbc: {  	_ =	strace $0x90000048  }
0xbd: {  	_ =	sfence  }
0xbe: {  	s30 =	sld [smem:$0x0];
	_ =	sdelay $0x2  }
0xbf: {  	s31 =	sshll.u32 s1, $0xD;
	s1 =	sshrl.u32 s1, $0x2  }
0xc0: {  	s3 =	sand.u32 $0x4000, s31;
	s1 =	sadd.s32 s1, s30  }
0xc1: {  	s0 =	sor.u32 s3, s0;
	s1 =	sshll.u32 s1, $0x11  }
0xc2: {  	s0 =	sor.u32 s1, s0  }
0xc3: {  	s0 =	sadd.s32 $0x8F2B, s0  }
0xc4: {  	[sflag:s0] =	ssyncadd.remote.s32 $0x1  }
0xc5: {  	_ =	sfence.sel $0xFFFF  }
0xc6: {  	[dreg:$0x0] =	wrdreg $0xFFFFFFFF;
	(pc) =	sbr.abs _section_cstart, $3  }
0xc7: {  	[dreg:$0x1] =	wrdreg $0xFFFFFFFF  }
0xc8: {  	_ =	task.clear_ibuf [dreg:s7], $0x2FFFF;
	_ =	strace $0x9FFFFFFF  }
0xc9: {  	(tm) =	ssettm $0x7FFFFFFF  }
tec
execute0_lowered:
.L_overlay_start_1:
0x0: {  	(tag) =	ssettag $0x1  }
0x1: {  	s17 =	rddreg [dreg:$0x0]  }
0x2: {  	s4 =	rddreg [dreg:$0x1]  }
0x3: {  	s2 =	rddreg [dreg:$0x2];
	s1 =	stileid.u32  }
0x4: {  	s0 =	rddreg [dreg:$0x3];
	s16 =	smul.u32 $0x13C00, s1  }
0x5: {  	s3 =	simm.s32 $0x0;
	s5 =	srdreg.scid;
	s6 =	smul.u32 $0x4F000, s1  }
0x6: {  	s22 =	simm.s32 $0x0;
	s15 =	sand.u32 $0x1, s5;
	s31 =	smul.u32 $0x4F0, s1  }
0x7: {  	[smem:$0x7FF] =	sst s3;
	s19 =	sadd.s32 $0xA400, s4;
	s18 =	smul.u32 $0x13C000, s15  }
0x8: {  	_ =	strace $0x80000047;
	s5 =	ssub.s32 $0x2, s15;
	s21 =	smul.u32 $0x4F00, s15  }
0x9: {  	s7 =	sadd.s32 $0x10000, s16;
	s28 =	sshrl.u32 s5, $0x1;
	s29 =	sshrl.u32 s6, $0x2  }
0xa: {  	s12 =	sadd.s32 $0x4000, s16;
	s20 =	sadd.s32 $0x8000, s16;
	s8 =	sadd.s32 s18, s7  }
0xb: {  	s9 =	ssub.s32 s5, s28;
	s4 =	sadd.s32 s29, s2;
	s5 =	sadd.s32 s7, s2  }
0xc: {  	s10 =	sadd.s32 s18, s16;
	s13 =	sadd.s32 s18, s12;
	s12 =	sadd.s32 s12, s2  }
0xd: {  	s14 =	sadd.s32 s20, s2;
	s20 =	sadd.s32 s18, s20;
	s16 =	sadd.s32 $0xC000, s16  }
0xe: {  	s21 =	sadd.s32 s21, s17;
	s30 =	sshrl.u32 s8, $0x3;
	s7 =	smax.u32 s9, $0x1  }
0xf: {  	s8 =	sadd.s32 $0x4000, s4;
	s9 =	sadd.s32 $0x8000, s4;
	s11 =	sshrl.u32 s10, $0x3  }
0x10: {  	s10 =	sadd.s32 $0xC000, s4;
	s13 =	sshrl.u32 s13, $0x3;
	s20 =	sshrl.u32 s20, $0x3  }
0x11: {  	s18 =	sadd.s32 s18, s16;
	s16 =	sadd.s32 s16, s2;
	s6 =	sadd.s32 s19, s30  }
0x12: {  	s11 =	sadd.s32 s19, s11;
	s13 =	sadd.s32 s19, s13;
	s18 =	sshrl.u32 s18, $0x3  }
0x13: {  	s15 =	sadd.s32 s19, s20;
	s20 =	simm.s32 $0x1;
	s17 =	sadd.s32 s19, s18  }
0x14: {  	v0 =	vimm.f32 $0.0e+00;
	v1 =	vimm.f32 $1.000000000e+00;
	s18 =	sadd.s32 s31, s21;
	s19 =	simm.s32 $0x4080;
	s21 =	simm.s32 $0x80  }
.LBB2_1:
0x15: {  	s23 =	simm.s32 $0x0  }
.LBB2_2:
0x16: {  	p0 =	sne.s32 s23, $0xFE00  }
.Ltmp0:
0x17: {  	_ = 	snop;
	(pc) =	sbr.rel @p0 .LBB2_2-.Ltmp0, $3  }
0x18: {  	_ =	sdelay $0x1  }
0x19: {  	s24 =	sshra.s32 s23, $0x2  }
0x1a: {  	s23 =	sadd.s32 $0x200, s23;
	[tilespmem:s24+$0x4080] =	vst v0  }
0x1b: {  	s23 =	simm.s32 $0x200;
	s24 =	simm.s32 $0x0  }
.LBB2_4:
0x1c: {  	p0 =	sne.s32 s23, $0xFE00;
	[tilespmem:s24+$0x80] =	vst v1;
	s24 =	smov.u32 s23;
	s23 =	sadd.s32 $0x200, s23  }
.Ltmp1:
0x1d: {  	(pc) =	sbr.rel @p0 .LBB2_4-.Ltmp1, $2  }
0x1e: {  	_ =	sdelay $0x2  }
0x1f: {  	s24 =	sshra.s32 s24, $0x2  }
0x20: {  	[tilespmem:s24+$0x80] =	vst v1  }
0x21: {  	[spmem:s4] =	stream.linear.scatter [tilespmem:s19], [sflag:$0x1], $0x4000, $0x38;
	[tilespmem:$0xA800] =	vst v63  }
0x22: {  	_ =	swait.ge [sflag:s20], $0x4000  }
0x23: {  	[sflag:s20] =	ssyncset.done $0x0  }
0x24: {  	[sflag:s20] =	ssyncadd.s32 $0xFFFFC000  }
0x25: {  	[spmem:s8] =	stream.linear.scatter [tilespmem:s19], [sflag:$0x1], $0x4000, $0x38;
	[tilespmem:$0xA800] =	vst v63  }
0x26: {  	_ =	swait.ge [sflag:s20], $0x4000  }
0x27: {  	[sflag:s20] =	ssyncset.done $0x0  }
0x28: {  	[sflag:s20] =	ssyncadd.s32 $0xFFFFC000  }
0x29: {  	[spmem:s9] =	stream.linear.scatter [tilespmem:s19], [sflag:$0x1], $0x4000, $0x38;
	[tilespmem:$0xA800] =	vst v63  }
0x2a: {  	_ =	swait.ge [sflag:s20], $0x4000  }
0x2b: {  	[sflag:s20] =	ssyncset.done $0x0  }
0x2c: {  	[sflag:s20] =	ssyncadd.s32 $0xFFFFC000  }
0x2d: {  	[spmem:s10] =	stream.linear.scatter [tilespmem:s19], [sflag:$0x1], $0x4000, $0x38;
	[tilespmem:$0xA800] =	vst v63  }
0x2e: {  	_ =	swait.ge [sflag:s20], $0x4000  }
0x2f: {  	[sflag:s20] =	ssyncset.done $0x0  }
0x30: {  	[sflag:s20] =	ssyncadd.s32 $0xFFFFC000  }
0x31: {  	[spmem:s5] =	stream.linear.scatter [tilespmem:s19], [sflag:$0x1], $0x3C00, $0x38;
	[tilespmem:$0xA800] =	vst v63  }
0x32: {  	_ =	swait.ge [sflag:s20], $0x3C00  }
0x33: {  	[sflag:s20] =	ssyncset.done $0x0  }
0x34: {  	[sflag:s20] =	ssyncadd.s32 $0xFFFFC400  }
0x35: {  	[bflag:$0x0] =	sbarrier.arrive $0xFFFF  }
0x36: {  	s23 =	sadd.s32 $0x0, s18;
	[bflag:$0x0] =	sbarrier.arrive $0xFFFF  }
0x37: {  	[tilespmem:s3], [sflag:$0x1] =	stream.linear.gather [hbm4b:s23+s3], $0x80, $0x38;
	[tilespmem:$0xA800] =	vst v63  }
0x38: {  	_ =	swait.ge [sflag:s20], $0x80  }
0x39: {  	[sflag:s20] =	ssyncset.done $0x0  }
0x3a: {  	[sflag:s20] =	ssyncadd.s32 $0xFFFFFF80  }
0x3b: {  	[spmem:s2] =	stream.indirect.scatter.add.f32 [tilespmem:s21], [sflag:$0x1], $0x10, s3, s21, $0xb8;
	[tilespmem:$0xA800] =	vst v63  }
0x3c: {  	_ =	swait.ge [sflag:s20], $0x800  }
0x3d: {  	s24 =	simm.s32 $0x20;
	s23 =	simm.s32 $0x10;
	[sflag:s20] =	ssyncset.done $0x0  }
.LBB2_6:
0x3e: {  	s25 =	sadd.s32 s23, s18  }
0x3f: {  	[sflag:s20] =	ssyncadd.s32 $0xFFFFF800;
	s23 =	smov.u32 s24;
	s26 =	sadd.s32 $0x10, s24  }
0x40: {  	[tilespmem:s3], [sflag:$0x1] =	stream.linear.gather [hbm4b:s25+s3], $0x80, $0x38;
	[tilespmem:$0xA800] =	vst v63  }
0x41: {  	p0 =	sne.s32 s24, $0x4E0;
	_ =	swait.ge [sflag:s20], $0x80  }
.Ltmp2:
0x42: {  	[sflag:s20] =	ssyncset.done $0x0;
	(pc) =	sbr.rel @p0 .LBB2_6-.Ltmp2, $4  }
0x43: {  	[sflag:s20] =	ssyncadd.s32 $0xFFFFFF80  }
0x44: {  	[spmem:s2] =	stream.indirect.scatter.add.f32 [tilespmem:s21], [sflag:$0x1], $0x10, s3, s21, $0xb8;
	[tilespmem:$0xA800] =	vst v63  }
0x45: {  	_ =	swait.ge [sflag:s20], $0x800  }
0x46: {  	s24 =	smov.u32 s26;
	[sflag:s20] =	ssyncset.done $0x0  }
0x47: {  	s23 =	sadd.s32 s23, s18;
	[sflag:s20] =	ssyncadd.s32 $0xFFFFF800  }
0x48: {  	[tilespmem:s3], [sflag:$0x1] =	stream.linear.gather [hbm4b:s23+s3], $0x80, $0x38;
	[tilespmem:$0xA800] =	vst v63  }
0x49: {  	_ =	swait.ge [sflag:s20], $0x80  }
0x4a: {  	[sflag:s20] =	ssyncset.done $0x0  }
0x4b: {  	[sflag:s20] =	ssyncadd.s32 $0xFFFFFF80  }
0x4c: {  	[spmem:s2] =	stream.indirect.scatter.add.f32 [tilespmem:s21], [sflag:$0x1], $0x10, s3, s21, $0xb8;
	[tilespmem:$0xA800] =	vst v63  }
0x4d: {  	_ =	swait.ge [sflag:s20], $0x800  }
0x4e: {  	[sflag:s20] =	ssyncset.done $0x0  }
0x4f: {  	[sflag:s20] =	ssyncadd.s32 $0xFFFFF800  }
0x50: {  	[bflag:$0x0] =	sbarrier.arrive $0xFFFF  }
0x51: {  	[bflag:$0x0] =	sbarrier.arrive $0xFFFF  }
0x52: {  	[tilespmem:s19], [sflag:$0x1] =	stream.linear.gather [spmem:s4], $0x4000, $0x38;
	[tilespmem:$0xA800] =	vst v63  }
0x53: {  	_ =	swait.ge [sflag:s20], $0x4000  }
0x54: {  	[sflag:s20] =	ssyncset.done $0x0  }
0x55: {  	[sflag:s20] =	ssyncadd.s32 $0xFFFFC000  }
0x56: {  	[hbm4b:s11+s3] =	stream.linear.scatter [tilespmem:s19], [sflag:$0x1], $0x4000, $0x38;
	[tilespmem:$0xA800] =	vst v63  }
0x57: {  	_ =	swait.ge [sflag:s20], $0x4000  }
0x58: {  	[sflag:s20] =	ssyncset.done $0x0  }
0x59: {  	[sflag:s20] =	ssyncadd.s32 $0xFFFFC000  }
0x5a: {  	[tilespmem:s19], [sflag:$0x1] =	stream.linear.gather [spmem:s12], $0x4000, $0x38;
	[tilespmem:$0xA800] =	vst v63  }
0x5b: {  	_ =	swait.ge [sflag:s20], $0x4000  }
0x5c: {  	[sflag:s20] =	ssyncset.done $0x0  }
0x5d: {  	[sflag:s20] =	ssyncadd.s32 $0xFFFFC000  }
0x5e: {  	[hbm4b:s13+s3] =	stream.linear.scatter [tilespmem:s19], [sflag:$0x1], $0x4000, $0x38;
	[tilespmem:$0xA800] =	vst v63  }
0x5f: {  	_ =	swait.ge [sflag:s20], $0x4000  }
0x60: {  	[sflag:s20] =	ssyncset.done $0x0  }
0x61: {  	[sflag:s20] =	ssyncadd.s32 $0xFFFFC000  }
0x62: {  	[tilespmem:s19], [sflag:$0x1] =	stream.linear.gather [spmem:s14], $0x4000, $0x38;
	[tilespmem:$0xA800] =	vst v63  }
0x63: {  	_ =	swait.ge [sflag:s20], $0x4000  }
0x64: {  	[sflag:s20] =	ssyncset.done $0x0  }
0x65: {  	[sflag:s20] =	ssyncadd.s32 $0xFFFFC000  }
0x66: {  	[hbm4b:s15+s3] =	stream.linear.scatter [tilespmem:s19], [sflag:$0x1], $0x4000, $0x38;
	[tilespmem:$0xA800] =	vst v63  }
0x67: {  	_ =	swait.ge [sflag:s20], $0x4000  }
0x68: {  	[sflag:s20] =	ssyncset.done $0x0  }
0x69: {  	[sflag:s20] =	ssyncadd.s32 $0xFFFFC000  }
0x6a: {  	[tilespmem:s19], [sflag:$0x1] =	stream.linear.gather [spmem:s16], $0x4000, $0x38;
	[tilespmem:$0xA800] =	vst v63  }
0x6b: {  	_ =	swait.ge [sflag:s20], $0x4000  }
0x6c: {  	[sflag:s20] =	ssyncset.done $0x0  }
0x6d: {  	[sflag:s20] =	ssyncadd.s32 $0xFFFFC000  }
0x6e: {  	[hbm4b:s17+s3] =	stream.linear.scatter [tilespmem:s19], [sflag:$0x1], $0x4000, $0x38;
	[tilespmem:$0xA800] =	vst v63  }
0x6f: {  	_ =	swait.ge [sflag:s20], $0x4000  }
0x70: {  	[sflag:s20] =	ssyncset.done $0x0  }
0x71: {  	[sflag:s20] =	ssyncadd.s32 $0xFFFFC000  }
0x72: {  	[tilespmem:s19], [sflag:$0x1] =	stream.linear.gather [spmem:s5], $0x3C00, $0x38;
	[tilespmem:$0xA800] =	vst v63  }
0x73: {  	s22 =	sadd.s32 $0x1, s22;
	_ =	swait.ge [sflag:s20], $0x3C00  }
0x74: {  	p0 =	sne.s32 s22, s7;
	[sflag:s20] =	ssyncset.done $0x0  }
.Ltmp3:
0x75: {  	[sflag:s20] =	ssyncadd.s32 $0xFFFFC400;
	(pc) =	sbr.rel @p0 .LBB2_1-.Ltmp3, $4  }
0x76: {  	[hbm4b:s6+s3] =	stream.linear.scatter [tilespmem:s19], [sflag:$0x1], $0x3C00, $0x38;
	[tilespmem:$0xA800] =	vst v63  }
0x77: {  	_ =	swait.ge [sflag:s20], $0x3C00  }
0x78: {  	[sflag:s20] =	ssyncset.done $0x0  }
0x79: {  	[sflag:s20] =	ssyncadd.s32 $0xFFFFC400  }
0x7a: {  	_ =	sfence.sel $0x180000  }
0x7b: {  	[bflag:$0x0] =	sbarrier.arrive $0xFFFF  }
0x7c: {  	p0 =	sne.s32 s1, $0x0;
	_ =	strace $0x90000047  }
0x7d: {  	s0 =	sadd.s32 @!p0 $0x100000, s0;
	[bflag:$0x2] =	sbarrier.arrive $0xFFFF  }
0x7e: {  	[sflag:s0] =	ssyncadd.tile.s32 @!p0 $0x1;
	_ =	shalt  }
.Lfunc_end2:
_tile_overlayer_lowered:
.L_overlay_start_2:
0x7f: {  	(tag) =	ssettag $0x2  }
0x80: {  	s0 =	rddreg [dreg:$0x0];
	s2 =	stileid.u32  }
0x81: {  	s1 =	rddreg [dreg:$0x1];
	p0 =	sne.s32 s2, $0x0  }
0x82: {  	s3 =	rddreg [dreg:$0x2];
	[bflag:$0x3] =	sbarrier.arrive $0xFFFF;
	s2 =	simm.s32 @!p0 $0x1C01  }
0x83: {  	[timem:s3], [sflag:s2] =	dma.local @!p0 [hbm:s0], s1  }
0x84: {  	s0 =	simm.s32 @!p0 $0x1  }
0x85: {  	_ =	swait.ge @!p0 [sflag:s0], s1  }
0x86: {  	s1 =	ssub.s32 @!p0 $0x0, s1;
	[sflag:s0] =	ssyncset.done @!p0 $0x0  }
0x87: {  	[sflag:s0] =	ssyncadd.s32 @!p0 s1  }
0x88: {  	[bflag:$0x3] =	sbarrier.arrive $0xFFFF  }
0x89: {  	_ =	shalt  }

// kernel: kernel.18.cloned.1.call-start
scs
__scs_entry_jumppad:
0x0: {  	(pc) =	sbr.rel $0x88, $3  }
0x1: {  	(tag) =	ssettag $0x0;
	lr =	simm.s32 $0x1  }
0x2: {  	[smem:$0x3F8A] =	sst lr;
	_ =	strace $0xD0000000  }
0x3: {  	_ = 	snop  }
0x4: {  	_ = 	snop  }
0x5: {  	_ = 	snop  }
0x6: {  	_ = 	snop  }
0x7: {  	_ = 	snop  }
__scs_overlays_trampoline_lowered:
0x8: {  	[smem:$0x3F99] =	sst s0  }
0x9: {  	[smem:$0x3F9A] =	sst s1  }
0xa: {  	[smem:$0x3F9B] =	sst s2  }
0xb: {  	[smem:$0x3F9C] =	sst s3  }
0xc: {  	[smem:$0x3F9D] =	sst s4  }
0xd: {  	[smem:$0x3F9E] =	sst s5  }
0xe: {  	[smem:$0x3F9F] =	sst s6  }
0xf: {  	[smem:$0x3FA0] =	sst s7  }
0x10: {  	[smem:$0x3FA1] =	sst s8  }
0x11: {  	[smem:$0x3FA2] =	sst s9;
	s0 =	simm.s32 @!p0 $0x0  }
0x12: {  	s1 =	sld [smem:$0x3F88];
	s0 =	simm.s32 @p0 $0x1  }
0x13: {  	[smem:$0x3FA3] =	sst s0;
	s0 =	simm.s32 @!p1 $0x0  }
0x14: {  	s2 =	sld [smem:$0x3F87];
	s0 =	simm.s32 @p1 $0x1  }
0x15: {  	[smem:$0x3FA4] =	sst s0;
	s0 =	simm.s32 @!p2 $0x0  }
0x16: {  	s3 =	sld [smem:$0x3FDB];
	s0 =	simm.s32 @p2 $0x1  }
0x17: {  	s4 =	simm.s32 $0x1BF5;
	[smem:$0x3FA6] =	sst s0  }
0x18: {  	s0 =	sld [smem:$0x3F89];
	_ =	swait.ge [sflag:s4], $0x0  }
0x19: {  	s7 =	sld [smem:$0x3F8A]  }
0x1a: {  	s8 =	sadd.s32 $0xFFFFE003, lr  }
0x1b: {  	s9 =	sadd.s32 $0xFFFFFEF7, lr;
	s5 =	simm.s32 $0xFFFFFFFF;
	p2 =	slt.u32 s8, $0xFFFFF086  }
0x1c: {  	p1 =	slt.u32 s9, $0xF7A;
	s5 =	simm.s32 @!p2 $0x0  }
0x1d: {  	s5 =	simm.s32 @p1 $0x1;
	p0 =	seq.s32 s7, s2  }
0x1e: {  	s7 =	smul.u32 @!p0 $0xF7A, s2;
	p2 =	seq.s32 @!p0 s5, $0x0  }
0x1f: {  	s9 =	smul.u32 $0xF7A, s1;
	s8 =	simm.s32 @!p0 $0x1BF5;
	p2 =	por !p2, p0  }
0x20: {  	[sflag:s8] =	ssyncset.s32 @!p0 $0xFFFFF086;
	s6 =	sadd.s32 @!p0 s3, s7;
	s7 =	simm.s32 @!p0 $0x108  }
0x21: {  	s3 =	sadd.s32 s3, s9;
	s6 =	sadd.s32 @!p0 $0x88, s6;
	s7 =	simm.s32 @p2 $0x1082  }
0x22: {  	[simem:s7], [sflag:s8] =	dma.local @!p0 [hbm:s6], $0xF7A  }
0x23: {  	s9 =	sor.u32 $0xD0000000, s2;
	s6 =	simm.s32 $0x108;
	_ =	swait.ge @!p0 [sflag:s8], $0x0  }
0x24: {  	s3 =	sadd.s32 $0x88, s3;
	s6 =	simm.s32 @!p1 $0x1082;
	[sflag:s4] =	ssyncset.s32 $0xFFFFF086  }
0x25: {  	[simem:s6], [sflag:s4] =	dma.local [hbm:s3], $0xF7A  }
0x26: {  	[smem:$0x3F8A] =	sst s1;
	(tag) =	ssettag s2;
	_ =	strace s9  }
0x27: {  	s1 =	sld [smem:$0x3F9A]  }
0x28: {  	s2 =	sld [smem:$0x3F9B]  }
0x29: {  	s4 =	sld [smem:$0x3F9D]  }
0x2a: {  	p0 =	seq.s32 s5, $0x0;
	s5 =	sld [smem:$0x3F9E]  }
0x2b: {  	s6 =	sld [smem:$0x3F9F]  }
0x2c: {  	s7 =	sld [smem:$0x3FA0]  }
0x2d: {  	s3 =	simm.s32 $0x108;
	s8 =	sld [smem:$0x3FA1]  }
0x2e: {  	s3 =	simm.s32 @!p0 $0x1082;
	s9 =	sld [smem:$0x3FA2]  }
0x2f: {  	lr =	sadd.s32 s0, s3;
	s0 =	sld [smem:$0x3F99]  }
0x30: {  	s3 =	sld [smem:$0x3F9C]  }
0x31: {  	[smem:$0x3FA5] =	sst s10  }
0x32: {  	s10 =	sld [smem:$0x3FA3];
	_ =	sdelay $0x3  }
0x33: {  	p0 =	seq.s32 s10, $0x1;
	s10 =	sld [smem:$0x3FA5];
	_ =	sdelay $0x3  }
0x34: {  	[smem:$0x3FA5] =	sst s10  }
0x35: {  	s10 =	sld [smem:$0x3FA4];
	_ =	sdelay $0x3  }
0x36: {  	p1 =	seq.s32 s10, $0x1;
	s10 =	sld [smem:$0x3FA5];
	_ =	sdelay $0x3  }
0x37: {  	[smem:$0x3FA5] =	sst s10  }
0x38: {  	s10 =	sld [smem:$0x3FA6]  }
0x39: {  	_ = 	snop;
	(pc) =	sbr.ind lr, $3  }
0x3a: {  	_ = 	snop  }
0x3b: {  	_ = 	snop  }
0x3c: {  	p2 =	seq.s32 s10, $0x1;
	s10 =	sld [smem:$0x3FA5]  }
0x3d: {  	_ =	shalt  }
0x3e: {  	_ =	shalt  }
0x3f: {  	_ =	shalt  }
0x40: {  	_ =	shalt  }
0x41: {  	_ =	shalt  }
0x42: {  	_ =	shalt  }
0x43: {  	_ =	shalt  }
0x44: {  	_ =	shalt  }
0x45: {  	_ =	shalt  }
0x46: {  	_ =	shalt  }
0x47: {  	_ =	shalt  }
0x48: {  	_ =	shalt  }
0x49: {  	_ =	shalt  }
0x4a: {  	_ =	shalt  }
0x4b: {  	_ =	shalt  }
0x4c: {  	_ =	shalt  }
0x4d: {  	_ =	shalt  }
0x4e: {  	_ =	shalt  }
0x4f: {  	_ =	shalt  }
0x50: {  	_ =	shalt  }
0x51: {  	_ =	shalt  }
0x52: {  	_ =	shalt  }
0x53: {  	_ =	shalt  }
0x54: {  	_ =	shalt  }
0x55: {  	_ =	shalt  }
0x56: {  	_ =	shalt  }
0x57: {  	_ =	shalt  }
0x58: {  	_ =	shalt  }
0x59: {  	_ =	shalt  }
0x5a: {  	_ =	shalt  }
0x5b: {  	_ =	shalt  }
0x5c: {  	_ =	shalt  }
0x5d: {  	_ =	shalt  }
0x5e: {  	_ =	shalt  }
0x5f: {  	_ =	shalt  }
0x60: {  	_ =	shalt  }
0x61: {  	_ =	shalt  }
0x62: {  	_ =	shalt  }
0x63: {  	_ =	shalt  }
0x64: {  	_ =	shalt  }
0x65: {  	_ =	shalt  }
0x66: {  	_ =	shalt  }
0x67: {  	_ =	shalt  }
0x68: {  	_ =	shalt  }
0x69: {  	_ =	shalt  }
0x6a: {  	_ =	shalt  }
0x6b: {  	_ =	shalt  }
0x6c: {  	_ =	shalt  }
0x6d: {  	_ =	shalt  }
0x6e: {  	_ =	shalt  }
0x6f: {  	_ =	shalt  }
0x70: {  	_ =	shalt  }
0x71: {  	_ =	shalt  }
0x72: {  	_ =	shalt  }
0x73: {  	_ =	shalt  }
0x74: {  	_ =	shalt  }
0x75: {  	_ =	shalt  }
0x76: {  	_ =	shalt  }
0x77: {  	_ =	shalt  }
0x78: {  	_ =	shalt  }
0x79: {  	_ =	shalt  }
0x7a: {  	_ =	shalt  }
0x7b: {  	_ =	shalt  }
0x7c: {  	_ =	shalt  }
0x7d: {  	_ =	shalt  }
0x7e: {  	_ =	shalt  }
0x7f: {  	_ =	shalt  }
0x80: {  	_ =	shalt  }
0x81: {  	_ =	shalt  }
0x82: {  	_ =	shalt  }
0x83: {  	_ =	shalt  }
0x84: {  	_ =	shalt  }
0x85: {  	_ =	shalt  }
0x86: {  	_ =	shalt  }
0x87: {  	_ =	shalt  }
.Lfunc_end0:
.L_simem_size_0:
called_computation.1_lowered:
.L_overlay_start_0:
0x88: {  	s2 =	sld [smem:$0x3FD9]  }
0x89: {  	s3 =	sld [smem:$0x3FFE];
	_ =	sdelay $0x1  }
0x8a: {  	s1 =	srdreg.scid  }
0x8b: {  	s0 =	sand.u32 $0x1, s1  }
0x8c: {  	s14 =	sshll.u32 s0, $0xA;
	s2 =	sadd.s32 s3, s2  }
0x8d: {  	s2 =	sadd.s32 s2, s14  }
0x8e: {  	[smem:$0x3FB1] =	sst s2  }
0x8f: {  	_ = 	snop  }
0x90: {  	s2 =	sld [smem:$0x3FD0];
	_ =	sdelay $0x2  }
0x91: {  	s15 =	simm.s32 $0xA;
	s4 =	simm.s32 $0x10  }
0x92: {  	[smem:s4], [sflag:s15] =	dma.local [hbm:s2], $0x1  }
0x93: {  	_ =	swait.eq [sflag:s15], $0x1  }
0x94: {  	[sflag:s15] =	ssyncset.done $0x0  }
0x95: {  	[sflag:s15] =	ssyncadd.s32 $0xFFFFFFFF  }
0x96: {  	s16 =	sld [smem:$0x10];
	(tm) =	ssettm $0x1  }
0x97: {  	s17 =	sld [smem:$0x3FFB];
	_ =	sdelay $0x3  }
0x98: {  	_ =	strace s17  }
0x99: {  	s3 =	sld [smem:$0x3FFC];
	_ =	sdelay $0x3  }
0x9a: {  	_ =	strace s3  }
0x9b: {  	s3 =	sld [smem:$0x3FFD];
	_ =	sdelay $0x3  }
0x9c: {  	_ =	strace s3  }
0x9d: {  	_ =	strace $0x8FFFFFFF  }
0x9e: {  	s18 =	sld [smem:$0x3FDB];
	_ =	sdelay $0x1  }
0x9f: {  	s19 =	simm.s32 $_scs_section_size  }
0xa0: {  	s5 =	simm.s32 $_size__tile_overlayer_lowered;
	s6 =	simm.s32 $_tile_overlayer_lowered  }
0xa1: {  	s22 =	simm.s32 $0x1BFF;
	s21 =	sshll.u32 s6, $0x1;
	s3 =	sadd.s32 s19, s18  }
0xa2: {  	s7 =	simm.s32 $0x0;
	s20 =	sshll.u32 s5, $0x1;
	s5 =	sadd.s32 s21, s3  }
0xa3: {  	[timem:s7], [sflag:s22] =	dma.local [hbm:s5], s20  }
0xa4: {  	_ =	swait.ge [sflag:s22], s20  }
0xa5: {  	s4 =	ssub.s32 $0x0, s20;
	[sflag:s22] =	ssyncset.done $0x0  }
0xa6: {  	[sflag:s22] =	ssyncadd.s32 s4;
	_ =	sdelay $0x1  }
0xa7: {  	s23 =	simm.s32 $0x1B8B  }
0xa8: {  	_ =	swait.ge [sflag:s23], $0x1  }
0xa9: {  	[sflag:s23] =	ssyncset.done $0x0  }
0xaa: {  	s25 =	simm.s32 $0x1B8E;
	s24 =	sld [smem:$0x3FFE];
	[sflag:s23] =	ssyncadd.s32 $0xFFFFFFFF  }
0xab: {  	s26 =	simm.s32 $execute0_lowered;
	[smem:$0x3FD2] =	sst s25  }
0xac: {  	s5 =	sshll.u32 s26, $0x1;
	_ =	strace $0x80000049;
	[dreg:$0x1] =	wrdreg $0xFFFFFFFF  }
0xad: {  	s28 =	simm.s32 $_size_execute0_lowered;
	s3 =	sadd.s32 s3, s5;
	[dreg:$0x0] =	wrdreg $0x0  }
0xae: {  	s5 =	sshll.u32 s28, $0x1;
	[dreg:$0x2] =	wrdreg s3  }
0xaf: {  	[dreg:$0x3] =	wrdreg s5  }
0xb0: {  	[dreg:$0x4] =	wrdreg $0xC0  }
0xb1: {  	_ =	task [dreg:s7], $0x5FFFF  }
0xb2: {  	[dreg:$0x1] =	wrdreg $0xFFFFFFFF  }
0xb3: {  	[dreg:$0x0] =	wrdreg $0x60  }
0xb4: {  	[dreg:$0x2] =	wrdreg s24  }
0xb5: {  	[dreg:$0x3] =	wrdreg s16  }
0xb6: {  	[dreg:$0x4] =	wrdreg $0x81000  }
0xb7: {  	[dreg:$0x5] =	wrdreg $0x9  }
0xb8: {  	_ =	task.clear_ibuf [dreg:s7], $0x6FFFF;
	_ =	strace $0x90000049  }
0xb9: {  	s29 =	simm.s32 $0x9;
	_ =	strace $0x8000004B  }
0xba: {  	_ =	swait.ge [sflag:s29], $0x1  }
0xbb: {  	[sflag:s29] =	ssyncadd.s32 $0xFFFFFFFF  }
0xbc: {  	_ =	strace $0x9000004B  }
0xbd: {  	_ =	sfence  }
0xbe: {  	s30 =	sld [smem:$0x0];
	_ =	sdelay $0x2  }
0xbf: {  	s31 =	sshll.u32 s1, $0xD;
	s1 =	sshrl.u32 s1, $0x2  }
0xc0: {  	s3 =	sand.u32 $0x4000, s31;
	s1 =	sadd.s32 s1, s30  }
0xc1: {  	s0 =	sor.u32 s3, s0;
	s1 =	sshll.u32 s1, $0x11  }
0xc2: {  	s0 =	sor.u32 s1, s0  }
0xc3: {  	s0 =	sadd.s32 $0x8F2B, s0  }
0xc4: {  	[sflag:s0] =	ssyncadd.remote.s32 $0x1  }
0xc5: {  	_ =	sfence.sel $0xFFFF  }
0xc6: {  	[dreg:$0x0] =	wrdreg $0xFFFFFFFF;
	(pc) =	sbr.abs _section_cstart, $3  }
0xc7: {  	[dreg:$0x1] =	wrdreg $0xFFFFFFFF  }
0xc8: {  	_ =	task.clear_ibuf [dreg:s7], $0x2FFFF;
	_ =	strace $0x9FFFFFFF  }
0xc9: {  	(tm) =	ssettm $0x7FFFFFFF  }
tec
execute0_lowered:
.L_overlay_start_1:
0x0: {  	(tag) =	ssettag $0x1  }
0x1: {  	s5 =	rddreg [dreg:$0x0]  }
0x2: {  	s20 =	rddreg [dreg:$0x1]  }
0x3: {  	s1 =	rddreg [dreg:$0x2];
	s2 =	srdreg.scid  }
0x4: {  	s0 =	rddreg [dreg:$0x3];
	s6 =	sand.u32 $0x1, s2  }
0x5: {  	s3 =	simm.s32 $0x0;
	s2 =	stileid.u32;
	s21 =	smul.u32 $0x4F00, s6  }
0x6: {  	[smem:$0x7FF] =	sst s3;
	s7 =	smul.u32 $0x4F000, s2  }
0x7: {  	s4 =	sadd.s32 $0xB1400, s5;
	s19 =	sadd.s32 $0xA400, s5;
	s15 =	smul.u32 $0x13C00, s2  }
0x8: {  	_ =	strace $0x8000004A;
	s8 =	ssub.s32 $0x2, s6;
	s17 =	smul.u32 $0x13C000, s6  }
0x9: {  	s24 =	smul.u32 $0x4F0, s2;
	s25 =	sshrl.u32 s8, $0x1;
	s18 =	sadd.s32 s21, s5  }
0xa: {  	s26 =	sadd.s32 $0x10000, s15;
	s8 =	ssub.s32 s8, s25;
	s28 =	sshrl.u32 s7, $0x2  }
0xb: {  	s12 =	sadd.s32 s17, s15;
	s13 =	sadd.s32 $0x4000, s15;
	s16 =	sadd.s32 $0x8000, s15  }
0xc: {  	s23 =	sadd.s32 $0xC000, s15;
	s20 =	sadd.s32 s21, s20;
	s21 =	simm.s32 $0x4100  }
0xd: {  	s25 =	simm.s32 $0x0;
	s29 =	sadd.s32 s17, s26;
	s5 =	sadd.s32 s28, s1  }
0xe: {  	s6 =	sadd.s32 s26, s1;
	s8 =	smax.u32 s8, $0x1;
	s12 =	sshrl.u32 s12, $0x3  }
0xf: {  	s14 =	sadd.s32 s17, s13;
	s13 =	sadd.s32 s13, s1;
	s22 =	sadd.s32 s17, s16  }
0x10: {  	s15 =	sadd.s32 s16, s1;
	s30 =	sadd.s32 s17, s23;
	s17 =	sadd.s32 s23, s1  }
0x11: {  	s31 =	sadd.s32 s24, s18;
	s20 =	sadd.s32 s24, s20;
	s23 =	simm.s32 $0x80  }
0x12: {  	s24 =	simm.s32 $0x100;
	s7 =	sshrl.u32 s29, $0x3;
	s9 =	sadd.s32 $0x4000, s5  }
0x13: {  	s10 =	sadd.s32 $0x8000, s5;
	s11 =	sadd.s32 $0xC000, s5;
	s12 =	sadd.s32 s19, s12  }
0x14: {  	s14 =	sshrl.u32 s14, $0x3;
	s22 =	sshrl.u32 s22, $0x3;
	s7 =	sadd.s32 s19, s7  }
0x15: {  	s14 =	sadd.s32 s19, s14;
	s16 =	sadd.s32 s19, s22;
	s22 =	sshrl.u32 s30, $0x3  }
0x16: {  	v0 =	vimm.f32 $0.0e+00;
	s18 =	sadd.s32 s19, s22;
	s19 =	sadd.s32 $0x59400, s31;
	s22 =	simm.s32 $0x1  }
.LBB2_1:
0x17: {  	s26 =	simm.s32 $0x0;
	s28 =	simm.s32 $0x200  }
.LBB2_2:
0x18: {  	p0 =	sne.s32 s28, $0xFE00;
	[tilespmem:s26+$0x4170] =	vst v0  }
0x19: {  	[tilespmem:s26+$0x4100] =	vst v0  }
0x1a: {  	[tilespmem:s26+$0x4110] =	vst v0  }
.Ltmp0:
0x1b: {  	[tilespmem:s26+$0x4120] =	vst v0;
	(pc) =	sbr.rel @p0 .LBB2_2-.Ltmp0, $4  }
0x1c: {  	[tilespmem:s26+$0x4130] =	vst v0  }
0x1d: {  	[tilespmem:s26+$0x4140] =	vst v0  }
0x1e: {  	[tilespmem:s26+$0x4150] =	vst v0  }
0x1f: {  	[tilespmem:s26+$0x4160] =	vst v0;
	s26 =	sshra.s32 s28, $0x2;
	s28 =	sadd.s32 $0x200, s28  }
0x20: {  	[tilespmem:s26+$0x4170] =	vst v0  }
0x21: {  	[tilespmem:s26+$0x4100] =	vst v0  }
0x22: {  	[tilespmem:s26+$0x4110] =	vst v0  }
0x23: {  	[tilespmem:s26+$0x4120] =	vst v0  }
0x24: {  	[tilespmem:s26+$0x4130] =	vst v0  }
0x25: {  	[tilespmem:s26+$0x4140] =	vst v0  }
0x26: {  	[tilespmem:s26+$0x4150] =	vst v0  }
0x27: {  	[tilespmem:s26+$0x4160] =	vst v0  }
0x28: {  	[spmem:s5] =	stream.linear.scatter [tilespmem:s21], [sflag:$0x1], $0x4000, $0x38;
	[tilespmem:$0x1BD00] =	vst v63  }
0x29: {  	_ =	swait.ge [sflag:s22], $0x4000  }
0x2a: {  	[sflag:s22] =	ssyncset.done $0x0  }
0x2b: {  	[sflag:s22] =	ssyncadd.s32 $0xFFFFC000  }
0x2c: {  	[spmem:s9] =	stream.linear.scatter [tilespmem:s21], [sflag:$0x1], $0x4000, $0x38;
	[tilespmem:$0x1BD00] =	vst v63  }
0x2d: {  	_ =	swait.ge [sflag:s22], $0x4000  }
0x2e: {  	[sflag:s22] =	ssyncset.done $0x0  }
0x2f: {  	[sflag:s22] =	ssyncadd.s32 $0xFFFFC000  }
0x30: {  	[spmem:s10] =	stream.linear.scatter [tilespmem:s21], [sflag:$0x1], $0x4000, $0x38;
	[tilespmem:$0x1BD00] =	vst v63  }
0x31: {  	_ =	swait.ge [sflag:s22], $0x4000  }
0x32: {  	[sflag:s22] =	ssyncset.done $0x0  }
0x33: {  	[sflag:s22] =	ssyncadd.s32 $0xFFFFC000  }
0x34: {  	[spmem:s11] =	stream.linear.scatter [tilespmem:s21], [sflag:$0x1], $0x4000, $0x38;
	[tilespmem:$0x1BD00] =	vst v63  }
0x35: {  	_ =	swait.ge [sflag:s22], $0x4000  }
0x36: {  	[sflag:s22] =	ssyncset.done $0x0  }
0x37: {  	[sflag:s22] =	ssyncadd.s32 $0xFFFFC000  }
0x38: {  	[spmem:s6] =	stream.linear.scatter [tilespmem:s21], [sflag:$0x1], $0x3C00, $0x38;
	[tilespmem:$0x1BD00] =	vst v63  }
0x39: {  	_ =	swait.ge [sflag:s22], $0x3C00  }
0x3a: {  	[sflag:s22] =	ssyncset.done $0x0  }
0x3b: {  	[sflag:s22] =	ssyncadd.s32 $0xFFFFC400  }
0x3c: {  	[bflag:$0x0] =	sbarrier.arrive $0xFFFF  }
0x3d: {  	s30 =	sadd.s32 $0x0, s20;
	[bflag:$0x0] =	sbarrier.arrive $0xFFFF  }
0x3e: {  	[tilespmem:s23], [sflag:$0x1] =	stream.linear.gather [hbm4b:s30+s3], $0x80, $0x38;
	[tilespmem:$0x1BD00] =	vst v63  }
0x3f: {  	_ =	swait.ge [sflag:s22], $0x80  }
0x40: {  	[sflag:s22] =	ssyncset.done $0x0  }
0x41: {  	s31 =	sadd.s32 $0x0, s19;
	[sflag:s22] =	ssyncadd.s32 $0xFFFFFF80  }
0x42: {  	[tilespmem:s3], [sflag:$0x1] =	stream.linear.gather [hbm4b:s31+s3], $0x80, $0x38;
	[tilespmem:$0x1BD00] =	vst v63  }
0x43: {  	_ =	swait.ge [sflag:s22], $0x80  }
0x44: {  	[sflag:s22] =	ssyncset.done $0x0  }
0x45: {  	[sflag:s22] =	ssyncadd.s32 $0xFFFFFF80  }
0x46: {  	[tilespmem:s24], [sflag:$0x1] =	stream.indirect.gather [hbm4b:s4+s23], $0x80, s3, s23, $0xb8;
	[tilespmem:$0x1BD00] =	vst v63  }
0x47: {  	_ =	swait.ge [sflag:s22], $0x4000  }
0x48: {  	[sflag:s22] =	ssyncset.done $0x0  }
0x49: {  	[sflag:s22] =	ssyncadd.s32 $0xFFFFC000  }
0x4a: {  	[spmem:s1] =	stream.indirect.scatter.add.f32 [tilespmem:s24], [sflag:$0x1], $0x80, s23, s23, $0xb8;
	[tilespmem:$0x1BD00] =	vst v63  }
0x4b: {  	_ =	swait.ge [sflag:s22], $0x4000  }
0x4c: {  	s26 =	simm.s32 $0x10;
	s28 =	simm.s32 $0x20;
	[sflag:s22] =	ssyncset.done $0x0  }
.LBB2_4:
0x4d: {  	s29 =	sadd.s32 s26, s20  }
0x4e: {  	[sflag:s22] =	ssyncadd.s32 $0xFFFFC000;
	s30 =	smov.u32 s28;
	s31 =	sadd.s32 $0x10, s28  }
0x4f: {  	[tilespmem:s23], [sflag:$0x1] =	stream.linear.gather [hbm4b:s29+s3], $0x80, $0x38;
	[tilespmem:$0x1BD00] =	vst v63  }
0x50: {  	p0 =	sne.s32 s28, $0x4E0;
	_ =	swait.ge [sflag:s22], $0x80  }
0x51: {  	[sflag:s22] =	ssyncset.done $0x0  }
0x52: {  	s28 =	sadd.s32 s26, s19;
	s26 =	smov.u32 s30;
	[sflag:s22] =	ssyncadd.s32 $0xFFFFFF80  }
0x53: {  	[tilespmem:s3], [sflag:$0x1] =	stream.linear.gather [hbm4b:s28+s3], $0x80, $0x38;
	[tilespmem:$0x1BD00] =	vst v63  }
0x54: {  	_ =	swait.ge [sflag:s22], $0x80  }
0x55: {  	[sflag:s22] =	ssyncset.done $0x0  }
0x56: {  	[sflag:s22] =	ssyncadd.s32 $0xFFFFFF80  }
0x57: {  	[tilespmem:s24], [sflag:$0x1] =	stream.indirect.gather [hbm4b:s4+s23], $0x80, s3, s23, $0xb8;
	[tilespmem:$0x1BD00] =	vst v63  }
0x58: {  	_ =	swait.ge [sflag:s22], $0x4000  }
.Ltmp1:
0x59: {  	[sflag:s22] =	ssyncset.done $0x0;
	(pc) =	sbr.rel @p0 .LBB2_4-.Ltmp1, $4  }
0x5a: {  	[sflag:s22] =	ssyncadd.s32 $0xFFFFC000  }
0x5b: {  	[spmem:s1] =	stream.indirect.scatter.add.f32 [tilespmem:s24], [sflag:$0x1], $0x80, s23, s23, $0xb8;
	[tilespmem:$0x1BD00] =	vst v63  }
0x5c: {  	_ =	swait.ge [sflag:s22], $0x4000  }
0x5d: {  	s28 =	smov.u32 s31;
	[sflag:s22] =	ssyncset.done $0x0  }
0x5e: {  	s28 =	sadd.s32 s26, s20;
	[sflag:s22] =	ssyncadd.s32 $0xFFFFC000  }
0x5f: {  	[tilespmem:s23], [sflag:$0x1] =	stream.linear.gather [hbm4b:s28+s3], $0x80, $0x38;
	[tilespmem:$0x1BD00] =	vst v63  }
0x60: {  	_ =	swait.ge [sflag:s22], $0x80  }
0x61: {  	[sflag:s22] =	ssyncset.done $0x0  }
0x62: {  	s31 =	sadd.s32 s26, s19;
	[sflag:s22] =	ssyncadd.s32 $0xFFFFFF80  }
0x63: {  	[tilespmem:s3], [sflag:$0x1] =	stream.linear.gather [hbm4b:s31+s3], $0x80, $0x38;
	[tilespmem:$0x1BD00] =	vst v63  }
0x64: {  	_ =	swait.ge [sflag:s22], $0x80  }
0x65: {  	[sflag:s22] =	ssyncset.done $0x0  }
0x66: {  	[sflag:s22] =	ssyncadd.s32 $0xFFFFFF80  }
0x67: {  	[tilespmem:s24], [sflag:$0x1] =	stream.indirect.gather [hbm4b:s4+s23], $0x80, s3, s23, $0xb8;
	[tilespmem:$0x1BD00] =	vst v63  }
0x68: {  	_ =	swait.ge [sflag:s22], $0x4000  }
0x69: {  	[sflag:s22] =	ssyncset.done $0x0  }
0x6a: {  	[sflag:s22] =	ssyncadd.s32 $0xFFFFC000  }
0x6b: {  	[spmem:s1] =	stream.indirect.scatter.add.f32 [tilespmem:s24], [sflag:$0x1], $0x80, s23, s23, $0xb8;
	[tilespmem:$0x1BD00] =	vst v63  }
0x6c: {  	_ =	swait.ge [sflag:s22], $0x4000  }
0x6d: {  	[sflag:s22] =	ssyncset.done $0x0  }
0x6e: {  	[sflag:s22] =	ssyncadd.s32 $0xFFFFC000  }
0x6f: {  	[bflag:$0x0] =	sbarrier.arrive $0xFFFF  }
0x70: {  	[bflag:$0x0] =	sbarrier.arrive $0xFFFF  }
0x71: {  	[tilespmem:s21], [sflag:$0x1] =	stream.linear.gather [spmem:s5], $0x4000, $0x38;
	[tilespmem:$0x1BD00] =	vst v63  }
0x72: {  	_ =	swait.ge [sflag:s22], $0x4000  }
0x73: {  	[sflag:s22] =	ssyncset.done $0x0  }
0x74: {  	[sflag:s22] =	ssyncadd.s32 $0xFFFFC000  }
0x75: {  	[hbm4b:s12+s3] =	stream.linear.scatter [tilespmem:s21], [sflag:$0x1], $0x4000, $0x38;
	[tilespmem:$0x1BD00] =	vst v63  }
0x76: {  	_ =	swait.ge [sflag:s22], $0x4000  }
0x77: {  	[sflag:s22] =	ssyncset.done $0x0  }
0x78: {  	[sflag:s22] =	ssyncadd.s32 $0xFFFFC000  }
0x79: {  	[tilespmem:s21], [sflag:$0x1] =	stream.linear.gather [spmem:s13], $0x4000, $0x38;
	[tilespmem:$0x1BD00] =	vst v63  }
0x7a: {  	_ =	swait.ge [sflag:s22], $0x4000  }
0x7b: {  	[sflag:s22] =	ssyncset.done $0x0  }
0x7c: {  	[sflag:s22] =	ssyncadd.s32 $0xFFFFC000  }
0x7d: {  	[hbm4b:s14+s3] =	stream.linear.scatter [tilespmem:s21], [sflag:$0x1], $0x4000, $0x38;
	[tilespmem:$0x1BD00] =	vst v63  }
0x7e: {  	_ =	swait.ge [sflag:s22], $0x4000  }
0x7f: {  	[sflag:s22] =	ssyncset.done $0x0  }
0x80: {  	[sflag:s22] =	ssyncadd.s32 $0xFFFFC000  }
0x81: {  	[tilespmem:s21], [sflag:$0x1] =	stream.linear.gather [spmem:s15], $0x4000, $0x38;
	[tilespmem:$0x1BD00] =	vst v63  }
0x82: {  	_ =	swait.ge [sflag:s22], $0x4000  }
0x83: {  	[sflag:s22] =	ssyncset.done $0x0  }
0x84: {  	[sflag:s22] =	ssyncadd.s32 $0xFFFFC000  }
0x85: {  	[hbm4b:s16+s3] =	stream.linear.scatter [tilespmem:s21], [sflag:$0x1], $0x4000, $0x38;
	[tilespmem:$0x1BD00] =	vst v63  }
0x86: {  	_ =	swait.ge [sflag:s22], $0x4000  }
0x87: {  	[sflag:s22] =	ssyncset.done $0x0  }
0x88: {  	[sflag:s22] =	ssyncadd.s32 $0xFFFFC000  }
0x89: {  	[tilespmem:s21], [sflag:$0x1] =	stream.linear.gather [spmem:s17], $0x4000, $0x38;
	[tilespmem:$0x1BD00] =	vst v63  }
0x8a: {  	_ =	swait.ge [sflag:s22], $0x4000  }
0x8b: {  	[sflag:s22] =	ssyncset.done $0x0  }
0x8c: {  	[sflag:s22] =	ssyncadd.s32 $0xFFFFC000  }
0x8d: {  	[hbm4b:s18+s3] =	stream.linear.scatter [tilespmem:s21], [sflag:$0x1], $0x4000, $0x38;
	[tilespmem:$0x1BD00] =	vst v63  }
0x8e: {  	_ =	swait.ge [sflag:s22], $0x4000  }
0x8f: {  	[sflag:s22] =	ssyncset.done $0x0  }
0x90: {  	[sflag:s22] =	ssyncadd.s32 $0xFFFFC000  }
0x91: {  	[tilespmem:s21], [sflag:$0x1] =	stream.linear.gather [spmem:s6], $0x3C00, $0x38;
	[tilespmem:$0x1BD00] =	vst v63  }
0x92: {  	s25 =	sadd.s32 $0x1, s25;
	_ =	swait.ge [sflag:s22], $0x3C00  }
0x93: {  	p0 =	sne.s32 s25, s8;
	[sflag:s22] =	ssyncset.done $0x0  }
.Ltmp2:
0x94: {  	[sflag:s22] =	ssyncadd.s32 $0xFFFFC400;
	(pc) =	sbr.rel @p0 .LBB2_1-.Ltmp2, $4  }
0x95: {  	[hbm4b:s7+s3] =	stream.linear.scatter [tilespmem:s21], [sflag:$0x1], $0x3C00, $0x38;
	[tilespmem:$0x1BD00] =	vst v63  }
0x96: {  	_ =	swait.ge [sflag:s22], $0x3C00  }
0x97: {  	[sflag:s22] =	ssyncset.done $0x0  }
0x98: {  	[sflag:s22] =	ssyncadd.s32 $0xFFFFC400  }
0x99: {  	_ =	sfence.sel $0x180000  }
0x9a: {  	[bflag:$0x0] =	sbarrier.arrive $0xFFFF  }
0x9b: {  	p0 =	sne.s32 s2, $0x0;
	_ =	strace $0x9000004A  }
0x9c: {  	s0 =	sadd.s32 @!p0 $0x100000, s0;
	[bflag:$0x2] =	sbarrier.arrive $0xFFFF  }
0x9d: {  	[sflag:s0] =	ssyncadd.tile.s32 @!p0 $0x1;
	_ =	shalt  }
.Lfunc_end2:
_tile_overlayer_lowered:
.L_overlay_start_2:
0x9e: {  	(tag) =	ssettag $0x2  }
0x9f: {  	s0 =	rddreg [dreg:$0x0];
	s2 =	stileid.u32  }
0xa0: {  	s1 =	rddreg [dreg:$0x1];
	p0 =	sne.s32 s2, $0x0  }
0xa1: {  	s3 =	rddreg [dreg:$0x2];
	[bflag:$0x3] =	sbarrier.arrive $0xFFFF;
	s2 =	simm.s32 @!p0 $0x1C01  }
0xa2: {  	[timem:s3], [sflag:s2] =	dma.local @!p0 [hbm:s0], s1  }
0xa3: {  	s0 =	simm.s32 @!p0 $0x1  }
0xa4: {  	_ =	swait.ge @!p0 [sflag:s0], s1  }
0xa5: {  	s1 =	ssub.s32 @!p0 $0x0, s1;
	[sflag:s0] =	ssyncset.done @!p0 $0x0  }
0xa6: {  	[sflag:s0] =	ssyncadd.s32 @!p0 s1  }
0xa7: {  	[bflag:$0x3] =	sbarrier.arrive $0xFFFF  }
0xa8: {  	_ =	shalt  }

// kernel: kernel.21.cloned.1.call-start
scs
__scs_entry_jumppad:
0x0: {  	(pc) =	sbr.rel $0x88, $3  }
0x1: {  	(tag) =	ssettag $0x0;
	lr =	simm.s32 $0x1  }
0x2: {  	[smem:$0x3F8A] =	sst lr;
	_ =	strace $0xD0000000  }
0x3: {  	_ = 	snop  }
0x4: {  	_ = 	snop  }
0x5: {  	_ = 	snop  }
0x6: {  	_ = 	snop  }
0x7: {  	_ = 	snop  }
__scs_overlays_trampoline_lowered:
0x8: {  	[smem:$0x3F99] =	sst s0  }
0x9: {  	[smem:$0x3F9A] =	sst s1  }
0xa: {  	[smem:$0x3F9B] =	sst s2  }
0xb: {  	[smem:$0x3F9C] =	sst s3  }
0xc: {  	[smem:$0x3F9D] =	sst s4  }
0xd: {  	[smem:$0x3F9E] =	sst s5  }
0xe: {  	[smem:$0x3F9F] =	sst s6  }
0xf: {  	[smem:$0x3FA0] =	sst s7  }
0x10: {  	[smem:$0x3FA1] =	sst s8  }
0x11: {  	[smem:$0x3FA2] =	sst s9;
	s0 =	simm.s32 @!p0 $0x0  }
0x12: {  	s1 =	sld [smem:$0x3F88];
	s0 =	simm.s32 @p0 $0x1  }
0x13: {  	[smem:$0x3FA3] =	sst s0;
	s0 =	simm.s32 @!p1 $0x0  }
0x14: {  	s2 =	sld [smem:$0x3F87];
	s0 =	simm.s32 @p1 $0x1  }
0x15: {  	[smem:$0x3FA4] =	sst s0;
	s0 =	simm.s32 @!p2 $0x0  }
0x16: {  	s3 =	sld [smem:$0x3FDB];
	s0 =	simm.s32 @p2 $0x1  }
0x17: {  	s4 =	simm.s32 $0x1BF5;
	[smem:$0x3FA6] =	sst s0  }
0x18: {  	s0 =	sld [smem:$0x3F89];
	_ =	swait.ge [sflag:s4], $0x0  }
0x19: {  	s7 =	sld [smem:$0x3F8A]  }
0x1a: {  	s8 =	sadd.s32 $0xFFFFE003, lr  }
0x1b: {  	s9 =	sadd.s32 $0xFFFFFEF7, lr;
	s5 =	simm.s32 $0xFFFFFFFF;
	p2 =	slt.u32 s8, $0xFFFFF086  }
0x1c: {  	p1 =	slt.u32 s9, $0xF7A;
	s5 =	simm.s32 @!p2 $0x0  }
0x1d: {  	s5 =	simm.s32 @p1 $0x1;
	p0 =	seq.s32 s7, s2  }
0x1e: {  	s7 =	smul.u32 @!p0 $0xF7A, s2;
	p2 =	seq.s32 @!p0 s5, $0x0  }
0x1f: {  	s9 =	smul.u32 $0xF7A, s1;
	s8 =	simm.s32 @!p0 $0x1BF5;
	p2 =	por !p2, p0  }
0x20: {  	[sflag:s8] =	ssyncset.s32 @!p0 $0xFFFFF086;
	s6 =	sadd.s32 @!p0 s3, s7;
	s7 =	simm.s32 @!p0 $0x108  }
0x21: {  	s3 =	sadd.s32 s3, s9;
	s6 =	sadd.s32 @!p0 $0x88, s6;
	s7 =	simm.s32 @p2 $0x1082  }
0x22: {  	[simem:s7], [sflag:s8] =	dma.local @!p0 [hbm:s6], $0xF7A  }
0x23: {  	s9 =	sor.u32 $0xD0000000, s2;
	s6 =	simm.s32 $0x108;
	_ =	swait.ge @!p0 [sflag:s8], $0x0  }
0x24: {  	s3 =	sadd.s32 $0x88, s3;
	s6 =	simm.s32 @!p1 $0x1082;
	[sflag:s4] =	ssyncset.s32 $0xFFFFF086  }
0x25: {  	[simem:s6], [sflag:s4] =	dma.local [hbm:s3], $0xF7A  }
0x26: {  	[smem:$0x3F8A] =	sst s1;
	(tag) =	ssettag s2;
	_ =	strace s9  }
0x27: {  	s1 =	sld [smem:$0x3F9A]  }
0x28: {  	s2 =	sld [smem:$0x3F9B]  }
0x29: {  	s4 =	sld [smem:$0x3F9D]  }
0x2a: {  	p0 =	seq.s32 s5, $0x0;
	s5 =	sld [smem:$0x3F9E]  }
0x2b: {  	s6 =	sld [smem:$0x3F9F]  }
0x2c: {  	s7 =	sld [smem:$0x3FA0]  }
0x2d: {  	s3 =	simm.s32 $0x108;
	s8 =	sld [smem:$0x3FA1]  }
0x2e: {  	s3 =	simm.s32 @!p0 $0x1082;
	s9 =	sld [smem:$0x3FA2]  }
0x2f: {  	lr =	sadd.s32 s0, s3;
	s0 =	sld [smem:$0x3F99]  }
0x30: {  	s3 =	sld [smem:$0x3F9C]  }
0x31: {  	[smem:$0x3FA5] =	sst s10  }
0x32: {  	s10 =	sld [smem:$0x3FA3];
	_ =	sdelay $0x3  }
0x33: {  	p0 =	seq.s32 s10, $0x1;
	s10 =	sld [smem:$0x3FA5];
	_ =	sdelay $0x3  }
0x34: {  	[smem:$0x3FA5] =	sst s10  }
0x35: {  	s10 =	sld [smem:$0x3FA4];
	_ =	sdelay $0x3  }
0x36: {  	p1 =	seq.s32 s10, $0x1;
	s10 =	sld [smem:$0x3FA5];
	_ =	sdelay $0x3  }
0x37: {  	[smem:$0x3FA5] =	sst s10  }
0x38: {  	s10 =	sld [smem:$0x3FA6]  }
0x39: {  	_ = 	snop;
	(pc) =	sbr.ind lr, $3  }
0x3a: {  	_ = 	snop  }
0x3b: {  	_ = 	snop  }
0x3c: {  	p2 =	seq.s32 s10, $0x1;
	s10 =	sld [smem:$0x3FA5]  }
0x3d: {  	_ =	shalt  }
0x3e: {  	_ =	shalt  }
0x3f: {  	_ =	shalt  }
0x40: {  	_ =	shalt  }
0x41: {  	_ =	shalt  }
0x42: {  	_ =	shalt  }
0x43: {  	_ =	shalt  }
0x44: {  	_ =	shalt  }
0x45: {  	_ =	shalt  }
0x46: {  	_ =	shalt  }
0x47: {  	_ =	shalt  }
0x48: {  	_ =	shalt  }
0x49: {  	_ =	shalt  }
0x4a: {  	_ =	shalt  }
0x4b: {  	_ =	shalt  }
0x4c: {  	_ =	shalt  }
0x4d: {  	_ =	shalt  }
0x4e: {  	_ =	shalt  }
0x4f: {  	_ =	shalt  }
0x50: {  	_ =	shalt  }
0x51: {  	_ =	shalt  }
0x52: {  	_ =	shalt  }
0x53: {  	_ =	shalt  }
0x54: {  	_ =	shalt  }
0x55: {  	_ =	shalt  }
0x56: {  	_ =	shalt  }
0x57: {  	_ =	shalt  }
0x58: {  	_ =	shalt  }
0x59: {  	_ =	shalt  }
0x5a: {  	_ =	shalt  }
0x5b: {  	_ =	shalt  }
0x5c: {  	_ =	shalt  }
0x5d: {  	_ =	shalt  }
0x5e: {  	_ =	shalt  }
0x5f: {  	_ =	shalt  }
0x60: {  	_ =	shalt  }
0x61: {  	_ =	shalt  }
0x62: {  	_ =	shalt  }
0x63: {  	_ =	shalt  }
0x64: {  	_ =	shalt  }
0x65: {  	_ =	shalt  }
0x66: {  	_ =	shalt  }
0x67: {  	_ =	shalt  }
0x68: {  	_ =	shalt  }
0x69: {  	_ =	shalt  }
0x6a: {  	_ =	shalt  }
0x6b: {  	_ =	shalt  }
0x6c: {  	_ =	shalt  }
0x6d: {  	_ =	shalt  }
0x6e: {  	_ =	shalt  }
0x6f: {  	_ =	shalt  }
0x70: {  	_ =	shalt  }
0x71: {  	_ =	shalt  }
0x72: {  	_ =	shalt  }
0x73: {  	_ =	shalt  }
0x74: {  	_ =	shalt  }
0x75: {  	_ =	shalt  }
0x76: {  	_ =	shalt  }
0x77: {  	_ =	shalt  }
0x78: {  	_ =	shalt  }
0x79: {  	_ =	shalt  }
0x7a: {  	_ =	shalt  }
0x7b: {  	_ =	shalt  }
0x7c: {  	_ =	shalt  }
0x7d: {  	_ =	shalt  }
0x7e: {  	_ =	shalt  }
0x7f: {  	_ =	shalt  }
0x80: {  	_ =	shalt  }
0x81: {  	_ =	shalt  }
0x82: {  	_ =	shalt  }
0x83: {  	_ =	shalt  }
0x84: {  	_ =	shalt  }
0x85: {  	_ =	shalt  }
0x86: {  	_ =	shalt  }
0x87: {  	_ =	shalt  }
.Lfunc_end0:
.L_simem_size_0:
called_computation.2_lowered:
.L_overlay_start_0:
0x88: {  	s2 =	sld [smem:$0x3FD9]  }
0x89: {  	s3 =	sld [smem:$0x3FFE];
	_ =	sdelay $0x1  }
0x8a: {  	s1 =	srdreg.scid  }
0x8b: {  	s0 =	sand.u32 $0x1, s1  }
0x8c: {  	s14 =	sshll.u32 s0, $0xA;
	s2 =	sadd.s32 s3, s2  }
0x8d: {  	s2 =	sadd.s32 s2, s14  }
0x8e: {  	[smem:$0x3FB1] =	sst s2  }
0x8f: {  	_ = 	snop  }
0x90: {  	s2 =	sld [smem:$0x3FD0];
	_ =	sdelay $0x2  }
0x91: {  	s15 =	simm.s32 $0xA;
	s4 =	simm.s32 $0x10  }
0x92: {  	[smem:s4], [sflag:s15] =	dma.local [hbm:s2], $0x1  }
0x93: {  	_ =	swait.eq [sflag:s15], $0x1  }
0x94: {  	[sflag:s15] =	ssyncset.done $0x0  }
0x95: {  	[sflag:s15] =	ssyncadd.s32 $0xFFFFFFFF  }
0x96: {  	s16 =	sld [smem:$0x11];
	(tm) =	ssettm $0x1  }
0x97: {  	s17 =	sld [smem:$0x3FFB];
	_ =	sdelay $0x3  }
0x98: {  	_ =	strace s17  }
0x99: {  	s3 =	sld [smem:$0x3FFC];
	_ =	sdelay $0x3  }
0x9a: {  	_ =	strace s3  }
0x9b: {  	s3 =	sld [smem:$0x3FFD];
	_ =	sdelay $0x3  }
0x9c: {  	_ =	strace s3  }
0x9d: {  	_ =	strace $0x8FFFFFFF  }
0x9e: {  	s18 =	sld [smem:$0x3FDB];
	_ =	sdelay $0x1  }
0x9f: {  	s19 =	simm.s32 $_scs_section_size  }
0xa0: {  	s5 =	simm.s32 $_size__tile_overlayer_lowered;
	s6 =	simm.s32 $_tile_overlayer_lowered  }
0xa1: {  	s22 =	simm.s32 $0x1BFF;
	s21 =	sshll.u32 s6, $0x1;
	s3 =	sadd.s32 s19, s18  }
0xa2: {  	s7 =	simm.s32 $0x0;
	s20 =	sshll.u32 s5, $0x1;
	s5 =	sadd.s32 s21, s3  }
0xa3: {  	[timem:s7], [sflag:s22] =	dma.local [hbm:s5], s20  }
0xa4: {  	_ =	swait.ge [sflag:s22], s20  }
0xa5: {  	s4 =	ssub.s32 $0x0, s20;
	[sflag:s22] =	ssyncset.done $0x0  }
0xa6: {  	[sflag:s22] =	ssyncadd.s32 s4;
	_ =	sdelay $0x1  }
0xa7: {  	s23 =	simm.s32 $0x1B8B  }
0xa8: {  	_ =	swait.ge [sflag:s23], $0x1  }
0xa9: {  	[sflag:s23] =	ssyncset.done $0x0  }
0xaa: {  	s25 =	simm.s32 $0x1B8E;
	s24 =	sld [smem:$0x3FFE];
	[sflag:s23] =	ssyncadd.s32 $0xFFFFFFFF  }
0xab: {  	s26 =	simm.s32 $execute0_lowered;
	[smem:$0x3FD2] =	sst s25  }
0xac: {  	s5 =	sshll.u32 s26, $0x1;
	_ =	strace $0x8000004C;
	[dreg:$0x1] =	wrdreg $0xFFFFFFFF  }
0xad: {  	s28 =	simm.s32 $_size_execute0_lowered;
	s3 =	sadd.s32 s3, s5;
	[dreg:$0x0] =	wrdreg $0x0  }
0xae: {  	s5 =	sshll.u32 s28, $0x1;
	[dreg:$0x2] =	wrdreg s3  }
0xaf: {  	[dreg:$0x3] =	wrdreg s5  }
0xb0: {  	[dreg:$0x4] =	wrdreg $0xC0  }
0xb1: {  	_ =	task [dreg:s7], $0x5FFFF  }
0xb2: {  	[dreg:$0x1] =	wrdreg $0xFFFFFFFF  }
0xb3: {  	[dreg:$0x0] =	wrdreg $0x60  }
0xb4: {  	[dreg:$0x2] =	wrdreg s24  }
0xb5: {  	[dreg:$0x3] =	wrdreg s16  }
0xb6: {  	[dreg:$0x4] =	wrdreg $0x81000  }
0xb7: {  	[dreg:$0x5] =	wrdreg $0x9  }
0xb8: {  	_ =	task.clear_ibuf [dreg:s7], $0x6FFFF;
	_ =	strace $0x9000004C  }
0xb9: {  	s29 =	simm.s32 $0x9;
	_ =	strace $0x8000004E  }
0xba: {  	_ =	swait.ge [sflag:s29], $0x1  }
0xbb: {  	[sflag:s29] =	ssyncadd.s32 $0xFFFFFFFF  }
0xbc: {  	_ =	strace $0x9000004E  }
0xbd: {  	_ =	sfence  }
0xbe: {  	s30 =	sld [smem:$0x0];
	_ =	sdelay $0x2  }
0xbf: {  	s31 =	sshll.u32 s1, $0xD;
	s1 =	sshrl.u32 s1, $0x2  }
0xc0: {  	s3 =	sand.u32 $0x4000, s31;
	s1 =	sadd.s32 s1, s30  }
0xc1: {  	s0 =	sor.u32 s3, s0;
	s1 =	sshll.u32 s1, $0x11  }
0xc2: {  	s0 =	sor.u32 s1, s0  }
0xc3: {  	s0 =	sadd.s32 $0x8F2B, s0  }
0xc4: {  	[sflag:s0] =	ssyncadd.remote.s32 $0x1  }
0xc5: {  	_ =	sfence.sel $0xFFFF  }
0xc6: {  	[dreg:$0x0] =	wrdreg $0xFFFFFFFF;
	(pc) =	sbr.abs _section_cstart, $3  }
0xc7: {  	[dreg:$0x1] =	wrdreg $0xFFFFFFFF  }
0xc8: {  	_ =	task.clear_ibuf [dreg:s7], $0x2FFFF;
	_ =	strace $0x9FFFFFFF  }
0xc9: {  	(tm) =	ssettm $0x7FFFFFFF  }
tec
execute0_lowered:
.L_overlay_start_1:
0x0: {  	(tag) =	ssettag $0x1  }
0x1: {  	s0 =	rddreg [dreg:$0x0]  }
0x2: {  	s17 =	rddreg [dreg:$0x1]  }
0x3: {  	s1 =	rddreg [dreg:$0x2]  }
0x4: {  	s3 =	simm.s32 $0x0;
	s4 =	srdreg.scid;
	s2 =	stileid.u32  }
0x5: {  	s28 =	simm.s32 $0x80;
	s29 =	simm.s32 $0x100;
	s30 =	simm.s32 $0x0  }
0x6: {  	[smem:$0x7FF] =	sst s3;
	s5 =	sand.u32 $0x1, s4;
	s7 =	smul.u32 $0x4F000, s2  }
0x7: {  	s4 =	sadd.s32 $0x100000, s0;
	s16 =	sadd.s32 $0xFFA00, s0;
	s21 =	smul.u32 $0x13C00, s2  }
0x8: {  	s0 =	sadd.s32 $0x104000, s0;
	_ =	strace $0x8000004D;
	s6 =	ssub.s32 $0x2, s5  }
0x9: {  	s22 =	smul.u32 $0x13C000, s5;
	s5 =	sshll.u32 s5, $0x4;
	s8 =	sshrl.u32 s6, $0x1  }
0xa: {  	s23 =	sshrl.u32 s7, $0x2;
	s24 =	sadd.s32 $0x10000, s21;
	s9 =	sor.u32 s2, s5  }
0xb: {  	s20 =	sadd.s32 $0x4000, s21;
	s31 =	sadd.s32 $0x8000, s21;
	s8 =	ssub.s32 s6, s8  }
0xc: {  	s5 =	sadd.s32 s23, s1;
	s10 =	sadd.s32 s22, s24;
	s6 =	sadd.s32 s24, s1  }
0xd: {  	s18 =	smul.u32 $0x30, s9;
	s19 =	sadd.s32 s22, s21;
	s23 =	sadd.s32 s22, s20  }
0xe: {  	s24 =	sadd.s32 s22, s31;
	s25 =	sshrl.u32 s10, $0x3;
	s8 =	smax.u32 s8, $0x1  }
0xf: {  	s9 =	sadd.s32 $0x4000, s5;
	s10 =	sadd.s32 $0x8000, s5;
	s11 =	sadd.s32 $0xC000, s5  }
0x10: {  	s19 =	sshrl.u32 s19, $0x3;
	s26 =	sshrl.u32 s23, $0x3;
	s7 =	sadd.s32 s0, s25  }
0x11: {  	s15 =	sadd.s32 $0x10, s18;
	s12 =	sadd.s32 s16, s18;
	s13 =	sadd.s32 s17, s18  }
0x12: {  	s18 =	sadd.s32 $0x20, s18;
	s25 =	sadd.s32 $0xC000, s21;
	s21 =	sadd.s32 s31, s1  }
0x13: {  	s14 =	sadd.s32 s16, s15;
	s15 =	sadd.s32 s17, s15;
	s16 =	sadd.s32 s16, s18  }
0x14: {  	s17 =	sadd.s32 s17, s18;
	s18 =	sadd.s32 s0, s19;
	s19 =	sadd.s32 s20, s1  }
0x15: {  	s20 =	sadd.s32 s0, s26;
	s26 =	sshrl.u32 s24, $0x3;
	s31 =	sadd.s32 s22, s25  }
0x16: {  	s23 =	sadd.s32 s25, s1;
	s25 =	simm.s32 $0x4100;
	s24 =	sshrl.u32 s31, $0x3  }
0x17: {  	v0 =	vimm.f32 $0.0e+00;
	s22 =	sadd.s32 s0, s26;
	s26 =	simm.s32 $0x1;
	s24 =	sadd.s32 s0, s24  }
.LBB2_1:
0x18: {  	s31 =	simm.s32 $0x0;
	s0 =	simm.s32 $0x200  }
.LBB2_2:
0x19: {  	p0 =	sne.s32 s0, $0xFE00;
	[tilespmem:s31+$0x4170] =	vst v0  }
0x1a: {  	[tilespmem:s31+$0x4100] =	vst v0  }
0x1b: {  	[tilespmem:s31+$0x4110] =	vst v0  }
.Ltmp0:
0x1c: {  	[tilespmem:s31+$0x4120] =	vst v0;
	(pc) =	sbr.rel @p0 .LBB2_2-.Ltmp0, $4  }
0x1d: {  	[tilespmem:s31+$0x4130] =	vst v0  }
0x1e: {  	[tilespmem:s31+$0x4140] =	vst v0  }
0x1f: {  	[tilespmem:s31+$0x4150] =	vst v0  }
0x20: {  	[tilespmem:s31+$0x4160] =	vst v0;
	s31 =	sshra.s32 s0, $0x2;
	s0 =	sadd.s32 $0x200, s0  }
0x21: {  	[tilespmem:s31+$0x4170] =	vst v0  }
0x22: {  	[tilespmem:s31+$0x4100] =	vst v0  }
0x23: {  	[tilespmem:s31+$0x4110] =	vst v0  }
0x24: {  	[tilespmem:s31+$0x4120] =	vst v0  }
0x25: {  	[tilespmem:s31+$0x4130] =	vst v0  }
0x26: {  	[tilespmem:s31+$0x4140] =	vst v0  }
0x27: {  	[tilespmem:s31+$0x4150] =	vst v0  }
0x28: {  	[tilespmem:s31+$0x4160] =	vst v0  }
0x29: {  	[spmem:s5] =	stream.linear.scatter [tilespmem:s25], [sflag:$0x1], $0x4000, $0x38;
	[tilespmem:$0x1BD00] =	vst v63  }
0x2a: {  	_ =	swait.ge [sflag:s26], $0x4000  }
0x2b: {  	[sflag:s26] =	ssyncset.done $0x0  }
0x2c: {  	[sflag:s26] =	ssyncadd.s32 $0xFFFFC000  }
0x2d: {  	[spmem:s9] =	stream.linear.scatter [tilespmem:s25], [sflag:$0x1], $0x4000, $0x38;
	[tilespmem:$0x1BD00] =	vst v63  }
0x2e: {  	_ =	swait.ge [sflag:s26], $0x4000  }
0x2f: {  	[sflag:s26] =	ssyncset.done $0x0  }
0x30: {  	[sflag:s26] =	ssyncadd.s32 $0xFFFFC000  }
0x31: {  	[spmem:s10] =	stream.linear.scatter [tilespmem:s25], [sflag:$0x1], $0x4000, $0x38;
	[tilespmem:$0x1BD00] =	vst v63  }
0x32: {  	_ =	swait.ge [sflag:s26], $0x4000  }
0x33: {  	[sflag:s26] =	ssyncset.done $0x0  }
0x34: {  	[sflag:s26] =	ssyncadd.s32 $0xFFFFC000  }
0x35: {  	[spmem:s11] =	stream.linear.scatter [tilespmem:s25], [sflag:$0x1], $0x4000, $0x38;
	[tilespmem:$0x1BD00] =	vst v63  }
0x36: {  	_ =	swait.ge [sflag:s26], $0x4000  }
0x37: {  	[sflag:s26] =	ssyncset.done $0x0  }
0x38: {  	[sflag:s26] =	ssyncadd.s32 $0xFFFFC000  }
0x39: {  	[spmem:s6] =	stream.linear.scatter [tilespmem:s25], [sflag:$0x1], $0x3C00, $0x38;
	[tilespmem:$0x1BD00] =	vst v63  }
0x3a: {  	_ =	swait.ge [sflag:s26], $0x3C00  }
0x3b: {  	[sflag:s26] =	ssyncset.done $0x0  }
0x3c: {  	[sflag:s26] =	ssyncadd.s32 $0xFFFFC400  }
0x3d: {  	[bflag:$0x0] =	sbarrier.arrive $0xFFFF  }
0x3e: {  	[bflag:$0x0] =	sbarrier.arrive $0xFFFF  }
0x3f: {  	[tilespmem:s28], [sflag:$0x1] =	stream.linear.gather [hbm4b:s12+s3], $0x80, $0x38;
	[tilespmem:$0x1BD00] =	vst v63  }
0x40: {  	_ =	swait.ge [sflag:s26], $0x80  }
0x41: {  	[sflag:s26] =	ssyncset.done $0x0  }
0x42: {  	[sflag:s26] =	ssyncadd.s32 $0xFFFFFF80  }
0x43: {  	[tilespmem:s3], [sflag:$0x1] =	stream.linear.gather [hbm4b:s13+s3], $0x80, $0x38;
	[tilespmem:$0x1BD00] =	vst v63  }
0x44: {  	_ =	swait.ge [sflag:s26], $0x80  }
0x45: {  	[sflag:s26] =	ssyncset.done $0x0  }
0x46: {  	[sflag:s26] =	ssyncadd.s32 $0xFFFFFF80  }
0x47: {  	[tilespmem:s29], [sflag:$0x1] =	stream.indirect.gather [hbm4b:s4+s28], $0x80, s3, s28, $0xb8;
	[tilespmem:$0x1BD00] =	vst v63  }
0x48: {  	_ =	swait.ge [sflag:s26], $0x4000  }
0x49: {  	[sflag:s26] =	ssyncset.done $0x0  }
0x4a: {  	[sflag:s26] =	ssyncadd.s32 $0xFFFFC000  }
0x4b: {  	[spmem:s1] =	stream.indirect.scatter.add.f32 [tilespmem:s29], [sflag:$0x1], $0x80, s28, s28, $0xb8;
	[tilespmem:$0x1BD00] =	vst v63  }
0x4c: {  	_ =	swait.ge [sflag:s26], $0x4000  }
0x4d: {  	[sflag:s26] =	ssyncset.done $0x0  }
0x4e: {  	[sflag:s26] =	ssyncadd.s32 $0xFFFFC000  }
0x4f: {  	[tilespmem:s28], [sflag:$0x1] =	stream.linear.gather [hbm4b:s14+s3], $0x80, $0x38;
	[tilespmem:$0x1BD00] =	vst v63  }
0x50: {  	_ =	swait.ge [sflag:s26], $0x80  }
0x51: {  	[sflag:s26] =	ssyncset.done $0x0  }
0x52: {  	[sflag:s26] =	ssyncadd.s32 $0xFFFFFF80  }
0x53: {  	[tilespmem:s3], [sflag:$0x1] =	stream.linear.gather [hbm4b:s15+s3], $0x80, $0x38;
	[tilespmem:$0x1BD00] =	vst v63  }
0x54: {  	_ =	swait.ge [sflag:s26], $0x80  }
0x55: {  	[sflag:s26] =	ssyncset.done $0x0  }
0x56: {  	[sflag:s26] =	ssyncadd.s32 $0xFFFFFF80  }
0x57: {  	[tilespmem:s29], [sflag:$0x1] =	stream.indirect.gather [hbm4b:s4+s28], $0x80, s3, s28, $0xb8;
	[tilespmem:$0x1BD00] =	vst v63  }
0x58: {  	_ =	swait.ge [sflag:s26], $0x4000  }
0x59: {  	[sflag:s26] =	ssyncset.done $0x0  }
0x5a: {  	[sflag:s26] =	ssyncadd.s32 $0xFFFFC000  }
0x5b: {  	[spmem:s1] =	stream.indirect.scatter.add.f32 [tilespmem:s29], [sflag:$0x1], $0x80, s28, s28, $0xb8;
	[tilespmem:$0x1BD00] =	vst v63  }
0x5c: {  	_ =	swait.ge [sflag:s26], $0x4000  }
0x5d: {  	[sflag:s26] =	ssyncset.done $0x0  }
0x5e: {  	[sflag:s26] =	ssyncadd.s32 $0xFFFFC000  }
0x5f: {  	[tilespmem:s28], [sflag:$0x1] =	stream.linear.gather [hbm4b:s16+s3], $0x80, $0x38;
	[tilespmem:$0x1BD00] =	vst v63  }
0x60: {  	_ =	swait.ge [sflag:s26], $0x80  }
0x61: {  	[sflag:s26] =	ssyncset.done $0x0  }
0x62: {  	[sflag:s26] =	ssyncadd.s32 $0xFFFFFF80  }
0x63: {  	[tilespmem:s3], [sflag:$0x1] =	stream.linear.gather [hbm4b:s17+s3], $0x80, $0x38;
	[tilespmem:$0x1BD00] =	vst v63  }
0x64: {  	_ =	swait.ge [sflag:s26], $0x80  }
0x65: {  	[sflag:s26] =	ssyncset.done $0x0  }
0x66: {  	[sflag:s26] =	ssyncadd.s32 $0xFFFFFF80  }
0x67: {  	[tilespmem:s29], [sflag:$0x1] =	stream.indirect.gather [hbm4b:s4+s28], $0x80, s3, s28, $0xb8;
	[tilespmem:$0x1BD00] =	vst v63  }
0x68: {  	_ =	swait.ge [sflag:s26], $0x4000  }
0x69: {  	[sflag:s26] =	ssyncset.done $0x0  }
0x6a: {  	[sflag:s26] =	ssyncadd.s32 $0xFFFFC000  }
0x6b: {  	[spmem:s1] =	stream.indirect.scatter.add.f32 [tilespmem:s29], [sflag:$0x1], $0x80, s28, s28, $0xb8;
	[tilespmem:$0x1BD00] =	vst v63  }
0x6c: {  	_ =	swait.ge [sflag:s26], $0x4000  }
0x6d: {  	[sflag:s26] =	ssyncset.done $0x0  }
0x6e: {  	[sflag:s26] =	ssyncadd.s32 $0xFFFFC000  }
0x6f: {  	[bflag:$0x0] =	sbarrier.arrive $0xFFFF  }
0x70: {  	[bflag:$0x0] =	sbarrier.arrive $0xFFFF  }
0x71: {  	[tilespmem:s25], [sflag:$0x1] =	stream.linear.gather [spmem:s5], $0x4000, $0x38;
	[tilespmem:$0x1BD00] =	vst v63  }
0x72: {  	_ =	swait.ge [sflag:s26], $0x4000  }
0x73: {  	[sflag:s26] =	ssyncset.done $0x0  }
0x74: {  	[sflag:s26] =	ssyncadd.s32 $0xFFFFC000  }
0x75: {  	[hbm4b:s18+s3] =	stream.linear.scatter [tilespmem:s25], [sflag:$0x1], $0x4000, $0x38;
	[tilespmem:$0x1BD00] =	vst v63  }
0x76: {  	_ =	swait.ge [sflag:s26], $0x4000  }
0x77: {  	[sflag:s26] =	ssyncset.done $0x0  }
0x78: {  	[sflag:s26] =	ssyncadd.s32 $0xFFFFC000  }
0x79: {  	[tilespmem:s25], [sflag:$0x1] =	stream.linear.gather [spmem:s19], $0x4000, $0x38;
	[tilespmem:$0x1BD00] =	vst v63  }
0x7a: {  	_ =	swait.ge [sflag:s26], $0x4000  }
0x7b: {  	[sflag:s26] =	ssyncset.done $0x0  }
0x7c: {  	[sflag:s26] =	ssyncadd.s32 $0xFFFFC000  }
0x7d: {  	[hbm4b:s20+s3] =	stream.linear.scatter [tilespmem:s25], [sflag:$0x1], $0x4000, $0x38;
	[tilespmem:$0x1BD00] =	vst v63  }
0x7e: {  	_ =	swait.ge [sflag:s26], $0x4000  }
0x7f: {  	[sflag:s26] =	ssyncset.done $0x0  }
0x80: {  	[sflag:s26] =	ssyncadd.s32 $0xFFFFC000  }
0x81: {  	[tilespmem:s25], [sflag:$0x1] =	stream.linear.gather [spmem:s21], $0x4000, $0x38;
	[tilespmem:$0x1BD00] =	vst v63  }
0x82: {  	_ =	swait.ge [sflag:s26], $0x4000  }
0x83: {  	[sflag:s26] =	ssyncset.done $0x0  }
0x84: {  	[sflag:s26] =	ssyncadd.s32 $0xFFFFC000  }
0x85: {  	[hbm4b:s22+s3] =	stream.linear.scatter [tilespmem:s25], [sflag:$0x1], $0x4000, $0x38;
	[tilespmem:$0x1BD00] =	vst v63  }
0x86: {  	_ =	swait.ge [sflag:s26], $0x4000  }
0x87: {  	[sflag:s26] =	ssyncset.done $0x0  }
0x88: {  	[sflag:s26] =	ssyncadd.s32 $0xFFFFC000  }
0x89: {  	[tilespmem:s25], [sflag:$0x1] =	stream.linear.gather [spmem:s23], $0x4000, $0x38;
	[tilespmem:$0x1BD00] =	vst v63  }
0x8a: {  	_ =	swait.ge [sflag:s26], $0x4000  }
0x8b: {  	[sflag:s26] =	ssyncset.done $0x0  }
0x8c: {  	[sflag:s26] =	ssyncadd.s32 $0xFFFFC000  }
0x8d: {  	[hbm4b:s24+s3] =	stream.linear.scatter [tilespmem:s25], [sflag:$0x1], $0x4000, $0x38;
	[tilespmem:$0x1BD00] =	vst v63  }
0x8e: {  	_ =	swait.ge [sflag:s26], $0x4000  }
0x8f: {  	[sflag:s26] =	ssyncset.done $0x0  }
0x90: {  	[sflag:s26] =	ssyncadd.s32 $0xFFFFC000  }
0x91: {  	[tilespmem:s25], [sflag:$0x1] =	stream.linear.gather [spmem:s6], $0x3C00, $0x38;
	[tilespmem:$0x1BD00] =	vst v63  }
0x92: {  	s30 =	sadd.s32 $0x1, s30;
	_ =	swait.ge [sflag:s26], $0x3C00  }
0x93: {  	p0 =	sne.s32 s30, s8;
	[sflag:s26] =	ssyncset.done $0x0  }
.Ltmp1:
0x94: {  	[sflag:s26] =	ssyncadd.s32 $0xFFFFC400;
	(pc) =	sbr.rel @p0 .LBB2_1-.Ltmp1, $4  }
0x95: {  	[hbm4b:s7+s3] =	stream.linear.scatter [tilespmem:s25], [sflag:$0x1], $0x3C00, $0x38;
	[tilespmem:$0x1BD00] =	vst v63  }
0x96: {  	_ =	swait.ge [sflag:s26], $0x3C00  }
0x97: {  	[sflag:s26] =	ssyncset.done $0x0  }
0x98: {  	[sflag:s26] =	ssyncadd.s32 $0xFFFFC400  }
0x99: {  	_ =	sfence.sel $0x180000  }
0x9a: {  	[bflag:$0x0] =	sbarrier.arrive $0xFFFF  }
0x9b: {  	_ =	strace $0x9000004D  }
0x9c: {  	[bflag:$0x2] =	sbarrier.arrive $0xFFFF  }
0x9d: {  	p0 =	sne.s32 s2, $0x0;
	s0 =	rddreg [dreg:$0x3]  }
0x9e: {  	s0 =	sadd.s32 @!p0 $0x100000, s0  }
0x9f: {  	[sflag:s0] =	ssyncadd.tile.s32 @!p0 $0x1;
	_ =	shalt  }
.Lfunc_end2:
_tile_overlayer_lowered:
.L_overlay_start_2:
0xa0: {  	(tag) =	ssettag $0x2  }
0xa1: {  	s0 =	rddreg [dreg:$0x0];
	s2 =	stileid.u32  }
0xa2: {  	s1 =	rddreg [dreg:$0x1];
	p0 =	sne.s32 s2, $0x0  }
0xa3: {  	s3 =	rddreg [dreg:$0x2];
	[bflag:$0x3] =	sbarrier.arrive $0xFFFF;
	s2 =	simm.s32 @!p0 $0x1C01  }
0xa4: {  	[timem:s3], [sflag:s2] =	dma.local @!p0 [hbm:s0], s1  }
0xa5: {  	s0 =	simm.s32 @!p0 $0x1  }
0xa6: {  	_ =	swait.ge @!p0 [sflag:s0], s1  }
0xa7: {  	s1 =	ssub.s32 @!p0 $0x0, s1;
	[sflag:s0] =	ssyncset.done @!p0 $0x0  }
0xa8: {  	[sflag:s0] =	ssyncadd.s32 @!p0 s1  }
0xa9: {  	[bflag:$0x3] =	sbarrier.arrive $0xFFFF  }
0xaa: {  	_ =	shalt  }

// kernel: kernel.24.cloned.1.call-start
scs
__scs_entry_jumppad:
0x0: {  	(pc) =	sbr.rel $0x88, $3  }
0x1: {  	(tag) =	ssettag $0x0;
	lr =	simm.s32 $0x1  }
0x2: {  	[smem:$0x3F8A] =	sst lr;
	_ =	strace $0xD0000000  }
0x3: {  	_ = 	snop  }
0x4: {  	_ = 	snop  }
0x5: {  	_ = 	snop  }
0x6: {  	_ = 	snop  }
0x7: {  	_ = 	snop  }
__scs_overlays_trampoline_lowered:
0x8: {  	[smem:$0x3F99] =	sst s0  }
0x9: {  	[smem:$0x3F9A] =	sst s1  }
0xa: {  	[smem:$0x3F9B] =	sst s2  }
0xb: {  	[smem:$0x3F9C] =	sst s3  }
0xc: {  	[smem:$0x3F9D] =	sst s4  }
0xd: {  	[smem:$0x3F9E] =	sst s5  }
0xe: {  	[smem:$0x3F9F] =	sst s6  }
0xf: {  	[smem:$0x3FA0] =	sst s7  }
0x10: {  	[smem:$0x3FA1] =	sst s8  }
0x11: {  	[smem:$0x3FA2] =	sst s9;
	s0 =	simm.s32 @!p0 $0x0  }
0x12: {  	s1 =	sld [smem:$0x3F88];
	s0 =	simm.s32 @p0 $0x1  }
0x13: {  	[smem:$0x3FA3] =	sst s0;
	s0 =	simm.s32 @!p1 $0x0  }
0x14: {  	s2 =	sld [smem:$0x3F87];
	s0 =	simm.s32 @p1 $0x1  }
0x15: {  	[smem:$0x3FA4] =	sst s0;
	s0 =	simm.s32 @!p2 $0x0  }
0x16: {  	s3 =	sld [smem:$0x3FDB];
	s0 =	simm.s32 @p2 $0x1  }
0x17: {  	s4 =	simm.s32 $0x1BF5;
	[smem:$0x3FA6] =	sst s0  }
0x18: {  	s0 =	sld [smem:$0x3F89];
	_ =	swait.ge [sflag:s4], $0x0  }
0x19: {  	s7 =	sld [smem:$0x3F8A]  }
0x1a: {  	s8 =	sadd.s32 $0xFFFFE003, lr  }
0x1b: {  	s9 =	sadd.s32 $0xFFFFFEF7, lr;
	s5 =	simm.s32 $0xFFFFFFFF;
	p2 =	slt.u32 s8, $0xFFFFF086  }
0x1c: {  	p1 =	slt.u32 s9, $0xF7A;
	s5 =	simm.s32 @!p2 $0x0  }
0x1d: {  	s5 =	simm.s32 @p1 $0x1;
	p0 =	seq.s32 s7, s2  }
0x1e: {  	s7 =	smul.u32 @!p0 $0xF7A, s2;
	p2 =	seq.s32 @!p0 s5, $0x0  }
0x1f: {  	s9 =	smul.u32 $0xF7A, s1;
	s8 =	simm.s32 @!p0 $0x1BF5;
	p2 =	por !p2, p0  }
0x20: {  	[sflag:s8] =	ssyncset.s32 @!p0 $0xFFFFF086;
	s6 =	sadd.s32 @!p0 s3, s7;
	s7 =	simm.s32 @!p0 $0x108  }
0x21: {  	s3 =	sadd.s32 s3, s9;
	s6 =	sadd.s32 @!p0 $0x88, s6;
	s7 =	simm.s32 @p2 $0x1082  }
0x22: {  	[simem:s7], [sflag:s8] =	dma.local @!p0 [hbm:s6], $0xF7A  }
0x23: {  	s9 =	sor.u32 $0xD0000000, s2;
	s6 =	simm.s32 $0x108;
	_ =	swait.ge @!p0 [sflag:s8], $0x0  }
0x24: {  	s3 =	sadd.s32 $0x88, s3;
	s6 =	simm.s32 @!p1 $0x1082;
	[sflag:s4] =	ssyncset.s32 $0xFFFFF086  }
0x25: {  	[simem:s6], [sflag:s4] =	dma.local [hbm:s3], $0xF7A  }
0x26: {  	[smem:$0x3F8A] =	sst s1;
	(tag) =	ssettag s2;
	_ =	strace s9  }
0x27: {  	s1 =	sld [smem:$0x3F9A]  }
0x28: {  	s2 =	sld [smem:$0x3F9B]  }
0x29: {  	s4 =	sld [smem:$0x3F9D]  }
0x2a: {  	p0 =	seq.s32 s5, $0x0;
	s5 =	sld [smem:$0x3F9E]  }
0x2b: {  	s6 =	sld [smem:$0x3F9F]  }
0x2c: {  	s7 =	sld [smem:$0x3FA0]  }
0x2d: {  	s3 =	simm.s32 $0x108;
	s8 =	sld [smem:$0x3FA1]  }
0x2e: {  	s3 =	simm.s32 @!p0 $0x1082;
	s9 =	sld [smem:$0x3FA2]  }
0x2f: {  	lr =	sadd.s32 s0, s3;
	s0 =	sld [smem:$0x3F99]  }
0x30: {  	s3 =	sld [smem:$0x3F9C]  }
0x31: {  	[smem:$0x3FA5] =	sst s10  }
0x32: {  	s10 =	sld [smem:$0x3FA3];
	_ =	sdelay $0x3  }
0x33: {  	p0 =	seq.s32 s10, $0x1;
	s10 =	sld [smem:$0x3FA5];
	_ =	sdelay $0x3  }
0x34: {  	[smem:$0x3FA5] =	sst s10  }
0x35: {  	s10 =	sld [smem:$0x3FA4];
	_ =	sdelay $0x3  }
0x36: {  	p1 =	seq.s32 s10, $0x1;
	s10 =	sld [smem:$0x3FA5];
	_ =	sdelay $0x3  }
0x37: {  	[smem:$0x3FA5] =	sst s10  }
0x38: {  	s10 =	sld [smem:$0x3FA6]  }
0x39: {  	_ = 	snop;
	(pc) =	sbr.ind lr, $3  }
0x3a: {  	_ = 	snop  }
0x3b: {  	_ = 	snop  }
0x3c: {  	p2 =	seq.s32 s10, $0x1;
	s10 =	sld [smem:$0x3FA5]  }
0x3d: {  	_ =	shalt  }
0x3e: {  	_ =	shalt  }
0x3f: {  	_ =	shalt  }
0x40: {  	_ =	shalt  }
0x41: {  	_ =	shalt  }
0x42: {  	_ =	shalt  }
0x43: {  	_ =	shalt  }
0x44: {  	_ =	shalt  }
0x45: {  	_ =	shalt  }
0x46: {  	_ =	shalt  }
0x47: {  	_ =	shalt  }
0x48: {  	_ =	shalt  }
0x49: {  	_ =	shalt  }
0x4a: {  	_ =	shalt  }
0x4b: {  	_ =	shalt  }
0x4c: {  	_ =	shalt  }
0x4d: {  	_ =	shalt  }
0x4e: {  	_ =	shalt  }
0x4f: {  	_ =	shalt  }
0x50: {  	_ =	shalt  }
0x51: {  	_ =	shalt  }
0x52: {  	_ =	shalt  }
0x53: {  	_ =	shalt  }
0x54: {  	_ =	shalt  }
0x55: {  	_ =	shalt  }
0x56: {  	_ =	shalt  }
0x57: {  	_ =	shalt  }
0x58: {  	_ =	shalt  }
0x59: {  	_ =	shalt  }
0x5a: {  	_ =	shalt  }
0x5b: {  	_ =	shalt  }
0x5c: {  	_ =	shalt  }
0x5d: {  	_ =	shalt  }
0x5e: {  	_ =	shalt  }
0x5f: {  	_ =	shalt  }
0x60: {  	_ =	shalt  }
0x61: {  	_ =	shalt  }
0x62: {  	_ =	shalt  }
0x63: {  	_ =	shalt  }
0x64: {  	_ =	shalt  }
0x65: {  	_ =	shalt  }
0x66: {  	_ =	shalt  }
0x67: {  	_ =	shalt  }
0x68: {  	_ =	shalt  }
0x69: {  	_ =	shalt  }
0x6a: {  	_ =	shalt  }
0x6b: {  	_ =	shalt  }
0x6c: {  	_ =	shalt  }
0x6d: {  	_ =	shalt  }
0x6e: {  	_ =	shalt  }
0x6f: {  	_ =	shalt  }
0x70: {  	_ =	shalt  }
0x71: {  	_ =	shalt  }
0x72: {  	_ =	shalt  }
0x73: {  	_ =	shalt  }
0x74: {  	_ =	shalt  }
0x75: {  	_ =	shalt  }
0x76: {  	_ =	shalt  }
0x77: {  	_ =	shalt  }
0x78: {  	_ =	shalt  }
0x79: {  	_ =	shalt  }
0x7a: {  	_ =	shalt  }
0x7b: {  	_ =	shalt  }
0x7c: {  	_ =	shalt  }
0x7d: {  	_ =	shalt  }
0x7e: {  	_ =	shalt  }
0x7f: {  	_ =	shalt  }
0x80: {  	_ =	shalt  }
0x81: {  	_ =	shalt  }
0x82: {  	_ =	shalt  }
0x83: {  	_ =	shalt  }
0x84: {  	_ =	shalt  }
0x85: {  	_ =	shalt  }
0x86: {  	_ =	shalt  }
0x87: {  	_ =	shalt  }
.Lfunc_end0:
.L_simem_size_0:
called_computation.3_lowered:
.L_overlay_start_0:
0x88: {  	s2 =	sld [smem:$0x3FD9]  }
0x89: {  	s3 =	sld [smem:$0x3FFE];
	_ =	sdelay $0x1  }
0x8a: {  	s1 =	srdreg.scid  }
0x8b: {  	s0 =	sand.u32 $0x1, s1  }
0x8c: {  	s16 =	sshll.u32 s0, $0xA;
	s2 =	sadd.s32 s3, s2  }
0x8d: {  	s2 =	sadd.s32 s2, s16  }
0x8e: {  	[smem:$0x3FB1] =	sst s2  }
0x8f: {  	_ = 	snop  }
0x90: {  	(tm) =	ssettm $0x1  }
0x91: {  	s17 =	sld [smem:$0x3FFB];
	_ =	sdelay $0x3  }
0x92: {  	_ =	strace s17  }
0x93: {  	s2 =	sld [smem:$0x3FFC];
	_ =	sdelay $0x3  }
0x94: {  	_ =	strace s2  }
0x95: {  	s2 =	sld [smem:$0x3FFD];
	_ =	sdelay $0x3  }
0x96: {  	_ =	strace s2  }
0x97: {  	_ =	strace $0x8FFFFFFF  }
0x98: {  	s18 =	sld [smem:$0x3FDB];
	_ =	sdelay $0x1  }
0x99: {  	s19 =	simm.s32 $_scs_section_size  }
0x9a: {  	s4 =	simm.s32 $_size__tile_overlayer_lowered;
	s5 =	simm.s32 $_tile_overlayer_lowered  }
0x9b: {  	s22 =	simm.s32 $0x1BFF;
	s21 =	sshll.u32 s5, $0x1;
	s2 =	sadd.s32 s19, s18  }
0x9c: {  	s6 =	simm.s32 $0x0;
	s20 =	sshll.u32 s4, $0x1;
	s4 =	sadd.s32 s21, s2  }
0x9d: {  	[timem:s6], [sflag:s22] =	dma.local [hbm:s4], s20  }
0x9e: {  	_ =	swait.ge [sflag:s22], s20  }
0x9f: {  	s3 =	ssub.s32 $0x0, s20;
	[sflag:s22] =	ssyncset.done $0x0  }
0xa0: {  	[sflag:s22] =	ssyncadd.s32 s3;
	_ =	sdelay $0x1  }
0xa1: {  	s23 =	simm.s32 $0x1B8B  }
0xa2: {  	_ =	swait.ge [sflag:s23], $0x1  }
0xa3: {  	[sflag:s23] =	ssyncset.done $0x0  }
0xa4: {  	s25 =	simm.s32 $0x1B8E;
	s24 =	sld [smem:$0x3FFE];
	[sflag:s23] =	ssyncadd.s32 $0xFFFFFFFF  }
0xa5: {  	s26 =	simm.s32 $execute0_lowered;
	[smem:$0x3FD2] =	sst s25  }
0xa6: {  	s4 =	sshll.u32 s26, $0x1;
	_ =	strace $0x8000004F;
	[dreg:$0x1] =	wrdreg $0xFFFFFFFF  }
0xa7: {  	s28 =	simm.s32 $_size_execute0_lowered;
	s2 =	sadd.s32 s2, s4;
	[dreg:$0x0] =	wrdreg $0x0  }
0xa8: {  	s4 =	sshll.u32 s28, $0x1;
	[dreg:$0x2] =	wrdreg s2  }
0xa9: {  	[dreg:$0x3] =	wrdreg s4  }
0xaa: {  	[dreg:$0x4] =	wrdreg $0xC0  }
0xab: {  	_ =	task [dreg:s6], $0x5FFFF  }
0xac: {  	[dreg:$0x1] =	wrdreg $0xFFFFFFFF  }
0xad: {  	[dreg:$0x0] =	wrdreg $0x60  }
0xae: {  	[dreg:$0x2] =	wrdreg s24  }
0xaf: {  	[dreg:$0x3] =	wrdreg $0x81000  }
0xb0: {  	[dreg:$0x4] =	wrdreg $0x9  }
0xb1: {  	_ =	task.clear_ibuf [dreg:s6], $0x5FFFF;
	_ =	strace $0x9000004F  }
0xb2: {  	s29 =	simm.s32 $0x9;
	_ =	strace $0x80000051  }
0xb3: {  	_ =	swait.ge [sflag:s29], $0x1  }
0xb4: {  	[sflag:s29] =	ssyncadd.s32 $0xFFFFFFFF  }
0xb5: {  	_ =	strace $0x90000051  }
0xb6: {  	_ =	sfence  }
0xb7: {  	s30 =	sld [smem:$0x0];
	_ =	sdelay $0x2  }
0xb8: {  	s31 =	sshll.u32 s1, $0xD;
	s1 =	sshrl.u32 s1, $0x2  }
0xb9: {  	s3 =	sand.u32 $0x4000, s31;
	s1 =	sadd.s32 s1, s30  }
0xba: {  	s0 =	sor.u32 s3, s0;
	s1 =	sshll.u32 s1, $0x11  }
0xbb: {  	s0 =	sor.u32 s1, s0  }
0xbc: {  	s0 =	sadd.s32 $0x8F2B, s0  }
0xbd: {  	[sflag:s0] =	ssyncadd.remote.s32 $0x1  }
0xbe: {  	_ =	sfence.sel $0xFFFF  }
0xbf: {  	[dreg:$0x0] =	wrdreg $0xFFFFFFFF;
	(pc) =	sbr.abs _section_cstart, $3  }
0xc0: {  	[dreg:$0x1] =	wrdreg $0xFFFFFFFF  }
0xc1: {  	_ =	task.clear_ibuf [dreg:s6], $0x2FFFF;
	_ =	strace $0x9FFFFFFF  }
0xc2: {  	(tm) =	ssettm $0x7FFFFFFF  }
0xc3: {  	_ =	shalt  }
tec
execute0_lowered:
.L_overlay_start_1:
0x0: {  	(tag) =	ssettag $0x1  }
0x1: {  	s5 =	rddreg [dreg:$0x0]  }
0x2: {  	s1 =	rddreg [dreg:$0x1]  }
0x3: {  	s0 =	rddreg [dreg:$0x2]  }
0x4: {  	s2 =	simm.s32 $0x0;
	s6 =	srdreg.scid;
	s3 =	stileid.u32  }
0x5: {  	s16 =	simm.s32 $0x80;
	s17 =	simm.s32 $0x100;
	s18 =	simm.s32 $0x0  }
0x6: {  	[smem:$0x7FF] =	sst s2;
	s4 =	sadd.s32 $0xD8600, s5;
	s13 =	sadd.s32 $0x153000, s5  }
0x7: {  	s12 =	sadd.s32 $0x153600, s5;
	s6 =	sand.u32 $0x1, s6;
	s7 =	sshll.u32 s3, $0xA  }
0x8: {  	s10 =	sshll.u32 s3, $0xD;
	_ =	strace $0x80000050;
	s9 =	sshll.u32 s6, $0x4  }
0x9: {  	s8 =	ssub.s32 $0x2, s6;
	s7 =	sadd.s32 s7, s5;
	s9 =	sor.u32 s3, s9  }
0xa: {  	s6 =	sshll.u32 s6, $0xE;
	s31 =	sshrl.u32 s8, $0x1;
	s11 =	smul.u32 $0x30, s9  }
0xb: {  	s5 =	sadd.s32 s10, s1;
	s6 =	sadd.s32 s6, s7;
	s8 =	ssub.s32 s8, s31  }
0xc: {  	s6 =	sadd.s32 $0x153C00, s6;
	s8 =	smax.u32 s8, $0x1;
	s7 =	sadd.s32 s12, s11  }
0xd: {  	s9 =	sadd.s32 s13, s11;
	s14 =	sadd.s32 $0x10, s11;
	s15 =	sadd.s32 $0x20, s11  }
0xe: {  	s10 =	sadd.s32 s12, s14;
	s11 =	sadd.s32 s13, s14;
	s12 =	sadd.s32 s12, s15  }
0xf: {  	v0 =	vimm.f32 $0.0e+00;
	s13 =	sadd.s32 s13, s15;
	s14 =	simm.s32 $0x4100;
	s15 =	simm.s32 $0x1  }
.LBB2_1:
0x10: {  	s19 =	simm.s32 $0x0;
	s20 =	simm.s32 $0x200  }
.LBB2_2:
0x11: {  	p0 =	sne.s32 s20, $0xFE00;
	[tilespmem:s19+$0x4170] =	vst v0  }
0x12: {  	[tilespmem:s19+$0x4100] =	vst v0  }
0x13: {  	[tilespmem:s19+$0x4110] =	vst v0  }
.Ltmp0:
0x14: {  	[tilespmem:s19+$0x4120] =	vst v0;
	(pc) =	sbr.rel @p0 .LBB2_2-.Ltmp0, $4  }
0x15: {  	[tilespmem:s19+$0x4130] =	vst v0  }
0x16: {  	[tilespmem:s19+$0x4140] =	vst v0  }
0x17: {  	[tilespmem:s19+$0x4150] =	vst v0  }
0x18: {  	[tilespmem:s19+$0x4160] =	vst v0;
	s19 =	sshra.s32 s20, $0x2;
	s20 =	sadd.s32 $0x200, s20  }
0x19: {  	[tilespmem:s19+$0x4170] =	vst v0  }
0x1a: {  	[tilespmem:s19+$0x4100] =	vst v0  }
0x1b: {  	[tilespmem:s19+$0x4110] =	vst v0  }
0x1c: {  	[tilespmem:s19+$0x4120] =	vst v0  }
0x1d: {  	[tilespmem:s19+$0x4130] =	vst v0  }
0x1e: {  	[tilespmem:s19+$0x4140] =	vst v0  }
0x1f: {  	[tilespmem:s19+$0x4150] =	vst v0  }
0x20: {  	[tilespmem:s19+$0x4160] =	vst v0  }
0x21: {  	[spmem:s5] =	stream.linear.scatter [tilespmem:s14], [sflag:$0x1], $0x2000, $0x38;
	[tilespmem:$0xA100] =	vst v63  }
0x22: {  	_ =	swait.ge [sflag:s15], $0x2000  }
0x23: {  	[sflag:s15] =	ssyncset.done $0x0  }
0x24: {  	[sflag:s15] =	ssyncadd.s32 $0xFFFFE000  }
0x25: {  	[bflag:$0x0] =	sbarrier.arrive $0xFFFF  }
0x26: {  	[bflag:$0x0] =	sbarrier.arrive $0xFFFF  }
0x27: {  	[tilespmem:s16], [sflag:$0x1] =	stream.linear.gather [hbm4b:s7+s2], $0x80, $0x38;
	[tilespmem:$0xA100] =	vst v63  }
0x28: {  	_ =	swait.ge [sflag:s15], $0x80  }
0x29: {  	[sflag:s15] =	ssyncset.done $0x0  }
0x2a: {  	[sflag:s15] =	ssyncadd.s32 $0xFFFFFF80  }
0x2b: {  	[tilespmem:s2], [sflag:$0x1] =	stream.linear.gather [hbm4b:s9+s2], $0x80, $0x38;
	[tilespmem:$0xA100] =	vst v63  }
0x2c: {  	_ =	swait.ge [sflag:s15], $0x80  }
0x2d: {  	[sflag:s15] =	ssyncset.done $0x0  }
0x2e: {  	[sflag:s15] =	ssyncadd.s32 $0xFFFFFF80  }
0x2f: {  	[tilespmem:s17], [sflag:$0x1] =	stream.indirect.gather [hbm4b:s4+s16], $0x80, s2, s16, $0xb8;
	[tilespmem:$0xA100] =	vst v63  }
0x30: {  	_ =	swait.ge [sflag:s15], $0x4000  }
0x31: {  	[sflag:s15] =	ssyncset.done $0x0  }
0x32: {  	[sflag:s15] =	ssyncadd.s32 $0xFFFFC000  }
0x33: {  	[spmem:s1] =	stream.indirect.scatter.add.f32 [tilespmem:s17], [sflag:$0x1], $0x80, s16, s16, $0xb8;
	[tilespmem:$0xA100] =	vst v63  }
0x34: {  	_ =	swait.ge [sflag:s15], $0x4000  }
0x35: {  	[sflag:s15] =	ssyncset.done $0x0  }
0x36: {  	[sflag:s15] =	ssyncadd.s32 $0xFFFFC000  }
0x37: {  	[tilespmem:s16], [sflag:$0x1] =	stream.linear.gather [hbm4b:s10+s2], $0x80, $0x38;
	[tilespmem:$0xA100] =	vst v63  }
0x38: {  	_ =	swait.ge [sflag:s15], $0x80  }
0x39: {  	[sflag:s15] =	ssyncset.done $0x0  }
0x3a: {  	[sflag:s15] =	ssyncadd.s32 $0xFFFFFF80  }
0x3b: {  	[tilespmem:s2], [sflag:$0x1] =	stream.linear.gather [hbm4b:s11+s2], $0x80, $0x38;
	[tilespmem:$0xA100] =	vst v63  }
0x3c: {  	_ =	swait.ge [sflag:s15], $0x80  }
0x3d: {  	[sflag:s15] =	ssyncset.done $0x0  }
0x3e: {  	[sflag:s15] =	ssyncadd.s32 $0xFFFFFF80  }
0x3f: {  	[tilespmem:s17], [sflag:$0x1] =	stream.indirect.gather [hbm4b:s4+s16], $0x80, s2, s16, $0xb8;
	[tilespmem:$0xA100] =	vst v63  }
0x40: {  	_ =	swait.ge [sflag:s15], $0x4000  }
0x41: {  	[sflag:s15] =	ssyncset.done $0x0  }
0x42: {  	[sflag:s15] =	ssyncadd.s32 $0xFFFFC000  }
0x43: {  	[spmem:s1] =	stream.indirect.scatter.add.f32 [tilespmem:s17], [sflag:$0x1], $0x80, s16, s16, $0xb8;
	[tilespmem:$0xA100] =	vst v63  }
0x44: {  	_ =	swait.ge [sflag:s15], $0x4000  }
0x45: {  	[sflag:s15] =	ssyncset.done $0x0  }
0x46: {  	[sflag:s15] =	ssyncadd.s32 $0xFFFFC000  }
0x47: {  	[tilespmem:s16], [sflag:$0x1] =	stream.linear.gather [hbm4b:s12+s2], $0x80, $0x38;
	[tilespmem:$0xA100] =	vst v63  }
0x48: {  	_ =	swait.ge [sflag:s15], $0x80  }
0x49: {  	[sflag:s15] =	ssyncset.done $0x0  }
0x4a: {  	[sflag:s15] =	ssyncadd.s32 $0xFFFFFF80  }
0x4b: {  	[tilespmem:s2], [sflag:$0x1] =	stream.linear.gather [hbm4b:s13+s2], $0x80, $0x38;
	[tilespmem:$0xA100] =	vst v63  }
0x4c: {  	_ =	swait.ge [sflag:s15], $0x80  }
0x4d: {  	[sflag:s15] =	ssyncset.done $0x0  }
0x4e: {  	[sflag:s15] =	ssyncadd.s32 $0xFFFFFF80  }
0x4f: {  	[tilespmem:s17], [sflag:$0x1] =	stream.indirect.gather [hbm4b:s4+s16], $0x80, s2, s16, $0xb8;
	[tilespmem:$0xA100] =	vst v63  }
0x50: {  	_ =	swait.ge [sflag:s15], $0x4000  }
0x51: {  	[sflag:s15] =	ssyncset.done $0x0  }
0x52: {  	[sflag:s15] =	ssyncadd.s32 $0xFFFFC000  }
0x53: {  	[spmem:s1] =	stream.indirect.scatter.add.f32 [tilespmem:s17], [sflag:$0x1], $0x80, s16, s16, $0xb8;
	[tilespmem:$0xA100] =	vst v63  }
0x54: {  	_ =	swait.ge [sflag:s15], $0x4000  }
0x55: {  	[sflag:s15] =	ssyncset.done $0x0  }
0x56: {  	[sflag:s15] =	ssyncadd.s32 $0xFFFFC000  }
0x57: {  	[bflag:$0x0] =	sbarrier.arrive $0xFFFF  }
0x58: {  	[bflag:$0x0] =	sbarrier.arrive $0xFFFF  }
0x59: {  	[tilespmem:s14], [sflag:$0x1] =	stream.linear.gather [spmem:s5], $0x2000, $0x38;
	[tilespmem:$0xA100] =	vst v63  }
0x5a: {  	s18 =	sadd.s32 $0x1, s18;
	_ =	swait.ge [sflag:s15], $0x2000  }
0x5b: {  	p0 =	sne.s32 s18, s8;
	[sflag:s15] =	ssyncset.done $0x0  }
.Ltmp1:
0x5c: {  	[sflag:s15] =	ssyncadd.s32 $0xFFFFE000;
	(pc) =	sbr.rel @p0 .LBB2_1-.Ltmp1, $4  }
0x5d: {  	[hbm4b:s6+s2] =	stream.linear.scatter [tilespmem:s14], [sflag:$0x1], $0x2000, $0x38;
	[tilespmem:$0xA100] =	vst v63  }
0x5e: {  	_ =	swait.ge [sflag:s15], $0x2000  }
0x5f: {  	[sflag:s15] =	ssyncset.done $0x0  }
0x60: {  	[sflag:s15] =	ssyncadd.s32 $0xFFFFE000  }
0x61: {  	_ =	sfence.sel $0x180000  }
0x62: {  	[bflag:$0x0] =	sbarrier.arrive $0xFFFF  }
0x63: {  	p0 =	sne.s32 s3, $0x0;
	_ =	strace $0x90000050  }
0x64: {  	s0 =	sadd.s32 @!p0 $0x100000, s0;
	[bflag:$0x2] =	sbarrier.arrive $0xFFFF  }
0x65: {  	[sflag:s0] =	ssyncadd.tile.s32 @!p0 $0x1;
	_ =	shalt  }
.Lfunc_end2:
_tile_overlayer_lowered:
.L_overlay_start_2:
0x66: {  	(tag) =	ssettag $0x2  }
0x67: {  	s0 =	rddreg [dreg:$0x0];
	s2 =	stileid.u32  }
0x68: {  	s1 =	rddreg [dreg:$0x1];
	p0 =	sne.s32 s2, $0x0  }
0x69: {  	s3 =	rddreg [dreg:$0x2];
	[bflag:$0x3] =	sbarrier.arrive $0xFFFF;
	s2 =	simm.s32 @!p0 $0x1C01  }
0x6a: {  	[timem:s3], [sflag:s2] =	dma.local @!p0 [hbm:s0], s1  }
0x6b: {  	s0 =	simm.s32 @!p0 $0x1  }
0x6c: {  	_ =	swait.ge @!p0 [sflag:s0], s1  }
0x6d: {  	s1 =	ssub.s32 @!p0 $0x0, s1;
	[sflag:s0] =	ssyncset.done @!p0 $0x0  }
0x6e: {  	[sflag:s0] =	ssyncadd.s32 @!p0 s1  }
0x6f: {  	[bflag:$0x3] =	sbarrier.arrive $0xFFFF  }
0x70: {  	_ =	shalt  }

// kernel: kernel.27.cloned.1.call-start
scs
__scs_entry_jumppad:
0x0: {  	(pc) =	sbr.rel $0x88, $3  }
0x1: {  	(tag) =	ssettag $0x0;
	lr =	simm.s32 $0x1  }
0x2: {  	[smem:$0x3F8A] =	sst lr;
	_ =	strace $0xD0000000  }
0x3: {  	_ = 	snop  }
0x4: {  	_ = 	snop  }
0x5: {  	_ = 	snop  }
0x6: {  	_ = 	snop  }
0x7: {  	_ = 	snop  }
__scs_overlays_trampoline_lowered:
0x8: {  	[smem:$0x3F99] =	sst s0  }
0x9: {  	[smem:$0x3F9A] =	sst s1  }
0xa: {  	[smem:$0x3F9B] =	sst s2  }
0xb: {  	[smem:$0x3F9C] =	sst s3  }
0xc: {  	[smem:$0x3F9D] =	sst s4  }
0xd: {  	[smem:$0x3F9E] =	sst s5  }
0xe: {  	[smem:$0x3F9F] =	sst s6  }
0xf: {  	[smem:$0x3FA0] =	sst s7  }
0x10: {  	[smem:$0x3FA1] =	sst s8  }
0x11: {  	[smem:$0x3FA2] =	sst s9;
	s0 =	simm.s32 @!p0 $0x0  }
0x12: {  	s1 =	sld [smem:$0x3F88];
	s0 =	simm.s32 @p0 $0x1  }
0x13: {  	[smem:$0x3FA3] =	sst s0;
	s0 =	simm.s32 @!p1 $0x0  }
0x14: {  	s2 =	sld [smem:$0x3F87];
	s0 =	simm.s32 @p1 $0x1  }
0x15: {  	[smem:$0x3FA4] =	sst s0;
	s0 =	simm.s32 @!p2 $0x0  }
0x16: {  	s3 =	sld [smem:$0x3FDB];
	s0 =	simm.s32 @p2 $0x1  }
0x17: {  	s4 =	simm.s32 $0x1BF5;
	[smem:$0x3FA6] =	sst s0  }
0x18: {  	s0 =	sld [smem:$0x3F89];
	_ =	swait.ge [sflag:s4], $0x0  }
0x19: {  	s7 =	sld [smem:$0x3F8A]  }
0x1a: {  	s8 =	sadd.s32 $0xFFFFE003, lr  }
0x1b: {  	s9 =	sadd.s32 $0xFFFFFEF7, lr;
	s5 =	simm.s32 $0xFFFFFFFF;
	p2 =	slt.u32 s8, $0xFFFFF086  }
0x1c: {  	p1 =	slt.u32 s9, $0xF7A;
	s5 =	simm.s32 @!p2 $0x0  }
0x1d: {  	s5 =	simm.s32 @p1 $0x1;
	p0 =	seq.s32 s7, s2  }
0x1e: {  	s7 =	smul.u32 @!p0 $0xF7A, s2;
	p2 =	seq.s32 @!p0 s5, $0x0  }
0x1f: {  	s9 =	smul.u32 $0xF7A, s1;
	s8 =	simm.s32 @!p0 $0x1BF5;
	p2 =	por !p2, p0  }
0x20: {  	[sflag:s8] =	ssyncset.s32 @!p0 $0xFFFFF086;
	s6 =	sadd.s32 @!p0 s3, s7;
	s7 =	simm.s32 @!p0 $0x108  }
0x21: {  	s3 =	sadd.s32 s3, s9;
	s6 =	sadd.s32 @!p0 $0x88, s6;
	s7 =	simm.s32 @p2 $0x1082  }
0x22: {  	[simem:s7], [sflag:s8] =	dma.local @!p0 [hbm:s6], $0xF7A  }
0x23: {  	s9 =	sor.u32 $0xD0000000, s2;
	s6 =	simm.s32 $0x108;
	_ =	swait.ge @!p0 [sflag:s8], $0x0  }
0x24: {  	s3 =	sadd.s32 $0x88, s3;
	s6 =	simm.s32 @!p1 $0x1082;
	[sflag:s4] =	ssyncset.s32 $0xFFFFF086  }
0x25: {  	[simem:s6], [sflag:s4] =	dma.local [hbm:s3], $0xF7A  }
0x26: {  	[smem:$0x3F8A] =	sst s1;
	(tag) =	ssettag s2;
	_ =	strace s9  }
0x27: {  	s1 =	sld [smem:$0x3F9A]  }
0x28: {  	s2 =	sld [smem:$0x3F9B]  }
0x29: {  	s4 =	sld [smem:$0x3F9D]  }
0x2a: {  	p0 =	seq.s32 s5, $0x0;
	s5 =	sld [smem:$0x3F9E]  }
0x2b: {  	s6 =	sld [smem:$0x3F9F]  }
0x2c: {  	s7 =	sld [smem:$0x3FA0]  }
0x2d: {  	s3 =	simm.s32 $0x108;
	s8 =	sld [smem:$0x3FA1]  }
0x2e: {  	s3 =	simm.s32 @!p0 $0x1082;
	s9 =	sld [smem:$0x3FA2]  }
0x2f: {  	lr =	sadd.s32 s0, s3;
	s0 =	sld [smem:$0x3F99]  }
0x30: {  	s3 =	sld [smem:$0x3F9C]  }
0x31: {  	[smem:$0x3FA5] =	sst s10  }
0x32: {  	s10 =	sld [smem:$0x3FA3];
	_ =	sdelay $0x3  }
0x33: {  	p0 =	seq.s32 s10, $0x1;
	s10 =	sld [smem:$0x3FA5];
	_ =	sdelay $0x3  }
0x34: {  	[smem:$0x3FA5] =	sst s10  }
0x35: {  	s10 =	sld [smem:$0x3FA4];
	_ =	sdelay $0x3  }
0x36: {  	p1 =	seq.s32 s10, $0x1;
	s10 =	sld [smem:$0x3FA5];
	_ =	sdelay $0x3  }
0x37: {  	[smem:$0x3FA5] =	sst s10  }
0x38: {  	s10 =	sld [smem:$0x3FA6]  }
0x39: {  	_ = 	snop;
	(pc) =	sbr.ind lr, $3  }
0x3a: {  	_ = 	snop  }
0x3b: {  	_ = 	snop  }
0x3c: {  	p2 =	seq.s32 s10, $0x1;
	s10 =	sld [smem:$0x3FA5]  }
0x3d: {  	_ =	shalt  }
0x3e: {  	_ =	shalt  }
0x3f: {  	_ =	shalt  }
0x40: {  	_ =	shalt  }
0x41: {  	_ =	shalt  }
0x42: {  	_ =	shalt  }
0x43: {  	_ =	shalt  }
0x44: {  	_ =	shalt  }
0x45: {  	_ =	shalt  }
0x46: {  	_ =	shalt  }
0x47: {  	_ =	shalt  }
0x48: {  	_ =	shalt  }
0x49: {  	_ =	shalt  }
0x4a: {  	_ =	shalt  }
0x4b: {  	_ =	shalt  }
0x4c: {  	_ =	shalt  }
0x4d: {  	_ =	shalt  }
0x4e: {  	_ =	shalt  }
0x4f: {  	_ =	shalt  }
0x50: {  	_ =	shalt  }
0x51: {  	_ =	shalt  }
0x52: {  	_ =	shalt  }
0x53: {  	_ =	shalt  }
0x54: {  	_ =	shalt  }
0x55: {  	_ =	shalt  }
0x56: {  	_ =	shalt  }
0x57: {  	_ =	shalt  }
0x58: {  	_ =	shalt  }
0x59: {  	_ =	shalt  }
0x5a: {  	_ =	shalt  }
0x5b: {  	_ =	shalt  }
0x5c: {  	_ =	shalt  }
0x5d: {  	_ =	shalt  }
0x5e: {  	_ =	shalt  }
0x5f: {  	_ =	shalt  }
0x60: {  	_ =	shalt  }
0x61: {  	_ =	shalt  }
0x62: {  	_ =	shalt  }
0x63: {  	_ =	shalt  }
0x64: {  	_ =	shalt  }
0x65: {  	_ =	shalt  }
0x66: {  	_ =	shalt  }
0x67: {  	_ =	shalt  }
0x68: {  	_ =	shalt  }
0x69: {  	_ =	shalt  }
0x6a: {  	_ =	shalt  }
0x6b: {  	_ =	shalt  }
0x6c: {  	_ =	shalt  }
0x6d: {  	_ =	shalt  }
0x6e: {  	_ =	shalt  }
0x6f: {  	_ =	shalt  }
0x70: {  	_ =	shalt  }
0x71: {  	_ =	shalt  }
0x72: {  	_ =	shalt  }
0x73: {  	_ =	shalt  }
0x74: {  	_ =	shalt  }
0x75: {  	_ =	shalt  }
0x76: {  	_ =	shalt  }
0x77: {  	_ =	shalt  }
0x78: {  	_ =	shalt  }
0x79: {  	_ =	shalt  }
0x7a: {  	_ =	shalt  }
0x7b: {  	_ =	shalt  }
0x7c: {  	_ =	shalt  }
0x7d: {  	_ =	shalt  }
0x7e: {  	_ =	shalt  }
0x7f: {  	_ =	shalt  }
0x80: {  	_ =	shalt  }
0x81: {  	_ =	shalt  }
0x82: {  	_ =	shalt  }
0x83: {  	_ =	shalt  }
0x84: {  	_ =	shalt  }
0x85: {  	_ =	shalt  }
0x86: {  	_ =	shalt  }
0x87: {  	_ =	shalt  }
.Lfunc_end0:
.L_simem_size_0:
called_computation.4_lowered:
.L_overlay_start_0:
0x88: {  	s2 =	sld [smem:$0x3FD9]  }
0x89: {  	s3 =	sld [smem:$0x3FFE];
	_ =	sdelay $0x1  }
0x8a: {  	s1 =	srdreg.scid  }
0x8b: {  	s0 =	sand.u32 $0x1, s1  }
0x8c: {  	s14 =	sshll.u32 s0, $0xA;
	s2 =	sadd.s32 s3, s2  }
0x8d: {  	s2 =	sadd.s32 s2, s14  }
0x8e: {  	[smem:$0x3FB1] =	sst s2  }
0x8f: {  	_ = 	snop  }
0x90: {  	s2 =	sld [smem:$0x3FD0];
	_ =	sdelay $0x2  }
0x91: {  	s15 =	simm.s32 $0xA;
	s4 =	simm.s32 $0x10  }
0x92: {  	[smem:s4], [sflag:s15] =	dma.local [hbm:s2], $0x1  }
0x93: {  	_ =	swait.eq [sflag:s15], $0x1  }
0x94: {  	[sflag:s15] =	ssyncset.done $0x0  }
0x95: {  	[sflag:s15] =	ssyncadd.s32 $0xFFFFFFFF  }
0x96: {  	s16 =	sld [smem:$0x10];
	(tm) =	ssettm $0x1  }
0x97: {  	s17 =	sld [smem:$0x3FFB];
	_ =	sdelay $0x3  }
0x98: {  	_ =	strace s17  }
0x99: {  	s3 =	sld [smem:$0x3FFC];
	_ =	sdelay $0x3  }
0x9a: {  	_ =	strace s3  }
0x9b: {  	s3 =	sld [smem:$0x3FFD];
	_ =	sdelay $0x3  }
0x9c: {  	_ =	strace s3  }
0x9d: {  	_ =	strace $0x8FFFFFFF  }
0x9e: {  	s18 =	sld [smem:$0x3FDB];
	_ =	sdelay $0x1  }
0x9f: {  	s19 =	simm.s32 $_scs_section_size  }
0xa0: {  	s5 =	simm.s32 $_size__tile_overlayer_lowered;
	s6 =	simm.s32 $_tile_overlayer_lowered  }
0xa1: {  	s22 =	simm.s32 $0x1BFF;
	s21 =	sshll.u32 s6, $0x1;
	s3 =	sadd.s32 s19, s18  }
0xa2: {  	s7 =	simm.s32 $0x0;
	s20 =	sshll.u32 s5, $0x1;
	s5 =	sadd.s32 s21, s3  }
0xa3: {  	[timem:s7], [sflag:s22] =	dma.local [hbm:s5], s20  }
0xa4: {  	_ =	swait.ge [sflag:s22], s20  }
0xa5: {  	s4 =	ssub.s32 $0x0, s20;
	[sflag:s22] =	ssyncset.done $0x0  }
0xa6: {  	[sflag:s22] =	ssyncadd.s32 s4;
	_ =	sdelay $0x1  }
0xa7: {  	s23 =	simm.s32 $0x1B8B  }
0xa8: {  	_ =	swait.ge [sflag:s23], $0x1  }
0xa9: {  	[sflag:s23] =	ssyncset.done $0x0  }
0xaa: {  	s25 =	simm.s32 $0x1B8E;
	s24 =	sld [smem:$0x3FFE];
	[sflag:s23] =	ssyncadd.s32 $0xFFFFFFFF  }
0xab: {  	s26 =	simm.s32 $execute0_lowered;
	[smem:$0x3FD2] =	sst s25  }
0xac: {  	s5 =	sshll.u32 s26, $0x1;
	_ =	strace $0x80000052;
	[dreg:$0x1] =	wrdreg $0xFFFFFFFF  }
0xad: {  	s28 =	simm.s32 $_size_execute0_lowered;
	s3 =	sadd.s32 s3, s5;
	[dreg:$0x0] =	wrdreg $0x0  }
0xae: {  	s5 =	sshll.u32 s28, $0x1;
	[dreg:$0x2] =	wrdreg s3  }
0xaf: {  	[dreg:$0x3] =	wrdreg s5  }
0xb0: {  	[dreg:$0x4] =	wrdreg $0xC0  }
0xb1: {  	_ =	task [dreg:s7], $0x5FFFF  }
0xb2: {  	[dreg:$0x1] =	wrdreg $0xFFFFFFFF  }
0xb3: {  	[dreg:$0x0] =	wrdreg $0x60  }
0xb4: {  	[dreg:$0x2] =	wrdreg s24  }
0xb5: {  	[dreg:$0x3] =	wrdreg s16  }
0xb6: {  	[dreg:$0x4] =	wrdreg $0x81000  }
0xb7: {  	[dreg:$0x5] =	wrdreg $0x9  }
0xb8: {  	_ =	task.clear_ibuf [dreg:s7], $0x6FFFF;
	_ =	strace $0x90000052  }
0xb9: {  	s29 =	simm.s32 $0x9;
	_ =	strace $0x80000054  }
0xba: {  	_ =	swait.ge [sflag:s29], $0x1  }
0xbb: {  	[sflag:s29] =	ssyncadd.s32 $0xFFFFFFFF  }
0xbc: {  	_ =	strace $0x90000054  }
0xbd: {  	_ =	sfence  }
0xbe: {  	s30 =	sld [smem:$0x0];
	_ =	sdelay $0x2  }
0xbf: {  	s31 =	sshll.u32 s1, $0xD;
	s1 =	sshrl.u32 s1, $0x2  }
0xc0: {  	s3 =	sand.u32 $0x4000, s31;
	s1 =	sadd.s32 s1, s30  }
0xc1: {  	s0 =	sor.u32 s3, s0;
	s1 =	sshll.u32 s1, $0x11  }
0xc2: {  	s0 =	sor.u32 s1, s0  }
0xc3: {  	s0 =	sadd.s32 $0x8F2B, s0  }
0xc4: {  	[sflag:s0] =	ssyncadd.remote.s32 $0x1  }
0xc5: {  	_ =	sfence.sel $0xFFFF  }
0xc6: {  	[dreg:$0x0] =	wrdreg $0xFFFFFFFF;
	(pc) =	sbr.abs _section_cstart, $3  }
0xc7: {  	[dreg:$0x1] =	wrdreg $0xFFFFFFFF  }
0xc8: {  	_ =	task.clear_ibuf [dreg:s7], $0x2FFFF;
	_ =	strace $0x9FFFFFFF  }
0xc9: {  	(tm) =	ssettm $0x7FFFFFFF  }
tec
execute0_lowered:
.L_overlay_start_1:
0x0: {  	(tag) =	ssettag $0x1  }
0x1: {  	s5 =	rddreg [dreg:$0x0]  }
0x2: {  	s20 =	rddreg [dreg:$0x1]  }
0x3: {  	s1 =	rddreg [dreg:$0x2];
	s2 =	srdreg.scid  }
0x4: {  	s0 =	rddreg [dreg:$0x3];
	s6 =	sand.u32 $0x1, s2  }
0x5: {  	s3 =	simm.s32 $0x0;
	s2 =	stileid.u32;
	s21 =	smul.u32 $0x4F00, s6  }
0x6: {  	[smem:$0x7FF] =	sst s3;
	s7 =	smul.u32 $0x4F000, s2  }
0x7: {  	s4 =	sadd.s32 $0xB1400, s5;
	s19 =	sadd.s32 $0x100000, s5;
	s15 =	smul.u32 $0x13C00, s2  }
0x8: {  	_ =	strace $0x80000053;
	s8 =	ssub.s32 $0x2, s6;
	s17 =	smul.u32 $0x13C000, s6  }
0x9: {  	s24 =	smul.u32 $0x4F0, s2;
	s25 =	sshrl.u32 s8, $0x1;
	s18 =	sadd.s32 s21, s5  }
0xa: {  	s26 =	sadd.s32 $0x10000, s15;
	s8 =	ssub.s32 s8, s25;
	s28 =	sshrl.u32 s7, $0x2  }
0xb: {  	s12 =	sadd.s32 s17, s15;
	s13 =	sadd.s32 $0x4000, s15;
	s16 =	sadd.s32 $0x8000, s15  }
0xc: {  	s23 =	sadd.s32 $0xC000, s15;
	s20 =	sadd.s32 s21, s20;
	s21 =	simm.s32 $0x4100  }
0xd: {  	s25 =	simm.s32 $0x0;
	s29 =	sadd.s32 s17, s26;
	s5 =	sadd.s32 s28, s1  }
0xe: {  	s6 =	sadd.s32 s26, s1;
	s8 =	smax.u32 s8, $0x1;
	s12 =	sshrl.u32 s12, $0x3  }
0xf: {  	s14 =	sadd.s32 s17, s13;
	s13 =	sadd.s32 s13, s1;
	s22 =	sadd.s32 s17, s16  }
0x10: {  	s15 =	sadd.s32 s16, s1;
	s30 =	sadd.s32 s17, s23;
	s17 =	sadd.s32 s23, s1  }
0x11: {  	s31 =	sadd.s32 s24, s18;
	s20 =	sadd.s32 s24, s20;
	s23 =	simm.s32 $0x80  }
0x12: {  	s24 =	simm.s32 $0x100;
	s7 =	sshrl.u32 s29, $0x3;
	s9 =	sadd.s32 $0x4000, s5  }
0x13: {  	s10 =	sadd.s32 $0x8000, s5;
	s11 =	sadd.s32 $0xC000, s5;
	s12 =	sadd.s32 s19, s12  }
0x14: {  	s14 =	sshrl.u32 s14, $0x3;
	s22 =	sshrl.u32 s22, $0x3;
	s7 =	sadd.s32 s19, s7  }
0x15: {  	s14 =	sadd.s32 s19, s14;
	s16 =	sadd.s32 s19, s22;
	s22 =	sshrl.u32 s30, $0x3  }
0x16: {  	v0 =	vimm.f32 $0.0e+00;
	s18 =	sadd.s32 s19, s22;
	s19 =	sadd.s32 $0x59400, s31;
	s22 =	simm.s32 $0x1  }
.LBB2_1:
0x17: {  	s26 =	simm.s32 $0x0;
	s28 =	simm.s32 $0x200  }
.LBB2_2:
0x18: {  	p0 =	sne.s32 s28, $0xFE00;
	[tilespmem:s26+$0x4170] =	vst v0  }
0x19: {  	[tilespmem:s26+$0x4100] =	vst v0  }
0x1a: {  	[tilespmem:s26+$0x4110] =	vst v0  }
.Ltmp0:
0x1b: {  	[tilespmem:s26+$0x4120] =	vst v0;
	(pc) =	sbr.rel @p0 .LBB2_2-.Ltmp0, $4  }
0x1c: {  	[tilespmem:s26+$0x4130] =	vst v0  }
0x1d: {  	[tilespmem:s26+$0x4140] =	vst v0  }
0x1e: {  	[tilespmem:s26+$0x4150] =	vst v0  }
0x1f: {  	[tilespmem:s26+$0x4160] =	vst v0;
	s26 =	sshra.s32 s28, $0x2;
	s28 =	sadd.s32 $0x200, s28  }
0x20: {  	[tilespmem:s26+$0x4170] =	vst v0  }
0x21: {  	[tilespmem:s26+$0x4100] =	vst v0  }
0x22: {  	[tilespmem:s26+$0x4110] =	vst v0  }
0x23: {  	[tilespmem:s26+$0x4120] =	vst v0  }
0x24: {  	[tilespmem:s26+$0x4130] =	vst v0  }
0x25: {  	[tilespmem:s26+$0x4140] =	vst v0  }
0x26: {  	[tilespmem:s26+$0x4150] =	vst v0  }
0x27: {  	[tilespmem:s26+$0x4160] =	vst v0  }
0x28: {  	[spmem:s5] =	stream.linear.scatter [tilespmem:s21], [sflag:$0x1], $0x4000, $0x38;
	[tilespmem:$0x1BD00] =	vst v63  }
0x29: {  	_ =	swait.ge [sflag:s22], $0x4000  }
0x2a: {  	[sflag:s22] =	ssyncset.done $0x0  }
0x2b: {  	[sflag:s22] =	ssyncadd.s32 $0xFFFFC000  }
0x2c: {  	[spmem:s9] =	stream.linear.scatter [tilespmem:s21], [sflag:$0x1], $0x4000, $0x38;
	[tilespmem:$0x1BD00] =	vst v63  }
0x2d: {  	_ =	swait.ge [sflag:s22], $0x4000  }
0x2e: {  	[sflag:s22] =	ssyncset.done $0x0  }
0x2f: {  	[sflag:s22] =	ssyncadd.s32 $0xFFFFC000  }
0x30: {  	[spmem:s10] =	stream.linear.scatter [tilespmem:s21], [sflag:$0x1], $0x4000, $0x38;
	[tilespmem:$0x1BD00] =	vst v63  }
0x31: {  	_ =	swait.ge [sflag:s22], $0x4000  }
0x32: {  	[sflag:s22] =	ssyncset.done $0x0  }
0x33: {  	[sflag:s22] =	ssyncadd.s32 $0xFFFFC000  }
0x34: {  	[spmem:s11] =	stream.linear.scatter [tilespmem:s21], [sflag:$0x1], $0x4000, $0x38;
	[tilespmem:$0x1BD00] =	vst v63  }
0x35: {  	_ =	swait.ge [sflag:s22], $0x4000  }
0x36: {  	[sflag:s22] =	ssyncset.done $0x0  }
0x37: {  	[sflag:s22] =	ssyncadd.s32 $0xFFFFC000  }
0x38: {  	[spmem:s6] =	stream.linear.scatter [tilespmem:s21], [sflag:$0x1], $0x3C00, $0x38;
	[tilespmem:$0x1BD00] =	vst v63  }
0x39: {  	_ =	swait.ge [sflag:s22], $0x3C00  }
0x3a: {  	[sflag:s22] =	ssyncset.done $0x0  }
0x3b: {  	[sflag:s22] =	ssyncadd.s32 $0xFFFFC400  }
0x3c: {  	[bflag:$0x0] =	sbarrier.arrive $0xFFFF  }
0x3d: {  	s30 =	sadd.s32 $0x0, s20;
	[bflag:$0x0] =	sbarrier.arrive $0xFFFF  }
0x3e: {  	[tilespmem:s23], [sflag:$0x1] =	stream.linear.gather [hbm4b:s30+s3], $0x80, $0x38;
	[tilespmem:$0x1BD00] =	vst v63  }
0x3f: {  	_ =	swait.ge [sflag:s22], $0x80  }
0x40: {  	[sflag:s22] =	ssyncset.done $0x0  }
0x41: {  	s31 =	sadd.s32 $0x0, s19;
	[sflag:s22] =	ssyncadd.s32 $0xFFFFFF80  }
0x42: {  	[tilespmem:s3], [sflag:$0x1] =	stream.linear.gather [hbm4b:s31+s3], $0x80, $0x38;
	[tilespmem:$0x1BD00] =	vst v63  }
0x43: {  	_ =	swait.ge [sflag:s22], $0x80  }
0x44: {  	[sflag:s22] =	ssyncset.done $0x0  }
0x45: {  	[sflag:s22] =	ssyncadd.s32 $0xFFFFFF80  }
0x46: {  	[tilespmem:s24], [sflag:$0x1] =	stream.indirect.gather [hbm4b:s4+s23], $0x80, s3, s23, $0xb8;
	[tilespmem:$0x1BD00] =	vst v63  }
0x47: {  	_ =	swait.ge [sflag:s22], $0x4000  }
0x48: {  	[sflag:s22] =	ssyncset.done $0x0  }
0x49: {  	[sflag:s22] =	ssyncadd.s32 $0xFFFFC000  }
0x4a: {  	[spmem:s1] =	stream.indirect.scatter.add.f32 [tilespmem:s24], [sflag:$0x1], $0x80, s23, s23, $0xb8;
	[tilespmem:$0x1BD00] =	vst v63  }
0x4b: {  	_ =	swait.ge [sflag:s22], $0x4000  }
0x4c: {  	s26 =	simm.s32 $0x10;
	s28 =	simm.s32 $0x20;
	[sflag:s22] =	ssyncset.done $0x0  }
.LBB2_4:
0x4d: {  	s29 =	sadd.s32 s26, s20  }
0x4e: {  	[sflag:s22] =	ssyncadd.s32 $0xFFFFC000;
	s30 =	smov.u32 s28;
	s31 =	sadd.s32 $0x10, s28  }
0x4f: {  	[tilespmem:s23], [sflag:$0x1] =	stream.linear.gather [hbm4b:s29+s3], $0x80, $0x38;
	[tilespmem:$0x1BD00] =	vst v63  }
0x50: {  	p0 =	sne.s32 s28, $0x4E0;
	_ =	swait.ge [sflag:s22], $0x80  }
0x51: {  	[sflag:s22] =	ssyncset.done $0x0  }
0x52: {  	s28 =	sadd.s32 s26, s19;
	s26 =	smov.u32 s30;
	[sflag:s22] =	ssyncadd.s32 $0xFFFFFF80  }
0x53: {  	[tilespmem:s3], [sflag:$0x1] =	stream.linear.gather [hbm4b:s28+s3], $0x80, $0x38;
	[tilespmem:$0x1BD00] =	vst v63  }
0x54: {  	_ =	swait.ge [sflag:s22], $0x80  }
0x55: {  	[sflag:s22] =	ssyncset.done $0x0  }
0x56: {  	[sflag:s22] =	ssyncadd.s32 $0xFFFFFF80  }
0x57: {  	[tilespmem:s24], [sflag:$0x1] =	stream.indirect.gather [hbm4b:s4+s23], $0x80, s3, s23, $0xb8;
	[tilespmem:$0x1BD00] =	vst v63  }
0x58: {  	_ =	swait.ge [sflag:s22], $0x4000  }
.Ltmp1:
0x59: {  	[sflag:s22] =	ssyncset.done $0x0;
	(pc) =	sbr.rel @p0 .LBB2_4-.Ltmp1, $4  }
0x5a: {  	[sflag:s22] =	ssyncadd.s32 $0xFFFFC000  }
0x5b: {  	[spmem:s1] =	stream.indirect.scatter.add.f32 [tilespmem:s24], [sflag:$0x1], $0x80, s23, s23, $0xb8;
	[tilespmem:$0x1BD00] =	vst v63  }
0x5c: {  	_ =	swait.ge [sflag:s22], $0x4000  }
0x5d: {  	s28 =	smov.u32 s31;
	[sflag:s22] =	ssyncset.done $0x0  }
0x5e: {  	s28 =	sadd.s32 s26, s20;
	[sflag:s22] =	ssyncadd.s32 $0xFFFFC000  }
0x5f: {  	[tilespmem:s23], [sflag:$0x1] =	stream.linear.gather [hbm4b:s28+s3], $0x80, $0x38;
	[tilespmem:$0x1BD00] =	vst v63  }
0x60: {  	_ =	swait.ge [sflag:s22], $0x80  }
0x61: {  	[sflag:s22] =	ssyncset.done $0x0  }
0x62: {  	s31 =	sadd.s32 s26, s19;
	[sflag:s22] =	ssyncadd.s32 $0xFFFFFF80  }
0x63: {  	[tilespmem:s3], [sflag:$0x1] =	stream.linear.gather [hbm4b:s31+s3], $0x80, $0x38;
	[tilespmem:$0x1BD00] =	vst v63  }
0x64: {  	_ =	swait.ge [sflag:s22], $0x80  }
0x65: {  	[sflag:s22] =	ssyncset.done $0x0  }
0x66: {  	[sflag:s22] =	ssyncadd.s32 $0xFFFFFF80  }
0x67: {  	[tilespmem:s24], [sflag:$0x1] =	stream.indirect.gather [hbm4b:s4+s23], $0x80, s3, s23, $0xb8;
	[tilespmem:$0x1BD00] =	vst v63  }
0x68: {  	_ =	swait.ge [sflag:s22], $0x4000  }
0x69: {  	[sflag:s22] =	ssyncset.done $0x0  }
0x6a: {  	[sflag:s22] =	ssyncadd.s32 $0xFFFFC000  }
0x6b: {  	[spmem:s1] =	stream.indirect.scatter.add.f32 [tilespmem:s24], [sflag:$0x1], $0x80, s23, s23, $0xb8;
	[tilespmem:$0x1BD00] =	vst v63  }
0x6c: {  	_ =	swait.ge [sflag:s22], $0x4000  }
0x6d: {  	[sflag:s22] =	ssyncset.done $0x0  }
0x6e: {  	[sflag:s22] =	ssyncadd.s32 $0xFFFFC000  }
0x6f: {  	[bflag:$0x0] =	sbarrier.arrive $0xFFFF  }
0x70: {  	[bflag:$0x0] =	sbarrier.arrive $0xFFFF  }
0x71: {  	[tilespmem:s21], [sflag:$0x1] =	stream.linear.gather [spmem:s5], $0x4000, $0x38;
	[tilespmem:$0x1BD00] =	vst v63  }
0x72: {  	_ =	swait.ge [sflag:s22], $0x4000  }
0x73: {  	[sflag:s22] =	ssyncset.done $0x0  }
0x74: {  	[sflag:s22] =	ssyncadd.s32 $0xFFFFC000  }
0x75: {  	[hbm4b:s12+s3] =	stream.linear.scatter [tilespmem:s21], [sflag:$0x1], $0x4000, $0x38;
	[tilespmem:$0x1BD00] =	vst v63  }
0x76: {  	_ =	swait.ge [sflag:s22], $0x4000  }
0x77: {  	[sflag:s22] =	ssyncset.done $0x0  }
0x78: {  	[sflag:s22] =	ssyncadd.s32 $0xFFFFC000  }
0x79: {  	[tilespmem:s21], [sflag:$0x1] =	stream.linear.gather [spmem:s13], $0x4000, $0x38;
	[tilespmem:$0x1BD00] =	vst v63  }
0x7a: {  	_ =	swait.ge [sflag:s22], $0x4000  }
0x7b: {  	[sflag:s22] =	ssyncset.done $0x0  }
0x7c: {  	[sflag:s22] =	ssyncadd.s32 $0xFFFFC000  }
0x7d: {  	[hbm4b:s14+s3] =	stream.linear.scatter [tilespmem:s21], [sflag:$0x1], $0x4000, $0x38;
	[tilespmem:$0x1BD00] =	vst v63  }
0x7e: {  	_ =	swait.ge [sflag:s22], $0x4000  }
0x7f: {  	[sflag:s22] =	ssyncset.done $0x0  }
0x80: {  	[sflag:s22] =	ssyncadd.s32 $0xFFFFC000  }
0x81: {  	[tilespmem:s21], [sflag:$0x1] =	stream.linear.gather [spmem:s15], $0x4000, $0x38;
	[tilespmem:$0x1BD00] =	vst v63  }
0x82: {  	_ =	swait.ge [sflag:s22], $0x4000  }
0x83: {  	[sflag:s22] =	ssyncset.done $0x0  }
0x84: {  	[sflag:s22] =	ssyncadd.s32 $0xFFFFC000  }
0x85: {  	[hbm4b:s16+s3] =	stream.linear.scatter [tilespmem:s21], [sflag:$0x1], $0x4000, $0x38;
	[tilespmem:$0x1BD00] =	vst v63  }
0x86: {  	_ =	swait.ge [sflag:s22], $0x4000  }
0x87: {  	[sflag:s22] =	ssyncset.done $0x0  }
0x88: {  	[sflag:s22] =	ssyncadd.s32 $0xFFFFC000  }
0x89: {  	[tilespmem:s21], [sflag:$0x1] =	stream.linear.gather [spmem:s17], $0x4000, $0x38;
	[tilespmem:$0x1BD00] =	vst v63  }
0x8a: {  	_ =	swait.ge [sflag:s22], $0x4000  }
0x8b: {  	[sflag:s22] =	ssyncset.done $0x0  }
0x8c: {  	[sflag:s22] =	ssyncadd.s32 $0xFFFFC000  }
0x8d: {  	[hbm4b:s18+s3] =	stream.linear.scatter [tilespmem:s21], [sflag:$0x1], $0x4000, $0x38;
	[tilespmem:$0x1BD00] =	vst v63  }
0x8e: {  	_ =	swait.ge [sflag:s22], $0x4000  }
0x8f: {  	[sflag:s22] =	ssyncset.done $0x0  }
0x90: {  	[sflag:s22] =	ssyncadd.s32 $0xFFFFC000  }
0x91: {  	[tilespmem:s21], [sflag:$0x1] =	stream.linear.gather [spmem:s6], $0x3C00, $0x38;
	[tilespmem:$0x1BD00] =	vst v63  }
0x92: {  	s25 =	sadd.s32 $0x1, s25;
	_ =	swait.ge [sflag:s22], $0x3C00  }
0x93: {  	p0 =	sne.s32 s25, s8;
	[sflag:s22] =	ssyncset.done $0x0  }
.Ltmp2:
0x94: {  	[sflag:s22] =	ssyncadd.s32 $0xFFFFC400;
	(pc) =	sbr.rel @p0 .LBB2_1-.Ltmp2, $4  }
0x95: {  	[hbm4b:s7+s3] =	stream.linear.scatter [tilespmem:s21], [sflag:$0x1], $0x3C00, $0x38;
	[tilespmem:$0x1BD00] =	vst v63  }
0x96: {  	_ =	swait.ge [sflag:s22], $0x3C00  }
0x97: {  	[sflag:s22] =	ssyncset.done $0x0  }
0x98: {  	[sflag:s22] =	ssyncadd.s32 $0xFFFFC400  }
0x99: {  	_ =	sfence.sel $0x180000  }
0x9a: {  	[bflag:$0x0] =	sbarrier.arrive $0xFFFF  }
0x9b: {  	p0 =	sne.s32 s2, $0x0;
	_ =	strace $0x90000053  }
0x9c: {  	s0 =	sadd.s32 @!p0 $0x100000, s0;
	[bflag:$0x2] =	sbarrier.arrive $0xFFFF  }
0x9d: {  	[sflag:s0] =	ssyncadd.tile.s32 @!p0 $0x1;
	_ =	shalt  }
.Lfunc_end2:
_tile_overlayer_lowered:
.L_overlay_start_2:
0x9e: {  	(tag) =	ssettag $0x2  }
0x9f: {  	s0 =	rddreg [dreg:$0x0];
	s2 =	stileid.u32  }
0xa0: {  	s1 =	rddreg [dreg:$0x1];
	p0 =	sne.s32 s2, $0x0  }
0xa1: {  	s3 =	rddreg [dreg:$0x2];
	[bflag:$0x3] =	sbarrier.arrive $0xFFFF;
	s2 =	simm.s32 @!p0 $0x1C01  }
0xa2: {  	[timem:s3], [sflag:s2] =	dma.local @!p0 [hbm:s0], s1  }
0xa3: {  	s0 =	simm.s32 @!p0 $0x1  }
0xa4: {  	_ =	swait.ge @!p0 [sflag:s0], s1  }
0xa5: {  	s1 =	ssub.s32 @!p0 $0x0, s1;
	[sflag:s0] =	ssyncset.done @!p0 $0x0  }
0xa6: {  	[sflag:s0] =	ssyncadd.s32 @!p0 s1  }
0xa7: {  	[bflag:$0x3] =	sbarrier.arrive $0xFFFF  }
0xa8: {  	_ =	shalt  }

// kernel: kernel.30.cloned.1.call-start
scs
__scs_entry_jumppad:
0x0: {  	(pc) =	sbr.rel $0x88, $3  }
0x1: {  	(tag) =	ssettag $0x0;
	lr =	simm.s32 $0x1  }
0x2: {  	[smem:$0x3F8A] =	sst lr;
	_ =	strace $0xD0000000  }
0x3: {  	_ = 	snop  }
0x4: {  	_ = 	snop  }
0x5: {  	_ = 	snop  }
0x6: {  	_ = 	snop  }
0x7: {  	_ = 	snop  }
__scs_overlays_trampoline_lowered:
0x8: {  	[smem:$0x3F99] =	sst s0  }
0x9: {  	[smem:$0x3F9A] =	sst s1  }
0xa: {  	[smem:$0x3F9B] =	sst s2  }
0xb: {  	[smem:$0x3F9C] =	sst s3  }
0xc: {  	[smem:$0x3F9D] =	sst s4  }
0xd: {  	[smem:$0x3F9E] =	sst s5  }
0xe: {  	[smem:$0x3F9F] =	sst s6  }
0xf: {  	[smem:$0x3FA0] =	sst s7  }
0x10: {  	[smem:$0x3FA1] =	sst s8  }
0x11: {  	[smem:$0x3FA2] =	sst s9;
	s0 =	simm.s32 @!p0 $0x0  }
0x12: {  	s1 =	sld [smem:$0x3F88];
	s0 =	simm.s32 @p0 $0x1  }
0x13: {  	[smem:$0x3FA3] =	sst s0;
	s0 =	simm.s32 @!p1 $0x0  }
0x14: {  	s2 =	sld [smem:$0x3F87];
	s0 =	simm.s32 @p1 $0x1  }
0x15: {  	[smem:$0x3FA4] =	sst s0;
	s0 =	simm.s32 @!p2 $0x0  }
0x16: {  	s3 =	sld [smem:$0x3FDB];
	s0 =	simm.s32 @p2 $0x1  }
0x17: {  	s4 =	simm.s32 $0x1BF5;
	[smem:$0x3FA6] =	sst s0  }
0x18: {  	s0 =	sld [smem:$0x3F89];
	_ =	swait.ge [sflag:s4], $0x0  }
0x19: {  	s7 =	sld [smem:$0x3F8A]  }
0x1a: {  	s8 =	sadd.s32 $0xFFFFE003, lr  }
0x1b: {  	s9 =	sadd.s32 $0xFFFFFEF7, lr;
	s5 =	simm.s32 $0xFFFFFFFF;
	p2 =	slt.u32 s8, $0xFFFFF086  }
0x1c: {  	p1 =	slt.u32 s9, $0xF7A;
	s5 =	simm.s32 @!p2 $0x0  }
0x1d: {  	s5 =	simm.s32 @p1 $0x1;
	p0 =	seq.s32 s7, s2  }
0x1e: {  	s7 =	smul.u32 @!p0 $0xF7A, s2;
	p2 =	seq.s32 @!p0 s5, $0x0  }
0x1f: {  	s9 =	smul.u32 $0xF7A, s1;
	s8 =	simm.s32 @!p0 $0x1BF5;
	p2 =	por !p2, p0  }
0x20: {  	[sflag:s8] =	ssyncset.s32 @!p0 $0xFFFFF086;
	s6 =	sadd.s32 @!p0 s3, s7;
	s7 =	simm.s32 @!p0 $0x108  }
0x21: {  	s3 =	sadd.s32 s3, s9;
	s6 =	sadd.s32 @!p0 $0x88, s6;
	s7 =	simm.s32 @p2 $0x1082  }
0x22: {  	[simem:s7], [sflag:s8] =	dma.local @!p0 [hbm:s6], $0xF7A  }
0x23: {  	s9 =	sor.u32 $0xD0000000, s2;
	s6 =	simm.s32 $0x108;
	_ =	swait.ge @!p0 [sflag:s8], $0x0  }
0x24: {  	s3 =	sadd.s32 $0x88, s3;
	s6 =	simm.s32 @!p1 $0x1082;
	[sflag:s4] =	ssyncset.s32 $0xFFFFF086  }
0x25: {  	[simem:s6], [sflag:s4] =	dma.local [hbm:s3], $0xF7A  }
0x26: {  	[smem:$0x3F8A] =	sst s1;
	(tag) =	ssettag s2;
	_ =	strace s9  }
0x27: {  	s1 =	sld [smem:$0x3F9A]  }
0x28: {  	s2 =	sld [smem:$0x3F9B]  }
0x29: {  	s4 =	sld [smem:$0x3F9D]  }
0x2a: {  	p0 =	seq.s32 s5, $0x0;
	s5 =	sld [smem:$0x3F9E]  }
0x2b: {  	s6 =	sld [smem:$0x3F9F]  }
0x2c: {  	s7 =	sld [smem:$0x3FA0]  }
0x2d: {  	s3 =	simm.s32 $0x108;
	s8 =	sld [smem:$0x3FA1]  }
0x2e: {  	s3 =	simm.s32 @!p0 $0x1082;
	s9 =	sld [smem:$0x3FA2]  }
0x2f: {  	lr =	sadd.s32 s0, s3;
	s0 =	sld [smem:$0x3F99]  }
0x30: {  	s3 =	sld [smem:$0x3F9C]  }
0x31: {  	[smem:$0x3FA5] =	sst s10  }
0x32: {  	s10 =	sld [smem:$0x3FA3];
	_ =	sdelay $0x3  }
0x33: {  	p0 =	seq.s32 s10, $0x1;
	s10 =	sld [smem:$0x3FA5];
	_ =	sdelay $0x3  }
0x34: {  	[smem:$0x3FA5] =	sst s10  }
0x35: {  	s10 =	sld [smem:$0x3FA4];
	_ =	sdelay $0x3  }
0x36: {  	p1 =	seq.s32 s10, $0x1;
	s10 =	sld [smem:$0x3FA5];
	_ =	sdelay $0x3  }
0x37: {  	[smem:$0x3FA5] =	sst s10  }
0x38: {  	s10 =	sld [smem:$0x3FA6]  }
0x39: {  	_ = 	snop;
	(pc) =	sbr.ind lr, $3  }
0x3a: {  	_ = 	snop  }
0x3b: {  	_ = 	snop  }
0x3c: {  	p2 =	seq.s32 s10, $0x1;
	s10 =	sld [smem:$0x3FA5]  }
0x3d: {  	_ =	shalt  }
0x3e: {  	_ =	shalt  }
0x3f: {  	_ =	shalt  }
0x40: {  	_ =	shalt  }
0x41: {  	_ =	shalt  }
0x42: {  	_ =	shalt  }
0x43: {  	_ =	shalt  }
0x44: {  	_ =	shalt  }
0x45: {  	_ =	shalt  }
0x46: {  	_ =	shalt  }
0x47: {  	_ =	shalt  }
0x48: {  	_ =	shalt  }
0x49: {  	_ =	shalt  }
0x4a: {  	_ =	shalt  }
0x4b: {  	_ =	shalt  }
0x4c: {  	_ =	shalt  }
0x4d: {  	_ =	shalt  }
0x4e: {  	_ =	shalt  }
0x4f: {  	_ =	shalt  }
0x50: {  	_ =	shalt  }
0x51: {  	_ =	shalt  }
0x52: {  	_ =	shalt  }
0x53: {  	_ =	shalt  }
0x54: {  	_ =	shalt  }
0x55: {  	_ =	shalt  }
0x56: {  	_ =	shalt  }
0x57: {  	_ =	shalt  }
0x58: {  	_ =	shalt  }
0x59: {  	_ =	shalt  }
0x5a: {  	_ =	shalt  }
0x5b: {  	_ =	shalt  }
0x5c: {  	_ =	shalt  }
0x5d: {  	_ =	shalt  }
0x5e: {  	_ =	shalt  }
0x5f: {  	_ =	shalt  }
0x60: {  	_ =	shalt  }
0x61: {  	_ =	shalt  }
0x62: {  	_ =	shalt  }
0x63: {  	_ =	shalt  }
0x64: {  	_ =	shalt  }
0x65: {  	_ =	shalt  }
0x66: {  	_ =	shalt  }
0x67: {  	_ =	shalt  }
0x68: {  	_ =	shalt  }
0x69: {  	_ =	shalt  }
0x6a: {  	_ =	shalt  }
0x6b: {  	_ =	shalt  }
0x6c: {  	_ =	shalt  }
0x6d: {  	_ =	shalt  }
0x6e: {  	_ =	shalt  }
0x6f: {  	_ =	shalt  }
0x70: {  	_ =	shalt  }
0x71: {  	_ =	shalt  }
0x72: {  	_ =	shalt  }
0x73: {  	_ =	shalt  }
0x74: {  	_ =	shalt  }
0x75: {  	_ =	shalt  }
0x76: {  	_ =	shalt  }
0x77: {  	_ =	shalt  }
0x78: {  	_ =	shalt  }
0x79: {  	_ =	shalt  }
0x7a: {  	_ =	shalt  }
0x7b: {  	_ =	shalt  }
0x7c: {  	_ =	shalt  }
0x7d: {  	_ =	shalt  }
0x7e: {  	_ =	shalt  }
0x7f: {  	_ =	shalt  }
0x80: {  	_ =	shalt  }
0x81: {  	_ =	shalt  }
0x82: {  	_ =	shalt  }
0x83: {  	_ =	shalt  }
0x84: {  	_ =	shalt  }
0x85: {  	_ =	shalt  }
0x86: {  	_ =	shalt  }
0x87: {  	_ =	shalt  }
.Lfunc_end0:
.L_simem_size_0:
called_computation.5_lowered:
.L_overlay_start_0:
0x88: {  	s2 =	sld [smem:$0x3FD9]  }
0x89: {  	s3 =	sld [smem:$0x3FFE];
	_ =	sdelay $0x1  }
0x8a: {  	s1 =	srdreg.scid  }
0x8b: {  	s0 =	sand.u32 $0x1, s1  }
0x8c: {  	s14 =	sshll.u32 s0, $0xA;
	s2 =	sadd.s32 s3, s2  }
0x8d: {  	s2 =	sadd.s32 s2, s14  }
0x8e: {  	[smem:$0x3FB1] =	sst s2  }
0x8f: {  	_ = 	snop  }
0x90: {  	s2 =	sld [smem:$0x3FD0];
	_ =	sdelay $0x2  }
0x91: {  	s15 =	simm.s32 $0xA;
	s4 =	simm.s32 $0x10  }
0x92: {  	[smem:s4], [sflag:s15] =	dma.local [hbm:s2], $0x1  }
0x93: {  	_ =	swait.eq [sflag:s15], $0x1  }
0x94: {  	[sflag:s15] =	ssyncset.done $0x0  }
0x95: {  	[sflag:s15] =	ssyncadd.s32 $0xFFFFFFFF  }
0x96: {  	s16 =	sld [smem:$0x11];
	(tm) =	ssettm $0x1  }
0x97: {  	s17 =	sld [smem:$0x3FFB];
	_ =	sdelay $0x3  }
0x98: {  	_ =	strace s17  }
0x99: {  	s3 =	sld [smem:$0x3FFC];
	_ =	sdelay $0x3  }
0x9a: {  	_ =	strace s3  }
0x9b: {  	s3 =	sld [smem:$0x3FFD];
	_ =	sdelay $0x3  }
0x9c: {  	_ =	strace s3  }
0x9d: {  	_ =	strace $0x8FFFFFFF  }
0x9e: {  	s18 =	sld [smem:$0x3FDB];
	_ =	sdelay $0x1  }
0x9f: {  	s19 =	simm.s32 $_scs_section_size  }
0xa0: {  	s5 =	simm.s32 $_size__tile_overlayer_lowered;
	s6 =	simm.s32 $_tile_overlayer_lowered  }
0xa1: {  	s22 =	simm.s32 $0x1BFF;
	s21 =	sshll.u32 s6, $0x1;
	s3 =	sadd.s32 s19, s18  }
0xa2: {  	s7 =	simm.s32 $0x0;
	s20 =	sshll.u32 s5, $0x1;
	s5 =	sadd.s32 s21, s3  }
0xa3: {  	[timem:s7], [sflag:s22] =	dma.local [hbm:s5], s20  }
0xa4: {  	_ =	swait.ge [sflag:s22], s20  }
0xa5: {  	s4 =	ssub.s32 $0x0, s20;
	[sflag:s22] =	ssyncset.done $0x0  }
0xa6: {  	[sflag:s22] =	ssyncadd.s32 s4;
	_ =	sdelay $0x1  }
0xa7: {  	s23 =	simm.s32 $0x1B8B  }
0xa8: {  	_ =	swait.ge [sflag:s23], $0x1  }
0xa9: {  	[sflag:s23] =	ssyncset.done $0x0  }
0xaa: {  	s25 =	simm.s32 $0x1B8E;
	s24 =	sld [smem:$0x3FFE];
	[sflag:s23] =	ssyncadd.s32 $0xFFFFFFFF  }
0xab: {  	s26 =	simm.s32 $execute0_lowered;
	[smem:$0x3FD2] =	sst s25  }
0xac: {  	s5 =	sshll.u32 s26, $0x1;
	_ =	strace $0x80000055;
	[dreg:$0x1] =	wrdreg $0xFFFFFFFF  }
0xad: {  	s28 =	simm.s32 $_size_execute0_lowered;
	s3 =	sadd.s32 s3, s5;
	[dreg:$0x0] =	wrdreg $0x0  }
0xae: {  	s5 =	sshll.u32 s28, $0x1;
	[dreg:$0x2] =	wrdreg s3  }
0xaf: {  	[dreg:$0x3] =	wrdreg s5  }
0xb0: {  	[dreg:$0x4] =	wrdreg $0xC0  }
0xb1: {  	_ =	task [dreg:s7], $0x5FFFF  }
0xb2: {  	[dreg:$0x1] =	wrdreg $0xFFFFFFFF  }
0xb3: {  	[dreg:$0x0] =	wrdreg $0x60  }
0xb4: {  	[dreg:$0x2] =	wrdreg s24  }
0xb5: {  	[dreg:$0x3] =	wrdreg s16  }
0xb6: {  	[dreg:$0x4] =	wrdreg $0x81000  }
0xb7: {  	[dreg:$0x5] =	wrdreg $0x9  }
0xb8: {  	_ =	task.clear_ibuf [dreg:s7], $0x6FFFF;
	_ =	strace $0x90000055  }
0xb9: {  	s29 =	simm.s32 $0x9;
	_ =	strace $0x80000057  }
0xba: {  	_ =	swait.ge [sflag:s29], $0x1  }
0xbb: {  	[sflag:s29] =	ssyncadd.s32 $0xFFFFFFFF  }
0xbc: {  	_ =	strace $0x90000057  }
0xbd: {  	_ =	sfence  }
0xbe: {  	s30 =	sld [smem:$0x0];
	_ =	sdelay $0x2  }
0xbf: {  	s31 =	sshll.u32 s1, $0xD;
	s1 =	sshrl.u32 s1, $0x2  }
0xc0: {  	s3 =	sand.u32 $0x4000, s31;
	s1 =	sadd.s32 s1, s30  }
0xc1: {  	s0 =	sor.u32 s3, s0;
	s1 =	sshll.u32 s1, $0x11  }
0xc2: {  	s0 =	sor.u32 s1, s0  }
0xc3: {  	s0 =	sadd.s32 $0x8F2B, s0  }
0xc4: {  	[sflag:s0] =	ssyncadd.remote.s32 $0x1  }
0xc5: {  	_ =	sfence.sel $0xFFFF  }
0xc6: {  	[dreg:$0x0] =	wrdreg $0xFFFFFFFF;
	(pc) =	sbr.abs _section_cstart, $3  }
0xc7: {  	[dreg:$0x1] =	wrdreg $0xFFFFFFFF  }
0xc8: {  	_ =	task.clear_ibuf [dreg:s7], $0x2FFFF;
	_ =	strace $0x9FFFFFFF  }
0xc9: {  	(tm) =	ssettm $0x7FFFFFFF  }
tec
execute0_lowered:
.L_overlay_start_1:
0x0: {  	(tag) =	ssettag $0x1  }
0x1: {  	s0 =	rddreg [dreg:$0x0]  }
0x2: {  	s17 =	rddreg [dreg:$0x1]  }
0x3: {  	s1 =	rddreg [dreg:$0x2]  }
0x4: {  	s3 =	simm.s32 $0x0;
	s4 =	srdreg.scid;
	s2 =	stileid.u32  }
0x5: {  	s28 =	simm.s32 $0x80;
	s29 =	simm.s32 $0x100;
	s30 =	simm.s32 $0x0  }
0x6: {  	[smem:$0x7FF] =	sst s3;
	s5 =	sand.u32 $0x1, s4;
	s7 =	smul.u32 $0x4F000, s2  }
0x7: {  	s4 =	sadd.s32 $0x14F000, s0;
	s16 =	sadd.s32 $0xFFA00, s0;
	s21 =	smul.u32 $0x13C00, s2  }
0x8: {  	s0 =	sadd.s32 $0x153C00, s0;
	_ =	strace $0x80000056;
	s6 =	ssub.s32 $0x2, s5  }
0x9: {  	s22 =	smul.u32 $0x13C000, s5;
	s5 =	sshll.u32 s5, $0x4;
	s8 =	sshrl.u32 s6, $0x1  }
0xa: {  	s23 =	sshrl.u32 s7, $0x2;
	s24 =	sadd.s32 $0x10000, s21;
	s9 =	sor.u32 s2, s5  }
0xb: {  	s20 =	sadd.s32 $0x4000, s21;
	s31 =	sadd.s32 $0x8000, s21;
	s8 =	ssub.s32 s6, s8  }
0xc: {  	s5 =	sadd.s32 s23, s1;
	s10 =	sadd.s32 s22, s24;
	s6 =	sadd.s32 s24, s1  }
0xd: {  	s18 =	smul.u32 $0x30, s9;
	s19 =	sadd.s32 s22, s21;
	s23 =	sadd.s32 s22, s20  }
0xe: {  	s24 =	sadd.s32 s22, s31;
	s25 =	sshrl.u32 s10, $0x3;
	s8 =	smax.u32 s8, $0x1  }
0xf: {  	s9 =	sadd.s32 $0x4000, s5;
	s10 =	sadd.s32 $0x8000, s5;
	s11 =	sadd.s32 $0xC000, s5  }
0x10: {  	s19 =	sshrl.u32 s19, $0x3;
	s26 =	sshrl.u32 s23, $0x3;
	s7 =	sadd.s32 s0, s25  }
0x11: {  	s15 =	sadd.s32 $0x10, s18;
	s12 =	sadd.s32 s16, s18;
	s13 =	sadd.s32 s17, s18  }
0x12: {  	s18 =	sadd.s32 $0x20, s18;
	s25 =	sadd.s32 $0xC000, s21;
	s21 =	sadd.s32 s31, s1  }
0x13: {  	s14 =	sadd.s32 s16, s15;
	s15 =	sadd.s32 s17, s15;
	s16 =	sadd.s32 s16, s18  }
0x14: {  	s17 =	sadd.s32 s17, s18;
	s18 =	sadd.s32 s0, s19;
	s19 =	sadd.s32 s20, s1  }
0x15: {  	s20 =	sadd.s32 s0, s26;
	s26 =	sshrl.u32 s24, $0x3;
	s31 =	sadd.s32 s22, s25  }
0x16: {  	s23 =	sadd.s32 s25, s1;
	s25 =	simm.s32 $0x4100;
	s24 =	sshrl.u32 s31, $0x3  }
0x17: {  	v0 =	vimm.f32 $0.0e+00;
	s22 =	sadd.s32 s0, s26;
	s26 =	simm.s32 $0x1;
	s24 =	sadd.s32 s0, s24  }
.LBB2_1:
0x18: {  	s31 =	simm.s32 $0x0;
	s0 =	simm.s32 $0x200  }
.LBB2_2:
0x19: {  	p0 =	sne.s32 s0, $0xFE00;
	[tilespmem:s31+$0x4170] =	vst v0  }
0x1a: {  	[tilespmem:s31+$0x4100] =	vst v0  }
0x1b: {  	[tilespmem:s31+$0x4110] =	vst v0  }
.Ltmp0:
0x1c: {  	[tilespmem:s31+$0x4120] =	vst v0;
	(pc) =	sbr.rel @p0 .LBB2_2-.Ltmp0, $4  }
0x1d: {  	[tilespmem:s31+$0x4130] =	vst v0  }
0x1e: {  	[tilespmem:s31+$0x4140] =	vst v0  }
0x1f: {  	[tilespmem:s31+$0x4150] =	vst v0  }
0x20: {  	[tilespmem:s31+$0x4160] =	vst v0;
	s31 =	sshra.s32 s0, $0x2;
	s0 =	sadd.s32 $0x200, s0  }
0x21: {  	[tilespmem:s31+$0x4170] =	vst v0  }
0x22: {  	[tilespmem:s31+$0x4100] =	vst v0  }
0x23: {  	[tilespmem:s31+$0x4110] =	vst v0  }
0x24: {  	[tilespmem:s31+$0x4120] =	vst v0  }
0x25: {  	[tilespmem:s31+$0x4130] =	vst v0  }
0x26: {  	[tilespmem:s31+$0x4140] =	vst v0  }
0x27: {  	[tilespmem:s31+$0x4150] =	vst v0  }
0x28: {  	[tilespmem:s31+$0x4160] =	vst v0  }
0x29: {  	[spmem:s5] =	stream.linear.scatter [tilespmem:s25], [sflag:$0x1], $0x4000, $0x38;
	[tilespmem:$0x1BD00] =	vst v63  }
0x2a: {  	_ =	swait.ge [sflag:s26], $0x4000  }
0x2b: {  	[sflag:s26] =	ssyncset.done $0x0  }
0x2c: {  	[sflag:s26] =	ssyncadd.s32 $0xFFFFC000  }
0x2d: {  	[spmem:s9] =	stream.linear.scatter [tilespmem:s25], [sflag:$0x1], $0x4000, $0x38;
	[tilespmem:$0x1BD00] =	vst v63  }
0x2e: {  	_ =	swait.ge [sflag:s26], $0x4000  }
0x2f: {  	[sflag:s26] =	ssyncset.done $0x0  }
0x30: {  	[sflag:s26] =	ssyncadd.s32 $0xFFFFC000  }
0x31: {  	[spmem:s10] =	stream.linear.scatter [tilespmem:s25], [sflag:$0x1], $0x4000, $0x38;
	[tilespmem:$0x1BD00] =	vst v63  }
0x32: {  	_ =	swait.ge [sflag:s26], $0x4000  }
0x33: {  	[sflag:s26] =	ssyncset.done $0x0  }
0x34: {  	[sflag:s26] =	ssyncadd.s32 $0xFFFFC000  }
0x35: {  	[spmem:s11] =	stream.linear.scatter [tilespmem:s25], [sflag:$0x1], $0x4000, $0x38;
	[tilespmem:$0x1BD00] =	vst v63  }
0x36: {  	_ =	swait.ge [sflag:s26], $0x4000  }
0x37: {  	[sflag:s26] =	ssyncset.done $0x0  }
0x38: {  	[sflag:s26] =	ssyncadd.s32 $0xFFFFC000  }
0x39: {  	[spmem:s6] =	stream.linear.scatter [tilespmem:s25], [sflag:$0x1], $0x3C00, $0x38;
	[tilespmem:$0x1BD00] =	vst v63  }
0x3a: {  	_ =	swait.ge [sflag:s26], $0x3C00  }
0x3b: {  	[sflag:s26] =	ssyncset.done $0x0  }
0x3c: {  	[sflag:s26] =	ssyncadd.s32 $0xFFFFC400  }
0x3d: {  	[bflag:$0x0] =	sbarrier.arrive $0xFFFF  }
0x3e: {  	[bflag:$0x0] =	sbarrier.arrive $0xFFFF  }
0x3f: {  	[tilespmem:s28], [sflag:$0x1] =	stream.linear.gather [hbm4b:s12+s3], $0x80, $0x38;
	[tilespmem:$0x1BD00] =	vst v63  }
0x40: {  	_ =	swait.ge [sflag:s26], $0x80  }
0x41: {  	[sflag:s26] =	ssyncset.done $0x0  }
0x42: {  	[sflag:s26] =	ssyncadd.s32 $0xFFFFFF80  }
0x43: {  	[tilespmem:s3], [sflag:$0x1] =	stream.linear.gather [hbm4b:s13+s3], $0x80, $0x38;
	[tilespmem:$0x1BD00] =	vst v63  }
0x44: {  	_ =	swait.ge [sflag:s26], $0x80  }
0x45: {  	[sflag:s26] =	ssyncset.done $0x0  }
0x46: {  	[sflag:s26] =	ssyncadd.s32 $0xFFFFFF80  }
0x47: {  	[tilespmem:s29], [sflag:$0x1] =	stream.indirect.gather [hbm4b:s4+s28], $0x80, s3, s28, $0xb8;
	[tilespmem:$0x1BD00] =	vst v63  }
0x48: {  	_ =	swait.ge [sflag:s26], $0x4000  }
0x49: {  	[sflag:s26] =	ssyncset.done $0x0  }
0x4a: {  	[sflag:s26] =	ssyncadd.s32 $0xFFFFC000  }
0x4b: {  	[spmem:s1] =	stream.indirect.scatter.add.f32 [tilespmem:s29], [sflag:$0x1], $0x80, s28, s28, $0xb8;
	[tilespmem:$0x1BD00] =	vst v63  }
0x4c: {  	_ =	swait.ge [sflag:s26], $0x4000  }
0x4d: {  	[sflag:s26] =	ssyncset.done $0x0  }
0x4e: {  	[sflag:s26] =	ssyncadd.s32 $0xFFFFC000  }
0x4f: {  	[tilespmem:s28], [sflag:$0x1] =	stream.linear.gather [hbm4b:s14+s3], $0x80, $0x38;
	[tilespmem:$0x1BD00] =	vst v63  }
0x50: {  	_ =	swait.ge [sflag:s26], $0x80  }
0x51: {  	[sflag:s26] =	ssyncset.done $0x0  }
0x52: {  	[sflag:s26] =	ssyncadd.s32 $0xFFFFFF80  }
0x53: {  	[tilespmem:s3], [sflag:$0x1] =	stream.linear.gather [hbm4b:s15+s3], $0x80, $0x38;
	[tilespmem:$0x1BD00] =	vst v63  }
0x54: {  	_ =	swait.ge [sflag:s26], $0x80  }
0x55: {  	[sflag:s26] =	ssyncset.done $0x0  }
0x56: {  	[sflag:s26] =	ssyncadd.s32 $0xFFFFFF80  }
0x57: {  	[tilespmem:s29], [sflag:$0x1] =	stream.indirect.gather [hbm4b:s4+s28], $0x80, s3, s28, $0xb8;
	[tilespmem:$0x1BD00] =	vst v63  }
0x58: {  	_ =	swait.ge [sflag:s26], $0x4000  }
0x59: {  	[sflag:s26] =	ssyncset.done $0x0  }
0x5a: {  	[sflag:s26] =	ssyncadd.s32 $0xFFFFC000  }
0x5b: {  	[spmem:s1] =	stream.indirect.scatter.add.f32 [tilespmem:s29], [sflag:$0x1], $0x80, s28, s28, $0xb8;
	[tilespmem:$0x1BD00] =	vst v63  }
0x5c: {  	_ =	swait.ge [sflag:s26], $0x4000  }
0x5d: {  	[sflag:s26] =	ssyncset.done $0x0  }
0x5e: {  	[sflag:s26] =	ssyncadd.s32 $0xFFFFC000  }
0x5f: {  	[tilespmem:s28], [sflag:$0x1] =	stream.linear.gather [hbm4b:s16+s3], $0x80, $0x38;
	[tilespmem:$0x1BD00] =	vst v63  }
0x60: {  	_ =	swait.ge [sflag:s26], $0x80  }
0x61: {  	[sflag:s26] =	ssyncset.done $0x0  }
0x62: {  	[sflag:s26] =	ssyncadd.s32 $0xFFFFFF80  }
0x63: {  	[tilespmem:s3], [sflag:$0x1] =	stream.linear.gather [hbm4b:s17+s3], $0x80, $0x38;
	[tilespmem:$0x1BD00] =	vst v63  }
0x64: {  	_ =	swait.ge [sflag:s26], $0x80  }
0x65: {  	[sflag:s26] =	ssyncset.done $0x0  }
0x66: {  	[sflag:s26] =	ssyncadd.s32 $0xFFFFFF80  }
0x67: {  	[tilespmem:s29], [sflag:$0x1] =	stream.indirect.gather [hbm4b:s4+s28], $0x80, s3, s28, $0xb8;
	[tilespmem:$0x1BD00] =	vst v63  }
0x68: {  	_ =	swait.ge [sflag:s26], $0x4000  }
0x69: {  	[sflag:s26] =	ssyncset.done $0x0  }
0x6a: {  	[sflag:s26] =	ssyncadd.s32 $0xFFFFC000  }
0x6b: {  	[spmem:s1] =	stream.indirect.scatter.add.f32 [tilespmem:s29], [sflag:$0x1], $0x80, s28, s28, $0xb8;
	[tilespmem:$0x1BD00] =	vst v63  }
0x6c: {  	_ =	swait.ge [sflag:s26], $0x4000  }
0x6d: {  	[sflag:s26] =	ssyncset.done $0x0  }
0x6e: {  	[sflag:s26] =	ssyncadd.s32 $0xFFFFC000  }
0x6f: {  	[bflag:$0x0] =	sbarrier.arrive $0xFFFF  }
0x70: {  	[bflag:$0x0] =	sbarrier.arrive $0xFFFF  }
0x71: {  	[tilespmem:s25], [sflag:$0x1] =	stream.linear.gather [spmem:s5], $0x4000, $0x38;
	[tilespmem:$0x1BD00] =	vst v63  }
0x72: {  	_ =	swait.ge [sflag:s26], $0x4000  }
0x73: {  	[sflag:s26] =	ssyncset.done $0x0  }
0x74: {  	[sflag:s26] =	ssyncadd.s32 $0xFFFFC000  }
0x75: {  	[hbm4b:s18+s3] =	stream.linear.scatter [tilespmem:s25], [sflag:$0x1], $0x4000, $0x38;
	[tilespmem:$0x1BD00] =	vst v63  }
0x76: {  	_ =	swait.ge [sflag:s26], $0x4000  }
0x77: {  	[sflag:s26] =	ssyncset.done $0x0  }
0x78: {  	[sflag:s26] =	ssyncadd.s32 $0xFFFFC000  }
0x79: {  	[tilespmem:s25], [sflag:$0x1] =	stream.linear.gather [spmem:s19], $0x4000, $0x38;
	[tilespmem:$0x1BD00] =	vst v63  }
0x7a: {  	_ =	swait.ge [sflag:s26], $0x4000  }
0x7b: {  	[sflag:s26] =	ssyncset.done $0x0  }
0x7c: {  	[sflag:s26] =	ssyncadd.s32 $0xFFFFC000  }
0x7d: {  	[hbm4b:s20+s3] =	stream.linear.scatter [tilespmem:s25], [sflag:$0x1], $0x4000, $0x38;
	[tilespmem:$0x1BD00] =	vst v63  }
0x7e: {  	_ =	swait.ge [sflag:s26], $0x4000  }
0x7f: {  	[sflag:s26] =	ssyncset.done $0x0  }
0x80: {  	[sflag:s26] =	ssyncadd.s32 $0xFFFFC000  }
0x81: {  	[tilespmem:s25], [sflag:$0x1] =	stream.linear.gather [spmem:s21], $0x4000, $0x38;
	[tilespmem:$0x1BD00] =	vst v63  }
0x82: {  	_ =	swait.ge [sflag:s26], $0x4000  }
0x83: {  	[sflag:s26] =	ssyncset.done $0x0  }
0x84: {  	[sflag:s26] =	ssyncadd.s32 $0xFFFFC000  }
0x85: {  	[hbm4b:s22+s3] =	stream.linear.scatter [tilespmem:s25], [sflag:$0x1], $0x4000, $0x38;
	[tilespmem:$0x1BD00] =	vst v63  }
0x86: {  	_ =	swait.ge [sflag:s26], $0x4000  }
0x87: {  	[sflag:s26] =	ssyncset.done $0x0  }
0x88: {  	[sflag:s26] =	ssyncadd.s32 $0xFFFFC000  }
0x89: {  	[tilespmem:s25], [sflag:$0x1] =	stream.linear.gather [spmem:s23], $0x4000, $0x38;
	[tilespmem:$0x1BD00] =	vst v63  }
0x8a: {  	_ =	swait.ge [sflag:s26], $0x4000  }
0x8b: {  	[sflag:s26] =	ssyncset.done $0x0  }
0x8c: {  	[sflag:s26] =	ssyncadd.s32 $0xFFFFC000  }
0x8d: {  	[hbm4b:s24+s3] =	stream.linear.scatter [tilespmem:s25], [sflag:$0x1], $0x4000, $0x38;
	[tilespmem:$0x1BD00] =	vst v63  }
0x8e: {  	_ =	swait.ge [sflag:s26], $0x4000  }
0x8f: {  	[sflag:s26] =	ssyncset.done $0x0  }
0x90: {  	[sflag:s26] =	ssyncadd.s32 $0xFFFFC000  }
0x91: {  	[tilespmem:s25], [sflag:$0x1] =	stream.linear.gather [spmem:s6], $0x3C00, $0x38;
	[tilespmem:$0x1BD00] =	vst v63  }
0x92: {  	s30 =	sadd.s32 $0x1, s30;
	_ =	swait.ge [sflag:s26], $0x3C00  }
0x93: {  	p0 =	sne.s32 s30, s8;
	[sflag:s26] =	ssyncset.done $0x0  }
.Ltmp1:
0x94: {  	[sflag:s26] =	ssyncadd.s32 $0xFFFFC400;
	(pc) =	sbr.rel @p0 .LBB2_1-.Ltmp1, $4  }
0x95: {  	[hbm4b:s7+s3] =	stream.linear.scatter [tilespmem:s25], [sflag:$0x1], $0x3C00, $0x38;
	[tilespmem:$0x1BD00] =	vst v63  }
0x96: {  	_ =	swait.ge [sflag:s26], $0x3C00  }
0x97: {  	[sflag:s26] =	ssyncset.done $0x0  }
0x98: {  	[sflag:s26] =	ssyncadd.s32 $0xFFFFC400  }
0x99: {  	_ =	sfence.sel $0x180000  }
0x9a: {  	[bflag:$0x0] =	sbarrier.arrive $0xFFFF  }
0x9b: {  	_ =	strace $0x90000056  }
0x9c: {  	[bflag:$0x2] =	sbarrier.arrive $0xFFFF  }
0x9d: {  	p0 =	sne.s32 s2, $0x0;
	s0 =	rddreg [dreg:$0x3]  }
0x9e: {  	s0 =	sadd.s32 @!p0 $0x100000, s0  }
0x9f: {  	[sflag:s0] =	ssyncadd.tile.s32 @!p0 $0x1;
	_ =	shalt  }
.Lfunc_end2:
_tile_overlayer_lowered:
.L_overlay_start_2:
0xa0: {  	(tag) =	ssettag $0x2  }
0xa1: {  	s0 =	rddreg [dreg:$0x0];
	s2 =	stileid.u32  }
0xa2: {  	s1 =	rddreg [dreg:$0x1];
	p0 =	sne.s32 s2, $0x0  }
0xa3: {  	s3 =	rddreg [dreg:$0x2];
	[bflag:$0x3] =	sbarrier.arrive $0xFFFF;
	s2 =	simm.s32 @!p0 $0x1C01  }
0xa4: {  	[timem:s3], [sflag:s2] =	dma.local @!p0 [hbm:s0], s1  }
0xa5: {  	s0 =	simm.s32 @!p0 $0x1  }
0xa6: {  	_ =	swait.ge @!p0 [sflag:s0], s1  }
0xa7: {  	s1 =	ssub.s32 @!p0 $0x0, s1;
	[sflag:s0] =	ssyncset.done @!p0 $0x0  }
0xa8: {  	[sflag:s0] =	ssyncadd.s32 @!p0 s1  }
0xa9: {  	[bflag:$0x3] =	sbarrier.arrive $0xFFFF  }
0xaa: {  	_ =	shalt  }

// kernel: kernel.33.cloned.1.call-start
scs
__scs_entry_jumppad:
0x0: {  	(pc) =	sbr.rel $0x88, $3  }
0x1: {  	(tag) =	ssettag $0x0;
	lr =	simm.s32 $0x1  }
0x2: {  	[smem:$0x3F8A] =	sst lr;
	_ =	strace $0xD0000000  }
0x3: {  	_ = 	snop  }
0x4: {  	_ = 	snop  }
0x5: {  	_ = 	snop  }
0x6: {  	_ = 	snop  }
0x7: {  	_ = 	snop  }
__scs_overlays_trampoline_lowered:
0x8: {  	[smem:$0x3F99] =	sst s0  }
0x9: {  	[smem:$0x3F9A] =	sst s1  }
0xa: {  	[smem:$0x3F9B] =	sst s2  }
0xb: {  	[smem:$0x3F9C] =	sst s3  }
0xc: {  	[smem:$0x3F9D] =	sst s4  }
0xd: {  	[smem:$0x3F9E] =	sst s5  }
0xe: {  	[smem:$0x3F9F] =	sst s6  }
0xf: {  	[smem:$0x3FA0] =	sst s7  }
0x10: {  	[smem:$0x3FA1] =	sst s8  }
0x11: {  	[smem:$0x3FA2] =	sst s9;
	s0 =	simm.s32 @!p0 $0x0  }
0x12: {  	s1 =	sld [smem:$0x3F88];
	s0 =	simm.s32 @p0 $0x1  }
0x13: {  	[smem:$0x3FA3] =	sst s0;
	s0 =	simm.s32 @!p1 $0x0  }
0x14: {  	s2 =	sld [smem:$0x3F87];
	s0 =	simm.s32 @p1 $0x1  }
0x15: {  	[smem:$0x3FA4] =	sst s0;
	s0 =	simm.s32 @!p2 $0x0  }
0x16: {  	s3 =	sld [smem:$0x3FDB];
	s0 =	simm.s32 @p2 $0x1  }
0x17: {  	s4 =	simm.s32 $0x1BF5;
	[smem:$0x3FA6] =	sst s0  }
0x18: {  	s0 =	sld [smem:$0x3F89];
	_ =	swait.ge [sflag:s4], $0x0  }
0x19: {  	s7 =	sld [smem:$0x3F8A]  }
0x1a: {  	s8 =	sadd.s32 $0xFFFFE003, lr  }
0x1b: {  	s9 =	sadd.s32 $0xFFFFFEF7, lr;
	s5 =	simm.s32 $0xFFFFFFFF;
	p2 =	slt.u32 s8, $0xFFFFF086  }
0x1c: {  	p1 =	slt.u32 s9, $0xF7A;
	s5 =	simm.s32 @!p2 $0x0  }
0x1d: {  	s5 =	simm.s32 @p1 $0x1;
	p0 =	seq.s32 s7, s2  }
0x1e: {  	s7 =	smul.u32 @!p0 $0xF7A, s2;
	p2 =	seq.s32 @!p0 s5, $0x0  }
0x1f: {  	s9 =	smul.u32 $0xF7A, s1;
	s8 =	simm.s32 @!p0 $0x1BF5;
	p2 =	por !p2, p0  }
0x20: {  	[sflag:s8] =	ssyncset.s32 @!p0 $0xFFFFF086;
	s6 =	sadd.s32 @!p0 s3, s7;
	s7 =	simm.s32 @!p0 $0x108  }
0x21: {  	s3 =	sadd.s32 s3, s9;
	s6 =	sadd.s32 @!p0 $0x88, s6;
	s7 =	simm.s32 @p2 $0x1082  }
0x22: {  	[simem:s7], [sflag:s8] =	dma.local @!p0 [hbm:s6], $0xF7A  }
0x23: {  	s9 =	sor.u32 $0xD0000000, s2;
	s6 =	simm.s32 $0x108;
	_ =	swait.ge @!p0 [sflag:s8], $0x0  }
0x24: {  	s3 =	sadd.s32 $0x88, s3;
	s6 =	simm.s32 @!p1 $0x1082;
	[sflag:s4] =	ssyncset.s32 $0xFFFFF086  }
0x25: {  	[simem:s6], [sflag:s4] =	dma.local [hbm:s3], $0xF7A  }
0x26: {  	[smem:$0x3F8A] =	sst s1;
	(tag) =	ssettag s2;
	_ =	strace s9  }
0x27: {  	s1 =	sld [smem:$0x3F9A]  }
0x28: {  	s2 =	sld [smem:$0x3F9B]  }
0x29: {  	s4 =	sld [smem:$0x3F9D]  }
0x2a: {  	p0 =	seq.s32 s5, $0x0;
	s5 =	sld [smem:$0x3F9E]  }
0x2b: {  	s6 =	sld [smem:$0x3F9F]  }
0x2c: {  	s7 =	sld [smem:$0x3FA0]  }
0x2d: {  	s3 =	simm.s32 $0x108;
	s8 =	sld [smem:$0x3FA1]  }
0x2e: {  	s3 =	simm.s32 @!p0 $0x1082;
	s9 =	sld [smem:$0x3FA2]  }
0x2f: {  	lr =	sadd.s32 s0, s3;
	s0 =	sld [smem:$0x3F99]  }
0x30: {  	s3 =	sld [smem:$0x3F9C]  }
0x31: {  	[smem:$0x3FA5] =	sst s10  }
0x32: {  	s10 =	sld [smem:$0x3FA3];
	_ =	sdelay $0x3  }
0x33: {  	p0 =	seq.s32 s10, $0x1;
	s10 =	sld [smem:$0x3FA5];
	_ =	sdelay $0x3  }
0x34: {  	[smem:$0x3FA5] =	sst s10  }
0x35: {  	s10 =	sld [smem:$0x3FA4];
	_ =	sdelay $0x3  }
0x36: {  	p1 =	seq.s32 s10, $0x1;
	s10 =	sld [smem:$0x3FA5];
	_ =	sdelay $0x3  }
0x37: {  	[smem:$0x3FA5] =	sst s10  }
0x38: {  	s10 =	sld [smem:$0x3FA6]  }
0x39: {  	_ = 	snop;
	(pc) =	sbr.ind lr, $3  }
0x3a: {  	_ = 	snop  }
0x3b: {  	_ = 	snop  }
0x3c: {  	p2 =	seq.s32 s10, $0x1;
	s10 =	sld [smem:$0x3FA5]  }
0x3d: {  	_ =	shalt  }
0x3e: {  	_ =	shalt  }
0x3f: {  	_ =	shalt  }
0x40: {  	_ =	shalt  }
0x41: {  	_ =	shalt  }
0x42: {  	_ =	shalt  }
0x43: {  	_ =	shalt  }
0x44: {  	_ =	shalt  }
0x45: {  	_ =	shalt  }
0x46: {  	_ =	shalt  }
0x47: {  	_ =	shalt  }
0x48: {  	_ =	shalt  }
0x49: {  	_ =	shalt  }
0x4a: {  	_ =	shalt  }
0x4b: {  	_ =	shalt  }
0x4c: {  	_ =	shalt  }
0x4d: {  	_ =	shalt  }
0x4e: {  	_ =	shalt  }
0x4f: {  	_ =	shalt  }
0x50: {  	_ =	shalt  }
0x51: {  	_ =	shalt  }
0x52: {  	_ =	shalt  }
0x53: {  	_ =	shalt  }
0x54: {  	_ =	shalt  }
0x55: {  	_ =	shalt  }
0x56: {  	_ =	shalt  }
0x57: {  	_ =	shalt  }
0x58: {  	_ =	shalt  }
0x59: {  	_ =	shalt  }
0x5a: {  	_ =	shalt  }
0x5b: {  	_ =	shalt  }
0x5c: {  	_ =	shalt  }
0x5d: {  	_ =	shalt  }
0x5e: {  	_ =	shalt  }
0x5f: {  	_ =	shalt  }
0x60: {  	_ =	shalt  }
0x61: {  	_ =	shalt  }
0x62: {  	_ =	shalt  }
0x63: {  	_ =	shalt  }
0x64: {  	_ =	shalt  }
0x65: {  	_ =	shalt  }
0x66: {  	_ =	shalt  }
0x67: {  	_ =	shalt  }
0x68: {  	_ =	shalt  }
0x69: {  	_ =	shalt  }
0x6a: {  	_ =	shalt  }
0x6b: {  	_ =	shalt  }
0x6c: {  	_ =	shalt  }
0x6d: {  	_ =	shalt  }
0x6e: {  	_ =	shalt  }
0x6f: {  	_ =	shalt  }
0x70: {  	_ =	shalt  }
0x71: {  	_ =	shalt  }
0x72: {  	_ =	shalt  }
0x73: {  	_ =	shalt  }
0x74: {  	_ =	shalt  }
0x75: {  	_ =	shalt  }
0x76: {  	_ =	shalt  }
0x77: {  	_ =	shalt  }
0x78: {  	_ =	shalt  }
0x79: {  	_ =	shalt  }
0x7a: {  	_ =	shalt  }
0x7b: {  	_ =	shalt  }
0x7c: {  	_ =	shalt  }
0x7d: {  	_ =	shalt  }
0x7e: {  	_ =	shalt  }
0x7f: {  	_ =	shalt  }
0x80: {  	_ =	shalt  }
0x81: {  	_ =	shalt  }
0x82: {  	_ =	shalt  }
0x83: {  	_ =	shalt  }
0x84: {  	_ =	shalt  }
0x85: {  	_ =	shalt  }
0x86: {  	_ =	shalt  }
0x87: {  	_ =	shalt  }
.Lfunc_end0:
.L_simem_size_0:
called_computation.6_lowered:
.L_overlay_start_0:
0x88: {  	s2 =	sld [smem:$0x3FD9]  }
0x89: {  	s3 =	sld [smem:$0x3FFE];
	_ =	sdelay $0x1  }
0x8a: {  	s1 =	srdreg.scid  }
0x8b: {  	s0 =	sand.u32 $0x1, s1  }
0x8c: {  	s16 =	sshll.u32 s0, $0xA;
	s2 =	sadd.s32 s3, s2  }
0x8d: {  	s2 =	sadd.s32 s2, s16  }
0x8e: {  	[smem:$0x3FB1] =	sst s2  }
0x8f: {  	_ = 	snop  }
0x90: {  	(tm) =	ssettm $0x1  }
0x91: {  	s17 =	sld [smem:$0x3FFB];
	_ =	sdelay $0x3  }
0x92: {  	_ =	strace s17  }
0x93: {  	s2 =	sld [smem:$0x3FFC];
	_ =	sdelay $0x3  }
0x94: {  	_ =	strace s2  }
0x95: {  	s2 =	sld [smem:$0x3FFD];
	_ =	sdelay $0x3  }
0x96: {  	_ =	strace s2  }
0x97: {  	_ =	strace $0x8FFFFFFF  }
0x98: {  	s18 =	sld [smem:$0x3FDB];
	_ =	sdelay $0x1  }
0x99: {  	s19 =	simm.s32 $_scs_section_size  }
0x9a: {  	s4 =	simm.s32 $_size__tile_overlayer_lowered;
	s5 =	simm.s32 $_tile_overlayer_lowered  }
0x9b: {  	s22 =	simm.s32 $0x1BFF;
	s21 =	sshll.u32 s5, $0x1;
	s2 =	sadd.s32 s19, s18  }
0x9c: {  	s6 =	simm.s32 $0x0;
	s20 =	sshll.u32 s4, $0x1;
	s4 =	sadd.s32 s21, s2  }
0x9d: {  	[timem:s6], [sflag:s22] =	dma.local [hbm:s4], s20  }
0x9e: {  	_ =	swait.ge [sflag:s22], s20  }
0x9f: {  	s3 =	ssub.s32 $0x0, s20;
	[sflag:s22] =	ssyncset.done $0x0  }
0xa0: {  	[sflag:s22] =	ssyncadd.s32 s3;
	_ =	sdelay $0x1  }
0xa1: {  	s23 =	simm.s32 $0x1B8B  }
0xa2: {  	_ =	swait.ge [sflag:s23], $0x1  }
0xa3: {  	[sflag:s23] =	ssyncset.done $0x0  }
0xa4: {  	s25 =	simm.s32 $0x1B8E;
	s24 =	sld [smem:$0x3FFE];
	[sflag:s23] =	ssyncadd.s32 $0xFFFFFFFF  }
0xa5: {  	s26 =	simm.s32 $execute0_lowered;
	[smem:$0x3FD2] =	sst s25  }
0xa6: {  	s4 =	sshll.u32 s26, $0x1;
	_ =	strace $0x80000058;
	[dreg:$0x1] =	wrdreg $0xFFFFFFFF  }
0xa7: {  	s28 =	simm.s32 $_size_execute0_lowered;
	s2 =	sadd.s32 s2, s4;
	[dreg:$0x0] =	wrdreg $0x0  }
0xa8: {  	s4 =	sshll.u32 s28, $0x1;
	[dreg:$0x2] =	wrdreg s2  }
0xa9: {  	[dreg:$0x3] =	wrdreg s4  }
0xaa: {  	[dreg:$0x4] =	wrdreg $0xC0  }
0xab: {  	_ =	task [dreg:s6], $0x5FFFF  }
0xac: {  	[dreg:$0x1] =	wrdreg $0xFFFFFFFF  }
0xad: {  	[dreg:$0x0] =	wrdreg $0x60  }
0xae: {  	[dreg:$0x2] =	wrdreg s24  }
0xaf: {  	[dreg:$0x3] =	wrdreg $0x81000  }
0xb0: {  	[dreg:$0x4] =	wrdreg $0x9  }
0xb1: {  	_ =	task.clear_ibuf [dreg:s6], $0x5FFFF;
	_ =	strace $0x90000058  }
0xb2: {  	s29 =	simm.s32 $0x9;
	_ =	strace $0x8000005A  }
0xb3: {  	_ =	swait.ge [sflag:s29], $0x1  }
0xb4: {  	[sflag:s29] =	ssyncadd.s32 $0xFFFFFFFF  }
0xb5: {  	_ =	strace $0x9000005A  }
0xb6: {  	_ =	sfence  }
0xb7: {  	s30 =	sld [smem:$0x0];
	_ =	sdelay $0x2  }
0xb8: {  	s31 =	sshll.u32 s1, $0xD;
	s1 =	sshrl.u32 s1, $0x2  }
0xb9: {  	s3 =	sand.u32 $0x4000, s31;
	s1 =	sadd.s32 s1, s30  }
0xba: {  	s0 =	sor.u32 s3, s0;
	s1 =	sshll.u32 s1, $0x11  }
0xbb: {  	s0 =	sor.u32 s1, s0  }
0xbc: {  	s0 =	sadd.s32 $0x8F2B, s0  }
0xbd: {  	[sflag:s0] =	ssyncadd.remote.s32 $0x1  }
0xbe: {  	_ =	sfence.sel $0xFFFF  }
0xbf: {  	[dreg:$0x0] =	wrdreg $0xFFFFFFFF;
	(pc) =	sbr.abs _section_cstart, $3  }
0xc0: {  	[dreg:$0x1] =	wrdreg $0xFFFFFFFF  }
0xc1: {  	_ =	task.clear_ibuf [dreg:s6], $0x2FFFF;
	_ =	strace $0x9FFFFFFF  }
0xc2: {  	(tm) =	ssettm $0x7FFFFFFF  }
0xc3: {  	_ =	shalt  }
tec
execute0_lowered:
.L_overlay_start_1:
0x0: {  	(tag) =	ssettag $0x1  }
0x1: {  	s5 =	rddreg [dreg:$0x0]  }
0x2: {  	s1 =	rddreg [dreg:$0x1]  }
0x3: {  	s0 =	rddreg [dreg:$0x2]  }
0x4: {  	s2 =	simm.s32 $0x0;
	s6 =	srdreg.scid;
	s3 =	stileid.u32  }
0x5: {  	s16 =	simm.s32 $0x80;
	s17 =	simm.s32 $0x100;
	s18 =	simm.s32 $0x0  }
0x6: {  	[smem:$0x7FF] =	sst s2;
	s4 =	sadd.s32 $0xA400, s5;
	s13 =	sadd.s32 $0x153000, s5  }
0x7: {  	s12 =	sadd.s32 $0x153600, s5;
	s6 =	sand.u32 $0x1, s6;
	s7 =	sshll.u32 s3, $0xA  }
0x8: {  	s10 =	sshll.u32 s3, $0xD;
	_ =	strace $0x80000059;
	s9 =	sshll.u32 s6, $0x4  }
0x9: {  	s8 =	ssub.s32 $0x2, s6;
	s7 =	sadd.s32 s7, s5;
	s9 =	sor.u32 s3, s9  }
0xa: {  	s6 =	sshll.u32 s6, $0xE;
	s31 =	sshrl.u32 s8, $0x1;
	s11 =	smul.u32 $0x30, s9  }
0xb: {  	s5 =	sadd.s32 s10, s1;
	s6 =	sadd.s32 s6, s7;
	s8 =	ssub.s32 s8, s31  }
0xc: {  	s6 =	sadd.s32 $0xD8600, s6;
	s8 =	smax.u32 s8, $0x1;
	s7 =	sadd.s32 s12, s11  }
0xd: {  	s9 =	sadd.s32 s13, s11;
	s14 =	sadd.s32 $0x10, s11;
	s15 =	sadd.s32 $0x20, s11  }
0xe: {  	s10 =	sadd.s32 s12, s14;
	s11 =	sadd.s32 s13, s14;
	s12 =	sadd.s32 s12, s15  }
0xf: {  	v0 =	vimm.f32 $0.0e+00;
	s13 =	sadd.s32 s13, s15;
	s14 =	simm.s32 $0x4100;
	s15 =	simm.s32 $0x1  }
.LBB2_1:
0x10: {  	s19 =	simm.s32 $0x0;
	s20 =	simm.s32 $0x200  }
.LBB2_2:
0x11: {  	p0 =	sne.s32 s20, $0xFE00;
	[tilespmem:s19+$0x4170] =	vst v0  }
0x12: {  	[tilespmem:s19+$0x4100] =	vst v0  }
0x13: {  	[tilespmem:s19+$0x4110] =	vst v0  }
.Ltmp0:
0x14: {  	[tilespmem:s19+$0x4120] =	vst v0;
	(pc) =	sbr.rel @p0 .LBB2_2-.Ltmp0, $4  }
0x15: {  	[tilespmem:s19+$0x4130] =	vst v0  }
0x16: {  	[tilespmem:s19+$0x4140] =	vst v0  }
0x17: {  	[tilespmem:s19+$0x4150] =	vst v0  }
0x18: {  	[tilespmem:s19+$0x4160] =	vst v0;
	s19 =	sshra.s32 s20, $0x2;
	s20 =	sadd.s32 $0x200, s20  }
0x19: {  	[tilespmem:s19+$0x4170] =	vst v0  }
0x1a: {  	[tilespmem:s19+$0x4100] =	vst v0  }
0x1b: {  	[tilespmem:s19+$0x4110] =	vst v0  }
0x1c: {  	[tilespmem:s19+$0x4120] =	vst v0  }
0x1d: {  	[tilespmem:s19+$0x4130] =	vst v0  }
0x1e: {  	[tilespmem:s19+$0x4140] =	vst v0  }
0x1f: {  	[tilespmem:s19+$0x4150] =	vst v0  }
0x20: {  	[tilespmem:s19+$0x4160] =	vst v0  }
0x21: {  	[spmem:s5] =	stream.linear.scatter [tilespmem:s14], [sflag:$0x1], $0x2000, $0x38;
	[tilespmem:$0xA100] =	vst v63  }
0x22: {  	_ =	swait.ge [sflag:s15], $0x2000  }
0x23: {  	[sflag:s15] =	ssyncset.done $0x0  }
0x24: {  	[sflag:s15] =	ssyncadd.s32 $0xFFFFE000  }
0x25: {  	[bflag:$0x0] =	sbarrier.arrive $0xFFFF  }
0x26: {  	[bflag:$0x0] =	sbarrier.arrive $0xFFFF  }
0x27: {  	[tilespmem:s16], [sflag:$0x1] =	stream.linear.gather [hbm4b:s7+s2], $0x80, $0x38;
	[tilespmem:$0xA100] =	vst v63  }
0x28: {  	_ =	swait.ge [sflag:s15], $0x80  }
0x29: {  	[sflag:s15] =	ssyncset.done $0x0  }
0x2a: {  	[sflag:s15] =	ssyncadd.s32 $0xFFFFFF80  }
0x2b: {  	[tilespmem:s2], [sflag:$0x1] =	stream.linear.gather [hbm4b:s9+s2], $0x80, $0x38;
	[tilespmem:$0xA100] =	vst v63  }
0x2c: {  	_ =	swait.ge [sflag:s15], $0x80  }
0x2d: {  	[sflag:s15] =	ssyncset.done $0x0  }
0x2e: {  	[sflag:s15] =	ssyncadd.s32 $0xFFFFFF80  }
0x2f: {  	[tilespmem:s17], [sflag:$0x1] =	stream.indirect.gather [hbm4b:s4+s16], $0x80, s2, s16, $0xb8;
	[tilespmem:$0xA100] =	vst v63  }
0x30: {  	_ =	swait.ge [sflag:s15], $0x4000  }
0x31: {  	[sflag:s15] =	ssyncset.done $0x0  }
0x32: {  	[sflag:s15] =	ssyncadd.s32 $0xFFFFC000  }
0x33: {  	[spmem:s1] =	stream.indirect.scatter.add.f32 [tilespmem:s17], [sflag:$0x1], $0x80, s16, s16, $0xb8;
	[tilespmem:$0xA100] =	vst v63  }
0x34: {  	_ =	swait.ge [sflag:s15], $0x4000  }
0x35: {  	[sflag:s15] =	ssyncset.done $0x0  }
0x36: {  	[sflag:s15] =	ssyncadd.s32 $0xFFFFC000  }
0x37: {  	[tilespmem:s16], [sflag:$0x1] =	stream.linear.gather [hbm4b:s10+s2], $0x80, $0x38;
	[tilespmem:$0xA100] =	vst v63  }
0x38: {  	_ =	swait.ge [sflag:s15], $0x80  }
0x39: {  	[sflag:s15] =	ssyncset.done $0x0  }
0x3a: {  	[sflag:s15] =	ssyncadd.s32 $0xFFFFFF80  }
0x3b: {  	[tilespmem:s2], [sflag:$0x1] =	stream.linear.gather [hbm4b:s11+s2], $0x80, $0x38;
	[tilespmem:$0xA100] =	vst v63  }
0x3c: {  	_ =	swait.ge [sflag:s15], $0x80  }
0x3d: {  	[sflag:s15] =	ssyncset.done $0x0  }
0x3e: {  	[sflag:s15] =	ssyncadd.s32 $0xFFFFFF80  }
0x3f: {  	[tilespmem:s17], [sflag:$0x1] =	stream.indirect.gather [hbm4b:s4+s16], $0x80, s2, s16, $0xb8;
	[tilespmem:$0xA100] =	vst v63  }
0x40: {  	_ =	swait.ge [sflag:s15], $0x4000  }
0x41: {  	[sflag:s15] =	ssyncset.done $0x0  }
0x42: {  	[sflag:s15] =	ssyncadd.s32 $0xFFFFC000  }
0x43: {  	[spmem:s1] =	stream.indirect.scatter.add.f32 [tilespmem:s17], [sflag:$0x1], $0x80, s16, s16, $0xb8;
	[tilespmem:$0xA100] =	vst v63  }
0x44: {  	_ =	swait.ge [sflag:s15], $0x4000  }
0x45: {  	[sflag:s15] =	ssyncset.done $0x0  }
0x46: {  	[sflag:s15] =	ssyncadd.s32 $0xFFFFC000  }
0x47: {  	[tilespmem:s16], [sflag:$0x1] =	stream.linear.gather [hbm4b:s12+s2], $0x80, $0x38;
	[tilespmem:$0xA100] =	vst v63  }
0x48: {  	_ =	swait.ge [sflag:s15], $0x80  }
0x49: {  	[sflag:s15] =	ssyncset.done $0x0  }
0x4a: {  	[sflag:s15] =	ssyncadd.s32 $0xFFFFFF80  }
0x4b: {  	[tilespmem:s2], [sflag:$0x1] =	stream.linear.gather [hbm4b:s13+s2], $0x80, $0x38;
	[tilespmem:$0xA100] =	vst v63  }
0x4c: {  	_ =	swait.ge [sflag:s15], $0x80  }
0x4d: {  	[sflag:s15] =	ssyncset.done $0x0  }
0x4e: {  	[sflag:s15] =	ssyncadd.s32 $0xFFFFFF80  }
0x4f: {  	[tilespmem:s17], [sflag:$0x1] =	stream.indirect.gather [hbm4b:s4+s16], $0x80, s2, s16, $0xb8;
	[tilespmem:$0xA100] =	vst v63  }
0x50: {  	_ =	swait.ge [sflag:s15], $0x4000  }
0x51: {  	[sflag:s15] =	ssyncset.done $0x0  }
0x52: {  	[sflag:s15] =	ssyncadd.s32 $0xFFFFC000  }
0x53: {  	[spmem:s1] =	stream.indirect.scatter.add.f32 [tilespmem:s17], [sflag:$0x1], $0x80, s16, s16, $0xb8;
	[tilespmem:$0xA100] =	vst v63  }
0x54: {  	_ =	swait.ge [sflag:s15], $0x4000  }
0x55: {  	[sflag:s15] =	ssyncset.done $0x0  }
0x56: {  	[sflag:s15] =	ssyncadd.s32 $0xFFFFC000  }
0x57: {  	[bflag:$0x0] =	sbarrier.arrive $0xFFFF  }
0x58: {  	[bflag:$0x0] =	sbarrier.arrive $0xFFFF  }
0x59: {  	[tilespmem:s14], [sflag:$0x1] =	stream.linear.gather [spmem:s5], $0x2000, $0x38;
	[tilespmem:$0xA100] =	vst v63  }
0x5a: {  	s18 =	sadd.s32 $0x1, s18;
	_ =	swait.ge [sflag:s15], $0x2000  }
0x5b: {  	p0 =	sne.s32 s18, s8;
	[sflag:s15] =	ssyncset.done $0x0  }
.Ltmp1:
0x5c: {  	[sflag:s15] =	ssyncadd.s32 $0xFFFFE000;
	(pc) =	sbr.rel @p0 .LBB2_1-.Ltmp1, $4  }
0x5d: {  	[hbm4b:s6+s2] =	stream.linear.scatter [tilespmem:s14], [sflag:$0x1], $0x2000, $0x38;
	[tilespmem:$0xA100] =	vst v63  }
0x5e: {  	_ =	swait.ge [sflag:s15], $0x2000  }
0x5f: {  	[sflag:s15] =	ssyncset.done $0x0  }
0x60: {  	[sflag:s15] =	ssyncadd.s32 $0xFFFFE000  }
0x61: {  	_ =	sfence.sel $0x180000  }
0x62: {  	[bflag:$0x0] =	sbarrier.arrive $0xFFFF  }
0x63: {  	p0 =	sne.s32 s3, $0x0;
	_ =	strace $0x90000059  }
0x64: {  	s0 =	sadd.s32 @!p0 $0x100000, s0;
	[bflag:$0x2] =	sbarrier.arrive $0xFFFF  }
0x65: {  	[sflag:s0] =	ssyncadd.tile.s32 @!p0 $0x1;
	_ =	shalt  }
.Lfunc_end2:
_tile_overlayer_lowered:
.L_overlay_start_2:
0x66: {  	(tag) =	ssettag $0x2  }
0x67: {  	s0 =	rddreg [dreg:$0x0];
	s2 =	stileid.u32  }
0x68: {  	s1 =	rddreg [dreg:$0x1];
	p0 =	sne.s32 s2, $0x0  }
0x69: {  	s3 =	rddreg [dreg:$0x2];
	[bflag:$0x3] =	sbarrier.arrive $0xFFFF;
	s2 =	simm.s32 @!p0 $0x1C01  }
0x6a: {  	[timem:s3], [sflag:s2] =	dma.local @!p0 [hbm:s0], s1  }
0x6b: {  	s0 =	simm.s32 @!p0 $0x1  }
0x6c: {  	_ =	swait.ge @!p0 [sflag:s0], s1  }
0x6d: {  	s1 =	ssub.s32 @!p0 $0x0, s1;
	[sflag:s0] =	ssyncset.done @!p0 $0x0  }
0x6e: {  	[sflag:s0] =	ssyncadd.s32 @!p0 s1  }
0x6f: {  	[bflag:$0x3] =	sbarrier.arrive $0xFFFF  }
0x70: {  	_ =	shalt  }

</sc_bundles>
